<compile_context>
chip_gen: v7x
topology: tpu7x:2x2x1
jax: 0.10.2.dev20260603
libtpu: 0.0.44.dev20260713+nightly
codegen_flags: <defaults>
</compile_context>

<pallas_src>
import functools

import jax
import jax.numpy as jnp
from jax import lax
from jax.experimental import pallas as pl
from jax.experimental.pallas import tpu as pltpu
from jax.experimental.pallas import tpu_sc as plsc

N = 10000
F_IN = 128
F_HID = 64
F_LAT = 16
F_C = 2 * F_LAT

NC = 2
NS = 16
NW = NC * NS
CH = 128

N_PAD = 10112
RPT = N_PAD // NS

_MESH = plsc.VectorSubcoreMesh(core_axis_name="c", subcore_axis_name="s")


def _zero_fill(buf, rows, width):
    zv = jnp.zeros((16,), jnp.float32)

    def body(r, carry):
        for j in range(width // 16):
            buf[r, pl.ds(j * 16, 16)] = zv
        return carry

    lax.fori_loop(0, rows, body, 0)


NB_MAX = 4


def _tile_plan(tot, c, s):
    wid = (s * NC + c).astype(jnp.int32)
    base = tot // NW
    extra = tot % NW
    if extra == 0 and base % 8 == 0:
        return base, pl.multiple_of(wid * base, 8)
    cnt = jnp.where(wid < extra, base + 1, base)
    start = wid * base + jnp.minimum(wid, extra)
    return cnt, start


def _make_deg_kernel(tot):
    cm = -(-tot // NW)

    @functools.partial(
        pl.kernel,
        mesh=_MESH,
        out_type=jax.ShapeDtypeStruct((NC, N_PAD, 16), jnp.float32),
        compiler_params=pltpu.CompilerParams(use_tc_tiling_on_sc=False),
        scratch_types=[
            pltpu.VMEM((cm, CH), jnp.int32),
            pltpu.VMEM((CH, 16), jnp.float32),
            pltpu.VMEM((RPT, 16), jnp.float32),
            pltpu.VMEM_SHARED((N_PAD, 16), jnp.float32),
            pltpu.SemaphoreType.DMA,
        ],
    )
    def deg_kernel(ei_hbm, out_hbm, idx_v, ones_v, zbuf, acc_sh, sem):
        c = lax.axis_index("c")
        s = lax.axis_index("s")
        cnt, start = _tile_plan(tot, c, s)

        one = jnp.ones((16,), jnp.float32)

        def fill_ones(r, carry):
            ones_v[r, :] = one
            return carry

        lax.fori_loop(0, CH, fill_ones, 0)
        _zero_fill(zbuf, RPT, 16)
        pltpu.sync_copy(zbuf, acc_sh.at[pl.ds(s * RPT, RPT)])
        pltpu.sync_copy(ei_hbm.at[1, pl.ds(start, cm)], idx_v)
        plsc.subcore_barrier()

        def chunk(i, carry):
            pltpu.async_copy(ones_v, acc_sh.at[idx_v.at[i]], sem, add=True)
            return carry

        lax.fori_loop(0, cnt, chunk, 0)

        def drain(i, carry):
            pltpu.make_async_copy(ones_v, acc_sh.at[idx_v.at[0]], sem).wait()
            return carry

        lax.fori_loop(0, cnt, drain, 0)
        plsc.subcore_barrier()
        pltpu.sync_copy(acc_sh.at[pl.ds(s * RPT, RPT)],
                        out_hbm.at[c, pl.ds(s * RPT, RPT)])

    return deg_kernel


def _make_agg_kernel(tot, feat, NB):
    cm = -(-tot // NW)

    @functools.partial(
        pl.kernel,
        mesh=_MESH,
        out_type=jax.ShapeDtypeStruct((NC, N_PAD, feat), jnp.float32),
        compiler_params=pltpu.CompilerParams(use_tc_tiling_on_sc=False),
        scratch_types=[
            pltpu.VMEM((cm, CH), jnp.int32),
            pltpu.VMEM((cm, CH), jnp.int32),
            pltpu.VMEM((2, NB, CH, feat), jnp.float32),
            pltpu.VMEM((RPT // 4, feat), jnp.float32),
            pltpu.VMEM_SHARED((N_PAD, feat), jnp.float32),
            pltpu.VMEM_SHARED((N_PAD, feat), jnp.float32),
            pltpu.SemaphoreType.DMA,
            pltpu.SemaphoreType.DMA,
            pltpu.SemaphoreType.DMA,
        ],
    )
    def agg_kernel(ei_hbm, t_hbm, out_hbm,
                   sidx_v, didx_v, rows_v, zbuf, acc_sh, t_sh,
                   semg, semsc0, semsc1):
        c = lax.axis_index("c")
        s = lax.axis_index("s")
        cnt, start = _tile_plan(tot, c, s)
        n_super = cnt // (2 * NB)
        n_tail = cnt - n_super * (2 * NB)
        semsc = (semsc0, semsc1)

        _zero_fill(zbuf, RPT // 4, feat)
        for q in range(4):
            pltpu.sync_copy(
                zbuf, acc_sh.at[pl.ds(s * RPT + q * (RPT // 4), RPT // 4)])
        pltpu.sync_copy(t_hbm.at[pl.ds(s * RPT, RPT)],
                        t_sh.at[pl.ds(s * RPT, RPT)])
        pltpu.sync_copy(ei_hbm.at[0, pl.ds(start, cm)], sidx_v)
        pltpu.sync_copy(ei_hbm.at[1, pl.ds(start, cm)], didx_v)
        plsc.subcore_barrier()

        def supergroup(k, carry):
            for half in range(2):
                base = (2 * k + half) * NB

                @pl.when(k >= 1)
                def _():
                    for b in range(NB):
                        pltpu.make_async_copy(
                            rows_v.at[half, b], acc_sh.at[didx_v.at[0]],
                            semsc[half]).wait()

                gds = [
                    pltpu.async_copy(
                        t_sh.at[sidx_v.at[base + b]], rows_v.at[half, b], semg)
                    for b in range(NB)
                ]
                for d in gds:
                    d.wait()
                for b in range(NB):
                    pltpu.async_copy(
                        rows_v.at[half, b], acc_sh.at[didx_v.at[base + b]],
                        semsc[half], add=True)
            return carry

        lax.fori_loop(0, n_super, supergroup, 0)

        @pl.when(n_super > 0)
        def _():
            for half in range(2):
                for b in range(NB):
                    pltpu.make_async_copy(
                        rows_v.at[half, b], acc_sh.at[didx_v.at[0]],
                        semsc[half]).wait()

        def tailchunk(i, carry):
            j = n_super * (2 * NB) + i
            pltpu.async_copy(
                t_sh.at[sidx_v.at[j]], rows_v.at[0, 0], semg).wait()
            pltpu.sync_copy(
                rows_v.at[0, 0], acc_sh.at[didx_v.at[j]], add=True)
            return carry

        lax.fori_loop(0, n_tail, tailchunk, 0)
        plsc.subcore_barrier()
        pltpu.sync_copy(acc_sh.at[pl.ds(s * RPT, RPT)],
                        out_hbm.at[c, pl.ds(s * RPT, RPT)])

    return agg_kernel



_BM = 1000


def _tca_body(x_ref, w1_ref, degp_ref, t1_ref, dinv_ref):
    y1 = jnp.dot(x_ref[...], w1_ref[...], preferred_element_type=jnp.float32)
    cnt = degp_ref[0] + degp_ref[1]
    dinv = lax.rsqrt(cnt[:, 0:1] + 1.0)
    t1_ref[...] = y1 * dinv
    dinv_ref[...] = dinv


def _tcb_body(a1p_ref, t1_ref, dinv_ref, b1_ref, wc_ref, tc2_ref):
    agg = a1p_ref[0] + a1p_ref[1] + t1_ref[...]
    h1 = jnp.maximum(agg * dinv_ref[...] + b1_ref[...], 0.0)
    yc = jnp.dot(h1, wc_ref[...], preferred_element_type=jnp.float32)
    tc2_ref[...] = yc * dinv_ref[...]


def _tcc_body(a2p_ref, tc2_ref, dinv_ref, bc_ref, gn_ref, z_ref):
    u = (a2p_ref[0] + a2p_ref[1] + tc2_ref[...]) * dinv_ref[...] + bc_ref[...]
    xu = u[:, :F_LAT]
    xs = u[:, F_LAT:]
    z_ref[...] = gn_ref[...] * jnp.exp(xu) + xs


_DM = 400


def _tcd_body(z1_ref, z2_ref, out_ref):
    zz = lax.dot_general(z1_ref[...], z2_ref[...],
                         (((1,), (1,)), ((), ())),
                         preferred_element_type=jnp.float32)
    out_ref[...] = jax.nn.sigmoid(zz)


def kernel(x, edge_index, W1, b1, W2, b2, W3, b3):
    n_edges = edge_index.shape[1]
    tot = -(-n_edges // CH)
    cm = -(-tot // NW)
    t_rows = tot + (NW * cm - tot > 0) * 1 + 1
    e_pad = t_rows * CH

    ei = edge_index.astype(jnp.int32)
    ei3 = jnp.concatenate(
        [ei, jnp.full((2, e_pad - n_edges), N, jnp.int32)],
        axis=1).reshape(2, t_rows, CH)

    degp = _make_deg_kernel(tot)(ei3)

    xp = jnp.concatenate(
        [x, jnp.zeros((N_PAD - N, F_IN), jnp.float32)], axis=0)
    t1, dinv = pl.pallas_call(
        _tca_body,
        out_shape=[
            jax.ShapeDtypeStruct((N_PAD, F_HID), jnp.float32),
            jax.ShapeDtypeStruct((N_PAD, 1), jnp.float32),
        ],
    )(xp, W1, degp)

    a1p = _make_agg_kernel(tot, F_HID, 1)(ei3, t1)

    Wc = jnp.concatenate([W2, W3], axis=1)
    bc = jnp.concatenate([b2, b3]).reshape(1, F_C)
    tc2 = pl.pallas_call(
        _tcb_body,
        out_shape=jax.ShapeDtypeStruct((N_PAD, F_C), jnp.float32),
    )(a1p, t1, dinv, b1.reshape(1, F_HID), Wc)

    a2p = _make_agg_kernel(tot, F_C, 4)(ei3, tc2)

    gnoise = jax.random.normal(jax.random.key(42), (N, F_LAT), dtype=jnp.float32)
    z = pl.pallas_call(
        _tcc_body,
        grid=(1,),
        in_specs=[
            pl.BlockSpec((NC, N, F_C), lambda i: (0, 0, 0)),
            pl.BlockSpec((N, F_C), lambda i: (0, 0)),
            pl.BlockSpec((N, 1), lambda i: (0, 0)),
            pl.BlockSpec((1, F_C), lambda i: (0, 0)),
            pl.BlockSpec((N, F_LAT), lambda i: (0, 0)),
        ],
        out_specs=pl.BlockSpec((N, F_LAT), lambda i: (0, 0)),
        out_shape=jax.ShapeDtypeStruct((N, F_LAT), jnp.float32),
    )(a2p, tc2, dinv, bc, gnoise)

    adj = pl.pallas_call(
        _tcd_body,
        grid=(N // _DM,),
        in_specs=[
            pl.BlockSpec((_DM, F_LAT), lambda i: (i, 0)),
            pl.BlockSpec((N, F_LAT), lambda i: (0, 0)),
        ],
        out_specs=pl.BlockSpec((_DM, N), lambda i: (i, 0)),
        out_shape=jax.ShapeDtypeStruct((N, N), jnp.float32),
    )(z, z)
    return adj

# --- scband reference (transcript-rebuilt; emitter-appended) ---
"""Pipeline reference for scband-vganet-53163105190000 (READ-ONLY COPY).

The authoritative reference and input builder live on the scoring server;
editing this copy changes nothing except your own understanding.
"""

import jax, jax.numpy as jnp
import numpy as np

N_NODES = 10000
FEATURE_SIZE = 128
HIDDEN_DIM = 64
LATENT_DIM = 16
N_EDGES = 320000


def gcn_conv(x, edge_index, W, b):
    # PyG-style GCNConv: D^{-1/2} (A + I) D^{-1/2} X W + b
    N = x.shape[0]
    src = edge_index[0]
    dst = edge_index[1]
    loops = jnp.arange(N, dtype=src.dtype)
    src = jnp.concatenate([src, loops])
    dst = jnp.concatenate([dst, loops])
    xw = x @ W
    deg = jnp.zeros((N,), dtype=x.dtype).at[dst].add(1.0)
    dinv = 1.0 / jnp.sqrt(jnp.clip(deg, 1.0))
    norm = dinv[src] * dinv[dst]
    msg = xw[src] * norm[:, None]
    out = jnp.zeros((N, W.shape[1]), dtype=x.dtype).at[dst].add(msg)
    return out + b


def setup_inputs(seed: int = 0) -> dict:
    key = jax.random.key(seed)
    k = jax.random.split(key, 8)
    x = jax.random.normal(k[0], (N_NODES, FEATURE_SIZE), dtype=jnp.float32)
    edge_index = jax.random.randint(k[1], (2, N_EDGES), 0, N_NODES, dtype=jnp.int64)
    s1 = 1.0 / np.sqrt(FEATURE_SIZE)
    s2 = 1.0 / np.sqrt(HIDDEN_DIM)
    W1 = jax.random.uniform(k[2], (FEATURE_SIZE, HIDDEN_DIM), minval=-s1, maxval=s1, dtype=jnp.float32)
    b1 = jnp.zeros((HIDDEN_DIM,), dtype=jnp.float32)
    W2 = jax.random.uniform(k[3], (HIDDEN_DIM, LATENT_DIM), minval=-s2, maxval=s2, dtype=jnp.float32)
    b2 = jnp.zeros((LATENT_DIM,), dtype=jnp.float32)
    W3 = jax.random.uniform(k[4], (HIDDEN_DIM, LATENT_DIM), minval=-s2, maxval=s2, dtype=jnp.float32)
    b3 = jnp.zeros((LATENT_DIM,), dtype=jnp.float32)
    return {"x": x, "edge_index": edge_index, "W1": W1, "b1": b1, "W2": W2, "b2": b2, "W3": W3, "b3": b3}


def reference(x, edge_index, W1, b1, W2, b2, W3, b3):
    # encode (eval mode: dropout is identity)
    h = gcn_conv(x, edge_index, W1, b1)
    h = jax.nn.relu(h)
    xu = gcn_conv(h, edge_index, W2, b2)
    xs = gcn_conv(h, edge_index, W3, b3)
    # forward calls decode(xs, xu) with swapped args (faithful to original)
    # decode(a, b): z = gnoise * exp(b) + a  with a=xs, b=xu
    gnoise = jax.random.normal(jax.random.key(42), xu.shape, dtype=jnp.float32)
    z = gnoise * jnp.exp(xu) + xs
    adj_pred = jax.nn.sigmoid(z @ z.T)
    return adj_pred

if __name__ == "__main__":
    import jax
    _d = setup_inputs()
    print(jax.jit(kernel)(*tuple(_d.values())))

</pallas_src>

<mosaic_0001>
#map = affine_map<(d0, d1) -> (0, 0, 0)>
#map1 = affine_map<(d0, d1) -> (0, 0)>
module attributes {stable_mosaic.version = 14 : i64} {
  func.func @agg_kernel(%arg0: i32, %arg1: i32, %arg2: memref<2x2502x128xi32, #tpu.memory_space<hbm>>, %arg3: memref<10112x64xf32, #tpu.memory_space<hbm>>, %arg4: memref<2x10112x64xf32, #tpu.memory_space<hbm>>, %arg5: memref<79x128xi32, #tpu.memory_space<vmem>>, %arg6: memref<79x128xi32, #tpu.memory_space<vmem>>, %arg7: memref<2x1x128x64xf32, #tpu.memory_space<vmem>>, %arg8: memref<158x64xf32, #tpu.memory_space<vmem>>, %arg9: memref<10112x64xf32, #tpu.memory_space<vmem_shared>>, %arg10: memref<10112x64xf32, #tpu.memory_space<vmem_shared>>, %arg11: memref<!tpu.dma_semaphore, #tpu.memory_space<semaphore_mem>>, %arg12: memref<!tpu.dma_semaphore, #tpu.memory_space<semaphore_mem>>, %arg13: memref<!tpu.dma_semaphore, #tpu.memory_space<semaphore_mem>>) attributes {dimension_semantics = [#tpu.dimension_semantics<core_parallel>, #tpu.dimension_semantics<subcore_parallel>], iteration_bounds = array<i64: 2, 16>, scalar_prefetch = 0 : i64, scratch_operands = 9 : i64, tpu.core_type = #tpu.core_type<sc_vector_subcore>, window_params = [{transform_indices = #map}, {transform_indices = #map1}, {transform_indices = #map}]} {
    %mul3A = arith.constant 2 : i32
    %mul3A_0 = arith.muli %arg1, %mul3A : i32
    %add3A = arith.addi %mul3A_0, %arg0 : i32
    %lt3A = arith.constant 4 : i32
    %lt3A_1 = arith.cmpi slt, %add3A, %lt3A : i32
    %jit3A = arith.constant 79 : i32
    %jit3A_2 = arith.constant 78 : i32
    %select_n3A = arith.select %lt3A_1, %jit3A, %jit3A_2 : i32
    %mul3A_3 = arith.constant 78 : i32
    %mul3A_4 = arith.muli %add3A, %mul3A_3 : i32
    %min3A = arith.constant 4 : i32
    %min3A_5 = arith.minsi %add3A, %min3A : i32
    %add3A_6 = arith.addi %mul3A_4, %min3A_5 : i32
    %jit3A_7 = arith.constant 2 : i32
    %div3A = arith.divsi %select_n3A, %jit3A_7 : i32
    %sign3A = arith.constant 0 : i32
    %sign3A_8 = arith.cmpi sgt, %select_n3A, %sign3A : i32
    %sign3A_9 = arith.extui %sign3A_8 : i1 to i32
    %sign3A_10 = arith.constant 0 : i32
    %sign3A_11 = arith.cmpi slt, %select_n3A, %sign3A_10 : i32
    %sign3A_12 = arith.extui %sign3A_11 : i1 to i32
    %sign3A_13 = arith.subi %sign3A_9, %sign3A_12 : i32
    %sign3A_14 = arith.constant 0 : i32
    %sign3A_15 = arith.cmpi sgt, %jit3A_7, %sign3A_14 : i32
    %sign3A_16 = arith.extui %sign3A_15 : i1 to i32
    %sign3A_17 = arith.constant 0 : i32
    %sign3A_18 = arith.cmpi slt, %jit3A_7, %sign3A_17 : i32
    %sign3A_19 = arith.extui %sign3A_18 : i1 to i32
    %sign3A_20 = arith.subi %sign3A_16, %sign3A_19 : i32
    %ne3A = arith.cmpi ne, %sign3A_13, %sign3A_20 : i32
    %rem3A = arith.remsi %select_n3A, %jit3A_7 : i32
    %ne3A_21 = arith.constant 0 : i32
    %ne3A_22 = arith.cmpi ne, %rem3A, %ne3A_21 : i32
    %and3A = arith.andi %ne3A, %ne3A_22 : i1
    %sub3A = arith.constant 1 : i32
    %sub3A_23 = arith.subi %div3A, %sub3A : i32
    %select_n3A_24 = arith.select %and3A, %sub3A_23, %div3A : i32
    %mul3A_25 = arith.constant 2 : i32
    %mul3A_26 = arith.muli %select_n3A_24, %mul3A_25 : i32
    %sub3A_27 = arith.subi %select_n3A, %mul3A_26 : i32
    %broadcast_in_dim3A = arith.constant 0.000000e+00 : f32
    %broadcast_in_dim3A_28 = vector.broadcast %broadcast_in_dim3A : f32 to vector<16xf32>
    %scan3A = arith.constant 0 : i32
    %scan3A_29 = arith.constant 0 : i32
    %scan3A_30 = arith.constant 158 : i32
    %scan3A_31 = arith.addi %scan3A_29, %scan3A_30 : i32
    %scan3A_32 = arith.constant 1 : i32
    scf.for %scan3A_81 = %scan3A_29 to %scan3A_31 step %scan3A_32  : i32 {
      %swap3A = arith.index_cast %scan3A_81 : i32 to index
      %swap3A_82 = arith.constant 0 : index
      %swap3A_83 = tpu.vector_load %arg8[%swap3A, %swap3A_82] {strides = array<i32>} : memref<158x64xf32, #tpu.memory_space<vmem>>, vector<1x16xf32>,
      %swap3A_84 = vector.shape_cast %swap3A_83 : vector<1x16xf32> to vector<16xf32>
      %swap3A_85 = vector.shape_cast %broadcast_in_dim3A_28 : vector<16xf32> to vector<1x16xf32>
      tpu.vector_store %arg8[%swap3A, %swap3A_82], %swap3A_85 {strides = array<i32>} : memref<158x64xf32, #tpu.memory_space<vmem>>, vector<1x16xf32>,
      %swap3A_86 = arith.index_cast %scan3A_81 : i32 to index
      %swap3A_87 = arith.constant 16 : index
      %swap3A_88 = tpu.vector_load %arg8[%swap3A_86, %swap3A_87] {strides = array<i32>} : memref<158x64xf32, #tpu.memory_space<vmem>>, vector<1x16xf32>,
      %swap3A_89 = vector.shape_cast %swap3A_88 : vector<1x16xf32> to vector<16xf32>
      %swap3A_90 = vector.shape_cast %broadcast_in_dim3A_28 : vector<16xf32> to vector<1x16xf32>
      tpu.vector_store %arg8[%swap3A_86, %swap3A_87], %swap3A_90 {strides = array<i32>} : memref<158x64xf32, #tpu.memory_space<vmem>>, vector<1x16xf32>,
      %swap3A_91 = arith.index_cast %scan3A_81 : i32 to index
      %swap3A_92 = arith.constant 32 : index
      %swap3A_93 = tpu.vector_load %arg8[%swap3A_91, %swap3A_92] {strides = array<i32>} : memref<158x64xf32, #tpu.memory_space<vmem>>, vector<1x16xf32>,
      %swap3A_94 = vector.shape_cast %swap3A_93 : vector<1x16xf32> to vector<16xf32>
      %swap3A_95 = vector.shape_cast %broadcast_in_dim3A_28 : vector<16xf32> to vector<1x16xf32>
      tpu.vector_store %arg8[%swap3A_91, %swap3A_92], %swap3A_95 {strides = array<i32>} : memref<158x64xf32, #tpu.memory_space<vmem>>, vector<1x16xf32>,
      %swap3A_96 = arith.index_cast %scan3A_81 : i32 to index
      %swap3A_97 = arith.constant 48 : index
      %swap3A_98 = tpu.vector_load %arg8[%swap3A_96, %swap3A_97] {strides = array<i32>} : memref<158x64xf32, #tpu.memory_space<vmem>>, vector<1x16xf32>,
      %swap3A_99 = vector.shape_cast %swap3A_98 : vector<1x16xf32> to vector<16xf32>
      %swap3A_100 = vector.shape_cast %broadcast_in_dim3A_28 : vector<16xf32> to vector<1x16xf32>
      tpu.vector_store %arg8[%swap3A_96, %swap3A_97], %swap3A_100 {strides = array<i32>} : memref<158x64xf32, #tpu.memory_space<vmem>>, vector<1x16xf32>,
    }
    %scan3A_33 = arith.constant 158 : i32
    %mul3A_34 = arith.constant 632 : i32
    %mul3A_35 = arith.muli %arg1, %mul3A_34 : i32
    %add3A_36 = arith.constant 0 : i32
    %add3A_37 = arith.addi %mul3A_35, %add3A_36 : i32
    "tpu.region"() ({
      %run_scoped3A_81 = tpu.sem_alloc : memref<!tpu.dma_semaphore, #tpu.memory_space<semaphore_mem>>
      %dma_start3A = arith.constant 0 : i32
      %dma_start3A_82 = tpu.memref_slice %arg9[%add3A_37, %dma_start3A] : memref<10112x64xf32, #tpu.memory_space<vmem_shared>> -> memref<158x64xf32, #tpu.memory_space<vmem_shared>>
      %dma_start3A_83 = arith.constant 0 : i32
      %dma_start3A_84 = tpu.memref_slice %arg9[%add3A_37, %dma_start3A_83] : memref<10112x64xf32, #tpu.memory_space<vmem_shared>> -> memref<158x64xf32, #tpu.memory_space<vmem_shared>>
      tpu.enqueue_dma source(%arg8 : memref<158x64xf32, #tpu.memory_space<vmem>>) target(%dma_start3A_84 : memref<158x64xf32, #tpu.memory_space<vmem_shared>>) target_semaphore(%run_scoped3A_81 : memref<!tpu.dma_semaphore, #tpu.memory_space<semaphore_mem>>)
      %dma_wait3A = arith.constant 0 : i32
      %dma_wait3A_85 = tpu.memref_slice %arg9[%add3A_37, %dma_wait3A] : memref<10112x64xf32, #tpu.memory_space<vmem_shared>> -> memref<158x64xf32, #tpu.memory_space<vmem_shared>>
      %dma_wait3A_86 = arith.constant 0 : i32
      %dma_wait3A_87 = tpu.memref_slice %arg9[%add3A_37, %dma_wait3A_86] : memref<10112x64xf32, #tpu.memory_space<vmem_shared>> -> memref<158x64xf32, #tpu.memory_space<vmem_shared>>
      tpu.wait_dma2 semaphore(%run_scoped3A_81 : memref<!tpu.dma_semaphore, #tpu.memory_space<semaphore_mem>>) src(%arg8 : memref<158x64xf32, #tpu.memory_space<vmem>>) dst(%dma_wait3A_87 : memref<158x64xf32, #tpu.memory_space<vmem_shared>>)
      tpu.yield
    }) : () -> ()
    %mul3A_38 = arith.constant 632 : i32
    %mul3A_39 = arith.muli %arg1, %mul3A_38 : i32
    %add3A_40 = arith.constant 158 : i32
    %add3A_41 = arith.addi %mul3A_39, %add3A_40 : i32
    "tpu.region"() ({
      %run_scoped3A_81 = tpu.sem_alloc : memref<!tpu.dma_semaphore, #tpu.memory_space<semaphore_mem>>
      %dma_start3A = arith.constant 0 : i32
      %dma_start3A_82 = tpu.memref_slice %arg9[%add3A_41, %dma_start3A] : memref<10112x64xf32, #tpu.memory_space<vmem_shared>> -> memref<158x64xf32, #tpu.memory_space<vmem_shared>>
      %dma_start3A_83 = arith.constant 0 : i32
      %dma_start3A_84 = tpu.memref_slice %arg9[%add3A_41, %dma_start3A_83] : memref<10112x64xf32, #tpu.memory_space<vmem_shared>> -> memref<158x64xf32, #tpu.memory_space<vmem_shared>>
      tpu.enqueue_dma source(%arg8 : memref<158x64xf32, #tpu.memory_space<vmem>>) target(%dma_start3A_84 : memref<158x64xf32, #tpu.memory_space<vmem_shared>>) target_semaphore(%run_scoped3A_81 : memref<!tpu.dma_semaphore, #tpu.memory_space<semaphore_mem>>)
      %dma_wait3A = arith.constant 0 : i32
      %dma_wait3A_85 = tpu.memref_slice %arg9[%add3A_41, %dma_wait3A] : memref<10112x64xf32, #tpu.memory_space<vmem_shared>> -> memref<158x64xf32, #tpu.memory_space<vmem_shared>>
      %dma_wait3A_86 = arith.constant 0 : i32
      %dma_wait3A_87 = tpu.memref_slice %arg9[%add3A_41, %dma_wait3A_86] : memref<10112x64xf32, #tpu.memory_space<vmem_shared>> -> memref<158x64xf32, #tpu.memory_space<vmem_shared>>
      tpu.wait_dma2 semaphore(%run_scoped3A_81 : memref<!tpu.dma_semaphore, #tpu.memory_space<semaphore_mem>>) src(%arg8 : memref<158x64xf32, #tpu.memory_space<vmem>>) dst(%dma_wait3A_87 : memref<158x64xf32, #tpu.memory_space<vmem_shared>>)
      tpu.yield
    }) : () -> ()
    %mul3A_42 = arith.constant 632 : i32
    %mul3A_43 = arith.muli %arg1, %mul3A_42 : i32
    %add3A_44 = arith.constant 316 : i32
    %add3A_45 = arith.addi %mul3A_43, %add3A_44 : i32
    "tpu.region"() ({
      %run_scoped3A_81 = tpu.sem_alloc : memref<!tpu.dma_semaphore, #tpu.memory_space<semaphore_mem>>
      %dma_start3A = arith.constant 0 : i32
      %dma_start3A_82 = tpu.memref_slice %arg9[%add3A_45, %dma_start3A] : memref<10112x64xf32, #tpu.memory_space<vmem_shared>> -> memref<158x64xf32, #tpu.memory_space<vmem_shared>>
      %dma_start3A_83 = arith.constant 0 : i32
      %dma_start3A_84 = tpu.memref_slice %arg9[%add3A_45, %dma_start3A_83] : memref<10112x64xf32, #tpu.memory_space<vmem_shared>> -> memref<158x64xf32, #tpu.memory_space<vmem_shared>>
      tpu.enqueue_dma source(%arg8 : memref<158x64xf32, #tpu.memory_space<vmem>>) target(%dma_start3A_84 : memref<158x64xf32, #tpu.memory_space<vmem_shared>>) target_semaphore(%run_scoped3A_81 : memref<!tpu.dma_semaphore, #tpu.memory_space<semaphore_mem>>)
      %dma_wait3A = arith.constant 0 : i32
      %dma_wait3A_85 = tpu.memref_slice %arg9[%add3A_45, %dma_wait3A] : memref<10112x64xf32, #tpu.memory_space<vmem_shared>> -> memref<158x64xf32, #tpu.memory_space<vmem_shared>>
      %dma_wait3A_86 = arith.constant 0 : i32
      %dma_wait3A_87 = tpu.memref_slice %arg9[%add3A_45, %dma_wait3A_86] : memref<10112x64xf32, #tpu.memory_space<vmem_shared>> -> memref<158x64xf32, #tpu.memory_space<vmem_shared>>
      tpu.wait_dma2 semaphore(%run_scoped3A_81 : memref<!tpu.dma_semaphore, #tpu.memory_space<semaphore_mem>>) src(%arg8 : memref<158x64xf32, #tpu.memory_space<vmem>>) dst(%dma_wait3A_87 : memref<158x64xf32, #tpu.memory_space<vmem_shared>>)
      tpu.yield
    }) : () -> ()
    %mul3A_46 = arith.constant 632 : i32
    %mul3A_47 = arith.muli %arg1, %mul3A_46 : i32
    %add3A_48 = arith.constant 474 : i32
    %add3A_49 = arith.addi %mul3A_47, %add3A_48 : i32
    "tpu.region"() ({
      %run_scoped3A_81 = tpu.sem_alloc : memref<!tpu.dma_semaphore, #tpu.memory_space<semaphore_mem>>
      %dma_start3A = arith.constant 0 : i32
      %dma_start3A_82 = tpu.memref_slice %arg9[%add3A_49, %dma_start3A] : memref<10112x64xf32, #tpu.memory_space<vmem_shared>> -> memref<158x64xf32, #tpu.memory_space<vmem_shared>>
      %dma_start3A_83 = arith.constant 0 : i32
      %dma_start3A_84 = tpu.memref_slice %arg9[%add3A_49, %dma_start3A_83] : memref<10112x64xf32, #tpu.memory_space<vmem_shared>> -> memref<158x64xf32, #tpu.memory_space<vmem_shared>>
      tpu.enqueue_dma source(%arg8 : memref<158x64xf32, #tpu.memory_space<vmem>>) target(%dma_start3A_84 : memref<158x64xf32, #tpu.memory_space<vmem_shared>>) target_semaphore(%run_scoped3A_81 : memref<!tpu.dma_semaphore, #tpu.memory_space<semaphore_mem>>)
      %dma_wait3A = arith.constant 0 : i32
      %dma_wait3A_85 = tpu.memref_slice %arg9[%add3A_49, %dma_wait3A] : memref<10112x64xf32, #tpu.memory_space<vmem_shared>> -> memref<158x64xf32, #tpu.memory_space<vmem_shared>>
      %dma_wait3A_86 = arith.constant 0 : i32
      %dma_wait3A_87 = tpu.memref_slice %arg9[%add3A_49, %dma_wait3A_86] : memref<10112x64xf32, #tpu.memory_space<vmem_shared>> -> memref<158x64xf32, #tpu.memory_space<vmem_shared>>
      tpu.wait_dma2 semaphore(%run_scoped3A_81 : memref<!tpu.dma_semaphore, #tpu.memory_space<semaphore_mem>>) src(%arg8 : memref<158x64xf32, #tpu.memory_space<vmem>>) dst(%dma_wait3A_87 : memref<158x64xf32, #tpu.memory_space<vmem_shared>>)
      tpu.yield
    }) : () -> ()
    %mul3A_50 = arith.constant 632 : i32
    %mul3A_51 = arith.muli %arg1, %mul3A_50 : i32
    %mul3A_52 = arith.constant 632 : i32
    %mul3A_53 = arith.muli %arg1, %mul3A_52 : i32
    "tpu.region"() ({
      %run_scoped3A_81 = tpu.sem_alloc : memref<!tpu.dma_semaphore, #tpu.memory_space<semaphore_mem>>
      %dma_start3A = arith.constant 0 : i32
      %dma_start3A_82 = tpu.memref_slice %arg10[%mul3A_53, %dma_start3A] : memref<10112x64xf32, #tpu.memory_space<vmem_shared>> -> memref<632x64xf32, #tpu.memory_space<vmem_shared>>
      %dma_start3A_83 = arith.constant 0 : i32
      %dma_start3A_84 = tpu.memref_slice %arg3[%mul3A_51, %dma_start3A_83] : memref<10112x64xf32, #tpu.memory_space<hbm>> -> memref<632x64xf32, #tpu.memory_space<hbm>>
      tpu.enqueue_dma source(%dma_start3A_84 : memref<632x64xf32, #tpu.memory_space<hbm>>) target(%dma_start3A_82 : memref<632x64xf32, #tpu.memory_space<vmem_shared>>) target_semaphore(%run_scoped3A_81 : memref<!tpu.dma_semaphore, #tpu.memory_space<semaphore_mem>>)
      %dma_wait3A = arith.constant 0 : i32
      %dma_wait3A_85 = tpu.memref_slice %arg10[%mul3A_53, %dma_wait3A] : memref<10112x64xf32, #tpu.memory_space<vmem_shared>> -> memref<632x64xf32, #tpu.memory_space<vmem_shared>>
      %dma_wait3A_86 = arith.constant 0 : i32
      %dma_wait3A_87 = tpu.memref_slice %arg3[%mul3A_51, %dma_wait3A_86] : memref<10112x64xf32, #tpu.memory_space<hbm>> -> memref<632x64xf32, #tpu.memory_space<hbm>>
      tpu.wait_dma2 semaphore(%run_scoped3A_81 : memref<!tpu.dma_semaphore, #tpu.memory_space<semaphore_mem>>) src(%dma_wait3A_87 : memref<632x64xf32, #tpu.memory_space<hbm>>) dst(%dma_wait3A_85 : memref<632x64xf32, #tpu.memory_space<vmem_shared>>)
      tpu.yield
    }) : () -> ()
    %run_scoped3A = arith.constant 0 : i32
    "tpu.region"() ({
      %run_scoped3A_81 = tpu.sem_alloc : memref<!tpu.dma_semaphore, #tpu.memory_space<semaphore_mem>>
      %dma_start3A = arith.constant 0 : i32
      %dma_start3A_82 = tpu.memref_slice %arg2[%run_scoped3A, %add3A_6, %dma_start3A] : memref<2x2502x128xi32, #tpu.memory_space<hbm>> -> memref<1x79x128xi32, #tpu.memory_space<hbm>>
      %dma_start3A_83 = tpu.memref_squeeze %dma_start3A_82 : memref<1x79x128xi32, #tpu.memory_space<hbm>> -> memref<79x128xi32, #tpu.memory_space<hbm>>
      %dma_start3A_84 = arith.constant 0 : i32
      %dma_start3A_85 = tpu.memref_slice %arg2[%run_scoped3A, %add3A_6, %dma_start3A_84] : memref<2x2502x128xi32, #tpu.memory_space<hbm>> -> memref<1x79x128xi32, #tpu.memory_space<hbm>>
      %dma_start3A_86 = tpu.memref_squeeze %dma_start3A_85 : memref<1x79x128xi32, #tpu.memory_space<hbm>> -> memref<79x128xi32, #tpu.memory_space<hbm>>
      tpu.enqueue_dma source(%dma_start3A_86 : memref<79x128xi32, #tpu.memory_space<hbm>>) target(%arg5 : memref<79x128xi32, #tpu.memory_space<vmem>>) target_semaphore(%run_scoped3A_81 : memref<!tpu.dma_semaphore, #tpu.memory_space<semaphore_mem>>)
      %dma_wait3A = arith.constant 0 : i32
      %dma_wait3A_87 = tpu.memref_slice %arg2[%run_scoped3A, %add3A_6, %dma_wait3A] : memref<2x2502x128xi32, #tpu.memory_space<hbm>> -> memref<1x79x128xi32, #tpu.memory_space<hbm>>
      %dma_wait3A_88 = tpu.memref_squeeze %dma_wait3A_87 : memref<1x79x128xi32, #tpu.memory_space<hbm>> -> memref<79x128xi32, #tpu.memory_space<hbm>>
      %dma_wait3A_89 = arith.constant 0 : i32
      %dma_wait3A_90 = tpu.memref_slice %arg2[%run_scoped3A, %add3A_6, %dma_wait3A_89] : memref<2x2502x128xi32, #tpu.memory_space<hbm>> -> memref<1x79x128xi32, #tpu.memory_space<hbm>>
      %dma_wait3A_91 = tpu.memref_squeeze %dma_wait3A_90 : memref<1x79x128xi32, #tpu.memory_space<hbm>> -> memref<79x128xi32, #tpu.memory_space<hbm>>
      tpu.wait_dma2 semaphore(%run_scoped3A_81 : memref<!tpu.dma_semaphore, #tpu.memory_space<semaphore_mem>>) src(%dma_wait3A_91 : memref<79x128xi32, #tpu.memory_space<hbm>>) dst(%arg5 : memref<79x128xi32, #tpu.memory_space<vmem>>)
      tpu.yield
    }) : () -> ()
    %run_scoped3A_54 = arith.constant 1 : i32
    "tpu.region"() ({
      %run_scoped3A_81 = tpu.sem_alloc : memref<!tpu.dma_semaphore, #tpu.memory_space<semaphore_mem>>
      %dma_start3A = arith.constant 0 : i32
      %dma_start3A_82 = tpu.memref_slice %arg2[%run_scoped3A_54, %add3A_6, %dma_start3A] : memref<2x2502x128xi32, #tpu.memory_space<hbm>> -> memref<1x79x128xi32, #tpu.memory_space<hbm>>
      %dma_start3A_83 = tpu.memref_squeeze %dma_start3A_82 : memref<1x79x128xi32, #tpu.memory_space<hbm>> -> memref<79x128xi32, #tpu.memory_space<hbm>>
      %dma_start3A_84 = arith.constant 0 : i32
      %dma_start3A_85 = tpu.memref_slice %arg2[%run_scoped3A_54, %add3A_6, %dma_start3A_84] : memref<2x2502x128xi32, #tpu.memory_space<hbm>> -> memref<1x79x128xi32, #tpu.memory_space<hbm>>
      %dma_start3A_86 = tpu.memref_squeeze %dma_start3A_85 : memref<1x79x128xi32, #tpu.memory_space<hbm>> -> memref<79x128xi32, #tpu.memory_space<hbm>>
      tpu.enqueue_dma source(%dma_start3A_86 : memref<79x128xi32, #tpu.memory_space<hbm>>) target(%arg6 : memref<79x128xi32, #tpu.memory_space<vmem>>) target_semaphore(%run_scoped3A_81 : memref<!tpu.dma_semaphore, #tpu.memory_space<semaphore_mem>>)
      %dma_wait3A = arith.constant 0 : i32
      %dma_wait3A_87 = tpu.memref_slice %arg2[%run_scoped3A_54, %add3A_6, %dma_wait3A] : memref<2x2502x128xi32, #tpu.memory_space<hbm>> -> memref<1x79x128xi32, #tpu.memory_space<hbm>>
      %dma_wait3A_88 = tpu.memref_squeeze %dma_wait3A_87 : memref<1x79x128xi32, #tpu.memory_space<hbm>> -> memref<79x128xi32, #tpu.memory_space<hbm>>
      %dma_wait3A_89 = arith.constant 0 : i32
      %dma_wait3A_90 = tpu.memref_slice %arg2[%run_scoped3A_54, %add3A_6, %dma_wait3A_89] : memref<2x2502x128xi32, #tpu.memory_space<hbm>> -> memref<1x79x128xi32, #tpu.memory_space<hbm>>
      %dma_wait3A_91 = tpu.memref_squeeze %dma_wait3A_90 : memref<1x79x128xi32, #tpu.memory_space<hbm>> -> memref<79x128xi32, #tpu.memory_space<hbm>>
      tpu.wait_dma2 semaphore(%run_scoped3A_81 : memref<!tpu.dma_semaphore, #tpu.memory_space<semaphore_mem>>) src(%dma_wait3A_91 : memref<79x128xi32, #tpu.memory_space<hbm>>) dst(%arg6 : memref<79x128xi32, #tpu.memory_space<vmem>>)
      tpu.yield
    }) : () -> ()
    %barrier3A = arith.constant 0 : index
    tpu.barrier barrier_id(%barrier3A)
    %while3A = arith.constant 0 : i32
    %while3A_55 = arith.constant 0 : i32
    %while3A_56 = arith.subi %select_n3A_24, %while3A_55 : i32
    %while3A_57 = arith.addi %while3A_55, %while3A_56 : i32
    %while3A_58 = arith.constant 1 : i32
    %while3A_59 = arith.divsi %while3A_56, %while3A_58 : i32
    %while3A_60 = arith.muli %while3A_59, %while3A_58 : i32
    %while3A_61 = arith.addi %while3A_55, %while3A_60 : i32
    %while3A_62 = arith.constant 1 : i32
    scf.for %while3A_81 = %while3A_55 to %while3A_61 step %while3A_62  : i32 {
      %mul3A_82 = arith.constant 2 : i32
      %mul3A_83 = arith.muli %mul3A_82, %while3A_81 : i32
      %add3A_84 = arith.constant 0 : i32
      %add3A_85 = arith.addi %mul3A_83, %add3A_84 : i32
      %mul3A_86 = arith.constant 1 : i32
      %mul3A_87 = arith.muli %add3A_85, %mul3A_86 : i32
      %ge3A = arith.constant 1 : i32
      %ge3A_88 = arith.cmpi sge, %while3A_81, %ge3A : i32
      %convert_element_type3A_89 = arith.extui %ge3A_88 : i1 to i32
      %cond3A_90 = arith.constant 0 : i32
      %cond3A_91 = arith.cmpi ne, %convert_element_type3A_89, %cond3A_90 : i32
      scf.if %cond3A_91 {
        %dma_wait3A_181 = arith.constant 0 : i32
        %dma_wait3A_182 = arith.constant 0 : i32
        %dma_wait3A_183 = arith.constant 0 : i32
        %dma_wait3A_184 = arith.constant 0 : i32
        %dma_wait3A_185 = arith.constant 0 : i32
        %dma_wait3A_186 = tpu.memref_slice %arg7[%dma_wait3A_181, %dma_wait3A_182, %dma_wait3A_184, %dma_wait3A_185] : memref<2x1x128x64xf32, #tpu.memory_space<vmem>> -> memref<1x1x128x64xf32, #tpu.memory_space<vmem>>
        %dma_wait3A_187 = tpu.memref_squeeze %dma_wait3A_186 : memref<1x1x128x64xf32, #tpu.memory_space<vmem>> -> memref<128x64xf32, #tpu.memory_space<vmem>>
        %dma_wait3A_188 = arith.constant 0 : i32
        %dma_wait3A_189 = tpu.memref_slice %arg6[%dma_wait3A_183, %dma_wait3A_188] : memref<79x128xi32, #tpu.memory_space<vmem>> -> memref<1x128xi32, #tpu.memory_space<vmem>>
        %dma_wait3A_190 = tpu.memref_squeeze %dma_wait3A_189 : memref<1x128xi32, #tpu.memory_space<vmem>> -> memref<128xi32, #tpu.memory_space<vmem>>
        %dma_wait3A_191 = arith.constant 0 : i32
        %dma_wait3A_192 = arith.constant 0 : i32
        %dma_wait3A_193 = tpu.memref_slice %arg9[%dma_wait3A_191, %dma_wait3A_192] : memref<10112x64xf32, #tpu.memory_space<vmem_shared>> -> memref<10112x64xf32, #tpu.memory_space<vmem_shared>>
        tpu.wait_indirect_dma semaphore(%arg12 : memref<!tpu.dma_semaphore, #tpu.memory_space<semaphore_mem>>) src(%dma_wait3A_187 : memref<128x64xf32, #tpu.memory_space<vmem>>) dst(%dma_wait3A_193 : memref<10112x64xf32, #tpu.memory_space<vmem_shared>>)
      } else {
      }
      %add3A_92 = arith.constant 0 : i32
      %add3A_93 = arith.addi %mul3A_87, %add3A_92 : i32
      %dma_start3A = arith.constant 0 : i32
      %dma_start3A_94 = arith.constant 0 : i32
      %dma_start3A_95 = arith.constant 0 : i32
      %dma_start3A_96 = arith.constant 0 : i32
      %dma_start3A_97 = tpu.memref_slice %arg7[%dma_start3A, %dma_start3A_94, %dma_start3A_95, %dma_start3A_96] : memref<2x1x128x64xf32, #tpu.memory_space<vmem>> -> memref<1x1x128x64xf32, #tpu.memory_space<vmem>>
      %dma_start3A_98 = tpu.memref_squeeze %dma_start3A_97 : memref<1x1x128x64xf32, #tpu.memory_space<vmem>> -> memref<128x64xf32, #tpu.memory_space<vmem>>
      %dma_start3A_99 = arith.constant 0 : i32
      %dma_start3A_100 = tpu.memref_slice %arg5[%add3A_93, %dma_start3A_99] : memref<79x128xi32, #tpu.memory_space<vmem>> -> memref<1x128xi32, #tpu.memory_space<vmem>>
      %dma_start3A_101 = tpu.memref_squeeze %dma_start3A_100 : memref<1x128xi32, #tpu.memory_space<vmem>> -> memref<128xi32, #tpu.memory_space<vmem>>
      %dma_start3A_102 = arith.constant 0 : i32
      %dma_start3A_103 = arith.constant 0 : i32
      %dma_start3A_104 = tpu.memref_slice %arg10[%dma_start3A_102, %dma_start3A_103] : memref<10112x64xf32, #tpu.memory_space<vmem_shared>> -> memref<10112x64xf32, #tpu.memory_space<vmem_shared>>
      tpu.enqueue_indirect_dma source(%dma_start3A_104 : memref<10112x64xf32, #tpu.memory_space<vmem_shared>>) target(%dma_start3A_98 : memref<128x64xf32, #tpu.memory_space<vmem>>) offsets(%dma_start3A_101 : memref<128xi32, #tpu.memory_space<vmem>>) semaphore(%arg11 : memref<!tpu.dma_semaphore, #tpu.memory_space<semaphore_mem>>)
      %dma_wait3A = arith.constant 0 : i32
      %dma_wait3A_105 = arith.constant 0 : i32
      %dma_wait3A_106 = arith.constant 0 : i32
      %dma_wait3A_107 = arith.constant 0 : i32
      %dma_wait3A_108 = tpu.memref_slice %arg7[%dma_wait3A, %dma_wait3A_105, %dma_wait3A_106, %dma_wait3A_107] : memref<2x1x128x64xf32, #tpu.memory_space<vmem>> -> memref<1x1x128x64xf32, #tpu.memory_space<vmem>>
      %dma_wait3A_109 = tpu.memref_squeeze %dma_wait3A_108 : memref<1x1x128x64xf32, #tpu.memory_space<vmem>> -> memref<128x64xf32, #tpu.memory_space<vmem>>
      %dma_wait3A_110 = arith.constant 0 : i32
      %dma_wait3A_111 = tpu.memref_slice %arg5[%add3A_93, %dma_wait3A_110] : memref<79x128xi32, #tpu.memory_space<vmem>> -> memref<1x128xi32, #tpu.memory_space<vmem>>
      %dma_wait3A_112 = tpu.memref_squeeze %dma_wait3A_111 : memref<1x128xi32, #tpu.memory_space<vmem>> -> memref<128xi32, #tpu.memory_space<vmem>>
      %dma_wait3A_113 = arith.constant 0 : i32
      %dma_wait3A_114 = arith.constant 0 : i32
      %dma_wait3A_115 = tpu.memref_slice %arg10[%dma_wait3A_113, %dma_wait3A_114] : memref<10112x64xf32, #tpu.memory_space<vmem_shared>> -> memref<10112x64xf32, #tpu.memory_space<vmem_shared>>
      tpu.wait_indirect_dma semaphore(%arg11 : memref<!tpu.dma_semaphore, #tpu.memory_space<semaphore_mem>>) src(%dma_wait3A_115 : memref<10112x64xf32, #tpu.memory_space<vmem_shared>>) dst(%dma_wait3A_109 : memref<128x64xf32, #tpu.memory_space<vmem>>)
      %add3A_116 = arith.constant 0 : i32
      %add3A_117 = arith.addi %mul3A_87, %add3A_116 : i32
      %dma_start3A_118 = arith.constant 0 : i32
      %dma_start3A_119 = arith.constant 0 : i32
      %dma_start3A_120 = arith.constant 0 : i32
      %dma_start3A_121 = arith.constant 0 : i32
      %dma_start3A_122 = tpu.memref_slice %arg7[%dma_start3A_118, %dma_start3A_119, %dma_start3A_120, %dma_start3A_121] : memref<2x1x128x64xf32, #tpu.memory_space<vmem>> -> memref<1x1x128x64xf32, #tpu.memory_space<vmem>>
      %dma_start3A_123 = tpu.memref_squeeze %dma_start3A_122 : memref<1x1x128x64xf32, #tpu.memory_space<vmem>> -> memref<128x64xf32, #tpu.memory_space<vmem>>
      %dma_start3A_124 = arith.constant 0 : i32
      %dma_start3A_125 = tpu.memref_slice %arg6[%add3A_117, %dma_start3A_124] : memref<79x128xi32, #tpu.memory_space<vmem>> -> memref<1x128xi32, #tpu.memory_space<vmem>>
      %dma_start3A_126 = tpu.memref_squeeze %dma_start3A_125 : memref<1x128xi32, #tpu.memory_space<vmem>> -> memref<128xi32, #tpu.memory_space<vmem>>
      %dma_start3A_127 = arith.constant 0 : i32
      %dma_start3A_128 = arith.constant 0 : i32
      %dma_start3A_129 = tpu.memref_slice %arg9[%dma_start3A_127, %dma_start3A_128] : memref<10112x64xf32, #tpu.memory_space<vmem_shared>> -> memref<10112x64xf32, #tpu.memory_space<vmem_shared>>
      tpu.enqueue_indirect_dma source(%dma_start3A_123 : memref<128x64xf32, #tpu.memory_space<vmem>>) target(%dma_start3A_129 : memref<10112x64xf32, #tpu.memory_space<vmem_shared>>) offsets(%dma_start3A_126 : memref<128xi32, #tpu.memory_space<vmem>>) semaphore(%arg12 : memref<!tpu.dma_semaphore, #tpu.memory_space<semaphore_mem>>) {add = true}
      %mul3A_130 = arith.constant 2 : i32
      %mul3A_131 = arith.muli %mul3A_130, %while3A_81 : i32
      %add3A_132 = arith.constant 1 : i32
      %add3A_133 = arith.addi %mul3A_131, %add3A_132 : i32
      %mul3A_134 = arith.constant 1 : i32
      %mul3A_135 = arith.muli %add3A_133, %mul3A_134 : i32
      %ge3A_136 = arith.constant 1 : i32
      %ge3A_137 = arith.cmpi sge, %while3A_81, %ge3A_136 : i32
      %convert_element_type3A_138 = arith.extui %ge3A_137 : i1 to i32
      %cond3A_139 = arith.constant 0 : i32
      %cond3A_140 = arith.cmpi ne, %convert_element_type3A_138, %cond3A_139 : i32
      scf.if %cond3A_140 {
        %dma_wait3A_181 = arith.constant 1 : i32
        %dma_wait3A_182 = arith.constant 0 : i32
        %dma_wait3A_183 = arith.constant 0 : i32
        %dma_wait3A_184 = arith.constant 0 : i32
        %dma_wait3A_185 = arith.constant 0 : i32
        %dma_wait3A_186 = tpu.memref_slice %arg7[%dma_wait3A_181, %dma_wait3A_182, %dma_wait3A_184, %dma_wait3A_185] : memref<2x1x128x64xf32, #tpu.memory_space<vmem>> -> memref<1x1x128x64xf32, #tpu.memory_space<vmem>>
        %dma_wait3A_187 = tpu.memref_squeeze %dma_wait3A_186 : memref<1x1x128x64xf32, #tpu.memory_space<vmem>> -> memref<128x64xf32, #tpu.memory_space<vmem>>
        %dma_wait3A_188 = arith.constant 0 : i32
        %dma_wait3A_189 = tpu.memref_slice %arg6[%dma_wait3A_183, %dma_wait3A_188] : memref<79x128xi32, #tpu.memory_space<vmem>> -> memref<1x128xi32, #tpu.memory_space<vmem>>
        %dma_wait3A_190 = tpu.memref_squeeze %dma_wait3A_189 : memref<1x128xi32, #tpu.memory_space<vmem>> -> memref<128xi32, #tpu.memory_space<vmem>>
        %dma_wait3A_191 = arith.constant 0 : i32
        %dma_wait3A_192 = arith.constant 0 : i32
        %dma_wait3A_193 = tpu.memref_slice %arg9[%dma_wait3A_191, %dma_wait3A_192] : memref<10112x64xf32, #tpu.memory_space<vmem_shared>> -> memref<10112x64xf32, #tpu.memory_space<vmem_shared>>
        tpu.wait_indirect_dma semaphore(%arg13 : memref<!tpu.dma_semaphore, #tpu.memory_space<semaphore_mem>>) src(%dma_wait3A_187 : memref<128x64xf32, #tpu.memory_space<vmem>>) dst(%dma_wait3A_193 : memref<10112x64xf32, #tpu.memory_space<vmem_shared>>)
      } else {
      }
      %add3A_141 = arith.constant 0 : i32
      %add3A_142 = arith.addi %mul3A_135, %add3A_141 : i32
      %dma_start3A_143 = arith.constant 1 : i32
      %dma_start3A_144 = arith.constant 0 : i32
      %dma_start3A_145 = arith.constant 0 : i32
      %dma_start3A_146 = arith.constant 0 : i32
      %dma_start3A_147 = tpu.memref_slice %arg7[%dma_start3A_143, %dma_start3A_144, %dma_start3A_145, %dma_start3A_146] : memref<2x1x128x64xf32, #tpu.memory_space<vmem>> -> memref<1x1x128x64xf32, #tpu.memory_space<vmem>>
      %dma_start3A_148 = tpu.memref_squeeze %dma_start3A_147 : memref<1x1x128x64xf32, #tpu.memory_space<vmem>> -> memref<128x64xf32, #tpu.memory_space<vmem>>
      %dma_start3A_149 = arith.constant 0 : i32
      %dma_start3A_150 = tpu.memref_slice %arg5[%add3A_142, %dma_start3A_149] : memref<79x128xi32, #tpu.memory_space<vmem>> -> memref<1x128xi32, #tpu.memory_space<vmem>>
      %dma_start3A_151 = tpu.memref_squeeze %dma_start3A_150 : memref<1x128xi32, #tpu.memory_space<vmem>> -> memref<128xi32, #tpu.memory_space<vmem>>
      %dma_start3A_152 = arith.constant 0 : i32
      %dma_start3A_153 = arith.constant 0 : i32
      %dma_start3A_154 = tpu.memref_slice %arg10[%dma_start3A_152, %dma_start3A_153] : memref<10112x64xf32, #tpu.memory_space<vmem_shared>> -> memref<10112x64xf32, #tpu.memory_space<vmem_shared>>
      tpu.enqueue_indirect_dma source(%dma_start3A_154 : memref<10112x64xf32, #tpu.memory_space<vmem_shared>>) target(%dma_start3A_148 : memref<128x64xf32, #tpu.memory_space<vmem>>) offsets(%dma_start3A_151 : memref<128xi32, #tpu.memory_space<vmem>>) semaphore(%arg11 : memref<!tpu.dma_semaphore, #tpu.memory_space<semaphore_mem>>)
      %dma_wait3A_155 = arith.constant 1 : i32
      %dma_wait3A_156 = arith.constant 0 : i32
      %dma_wait3A_157 = arith.constant 0 : i32
      %dma_wait3A_158 = arith.constant 0 : i32
      %dma_wait3A_159 = tpu.memref_slice %arg7[%dma_wait3A_155, %dma_wait3A_156, %dma_wait3A_157, %dma_wait3A_158] : memref<2x1x128x64xf32, #tpu.memory_space<vmem>> -> memref<1x1x128x64xf32, #tpu.memory_space<vmem>>
      %dma_wait3A_160 = tpu.memref_squeeze %dma_wait3A_159 : memref<1x1x128x64xf32, #tpu.memory_space<vmem>> -> memref<128x64xf32, #tpu.memory_space<vmem>>
      %dma_wait3A_161 = arith.constant 0 : i32
      %dma_wait3A_162 = tpu.memref_slice %arg5[%add3A_142, %dma_wait3A_161] : memref<79x128xi32, #tpu.memory_space<vmem>> -> memref<1x128xi32, #tpu.memory_space<vmem>>
      %dma_wait3A_163 = tpu.memref_squeeze %dma_wait3A_162 : memref<1x128xi32, #tpu.memory_space<vmem>> -> memref<128xi32, #tpu.memory_space<vmem>>
      %dma_wait3A_164 = arith.constant 0 : i32
      %dma_wait3A_165 = arith.constant 0 : i32
      %dma_wait3A_166 = tpu.memref_slice %arg10[%dma_wait3A_164, %dma_wait3A_165] : memref<10112x64xf32, #tpu.memory_space<vmem_shared>> -> memref<10112x64xf32, #tpu.memory_space<vmem_shared>>
      tpu.wait_indirect_dma semaphore(%arg11 : memref<!tpu.dma_semaphore, #tpu.memory_space<semaphore_mem>>) src(%dma_wait3A_166 : memref<10112x64xf32, #tpu.memory_space<vmem_shared>>) dst(%dma_wait3A_160 : memref<128x64xf32, #tpu.memory_space<vmem>>)
      %add3A_167 = arith.constant 0 : i32
      %add3A_168 = arith.addi %mul3A_135, %add3A_167 : i32
      %dma_start3A_169 = arith.constant 1 : i32
      %dma_start3A_170 = arith.constant 0 : i32
      %dma_start3A_171 = arith.constant 0 : i32
      %dma_start3A_172 = arith.constant 0 : i32
      %dma_start3A_173 = tpu.memref_slice %arg7[%dma_start3A_169, %dma_start3A_170, %dma_start3A_171, %dma_start3A_172] : memref<2x1x128x64xf32, #tpu.memory_space<vmem>> -> memref<1x1x128x64xf32, #tpu.memory_space<vmem>>
      %dma_start3A_174 = tpu.memref_squeeze %dma_start3A_173 : memref<1x1x128x64xf32, #tpu.memory_space<vmem>> -> memref<128x64xf32, #tpu.memory_space<vmem>>
      %dma_start3A_175 = arith.constant 0 : i32
      %dma_start3A_176 = tpu.memref_slice %arg6[%add3A_168, %dma_start3A_175] : memref<79x128xi32, #tpu.memory_space<vmem>> -> memref<1x128xi32, #tpu.memory_space<vmem>>
      %dma_start3A_177 = tpu.memref_squeeze %dma_start3A_176 : memref<1x128xi32, #tpu.memory_space<vmem>> -> memref<128xi32, #tpu.memory_space<vmem>>
      %dma_start3A_178 = arith.constant 0 : i32
      %dma_start3A_179 = arith.constant 0 : i32
      %dma_start3A_180 = tpu.memref_slice %arg9[%dma_start3A_178, %dma_start3A_179] : memref<10112x64xf32, #tpu.memory_space<vmem_shared>> -> memref<10112x64xf32, #tpu.memory_space<vmem_shared>>
      tpu.enqueue_indirect_dma source(%dma_start3A_174 : memref<128x64xf32, #tpu.memory_space<vmem>>) target(%dma_start3A_180 : memref<10112x64xf32, #tpu.memory_space<vmem_shared>>) offsets(%dma_start3A_177 : memref<128xi32, #tpu.memory_space<vmem>>) semaphore(%arg13 : memref<!tpu.dma_semaphore, #tpu.memory_space<semaphore_mem>>) {add = true}
    }
    %while3A_63 = arith.constant 1 : i32
    scf.for %while3A_81 = %while3A_61 to %while3A_57 step %while3A_63  : i32 {
      %mul3A_82 = arith.constant 2 : i32
      %mul3A_83 = arith.muli %mul3A_82, %while3A_81 : i32
      %add3A_84 = arith.constant 0 : i32
      %add3A_85 = arith.addi %mul3A_83, %add3A_84 : i32
      %mul3A_86 = arith.constant 1 : i32
      %mul3A_87 = arith.muli %add3A_85, %mul3A_86 : i32
      %ge3A = arith.constant 1 : i32
      %ge3A_88 = arith.cmpi sge, %while3A_81, %ge3A : i32
      %convert_element_type3A_89 = arith.extui %ge3A_88 : i1 to i32
      %cond3A_90 = arith.constant 0 : i32
      %cond3A_91 = arith.cmpi ne, %convert_element_type3A_89, %cond3A_90 : i32
      scf.if %cond3A_91 {
        %dma_wait3A_181 = arith.constant 0 : i32
        %dma_wait3A_182 = arith.constant 0 : i32
        %dma_wait3A_183 = arith.constant 0 : i32
        %dma_wait3A_184 = arith.constant 0 : i32
        %dma_wait3A_185 = arith.constant 0 : i32
        %dma_wait3A_186 = tpu.memref_slice %arg7[%dma_wait3A_181, %dma_wait3A_182, %dma_wait3A_184, %dma_wait3A_185] : memref<2x1x128x64xf32, #tpu.memory_space<vmem>> -> memref<1x1x128x64xf32, #tpu.memory_space<vmem>>
        %dma_wait3A_187 = tpu.memref_squeeze %dma_wait3A_186 : memref<1x1x128x64xf32, #tpu.memory_space<vmem>> -> memref<128x64xf32, #tpu.memory_space<vmem>>
        %dma_wait3A_188 = arith.constant 0 : i32
        %dma_wait3A_189 = tpu.memref_slice %arg6[%dma_wait3A_183, %dma_wait3A_188] : memref<79x128xi32, #tpu.memory_space<vmem>> -> memref<1x128xi32, #tpu.memory_space<vmem>>
        %dma_wait3A_190 = tpu.memref_squeeze %dma_wait3A_189 : memref<1x128xi32, #tpu.memory_space<vmem>> -> memref<128xi32, #tpu.memory_space<vmem>>
        %dma_wait3A_191 = arith.constant 0 : i32
        %dma_wait3A_192 = arith.constant 0 : i32
        %dma_wait3A_193 = tpu.memref_slice %arg9[%dma_wait3A_191, %dma_wait3A_192] : memref<10112x64xf32, #tpu.memory_space<vmem_shared>> -> memref<10112x64xf32, #tpu.memory_space<vmem_shared>>
        tpu.wait_indirect_dma semaphore(%arg12 : memref<!tpu.dma_semaphore, #tpu.memory_space<semaphore_mem>>) src(%dma_wait3A_187 : memref<128x64xf32, #tpu.memory_space<vmem>>) dst(%dma_wait3A_193 : memref<10112x64xf32, #tpu.memory_space<vmem_shared>>)
      } else {
      }
      %add3A_92 = arith.constant 0 : i32
      %add3A_93 = arith.addi %mul3A_87, %add3A_92 : i32
      %dma_start3A = arith.constant 0 : i32
      %dma_start3A_94 = arith.constant 0 : i32
      %dma_start3A_95 = arith.constant 0 : i32
      %dma_start3A_96 = arith.constant 0 : i32
      %dma_start3A_97 = tpu.memref_slice %arg7[%dma_start3A, %dma_start3A_94, %dma_start3A_95, %dma_start3A_96] : memref<2x1x128x64xf32, #tpu.memory_space<vmem>> -> memref<1x1x128x64xf32, #tpu.memory_space<vmem>>
      %dma_start3A_98 = tpu.memref_squeeze %dma_start3A_97 : memref<1x1x128x64xf32, #tpu.memory_space<vmem>> -> memref<128x64xf32, #tpu.memory_space<vmem>>
      %dma_start3A_99 = arith.constant 0 : i32
      %dma_start3A_100 = tpu.memref_slice %arg5[%add3A_93, %dma_start3A_99] : memref<79x128xi32, #tpu.memory_space<vmem>> -> memref<1x128xi32, #tpu.memory_space<vmem>>
      %dma_start3A_101 = tpu.memref_squeeze %dma_start3A_100 : memref<1x128xi32, #tpu.memory_space<vmem>> -> memref<128xi32, #tpu.memory_space<vmem>>
      %dma_start3A_102 = arith.constant 0 : i32
      %dma_start3A_103 = arith.constant 0 : i32
      %dma_start3A_104 = tpu.memref_slice %arg10[%dma_start3A_102, %dma_start3A_103] : memref<10112x64xf32, #tpu.memory_space<vmem_shared>> -> memref<10112x64xf32, #tpu.memory_space<vmem_shared>>
      tpu.enqueue_indirect_dma source(%dma_start3A_104 : memref<10112x64xf32, #tpu.memory_space<vmem_shared>>) target(%dma_start3A_98 : memref<128x64xf32, #tpu.memory_space<vmem>>) offsets(%dma_start3A_101 : memref<128xi32, #tpu.memory_space<vmem>>) semaphore(%arg11 : memref<!tpu.dma_semaphore, #tpu.memory_space<semaphore_mem>>)
      %dma_wait3A = arith.constant 0 : i32
      %dma_wait3A_105 = arith.constant 0 : i32
      %dma_wait3A_106 = arith.constant 0 : i32
      %dma_wait3A_107 = arith.constant 0 : i32
      %dma_wait3A_108 = tpu.memref_slice %arg7[%dma_wait3A, %dma_wait3A_105, %dma_wait3A_106, %dma_wait3A_107] : memref<2x1x128x64xf32, #tpu.memory_space<vmem>> -> memref<1x1x128x64xf32, #tpu.memory_space<vmem>>
      %dma_wait3A_109 = tpu.memref_squeeze %dma_wait3A_108 : memref<1x1x128x64xf32, #tpu.memory_space<vmem>> -> memref<128x64xf32, #tpu.memory_space<vmem>>
      %dma_wait3A_110 = arith.constant 0 : i32
      %dma_wait3A_111 = tpu.memref_slice %arg5[%add3A_93, %dma_wait3A_110] : memref<79x128xi32, #tpu.memory_space<vmem>> -> memref<1x128xi32, #tpu.memory_space<vmem>>
      %dma_wait3A_112 = tpu.memref_squeeze %dma_wait3A_111 : memref<1x128xi32, #tpu.memory_space<vmem>> -> memref<128xi32, #tpu.memory_space<vmem>>
      %dma_wait3A_113 = arith.constant 0 : i32
      %dma_wait3A_114 = arith.constant 0 : i32
      %dma_wait3A_115 = tpu.memref_slice %arg10[%dma_wait3A_113, %dma_wait3A_114] : memref<10112x64xf32, #tpu.memory_space<vmem_shared>> -> memref<10112x64xf32, #tpu.memory_space<vmem_shared>>
      tpu.wait_indirect_dma semaphore(%arg11 : memref<!tpu.dma_semaphore, #tpu.memory_space<semaphore_mem>>) src(%dma_wait3A_115 : memref<10112x64xf32, #tpu.memory_space<vmem_shared>>) dst(%dma_wait3A_109 : memref<128x64xf32, #tpu.memory_space<vmem>>)
      %add3A_116 = arith.constant 0 : i32
      %add3A_117 = arith.addi %mul3A_87, %add3A_116 : i32
      %dma_start3A_118 = arith.constant 0 : i32
      %dma_start3A_119 = arith.constant 0 : i32
      %dma_start3A_120 = arith.constant 0 : i32
      %dma_start3A_121 = arith.constant 0 : i32
      %dma_start3A_122 = tpu.memref_slice %arg7[%dma_start3A_118, %dma_start3A_119, %dma_start3A_120, %dma_start3A_121] : memref<2x1x128x64xf32, #tpu.memory_space<vmem>> -> memref<1x1x128x64xf32, #tpu.memory_space<vmem>>
      %dma_start3A_123 = tpu.memref_squeeze %dma_start3A_122 : memref<1x1x128x64xf32, #tpu.memory_space<vmem>> -> memref<128x64xf32, #tpu.memory_space<vmem>>
      %dma_start3A_124 = arith.constant 0 : i32
      %dma_start3A_125 = tpu.memref_slice %arg6[%add3A_117, %dma_start3A_124] : memref<79x128xi32, #tpu.memory_space<vmem>> -> memref<1x128xi32, #tpu.memory_space<vmem>>
      %dma_start3A_126 = tpu.memref_squeeze %dma_start3A_125 : memref<1x128xi32, #tpu.memory_space<vmem>> -> memref<128xi32, #tpu.memory_space<vmem>>
      %dma_start3A_127 = arith.constant 0 : i32
      %dma_start3A_128 = arith.constant 0 : i32
      %dma_start3A_129 = tpu.memref_slice %arg9[%dma_start3A_127, %dma_start3A_128] : memref<10112x64xf32, #tpu.memory_space<vmem_shared>> -> memref<10112x64xf32, #tpu.memory_space<vmem_shared>>
      tpu.enqueue_indirect_dma source(%dma_start3A_123 : memref<128x64xf32, #tpu.memory_space<vmem>>) target(%dma_start3A_129 : memref<10112x64xf32, #tpu.memory_space<vmem_shared>>) offsets(%dma_start3A_126 : memref<128xi32, #tpu.memory_space<vmem>>) semaphore(%arg12 : memref<!tpu.dma_semaphore, #tpu.memory_space<semaphore_mem>>) {add = true}
      %mul3A_130 = arith.constant 2 : i32
      %mul3A_131 = arith.muli %mul3A_130, %while3A_81 : i32
      %add3A_132 = arith.constant 1 : i32
      %add3A_133 = arith.addi %mul3A_131, %add3A_132 : i32
      %mul3A_134 = arith.constant 1 : i32
      %mul3A_135 = arith.muli %add3A_133, %mul3A_134 : i32
      %ge3A_136 = arith.constant 1 : i32
      %ge3A_137 = arith.cmpi sge, %while3A_81, %ge3A_136 : i32
      %convert_element_type3A_138 = arith.extui %ge3A_137 : i1 to i32
      %cond3A_139 = arith.constant 0 : i32
      %cond3A_140 = arith.cmpi ne, %convert_element_type3A_138, %cond3A_139 : i32
      scf.if %cond3A_140 {
        %dma_wait3A_181 = arith.constant 1 : i32
        %dma_wait3A_182 = arith.constant 0 : i32
        %dma_wait3A_183 = arith.constant 0 : i32
        %dma_wait3A_184 = arith.constant 0 : i32
        %dma_wait3A_185 = arith.constant 0 : i32
        %dma_wait3A_186 = tpu.memref_slice %arg7[%dma_wait3A_181, %dma_wait3A_182, %dma_wait3A_184, %dma_wait3A_185] : memref<2x1x128x64xf32, #tpu.memory_space<vmem>> -> memref<1x1x128x64xf32, #tpu.memory_space<vmem>>
        %dma_wait3A_187 = tpu.memref_squeeze %dma_wait3A_186 : memref<1x1x128x64xf32, #tpu.memory_space<vmem>> -> memref<128x64xf32, #tpu.memory_space<vmem>>
        %dma_wait3A_188 = arith.constant 0 : i32
        %dma_wait3A_189 = tpu.memref_slice %arg6[%dma_wait3A_183, %dma_wait3A_188] : memref<79x128xi32, #tpu.memory_space<vmem>> -> memref<1x128xi32, #tpu.memory_space<vmem>>
        %dma_wait3A_190 = tpu.memref_squeeze %dma_wait3A_189 : memref<1x128xi32, #tpu.memory_space<vmem>> -> memref<128xi32, #tpu.memory_space<vmem>>
        %dma_wait3A_191 = arith.constant 0 : i32
        %dma_wait3A_192 = arith.constant 0 : i32
        %dma_wait3A_193 = tpu.memref_slice %arg9[%dma_wait3A_191, %dma_wait3A_192] : memref<10112x64xf32, #tpu.memory_space<vmem_shared>> -> memref<10112x64xf32, #tpu.memory_space<vmem_shared>>
        tpu.wait_indirect_dma semaphore(%arg13 : memref<!tpu.dma_semaphore, #tpu.memory_space<semaphore_mem>>) src(%dma_wait3A_187 : memref<128x64xf32, #tpu.memory_space<vmem>>) dst(%dma_wait3A_193 : memref<10112x64xf32, #tpu.memory_space<vmem_shared>>)
      } else {
      }
      %add3A_141 = arith.constant 0 : i32
      %add3A_142 = arith.addi %mul3A_135, %add3A_141 : i32
      %dma_start3A_143 = arith.constant 1 : i32
      %dma_start3A_144 = arith.constant 0 : i32
      %dma_start3A_145 = arith.constant 0 : i32
      %dma_start3A_146 = arith.constant 0 : i32
      %dma_start3A_147 = tpu.memref_slice %arg7[%dma_start3A_143, %dma_start3A_144, %dma_start3A_145, %dma_start3A_146] : memref<2x1x128x64xf32, #tpu.memory_space<vmem>> -> memref<1x1x128x64xf32, #tpu.memory_space<vmem>>
      %dma_start3A_148 = tpu.memref_squeeze %dma_start3A_147 : memref<1x1x128x64xf32, #tpu.memory_space<vmem>> -> memref<128x64xf32, #tpu.memory_space<vmem>>
      %dma_start3A_149 = arith.constant 0 : i32
      %dma_start3A_150 = tpu.memref_slice %arg5[%add3A_142, %dma_start3A_149] : memref<79x128xi32, #tpu.memory_space<vmem>> -> memref<1x128xi32, #tpu.memory_space<vmem>>
      %dma_start3A_151 = tpu.memref_squeeze %dma_start3A_150 : memref<1x128xi32, #tpu.memory_space<vmem>> -> memref<128xi32, #tpu.memory_space<vmem>>
      %dma_start3A_152 = arith.constant 0 : i32
      %dma_start3A_153 = arith.constant 0 : i32
      %dma_start3A_154 = tpu.memref_slice %arg10[%dma_start3A_152, %dma_start3A_153] : memref<10112x64xf32, #tpu.memory_space<vmem_shared>> -> memref<10112x64xf32, #tpu.memory_space<vmem_shared>>
      tpu.enqueue_indirect_dma source(%dma_start3A_154 : memref<10112x64xf32, #tpu.memory_space<vmem_shared>>) target(%dma_start3A_148 : memref<128x64xf32, #tpu.memory_space<vmem>>) offsets(%dma_start3A_151 : memref<128xi32, #tpu.memory_space<vmem>>) semaphore(%arg11 : memref<!tpu.dma_semaphore, #tpu.memory_space<semaphore_mem>>)
      %dma_wait3A_155 = arith.constant 1 : i32
      %dma_wait3A_156 = arith.constant 0 : i32
      %dma_wait3A_157 = arith.constant 0 : i32
      %dma_wait3A_158 = arith.constant 0 : i32
      %dma_wait3A_159 = tpu.memref_slice %arg7[%dma_wait3A_155, %dma_wait3A_156, %dma_wait3A_157, %dma_wait3A_158] : memref<2x1x128x64xf32, #tpu.memory_space<vmem>> -> memref<1x1x128x64xf32, #tpu.memory_space<vmem>>
      %dma_wait3A_160 = tpu.memref_squeeze %dma_wait3A_159 : memref<1x1x128x64xf32, #tpu.memory_space<vmem>> -> memref<128x64xf32, #tpu.memory_space<vmem>>
      %dma_wait3A_161 = arith.constant 0 : i32
      %dma_wait3A_162 = tpu.memref_slice %arg5[%add3A_142, %dma_wait3A_161] : memref<79x128xi32, #tpu.memory_space<vmem>> -> memref<1x128xi32, #tpu.memory_space<vmem>>
      %dma_wait3A_163 = tpu.memref_squeeze %dma_wait3A_162 : memref<1x128xi32, #tpu.memory_space<vmem>> -> memref<128xi32, #tpu.memory_space<vmem>>
      %dma_wait3A_164 = arith.constant 0 : i32
      %dma_wait3A_165 = arith.constant 0 : i32
      %dma_wait3A_166 = tpu.memref_slice %arg10[%dma_wait3A_164, %dma_wait3A_165] : memref<10112x64xf32, #tpu.memory_space<vmem_shared>> -> memref<10112x64xf32, #tpu.memory_space<vmem_shared>>
      tpu.wait_indirect_dma semaphore(%arg11 : memref<!tpu.dma_semaphore, #tpu.memory_space<semaphore_mem>>) src(%dma_wait3A_166 : memref<10112x64xf32, #tpu.memory_space<vmem_shared>>) dst(%dma_wait3A_160 : memref<128x64xf32, #tpu.memory_space<vmem>>)
      %add3A_167 = arith.constant 0 : i32
      %add3A_168 = arith.addi %mul3A_135, %add3A_167 : i32
      %dma_start3A_169 = arith.constant 1 : i32
      %dma_start3A_170 = arith.constant 0 : i32
      %dma_start3A_171 = arith.constant 0 : i32
      %dma_start3A_172 = arith.constant 0 : i32
      %dma_start3A_173 = tpu.memref_slice %arg7[%dma_start3A_169, %dma_start3A_170, %dma_start3A_171, %dma_start3A_172] : memref<2x1x128x64xf32, #tpu.memory_space<vmem>> -> memref<1x1x128x64xf32, #tpu.memory_space<vmem>>
      %dma_start3A_174 = tpu.memref_squeeze %dma_start3A_173 : memref<1x1x128x64xf32, #tpu.memory_space<vmem>> -> memref<128x64xf32, #tpu.memory_space<vmem>>
      %dma_start3A_175 = arith.constant 0 : i32
      %dma_start3A_176 = tpu.memref_slice %arg6[%add3A_168, %dma_start3A_175] : memref<79x128xi32, #tpu.memory_space<vmem>> -> memref<1x128xi32, #tpu.memory_space<vmem>>
      %dma_start3A_177 = tpu.memref_squeeze %dma_start3A_176 : memref<1x128xi32, #tpu.memory_space<vmem>> -> memref<128xi32, #tpu.memory_space<vmem>>
      %dma_start3A_178 = arith.constant 0 : i32
      %dma_start3A_179 = arith.constant 0 : i32
      %dma_start3A_180 = tpu.memref_slice %arg9[%dma_start3A_178, %dma_start3A_179] : memref<10112x64xf32, #tpu.memory_space<vmem_shared>> -> memref<10112x64xf32, #tpu.memory_space<vmem_shared>>
      tpu.enqueue_indirect_dma source(%dma_start3A_174 : memref<128x64xf32, #tpu.memory_space<vmem>>) target(%dma_start3A_180 : memref<10112x64xf32, #tpu.memory_space<vmem_shared>>) offsets(%dma_start3A_177 : memref<128xi32, #tpu.memory_space<vmem>>) semaphore(%arg13 : memref<!tpu.dma_semaphore, #tpu.memory_space<semaphore_mem>>) {add = true}
    }
    %gt3A = arith.constant 0 : i32
    %gt3A_64 = arith.cmpi sgt, %select_n3A_24, %gt3A : i32
    %convert_element_type3A = arith.extui %gt3A_64 : i1 to i32
    %cond3A = arith.constant 0 : i32
    %cond3A_65 = arith.cmpi ne, %convert_element_type3A, %cond3A : i32
    scf.if %cond3A_65 {
      %dma_wait3A = arith.constant 0 : i32
      %dma_wait3A_81 = arith.constant 0 : i32
      %dma_wait3A_82 = arith.constant 0 : i32
      %dma_wait3A_83 = arith.constant 0 : i32
      %dma_wait3A_84 = arith.constant 0 : i32
      %dma_wait3A_85 = tpu.memref_slice %arg7[%dma_wait3A, %dma_wait3A_81, %dma_wait3A_83, %dma_wait3A_84] : memref<2x1x128x64xf32, #tpu.memory_space<vmem>> -> memref<1x1x128x64xf32, #tpu.memory_space<vmem>>
      %dma_wait3A_86 = tpu.memref_squeeze %dma_wait3A_85 : memref<1x1x128x64xf32, #tpu.memory_space<vmem>> -> memref<128x64xf32, #tpu.memory_space<vmem>>
      %dma_wait3A_87 = arith.constant 0 : i32
      %dma_wait3A_88 = tpu.memref_slice %arg6[%dma_wait3A_82, %dma_wait3A_87] : memref<79x128xi32, #tpu.memory_space<vmem>> -> memref<1x128xi32, #tpu.memory_space<vmem>>
      %dma_wait3A_89 = tpu.memref_squeeze %dma_wait3A_88 : memref<1x128xi32, #tpu.memory_space<vmem>> -> memref<128xi32, #tpu.memory_space<vmem>>
      %dma_wait3A_90 = arith.constant 0 : i32
      %dma_wait3A_91 = arith.constant 0 : i32
      %dma_wait3A_92 = tpu.memref_slice %arg9[%dma_wait3A_90, %dma_wait3A_91] : memref<10112x64xf32, #tpu.memory_space<vmem_shared>> -> memref<10112x64xf32, #tpu.memory_space<vmem_shared>>
      tpu.wait_indirect_dma semaphore(%arg12 : memref<!tpu.dma_semaphore, #tpu.memory_space<semaphore_mem>>) src(%dma_wait3A_86 : memref<128x64xf32, #tpu.memory_space<vmem>>) dst(%dma_wait3A_92 : memref<10112x64xf32, #tpu.memory_space<vmem_shared>>)
      %dma_wait3A_93 = arith.constant 1 : i32
      %dma_wait3A_94 = arith.constant 0 : i32
      %dma_wait3A_95 = arith.constant 0 : i32
      %dma_wait3A_96 = arith.constant 0 : i32
      %dma_wait3A_97 = arith.constant 0 : i32
      %dma_wait3A_98 = tpu.memref_slice %arg7[%dma_wait3A_93, %dma_wait3A_94, %dma_wait3A_96, %dma_wait3A_97] : memref<2x1x128x64xf32, #tpu.memory_space<vmem>> -> memref<1x1x128x64xf32, #tpu.memory_space<vmem>>
      %dma_wait3A_99 = tpu.memref_squeeze %dma_wait3A_98 : memref<1x1x128x64xf32, #tpu.memory_space<vmem>> -> memref<128x64xf32, #tpu.memory_space<vmem>>
      %dma_wait3A_100 = arith.constant 0 : i32
      %dma_wait3A_101 = tpu.memref_slice %arg6[%dma_wait3A_95, %dma_wait3A_100] : memref<79x128xi32, #tpu.memory_space<vmem>> -> memref<1x128xi32, #tpu.memory_space<vmem>>
      %dma_wait3A_102 = tpu.memref_squeeze %dma_wait3A_101 : memref<1x128xi32, #tpu.memory_space<vmem>> -> memref<128xi32, #tpu.memory_space<vmem>>
      %dma_wait3A_103 = arith.constant 0 : i32
      %dma_wait3A_104 = arith.constant 0 : i32
      %dma_wait3A_105 = tpu.memref_slice %arg9[%dma_wait3A_103, %dma_wait3A_104] : memref<10112x64xf32, #tpu.memory_space<vmem_shared>> -> memref<10112x64xf32, #tpu.memory_space<vmem_shared>>
      tpu.wait_indirect_dma semaphore(%arg13 : memref<!tpu.dma_semaphore, #tpu.memory_space<semaphore_mem>>) src(%dma_wait3A_99 : memref<128x64xf32, #tpu.memory_space<vmem>>) dst(%dma_wait3A_105 : memref<10112x64xf32, #tpu.memory_space<vmem_shared>>)
    } else {
    }
    %while3A_66 = arith.constant 0 : i32
    %while3A_67 = arith.constant 0 : i32
    %while3A_68 = arith.subi %sub3A_27, %while3A_67 : i32
    %while3A_69 = arith.addi %while3A_67, %while3A_68 : i32
    %while3A_70 = arith.constant 1 : i32
    %while3A_71 = arith.divsi %while3A_68, %while3A_70 : i32
    %while3A_72 = arith.muli %while3A_71, %while3A_70 : i32
    %while3A_73 = arith.addi %while3A_67, %while3A_72 : i32
    %while3A_74 = arith.constant 1 : i32
    scf.for %while3A_81 = %while3A_67 to %while3A_73 step %while3A_74  : i32 {
      %mul3A_82 = arith.constant 2 : i32
      %mul3A_83 = arith.muli %select_n3A_24, %mul3A_82 : i32
      %add3A_84 = arith.addi %mul3A_83, %while3A_81 : i32
      %dma_start3A = arith.constant 0 : i32
      %dma_start3A_85 = arith.constant 0 : i32
      %dma_start3A_86 = arith.constant 0 : i32
      %dma_start3A_87 = arith.constant 0 : i32
      %dma_start3A_88 = tpu.memref_slice %arg7[%dma_start3A, %dma_start3A_85, %dma_start3A_86, %dma_start3A_87] : memref<2x1x128x64xf32, #tpu.memory_space<vmem>> -> memref<1x1x128x64xf32, #tpu.memory_space<vmem>>
      %dma_start3A_89 = tpu.memref_squeeze %dma_start3A_88 : memref<1x1x128x64xf32, #tpu.memory_space<vmem>> -> memref<128x64xf32, #tpu.memory_space<vmem>>
      %dma_start3A_90 = arith.constant 0 : i32
      %dma_start3A_91 = tpu.memref_slice %arg5[%add3A_84, %dma_start3A_90] : memref<79x128xi32, #tpu.memory_space<vmem>> -> memref<1x128xi32, #tpu.memory_space<vmem>>
      %dma_start3A_92 = tpu.memref_squeeze %dma_start3A_91 : memref<1x128xi32, #tpu.memory_space<vmem>> -> memref<128xi32, #tpu.memory_space<vmem>>
      %dma_start3A_93 = arith.constant 0 : i32
      %dma_start3A_94 = arith.constant 0 : i32
      %dma_start3A_95 = tpu.memref_slice %arg10[%dma_start3A_93, %dma_start3A_94] : memref<10112x64xf32, #tpu.memory_space<vmem_shared>> -> memref<10112x64xf32, #tpu.memory_space<vmem_shared>>
      tpu.enqueue_indirect_dma source(%dma_start3A_95 : memref<10112x64xf32, #tpu.memory_space<vmem_shared>>) target(%dma_start3A_89 : memref<128x64xf32, #tpu.memory_space<vmem>>) offsets(%dma_start3A_92 : memref<128xi32, #tpu.memory_space<vmem>>) semaphore(%arg11 : memref<!tpu.dma_semaphore, #tpu.memory_space<semaphore_mem>>)
      %dma_wait3A = arith.constant 0 : i32
      %dma_wait3A_96 = arith.constant 0 : i32
      %dma_wait3A_97 = arith.constant 0 : i32
      %dma_wait3A_98 = arith.constant 0 : i32
      %dma_wait3A_99 = tpu.memref_slice %arg7[%dma_wait3A, %dma_wait3A_96, %dma_wait3A_97, %dma_wait3A_98] : memref<2x1x128x64xf32, #tpu.memory_space<vmem>> -> memref<1x1x128x64xf32, #tpu.memory_space<vmem>>
      %dma_wait3A_100 = tpu.memref_squeeze %dma_wait3A_99 : memref<1x1x128x64xf32, #tpu.memory_space<vmem>> -> memref<128x64xf32, #tpu.memory_space<vmem>>
      %dma_wait3A_101 = arith.constant 0 : i32
      %dma_wait3A_102 = tpu.memref_slice %arg5[%add3A_84, %dma_wait3A_101] : memref<79x128xi32, #tpu.memory_space<vmem>> -> memref<1x128xi32, #tpu.memory_space<vmem>>
      %dma_wait3A_103 = tpu.memref_squeeze %dma_wait3A_102 : memref<1x128xi32, #tpu.memory_space<vmem>> -> memref<128xi32, #tpu.memory_space<vmem>>
      %dma_wait3A_104 = arith.constant 0 : i32
      %dma_wait3A_105 = arith.constant 0 : i32
      %dma_wait3A_106 = tpu.memref_slice %arg10[%dma_wait3A_104, %dma_wait3A_105] : memref<10112x64xf32, #tpu.memory_space<vmem_shared>> -> memref<10112x64xf32, #tpu.memory_space<vmem_shared>>
      tpu.wait_indirect_dma semaphore(%arg11 : memref<!tpu.dma_semaphore, #tpu.memory_space<semaphore_mem>>) src(%dma_wait3A_106 : memref<10112x64xf32, #tpu.memory_space<vmem_shared>>) dst(%dma_wait3A_100 : memref<128x64xf32, #tpu.memory_space<vmem>>)
      %run_scoped3A_107 = arith.constant 0 : i32
      %run_scoped3A_108 = arith.constant 0 : i32
      "tpu.region"() ({
        %run_scoped3A_109 = tpu.sem_alloc : memref<!tpu.dma_semaphore, #tpu.memory_space<semaphore_mem>>
        %dma_start3A_110 = arith.constant 0 : i32
        %dma_start3A_111 = arith.constant 0 : i32
        %dma_start3A_112 = tpu.memref_slice %arg7[%run_scoped3A_107, %run_scoped3A_108, %dma_start3A_110, %dma_start3A_111] : memref<2x1x128x64xf32, #tpu.memory_space<vmem>> -> memref<1x1x128x64xf32, #tpu.memory_space<vmem>>
        %dma_start3A_113 = tpu.memref_squeeze %dma_start3A_112 : memref<1x1x128x64xf32, #tpu.memory_space<vmem>> -> memref<128x64xf32, #tpu.memory_space<vmem>>
        %dma_start3A_114 = arith.constant 0 : i32
        %dma_start3A_115 = tpu.memref_slice %arg6[%add3A_84, %dma_start3A_114] : memref<79x128xi32, #tpu.memory_space<vmem>> -> memref<1x128xi32, #tpu.memory_space<vmem>>
        %dma_start3A_116 = tpu.memref_squeeze %dma_start3A_115 : memref<1x128xi32, #tpu.memory_space<vmem>> -> memref<128xi32, #tpu.memory_space<vmem>>
        %dma_start3A_117 = arith.constant 0 : i32
        %dma_start3A_118 = arith.constant 0 : i32
        %dma_start3A_119 = tpu.memref_slice %arg9[%dma_start3A_117, %dma_start3A_118] : memref<10112x64xf32, #tpu.memory_space<vmem_shared>> -> memref<10112x64xf32, #tpu.memory_space<vmem_shared>>
        tpu.enqueue_indirect_dma source(%dma_start3A_113 : memref<128x64xf32, #tpu.memory_space<vmem>>) target(%dma_start3A_119 : memref<10112x64xf32, #tpu.memory_space<vmem_shared>>) offsets(%dma_start3A_116 : memref<128xi32, #tpu.memory_space<vmem>>) semaphore(%run_scoped3A_109 : memref<!tpu.dma_semaphore, #tpu.memory_space<semaphore_mem>>) {add = true}
        %dma_wait3A_120 = arith.constant 0 : i32
        %dma_wait3A_121 = arith.constant 0 : i32
        %dma_wait3A_122 = tpu.memref_slice %arg7[%run_scoped3A_107, %run_scoped3A_108, %dma_wait3A_120, %dma_wait3A_121] : memref<2x1x128x64xf32, #tpu.memory_space<vmem>> -> memref<1x1x128x64xf32, #tpu.memory_space<vmem>>
        %dma_wait3A_123 = tpu.memref_squeeze %dma_wait3A_122 : memref<1x1x128x64xf32, #tpu.memory_space<vmem>> -> memref<128x64xf32, #tpu.memory_space<vmem>>
        %dma_wait3A_124 = arith.constant 0 : i32
        %dma_wait3A_125 = tpu.memref_slice %arg6[%add3A_84, %dma_wait3A_124] : memref<79x128xi32, #tpu.memory_space<vmem>> -> memref<1x128xi32, #tpu.memory_space<vmem>>
        %dma_wait3A_126 = tpu.memref_squeeze %dma_wait3A_125 : memref<1x128xi32, #tpu.memory_space<vmem>> -> memref<128xi32, #tpu.memory_space<vmem>>
        %dma_wait3A_127 = arith.constant 0 : i32
        %dma_wait3A_128 = arith.constant 0 : i32
        %dma_wait3A_129 = tpu.memref_slice %arg9[%dma_wait3A_127, %dma_wait3A_128] : memref<10112x64xf32, #tpu.memory_space<vmem_shared>> -> memref<10112x64xf32, #tpu.memory_space<vmem_shared>>
        tpu.wait_indirect_dma semaphore(%run_scoped3A_109 : memref<!tpu.dma_semaphore, #tpu.memory_space<semaphore_mem>>) src(%dma_wait3A_123 : memref<128x64xf32, #tpu.memory_space<vmem>>) dst(%dma_wait3A_129 : memref<10112x64xf32, #tpu.memory_space<vmem_shared>>)
        tpu.yield
      }) : () -> ()
    }
    %while3A_75 = arith.constant 1 : i32
    scf.for %while3A_81 = %while3A_73 to %while3A_69 step %while3A_75  : i32 {
      %mul3A_82 = arith.constant 2 : i32
      %mul3A_83 = arith.muli %select_n3A_24, %mul3A_82 : i32
      %add3A_84 = arith.addi %mul3A_83, %while3A_81 : i32
      %dma_start3A = arith.constant 0 : i32
      %dma_start3A_85 = arith.constant 0 : i32
      %dma_start3A_86 = arith.constant 0 : i32
      %dma_start3A_87 = arith.constant 0 : i32
      %dma_start3A_88 = tpu.memref_slice %arg7[%dma_start3A, %dma_start3A_85, %dma_start3A_86, %dma_start3A_87] : memref<2x1x128x64xf32, #tpu.memory_space<vmem>> -> memref<1x1x128x64xf32, #tpu.memory_space<vmem>>
      %dma_start3A_89 = tpu.memref_squeeze %dma_start3A_88 : memref<1x1x128x64xf32, #tpu.memory_space<vmem>> -> memref<128x64xf32, #tpu.memory_space<vmem>>
      %dma_start3A_90 = arith.constant 0 : i32
      %dma_start3A_91 = tpu.memref_slice %arg5[%add3A_84, %dma_start3A_90] : memref<79x128xi32, #tpu.memory_space<vmem>> -> memref<1x128xi32, #tpu.memory_space<vmem>>
      %dma_start3A_92 = tpu.memref_squeeze %dma_start3A_91 : memref<1x128xi32, #tpu.memory_space<vmem>> -> memref<128xi32, #tpu.memory_space<vmem>>
      %dma_start3A_93 = arith.constant 0 : i32
      %dma_start3A_94 = arith.constant 0 : i32
      %dma_start3A_95 = tpu.memref_slice %arg10[%dma_start3A_93, %dma_start3A_94] : memref<10112x64xf32, #tpu.memory_space<vmem_shared>> -> memref<10112x64xf32, #tpu.memory_space<vmem_shared>>
      tpu.enqueue_indirect_dma source(%dma_start3A_95 : memref<10112x64xf32, #tpu.memory_space<vmem_shared>>) target(%dma_start3A_89 : memref<128x64xf32, #tpu.memory_space<vmem>>) offsets(%dma_start3A_92 : memref<128xi32, #tpu.memory_space<vmem>>) semaphore(%arg11 : memref<!tpu.dma_semaphore, #tpu.memory_space<semaphore_mem>>)
      %dma_wait3A = arith.constant 0 : i32
      %dma_wait3A_96 = arith.constant 0 : i32
      %dma_wait3A_97 = arith.constant 0 : i32
      %dma_wait3A_98 = arith.constant 0 : i32
      %dma_wait3A_99 = tpu.memref_slice %arg7[%dma_wait3A, %dma_wait3A_96, %dma_wait3A_97, %dma_wait3A_98] : memref<2x1x128x64xf32, #tpu.memory_space<vmem>> -> memref<1x1x128x64xf32, #tpu.memory_space<vmem>>
      %dma_wait3A_100 = tpu.memref_squeeze %dma_wait3A_99 : memref<1x1x128x64xf32, #tpu.memory_space<vmem>> -> memref<128x64xf32, #tpu.memory_space<vmem>>
      %dma_wait3A_101 = arith.constant 0 : i32
      %dma_wait3A_102 = tpu.memref_slice %arg5[%add3A_84, %dma_wait3A_101] : memref<79x128xi32, #tpu.memory_space<vmem>> -> memref<1x128xi32, #tpu.memory_space<vmem>>
      %dma_wait3A_103 = tpu.memref_squeeze %dma_wait3A_102 : memref<1x128xi32, #tpu.memory_space<vmem>> -> memref<128xi32, #tpu.memory_space<vmem>>
      %dma_wait3A_104 = arith.constant 0 : i32
      %dma_wait3A_105 = arith.constant 0 : i32
      %dma_wait3A_106 = tpu.memref_slice %arg10[%dma_wait3A_104, %dma_wait3A_105] : memref<10112x64xf32, #tpu.memory_space<vmem_shared>> -> memref<10112x64xf32, #tpu.memory_space<vmem_shared>>
      tpu.wait_indirect_dma semaphore(%arg11 : memref<!tpu.dma_semaphore, #tpu.memory_space<semaphore_mem>>) src(%dma_wait3A_106 : memref<10112x64xf32, #tpu.memory_space<vmem_shared>>) dst(%dma_wait3A_100 : memref<128x64xf32, #tpu.memory_space<vmem>>)
      %run_scoped3A_107 = arith.constant 0 : i32
      %run_scoped3A_108 = arith.constant 0 : i32
      "tpu.region"() ({
        %run_scoped3A_109 = tpu.sem_alloc : memref<!tpu.dma_semaphore, #tpu.memory_space<semaphore_mem>>
        %dma_start3A_110 = arith.constant 0 : i32
        %dma_start3A_111 = arith.constant 0 : i32
        %dma_start3A_112 = tpu.memref_slice %arg7[%run_scoped3A_107, %run_scoped3A_108, %dma_start3A_110, %dma_start3A_111] : memref<2x1x128x64xf32, #tpu.memory_space<vmem>> -> memref<1x1x128x64xf32, #tpu.memory_space<vmem>>
        %dma_start3A_113 = tpu.memref_squeeze %dma_start3A_112 : memref<1x1x128x64xf32, #tpu.memory_space<vmem>> -> memref<128x64xf32, #tpu.memory_space<vmem>>
        %dma_start3A_114 = arith.constant 0 : i32
        %dma_start3A_115 = tpu.memref_slice %arg6[%add3A_84, %dma_start3A_114] : memref<79x128xi32, #tpu.memory_space<vmem>> -> memref<1x128xi32, #tpu.memory_space<vmem>>
        %dma_start3A_116 = tpu.memref_squeeze %dma_start3A_115 : memref<1x128xi32, #tpu.memory_space<vmem>> -> memref<128xi32, #tpu.memory_space<vmem>>
        %dma_start3A_117 = arith.constant 0 : i32
        %dma_start3A_118 = arith.constant 0 : i32
        %dma_start3A_119 = tpu.memref_slice %arg9[%dma_start3A_117, %dma_start3A_118] : memref<10112x64xf32, #tpu.memory_space<vmem_shared>> -> memref<10112x64xf32, #tpu.memory_space<vmem_shared>>
        tpu.enqueue_indirect_dma source(%dma_start3A_113 : memref<128x64xf32, #tpu.memory_space<vmem>>) target(%dma_start3A_119 : memref<10112x64xf32, #tpu.memory_space<vmem_shared>>) offsets(%dma_start3A_116 : memref<128xi32, #tpu.memory_space<vmem>>) semaphore(%run_scoped3A_109 : memref<!tpu.dma_semaphore, #tpu.memory_space<semaphore_mem>>) {add = true}
        %dma_wait3A_120 = arith.constant 0 : i32
        %dma_wait3A_121 = arith.constant 0 : i32
        %dma_wait3A_122 = tpu.memref_slice %arg7[%run_scoped3A_107, %run_scoped3A_108, %dma_wait3A_120, %dma_wait3A_121] : memref<2x1x128x64xf32, #tpu.memory_space<vmem>> -> memref<1x1x128x64xf32, #tpu.memory_space<vmem>>
        %dma_wait3A_123 = tpu.memref_squeeze %dma_wait3A_122 : memref<1x1x128x64xf32, #tpu.memory_space<vmem>> -> memref<128x64xf32, #tpu.memory_space<vmem>>
        %dma_wait3A_124 = arith.constant 0 : i32
        %dma_wait3A_125 = tpu.memref_slice %arg6[%add3A_84, %dma_wait3A_124] : memref<79x128xi32, #tpu.memory_space<vmem>> -> memref<1x128xi32, #tpu.memory_space<vmem>>
        %dma_wait3A_126 = tpu.memref_squeeze %dma_wait3A_125 : memref<1x128xi32, #tpu.memory_space<vmem>> -> memref<128xi32, #tpu.memory_space<vmem>>
        %dma_wait3A_127 = arith.constant 0 : i32
        %dma_wait3A_128 = arith.constant 0 : i32
        %dma_wait3A_129 = tpu.memref_slice %arg9[%dma_wait3A_127, %dma_wait3A_128] : memref<10112x64xf32, #tpu.memory_space<vmem_shared>> -> memref<10112x64xf32, #tpu.memory_space<vmem_shared>>
        tpu.wait_indirect_dma semaphore(%run_scoped3A_109 : memref<!tpu.dma_semaphore, #tpu.memory_space<semaphore_mem>>) src(%dma_wait3A_123 : memref<128x64xf32, #tpu.memory_space<vmem>>) dst(%dma_wait3A_129 : memref<10112x64xf32, #tpu.memory_space<vmem_shared>>)
        tpu.yield
      }) : () -> ()
    }
    %barrier3A_76 = arith.constant 0 : index
    tpu.barrier barrier_id(%barrier3A_76)
    %mul3A_77 = arith.constant 632 : i32
    %mul3A_78 = arith.muli %arg1, %mul3A_77 : i32
    %mul3A_79 = arith.constant 632 : i32
    %mul3A_80 = arith.muli %arg1, %mul3A_79 : i32
    "tpu.region"() ({
      %run_scoped3A_81 = tpu.sem_alloc : memref<!tpu.dma_semaphore, #tpu.memory_space<semaphore_mem>>
      %dma_start3A = arith.constant 0 : i32
      %dma_start3A_82 = tpu.memref_slice %arg4[%arg0, %mul3A_80, %dma_start3A] : memref<2x10112x64xf32, #tpu.memory_space<hbm>> -> memref<1x632x64xf32, #tpu.memory_space<hbm>>
      %dma_start3A_83 = tpu.memref_squeeze %dma_start3A_82 : memref<1x632x64xf32, #tpu.memory_space<hbm>> -> memref<632x64xf32, #tpu.memory_space<hbm>>
      %dma_start3A_84 = arith.constant 0 : i32
      %dma_start3A_85 = tpu.memref_slice %arg9[%mul3A_78, %dma_start3A_84] : memref<10112x64xf32, #tpu.memory_space<vmem_shared>> -> memref<632x64xf32, #tpu.memory_space<vmem_shared>>
      tpu.enqueue_dma source(%dma_start3A_85 : memref<632x64xf32, #tpu.memory_space<vmem_shared>>) target(%dma_start3A_83 : memref<632x64xf32, #tpu.memory_space<hbm>>) target_semaphore(%run_scoped3A_81 : memref<!tpu.dma_semaphore, #tpu.memory_space<semaphore_mem>>)
      %dma_wait3A = arith.constant 0 : i32
      %dma_wait3A_86 = tpu.memref_slice %arg4[%arg0, %mul3A_80, %dma_wait3A] : memref<2x10112x64xf32, #tpu.memory_space<hbm>> -> memref<1x632x64xf32, #tpu.memory_space<hbm>>
      %dma_wait3A_87 = tpu.memref_squeeze %dma_wait3A_86 : memref<1x632x64xf32, #tpu.memory_space<hbm>> -> memref<632x64xf32, #tpu.memory_space<hbm>>
      %dma_wait3A_88 = arith.constant 0 : i32
      %dma_wait3A_89 = tpu.memref_slice %arg9[%mul3A_78, %dma_wait3A_88] : memref<10112x64xf32, #tpu.memory_space<vmem_shared>> -> memref<632x64xf32, #tpu.memory_space<vmem_shared>>
      tpu.wait_dma2 semaphore(%run_scoped3A_81 : memref<!tpu.dma_semaphore, #tpu.memory_space<semaphore_mem>>) src(%dma_wait3A_89 : memref<632x64xf32, #tpu.memory_space<vmem_shared>>) dst(%dma_wait3A_87 : memref<632x64xf32, #tpu.memory_space<hbm>>)
      tpu.yield
    }) : () -> ()
    return
  }
}

#map = affine_map<(d0, d1) -> (0, 0, 0)>
module attributes {stable_mosaic.version = 14 : i64} {
  func.func @deg_kernel(%arg0: i32, %arg1: i32, %arg2: memref<2x2502x128xi32, #tpu.memory_space<hbm>>, %arg3: memref<2x10112x16xf32, #tpu.memory_space<hbm>>, %arg4: memref<79x128xi32, #tpu.memory_space<vmem>>, %arg5: memref<128x16xf32, #tpu.memory_space<vmem>>, %arg6: memref<632x16xf32, #tpu.memory_space<vmem>>, %arg7: memref<10112x16xf32, #tpu.memory_space<vmem_shared>>, %arg8: memref<!tpu.dma_semaphore, #tpu.memory_space<semaphore_mem>>) attributes {dimension_semantics = [#tpu.dimension_semantics<core_parallel>, #tpu.dimension_semantics<subcore_parallel>], iteration_bounds = array<i64: 2, 16>, scalar_prefetch = 0 : i64, scratch_operands = 5 : i64, tpu.core_type = #tpu.core_type<sc_vector_subcore>, window_params = [{transform_indices = #map}, {transform_indices = #map}]} {
    %mul3A = arith.constant 2 : i32
    %mul3A_0 = arith.muli %arg1, %mul3A : i32
    %add3A = arith.addi %mul3A_0, %arg0 : i32
    %lt3A = arith.constant 4 : i32
    %lt3A_1 = arith.cmpi slt, %add3A, %lt3A : i32
    %jit3A = arith.constant 79 : i32
    %jit3A_2 = arith.constant 78 : i32
    %select_n3A = arith.select %lt3A_1, %jit3A, %jit3A_2 : i32
    %mul3A_3 = arith.constant 78 : i32
    %mul3A_4 = arith.muli %add3A, %mul3A_3 : i32
    %min3A = arith.constant 4 : i32
    %min3A_5 = arith.minsi %add3A, %min3A : i32
    %add3A_6 = arith.addi %mul3A_4, %min3A_5 : i32
    %broadcast_in_dim3A = arith.constant 1.000000e+00 : f32
    %broadcast_in_dim3A_7 = vector.broadcast %broadcast_in_dim3A : f32 to vector<16xf32>
    %scan3A = arith.constant 0 : i32
    %scan3A_8 = arith.constant 0 : i32
    %scan3A_9 = arith.constant 128 : i32
    %scan3A_10 = arith.addi %scan3A_8, %scan3A_9 : i32
    %scan3A_11 = arith.constant 1 : i32
    scf.for %scan3A_47 = %scan3A_8 to %scan3A_10 step %scan3A_11  : i32 {
      %swap3A = arith.index_cast %scan3A_47 : i32 to index
      %swap3A_48 = arith.constant 0 : index
      %swap3A_49 = tpu.vector_load %arg5[%swap3A, %swap3A_48] {strides = array<i32>} : memref<128x16xf32, #tpu.memory_space<vmem>>, vector<1x16xf32>,
      %swap3A_50 = vector.shape_cast %swap3A_49 : vector<1x16xf32> to vector<16xf32>
      %swap3A_51 = vector.shape_cast %broadcast_in_dim3A_7 : vector<16xf32> to vector<1x16xf32>
      tpu.vector_store %arg5[%swap3A, %swap3A_48], %swap3A_51 {strides = array<i32>} : memref<128x16xf32, #tpu.memory_space<vmem>>, vector<1x16xf32>,
    }
    %scan3A_12 = arith.constant 128 : i32
    %broadcast_in_dim3A_13 = arith.constant 0.000000e+00 : f32
    %broadcast_in_dim3A_14 = vector.broadcast %broadcast_in_dim3A_13 : f32 to vector<16xf32>
    %scan3A_15 = arith.constant 0 : i32
    %scan3A_16 = arith.constant 0 : i32
    %scan3A_17 = arith.constant 632 : i32
    %scan3A_18 = arith.addi %scan3A_16, %scan3A_17 : i32
    %scan3A_19 = arith.constant 1 : i32
    scf.for %scan3A_47 = %scan3A_16 to %scan3A_18 step %scan3A_19  : i32 {
      %swap3A = arith.index_cast %scan3A_47 : i32 to index
      %swap3A_48 = arith.constant 0 : index
      %swap3A_49 = tpu.vector_load %arg6[%swap3A, %swap3A_48] {strides = array<i32>} : memref<632x16xf32, #tpu.memory_space<vmem>>, vector<1x16xf32>,
      %swap3A_50 = vector.shape_cast %swap3A_49 : vector<1x16xf32> to vector<16xf32>
      %swap3A_51 = vector.shape_cast %broadcast_in_dim3A_14 : vector<16xf32> to vector<1x16xf32>
      tpu.vector_store %arg6[%swap3A, %swap3A_48], %swap3A_51 {strides = array<i32>} : memref<632x16xf32, #tpu.memory_space<vmem>>, vector<1x16xf32>,
    }
    %scan3A_20 = arith.constant 632 : i32
    %mul3A_21 = arith.constant 632 : i32
    %mul3A_22 = arith.muli %arg1, %mul3A_21 : i32
    "tpu.region"() ({
      %run_scoped3A_47 = tpu.sem_alloc : memref<!tpu.dma_semaphore, #tpu.memory_space<semaphore_mem>>
      %dma_start3A = arith.constant 0 : i32
      %dma_start3A_48 = tpu.memref_slice %arg7[%mul3A_22, %dma_start3A] : memref<10112x16xf32, #tpu.memory_space<vmem_shared>> -> memref<632x16xf32, #tpu.memory_space<vmem_shared>>
      %dma_start3A_49 = arith.constant 0 : i32
      %dma_start3A_50 = tpu.memref_slice %arg7[%mul3A_22, %dma_start3A_49] : memref<10112x16xf32, #tpu.memory_space<vmem_shared>> -> memref<632x16xf32, #tpu.memory_space<vmem_shared>>
      tpu.enqueue_dma source(%arg6 : memref<632x16xf32, #tpu.memory_space<vmem>>) target(%dma_start3A_50 : memref<632x16xf32, #tpu.memory_space<vmem_shared>>) target_semaphore(%run_scoped3A_47 : memref<!tpu.dma_semaphore, #tpu.memory_space<semaphore_mem>>)
      %dma_wait3A = arith.constant 0 : i32
      %dma_wait3A_51 = tpu.memref_slice %arg7[%mul3A_22, %dma_wait3A] : memref<10112x16xf32, #tpu.memory_space<vmem_shared>> -> memref<632x16xf32, #tpu.memory_space<vmem_shared>>
      %dma_wait3A_52 = arith.constant 0 : i32
      %dma_wait3A_53 = tpu.memref_slice %arg7[%mul3A_22, %dma_wait3A_52] : memref<10112x16xf32, #tpu.memory_space<vmem_shared>> -> memref<632x16xf32, #tpu.memory_space<vmem_shared>>
      tpu.wait_dma2 semaphore(%run_scoped3A_47 : memref<!tpu.dma_semaphore, #tpu.memory_space<semaphore_mem>>) src(%arg6 : memref<632x16xf32, #tpu.memory_space<vmem>>) dst(%dma_wait3A_53 : memref<632x16xf32, #tpu.memory_space<vmem_shared>>)
      tpu.yield
    }) : () -> ()
    %run_scoped3A = arith.constant 1 : i32
    "tpu.region"() ({
      %run_scoped3A_47 = tpu.sem_alloc : memref<!tpu.dma_semaphore, #tpu.memory_space<semaphore_mem>>
      %dma_start3A = arith.constant 0 : i32
      %dma_start3A_48 = tpu.memref_slice %arg2[%run_scoped3A, %add3A_6, %dma_start3A] : memref<2x2502x128xi32, #tpu.memory_space<hbm>> -> memref<1x79x128xi32, #tpu.memory_space<hbm>>
      %dma_start3A_49 = tpu.memref_squeeze %dma_start3A_48 : memref<1x79x128xi32, #tpu.memory_space<hbm>> -> memref<79x128xi32, #tpu.memory_space<hbm>>
      %dma_start3A_50 = arith.constant 0 : i32
      %dma_start3A_51 = tpu.memref_slice %arg2[%run_scoped3A, %add3A_6, %dma_start3A_50] : memref<2x2502x128xi32, #tpu.memory_space<hbm>> -> memref<1x79x128xi32, #tpu.memory_space<hbm>>
      %dma_start3A_52 = tpu.memref_squeeze %dma_start3A_51 : memref<1x79x128xi32, #tpu.memory_space<hbm>> -> memref<79x128xi32, #tpu.memory_space<hbm>>
      tpu.enqueue_dma source(%dma_start3A_52 : memref<79x128xi32, #tpu.memory_space<hbm>>) target(%arg4 : memref<79x128xi32, #tpu.memory_space<vmem>>) target_semaphore(%run_scoped3A_47 : memref<!tpu.dma_semaphore, #tpu.memory_space<semaphore_mem>>)
      %dma_wait3A = arith.constant 0 : i32
      %dma_wait3A_53 = tpu.memref_slice %arg2[%run_scoped3A, %add3A_6, %dma_wait3A] : memref<2x2502x128xi32, #tpu.memory_space<hbm>> -> memref<1x79x128xi32, #tpu.memory_space<hbm>>
      %dma_wait3A_54 = tpu.memref_squeeze %dma_wait3A_53 : memref<1x79x128xi32, #tpu.memory_space<hbm>> -> memref<79x128xi32, #tpu.memory_space<hbm>>
      %dma_wait3A_55 = arith.constant 0 : i32
      %dma_wait3A_56 = tpu.memref_slice %arg2[%run_scoped3A, %add3A_6, %dma_wait3A_55] : memref<2x2502x128xi32, #tpu.memory_space<hbm>> -> memref<1x79x128xi32, #tpu.memory_space<hbm>>
      %dma_wait3A_57 = tpu.memref_squeeze %dma_wait3A_56 : memref<1x79x128xi32, #tpu.memory_space<hbm>> -> memref<79x128xi32, #tpu.memory_space<hbm>>
      tpu.wait_dma2 semaphore(%run_scoped3A_47 : memref<!tpu.dma_semaphore, #tpu.memory_space<semaphore_mem>>) src(%dma_wait3A_57 : memref<79x128xi32, #tpu.memory_space<hbm>>) dst(%arg4 : memref<79x128xi32, #tpu.memory_space<vmem>>)
      tpu.yield
    }) : () -> ()
    %barrier3A = arith.constant 0 : index
    tpu.barrier barrier_id(%barrier3A)
    %while3A = arith.constant 0 : i32
    %while3A_23 = arith.constant 0 : i32
    %while3A_24 = arith.subi %select_n3A, %while3A_23 : i32
    %while3A_25 = arith.addi %while3A_23, %while3A_24 : i32
    %while3A_26 = arith.constant 1 : i32
    %while3A_27 = arith.divsi %while3A_24, %while3A_26 : i32
    %while3A_28 = arith.muli %while3A_27, %while3A_26 : i32
    %while3A_29 = arith.addi %while3A_23, %while3A_28 : i32
    %while3A_30 = arith.constant 1 : i32
    scf.for %while3A_47 = %while3A_23 to %while3A_29 step %while3A_30  : i32 {
      %dma_start3A = arith.constant 0 : i32
      %dma_start3A_48 = tpu.memref_slice %arg4[%while3A_47, %dma_start3A] : memref<79x128xi32, #tpu.memory_space<vmem>> -> memref<1x128xi32, #tpu.memory_space<vmem>>
      %dma_start3A_49 = tpu.memref_squeeze %dma_start3A_48 : memref<1x128xi32, #tpu.memory_space<vmem>> -> memref<128xi32, #tpu.memory_space<vmem>>
      %dma_start3A_50 = arith.constant 0 : i32
      %dma_start3A_51 = arith.constant 0 : i32
      %dma_start3A_52 = tpu.memref_slice %arg7[%dma_start3A_50, %dma_start3A_51] : memref<10112x16xf32, #tpu.memory_space<vmem_shared>> -> memref<10112x16xf32, #tpu.memory_space<vmem_shared>>
      tpu.enqueue_indirect_dma source(%arg5 : memref<128x16xf32, #tpu.memory_space<vmem>>) target(%dma_start3A_52 : memref<10112x16xf32, #tpu.memory_space<vmem_shared>>) offsets(%dma_start3A_49 : memref<128xi32, #tpu.memory_space<vmem>>) semaphore(%arg8 : memref<!tpu.dma_semaphore, #tpu.memory_space<semaphore_mem>>) {add = true}
    }
    %while3A_31 = arith.constant 1 : i32
    scf.for %while3A_47 = %while3A_29 to %while3A_25 step %while3A_31  : i32 {
      %dma_start3A = arith.constant 0 : i32
      %dma_start3A_48 = tpu.memref_slice %arg4[%while3A_47, %dma_start3A] : memref<79x128xi32, #tpu.memory_space<vmem>> -> memref<1x128xi32, #tpu.memory_space<vmem>>
      %dma_start3A_49 = tpu.memref_squeeze %dma_start3A_48 : memref<1x128xi32, #tpu.memory_space<vmem>> -> memref<128xi32, #tpu.memory_space<vmem>>
      %dma_start3A_50 = arith.constant 0 : i32
      %dma_start3A_51 = arith.constant 0 : i32
      %dma_start3A_52 = tpu.memref_slice %arg7[%dma_start3A_50, %dma_start3A_51] : memref<10112x16xf32, #tpu.memory_space<vmem_shared>> -> memref<10112x16xf32, #tpu.memory_space<vmem_shared>>
      tpu.enqueue_indirect_dma source(%arg5 : memref<128x16xf32, #tpu.memory_space<vmem>>) target(%dma_start3A_52 : memref<10112x16xf32, #tpu.memory_space<vmem_shared>>) offsets(%dma_start3A_49 : memref<128xi32, #tpu.memory_space<vmem>>) semaphore(%arg8 : memref<!tpu.dma_semaphore, #tpu.memory_space<semaphore_mem>>) {add = true}
    }
    %while3A_32 = arith.constant 0 : i32
    %while3A_33 = arith.constant 0 : i32
    %while3A_34 = arith.subi %select_n3A, %while3A_33 : i32
    %while3A_35 = arith.addi %while3A_33, %while3A_34 : i32
    %while3A_36 = arith.constant 1 : i32
    %while3A_37 = arith.divsi %while3A_34, %while3A_36 : i32
    %while3A_38 = arith.muli %while3A_37, %while3A_36 : i32
    %while3A_39 = arith.addi %while3A_33, %while3A_38 : i32
    %while3A_40 = arith.constant 1 : i32
    scf.for %while3A_47 = %while3A_33 to %while3A_39 step %while3A_40  : i32 {
      %dma_wait3A = arith.constant 0 : i32
      %dma_wait3A_48 = arith.constant 0 : i32
      %dma_wait3A_49 = tpu.memref_slice %arg4[%dma_wait3A, %dma_wait3A_48] : memref<79x128xi32, #tpu.memory_space<vmem>> -> memref<1x128xi32, #tpu.memory_space<vmem>>
      %dma_wait3A_50 = tpu.memref_squeeze %dma_wait3A_49 : memref<1x128xi32, #tpu.memory_space<vmem>> -> memref<128xi32, #tpu.memory_space<vmem>>
      %dma_wait3A_51 = arith.constant 0 : i32
      %dma_wait3A_52 = arith.constant 0 : i32
      %dma_wait3A_53 = tpu.memref_slice %arg7[%dma_wait3A_51, %dma_wait3A_52] : memref<10112x16xf32, #tpu.memory_space<vmem_shared>> -> memref<10112x16xf32, #tpu.memory_space<vmem_shared>>
      tpu.wait_indirect_dma semaphore(%arg8 : memref<!tpu.dma_semaphore, #tpu.memory_space<semaphore_mem>>) src(%arg5 : memref<128x16xf32, #tpu.memory_space<vmem>>) dst(%dma_wait3A_53 : memref<10112x16xf32, #tpu.memory_space<vmem_shared>>)
    }
    %while3A_41 = arith.constant 1 : i32
    scf.for %while3A_47 = %while3A_39 to %while3A_35 step %while3A_41  : i32 {
      %dma_wait3A = arith.constant 0 : i32
      %dma_wait3A_48 = arith.constant 0 : i32
      %dma_wait3A_49 = tpu.memref_slice %arg4[%dma_wait3A, %dma_wait3A_48] : memref<79x128xi32, #tpu.memory_space<vmem>> -> memref<1x128xi32, #tpu.memory_space<vmem>>
      %dma_wait3A_50 = tpu.memref_squeeze %dma_wait3A_49 : memref<1x128xi32, #tpu.memory_space<vmem>> -> memref<128xi32, #tpu.memory_space<vmem>>
      %dma_wait3A_51 = arith.constant 0 : i32
      %dma_wait3A_52 = arith.constant 0 : i32
      %dma_wait3A_53 = tpu.memref_slice %arg7[%dma_wait3A_51, %dma_wait3A_52] : memref<10112x16xf32, #tpu.memory_space<vmem_shared>> -> memref<10112x16xf32, #tpu.memory_space<vmem_shared>>
      tpu.wait_indirect_dma semaphore(%arg8 : memref<!tpu.dma_semaphore, #tpu.memory_space<semaphore_mem>>) src(%arg5 : memref<128x16xf32, #tpu.memory_space<vmem>>) dst(%dma_wait3A_53 : memref<10112x16xf32, #tpu.memory_space<vmem_shared>>)
    }
    %barrier3A_42 = arith.constant 0 : index
    tpu.barrier barrier_id(%barrier3A_42)
    %mul3A_43 = arith.constant 632 : i32
    %mul3A_44 = arith.muli %arg1, %mul3A_43 : i32
    %mul3A_45 = arith.constant 632 : i32
    %mul3A_46 = arith.muli %arg1, %mul3A_45 : i32
    "tpu.region"() ({
      %run_scoped3A_47 = tpu.sem_alloc : memref<!tpu.dma_semaphore, #tpu.memory_space<semaphore_mem>>
      %dma_start3A = arith.constant 0 : i32
      %dma_start3A_48 = tpu.memref_slice %arg3[%arg0, %mul3A_46, %dma_start3A] : memref<2x10112x16xf32, #tpu.memory_space<hbm>> -> memref<1x632x16xf32, #tpu.memory_space<hbm>>
      %dma_start3A_49 = tpu.memref_squeeze %dma_start3A_48 : memref<1x632x16xf32, #tpu.memory_space<hbm>> -> memref<632x16xf32, #tpu.memory_space<hbm>>
      %dma_start3A_50 = arith.constant 0 : i32
      %dma_start3A_51 = tpu.memref_slice %arg7[%mul3A_44, %dma_start3A_50] : memref<10112x16xf32, #tpu.memory_space<vmem_shared>> -> memref<632x16xf32, #tpu.memory_space<vmem_shared>>
      tpu.enqueue_dma source(%dma_start3A_51 : memref<632x16xf32, #tpu.memory_space<vmem_shared>>) target(%dma_start3A_49 : memref<632x16xf32, #tpu.memory_space<hbm>>) target_semaphore(%run_scoped3A_47 : memref<!tpu.dma_semaphore, #tpu.memory_space<semaphore_mem>>)
      %dma_wait3A = arith.constant 0 : i32
      %dma_wait3A_52 = tpu.memref_slice %arg3[%arg0, %mul3A_46, %dma_wait3A] : memref<2x10112x16xf32, #tpu.memory_space<hbm>> -> memref<1x632x16xf32, #tpu.memory_space<hbm>>
      %dma_wait3A_53 = tpu.memref_squeeze %dma_wait3A_52 : memref<1x632x16xf32, #tpu.memory_space<hbm>> -> memref<632x16xf32, #tpu.memory_space<hbm>>
      %dma_wait3A_54 = arith.constant 0 : i32
      %dma_wait3A_55 = tpu.memref_slice %arg7[%mul3A_44, %dma_wait3A_54] : memref<10112x16xf32, #tpu.memory_space<vmem_shared>> -> memref<632x16xf32, #tpu.memory_space<vmem_shared>>
      tpu.wait_dma2 semaphore(%run_scoped3A_47 : memref<!tpu.dma_semaphore, #tpu.memory_space<semaphore_mem>>) src(%dma_wait3A_55 : memref<632x16xf32, #tpu.memory_space<vmem_shared>>) dst(%dma_wait3A_53 : memref<632x16xf32, #tpu.memory_space<hbm>>)
      tpu.yield
    }) : () -> ()
    return
  }
}

#map = affine_map<(d0, d1) -> (0, 0, 0)>
#map1 = affine_map<(d0, d1) -> (0, 0)>
module attributes {stable_mosaic.version = 14 : i64} {
  func.func @agg_kernel(%arg0: i32, %arg1: i32, %arg2: memref<2x2502x128xi32, #tpu.memory_space<hbm>>, %arg3: memref<10112x32xf32, #tpu.memory_space<hbm>>, %arg4: memref<2x10112x32xf32, #tpu.memory_space<hbm>>, %arg5: memref<79x128xi32, #tpu.memory_space<vmem>>, %arg6: memref<79x128xi32, #tpu.memory_space<vmem>>, %arg7: memref<2x4x128x32xf32, #tpu.memory_space<vmem>>, %arg8: memref<158x32xf32, #tpu.memory_space<vmem>>, %arg9: memref<10112x32xf32, #tpu.memory_space<vmem_shared>>, %arg10: memref<10112x32xf32, #tpu.memory_space<vmem_shared>>, %arg11: memref<!tpu.dma_semaphore, #tpu.memory_space<semaphore_mem>>, %arg12: memref<!tpu.dma_semaphore, #tpu.memory_space<semaphore_mem>>, %arg13: memref<!tpu.dma_semaphore, #tpu.memory_space<semaphore_mem>>) attributes {dimension_semantics = [#tpu.dimension_semantics<core_parallel>, #tpu.dimension_semantics<subcore_parallel>], iteration_bounds = array<i64: 2, 16>, scalar_prefetch = 0 : i64, scratch_operands = 9 : i64, tpu.core_type = #tpu.core_type<sc_vector_subcore>, window_params = [{transform_indices = #map}, {transform_indices = #map1}, {transform_indices = #map}]} {
    %mul3A = arith.constant 2 : i32
    %mul3A_0 = arith.muli %arg1, %mul3A : i32
    %add3A = arith.addi %mul3A_0, %arg0 : i32
    %lt3A = arith.constant 4 : i32
    %lt3A_1 = arith.cmpi slt, %add3A, %lt3A : i32
    %jit3A = arith.constant 79 : i32
    %jit3A_2 = arith.constant 78 : i32
    %select_n3A = arith.select %lt3A_1, %jit3A, %jit3A_2 : i32
    %mul3A_3 = arith.constant 78 : i32
    %mul3A_4 = arith.muli %add3A, %mul3A_3 : i32
    %min3A = arith.constant 4 : i32
    %min3A_5 = arith.minsi %add3A, %min3A : i32
    %add3A_6 = arith.addi %mul3A_4, %min3A_5 : i32
    %jit3A_7 = arith.constant 8 : i32
    %div3A = arith.divsi %select_n3A, %jit3A_7 : i32
    %sign3A = arith.constant 0 : i32
    %sign3A_8 = arith.cmpi sgt, %select_n3A, %sign3A : i32
    %sign3A_9 = arith.extui %sign3A_8 : i1 to i32
    %sign3A_10 = arith.constant 0 : i32
    %sign3A_11 = arith.cmpi slt, %select_n3A, %sign3A_10 : i32
    %sign3A_12 = arith.extui %sign3A_11 : i1 to i32
    %sign3A_13 = arith.subi %sign3A_9, %sign3A_12 : i32
    %sign3A_14 = arith.constant 0 : i32
    %sign3A_15 = arith.cmpi sgt, %jit3A_7, %sign3A_14 : i32
    %sign3A_16 = arith.extui %sign3A_15 : i1 to i32
    %sign3A_17 = arith.constant 0 : i32
    %sign3A_18 = arith.cmpi slt, %jit3A_7, %sign3A_17 : i32
    %sign3A_19 = arith.extui %sign3A_18 : i1 to i32
    %sign3A_20 = arith.subi %sign3A_16, %sign3A_19 : i32
    %ne3A = arith.cmpi ne, %sign3A_13, %sign3A_20 : i32
    %rem3A = arith.remsi %select_n3A, %jit3A_7 : i32
    %ne3A_21 = arith.constant 0 : i32
    %ne3A_22 = arith.cmpi ne, %rem3A, %ne3A_21 : i32
    %and3A = arith.andi %ne3A, %ne3A_22 : i1
    %sub3A = arith.constant 1 : i32
    %sub3A_23 = arith.subi %div3A, %sub3A : i32
    %select_n3A_24 = arith.select %and3A, %sub3A_23, %div3A : i32
    %mul3A_25 = arith.constant 8 : i32
    %mul3A_26 = arith.muli %select_n3A_24, %mul3A_25 : i32
    %sub3A_27 = arith.subi %select_n3A, %mul3A_26 : i32
    %broadcast_in_dim3A = arith.constant 0.000000e+00 : f32
    %broadcast_in_dim3A_28 = vector.broadcast %broadcast_in_dim3A : f32 to vector<16xf32>
    %scan3A = arith.constant 0 : i32
    %scan3A_29 = arith.constant 0 : i32
    %scan3A_30 = arith.constant 158 : i32
    %scan3A_31 = arith.addi %scan3A_29, %scan3A_30 : i32
    %scan3A_32 = arith.constant 1 : i32
    scf.for %scan3A_81 = %scan3A_29 to %scan3A_31 step %scan3A_32  : i32 {
      %swap3A = arith.index_cast %scan3A_81 : i32 to index
      %swap3A_82 = arith.constant 0 : index
      %swap3A_83 = tpu.vector_load %arg8[%swap3A, %swap3A_82] {strides = array<i32>} : memref<158x32xf32, #tpu.memory_space<vmem>>, vector<1x16xf32>,
      %swap3A_84 = vector.shape_cast %swap3A_83 : vector<1x16xf32> to vector<16xf32>
      %swap3A_85 = vector.shape_cast %broadcast_in_dim3A_28 : vector<16xf32> to vector<1x16xf32>
      tpu.vector_store %arg8[%swap3A, %swap3A_82], %swap3A_85 {strides = array<i32>} : memref<158x32xf32, #tpu.memory_space<vmem>>, vector<1x16xf32>,
      %swap3A_86 = arith.index_cast %scan3A_81 : i32 to index
      %swap3A_87 = arith.constant 16 : index
      %swap3A_88 = tpu.vector_load %arg8[%swap3A_86, %swap3A_87] {strides = array<i32>} : memref<158x32xf32, #tpu.memory_space<vmem>>, vector<1x16xf32>,
      %swap3A_89 = vector.shape_cast %swap3A_88 : vector<1x16xf32> to vector<16xf32>
      %swap3A_90 = vector.shape_cast %broadcast_in_dim3A_28 : vector<16xf32> to vector<1x16xf32>
      tpu.vector_store %arg8[%swap3A_86, %swap3A_87], %swap3A_90 {strides = array<i32>} : memref<158x32xf32, #tpu.memory_space<vmem>>, vector<1x16xf32>,
    }
    %scan3A_33 = arith.constant 158 : i32
    %mul3A_34 = arith.constant 632 : i32
    %mul3A_35 = arith.muli %arg1, %mul3A_34 : i32
    %add3A_36 = arith.constant 0 : i32
    %add3A_37 = arith.addi %mul3A_35, %add3A_36 : i32
    "tpu.region"() ({
      %run_scoped3A_81 = tpu.sem_alloc : memref<!tpu.dma_semaphore, #tpu.memory_space<semaphore_mem>>
      %dma_start3A = arith.constant 0 : i32
      %dma_start3A_82 = tpu.memref_slice %arg9[%add3A_37, %dma_start3A] : memref<10112x32xf32, #tpu.memory_space<vmem_shared>> -> memref<158x32xf32, #tpu.memory_space<vmem_shared>>
      %dma_start3A_83 = arith.constant 0 : i32
      %dma_start3A_84 = tpu.memref_slice %arg9[%add3A_37, %dma_start3A_83] : memref<10112x32xf32, #tpu.memory_space<vmem_shared>> -> memref<158x32xf32, #tpu.memory_space<vmem_shared>>
      tpu.enqueue_dma source(%arg8 : memref<158x32xf32, #tpu.memory_space<vmem>>) target(%dma_start3A_84 : memref<158x32xf32, #tpu.memory_space<vmem_shared>>) target_semaphore(%run_scoped3A_81 : memref<!tpu.dma_semaphore, #tpu.memory_space<semaphore_mem>>)
      %dma_wait3A = arith.constant 0 : i32
      %dma_wait3A_85 = tpu.memref_slice %arg9[%add3A_37, %dma_wait3A] : memref<10112x32xf32, #tpu.memory_space<vmem_shared>> -> memref<158x32xf32, #tpu.memory_space<vmem_shared>>
      %dma_wait3A_86 = arith.constant 0 : i32
      %dma_wait3A_87 = tpu.memref_slice %arg9[%add3A_37, %dma_wait3A_86] : memref<10112x32xf32, #tpu.memory_space<vmem_shared>> -> memref<158x32xf32, #tpu.memory_space<vmem_shared>>
      tpu.wait_dma2 semaphore(%run_scoped3A_81 : memref<!tpu.dma_semaphore, #tpu.memory_space<semaphore_mem>>) src(%arg8 : memref<158x32xf32, #tpu.memory_space<vmem>>) dst(%dma_wait3A_87 : memref<158x32xf32, #tpu.memory_space<vmem_shared>>)
      tpu.yield
    }) : () -> ()
    %mul3A_38 = arith.constant 632 : i32
    %mul3A_39 = arith.muli %arg1, %mul3A_38 : i32
    %add3A_40 = arith.constant 158 : i32
    %add3A_41 = arith.addi %mul3A_39, %add3A_40 : i32
    "tpu.region"() ({
      %run_scoped3A_81 = tpu.sem_alloc : memref<!tpu.dma_semaphore, #tpu.memory_space<semaphore_mem>>
      %dma_start3A = arith.constant 0 : i32
      %dma_start3A_82 = tpu.memref_slice %arg9[%add3A_41, %dma_start3A] : memref<10112x32xf32, #tpu.memory_space<vmem_shared>> -> memref<158x32xf32, #tpu.memory_space<vmem_shared>>
      %dma_start3A_83 = arith.constant 0 : i32
      %dma_start3A_84 = tpu.memref_slice %arg9[%add3A_41, %dma_start3A_83] : memref<10112x32xf32, #tpu.memory_space<vmem_shared>> -> memref<158x32xf32, #tpu.memory_space<vmem_shared>>
      tpu.enqueue_dma source(%arg8 : memref<158x32xf32, #tpu.memory_space<vmem>>) target(%dma_start3A_84 : memref<158x32xf32, #tpu.memory_space<vmem_shared>>) target_semaphore(%run_scoped3A_81 : memref<!tpu.dma_semaphore, #tpu.memory_space<semaphore_mem>>)
      %dma_wait3A = arith.constant 0 : i32
      %dma_wait3A_85 = tpu.memref_slice %arg9[%add3A_41, %dma_wait3A] : memref<10112x32xf32, #tpu.memory_space<vmem_shared>> -> memref<158x32xf32, #tpu.memory_space<vmem_shared>>
      %dma_wait3A_86 = arith.constant 0 : i32
      %dma_wait3A_87 = tpu.memref_slice %arg9[%add3A_41, %dma_wait3A_86] : memref<10112x32xf32, #tpu.memory_space<vmem_shared>> -> memref<158x32xf32, #tpu.memory_space<vmem_shared>>
      tpu.wait_dma2 semaphore(%run_scoped3A_81 : memref<!tpu.dma_semaphore, #tpu.memory_space<semaphore_mem>>) src(%arg8 : memref<158x32xf32, #tpu.memory_space<vmem>>) dst(%dma_wait3A_87 : memref<158x32xf32, #tpu.memory_space<vmem_shared>>)
      tpu.yield
    }) : () -> ()
    %mul3A_42 = arith.constant 632 : i32
    %mul3A_43 = arith.muli %arg1, %mul3A_42 : i32
    %add3A_44 = arith.constant 316 : i32
    %add3A_45 = arith.addi %mul3A_43, %add3A_44 : i32
    "tpu.region"() ({
      %run_scoped3A_81 = tpu.sem_alloc : memref<!tpu.dma_semaphore, #tpu.memory_space<semaphore_mem>>
      %dma_start3A = arith.constant 0 : i32
      %dma_start3A_82 = tpu.memref_slice %arg9[%add3A_45, %dma_start3A] : memref<10112x32xf32, #tpu.memory_space<vmem_shared>> -> memref<158x32xf32, #tpu.memory_space<vmem_shared>>
      %dma_start3A_83 = arith.constant 0 : i32
      %dma_start3A_84 = tpu.memref_slice %arg9[%add3A_45, %dma_start3A_83] : memref<10112x32xf32, #tpu.memory_space<vmem_shared>> -> memref<158x32xf32, #tpu.memory_space<vmem_shared>>
      tpu.enqueue_dma source(%arg8 : memref<158x32xf32, #tpu.memory_space<vmem>>) target(%dma_start3A_84 : memref<158x32xf32, #tpu.memory_space<vmem_shared>>) target_semaphore(%run_scoped3A_81 : memref<!tpu.dma_semaphore, #tpu.memory_space<semaphore_mem>>)
      %dma_wait3A = arith.constant 0 : i32
      %dma_wait3A_85 = tpu.memref_slice %arg9[%add3A_45, %dma_wait3A] : memref<10112x32xf32, #tpu.memory_space<vmem_shared>> -> memref<158x32xf32, #tpu.memory_space<vmem_shared>>
      %dma_wait3A_86 = arith.constant 0 : i32
      %dma_wait3A_87 = tpu.memref_slice %arg9[%add3A_45, %dma_wait3A_86] : memref<10112x32xf32, #tpu.memory_space<vmem_shared>> -> memref<158x32xf32, #tpu.memory_space<vmem_shared>>
      tpu.wait_dma2 semaphore(%run_scoped3A_81 : memref<!tpu.dma_semaphore, #tpu.memory_space<semaphore_mem>>) src(%arg8 : memref<158x32xf32, #tpu.memory_space<vmem>>) dst(%dma_wait3A_87 : memref<158x32xf32, #tpu.memory_space<vmem_shared>>)
      tpu.yield
    }) : () -> ()
    %mul3A_46 = arith.constant 632 : i32
    %mul3A_47 = arith.muli %arg1, %mul3A_46 : i32
    %add3A_48 = arith.constant 474 : i32
    %add3A_49 = arith.addi %mul3A_47, %add3A_48 : i32
    "tpu.region"() ({
      %run_scoped3A_81 = tpu.sem_alloc : memref<!tpu.dma_semaphore, #tpu.memory_space<semaphore_mem>>
      %dma_start3A = arith.constant 0 : i32
      %dma_start3A_82 = tpu.memref_slice %arg9[%add3A_49, %dma_start3A] : memref<10112x32xf32, #tpu.memory_space<vmem_shared>> -> memref<158x32xf32, #tpu.memory_space<vmem_shared>>
      %dma_start3A_83 = arith.constant 0 : i32
      %dma_start3A_84 = tpu.memref_slice %arg9[%add3A_49, %dma_start3A_83] : memref<10112x32xf32, #tpu.memory_space<vmem_shared>> -> memref<158x32xf32, #tpu.memory_space<vmem_shared>>
      tpu.enqueue_dma source(%arg8 : memref<158x32xf32, #tpu.memory_space<vmem>>) target(%dma_start3A_84 : memref<158x32xf32, #tpu.memory_space<vmem_shared>>) target_semaphore(%run_scoped3A_81 : memref<!tpu.dma_semaphore, #tpu.memory_space<semaphore_mem>>)
      %dma_wait3A = arith.constant 0 : i32
      %dma_wait3A_85 = tpu.memref_slice %arg9[%add3A_49, %dma_wait3A] : memref<10112x32xf32, #tpu.memory_space<vmem_shared>> -> memref<158x32xf32, #tpu.memory_space<vmem_shared>>
      %dma_wait3A_86 = arith.constant 0 : i32
      %dma_wait3A_87 = tpu.memref_slice %arg9[%add3A_49, %dma_wait3A_86] : memref<10112x32xf32, #tpu.memory_space<vmem_shared>> -> memref<158x32xf32, #tpu.memory_space<vmem_shared>>
      tpu.wait_dma2 semaphore(%run_scoped3A_81 : memref<!tpu.dma_semaphore, #tpu.memory_space<semaphore_mem>>) src(%arg8 : memref<158x32xf32, #tpu.memory_space<vmem>>) dst(%dma_wait3A_87 : memref<158x32xf32, #tpu.memory_space<vmem_shared>>)
      tpu.yield
    }) : () -> ()
    %mul3A_50 = arith.constant 632 : i32
    %mul3A_51 = arith.muli %arg1, %mul3A_50 : i32
    %mul3A_52 = arith.constant 632 : i32
    %mul3A_53 = arith.muli %arg1, %mul3A_52 : i32
    "tpu.region"() ({
      %run_scoped3A_81 = tpu.sem_alloc : memref<!tpu.dma_semaphore, #tpu.memory_space<semaphore_mem>>
      %dma_start3A = arith.constant 0 : i32
      %dma_start3A_82 = tpu.memref_slice %arg10[%mul3A_53, %dma_start3A] : memref<10112x32xf32, #tpu.memory_space<vmem_shared>> -> memref<632x32xf32, #tpu.memory_space<vmem_shared>>
      %dma_start3A_83 = arith.constant 0 : i32
      %dma_start3A_84 = tpu.memref_slice %arg3[%mul3A_51, %dma_start3A_83] : memref<10112x32xf32, #tpu.memory_space<hbm>> -> memref<632x32xf32, #tpu.memory_space<hbm>>
      tpu.enqueue_dma source(%dma_start3A_84 : memref<632x32xf32, #tpu.memory_space<hbm>>) target(%dma_start3A_82 : memref<632x32xf32, #tpu.memory_space<vmem_shared>>) target_semaphore(%run_scoped3A_81 : memref<!tpu.dma_semaphore, #tpu.memory_space<semaphore_mem>>)
      %dma_wait3A = arith.constant 0 : i32
      %dma_wait3A_85 = tpu.memref_slice %arg10[%mul3A_53, %dma_wait3A] : memref<10112x32xf32, #tpu.memory_space<vmem_shared>> -> memref<632x32xf32, #tpu.memory_space<vmem_shared>>
      %dma_wait3A_86 = arith.constant 0 : i32
      %dma_wait3A_87 = tpu.memref_slice %arg3[%mul3A_51, %dma_wait3A_86] : memref<10112x32xf32, #tpu.memory_space<hbm>> -> memref<632x32xf32, #tpu.memory_space<hbm>>
      tpu.wait_dma2 semaphore(%run_scoped3A_81 : memref<!tpu.dma_semaphore, #tpu.memory_space<semaphore_mem>>) src(%dma_wait3A_87 : memref<632x32xf32, #tpu.memory_space<hbm>>) dst(%dma_wait3A_85 : memref<632x32xf32, #tpu.memory_space<vmem_shared>>)
      tpu.yield
    }) : () -> ()
    %run_scoped3A = arith.constant 0 : i32
    "tpu.region"() ({
      %run_scoped3A_81 = tpu.sem_alloc : memref<!tpu.dma_semaphore, #tpu.memory_space<semaphore_mem>>
      %dma_start3A = arith.constant 0 : i32
      %dma_start3A_82 = tpu.memref_slice %arg2[%run_scoped3A, %add3A_6, %dma_start3A] : memref<2x2502x128xi32, #tpu.memory_space<hbm>> -> memref<1x79x128xi32, #tpu.memory_space<hbm>>
      %dma_start3A_83 = tpu.memref_squeeze %dma_start3A_82 : memref<1x79x128xi32, #tpu.memory_space<hbm>> -> memref<79x128xi32, #tpu.memory_space<hbm>>
      %dma_start3A_84 = arith.constant 0 : i32
      %dma_start3A_85 = tpu.memref_slice %arg2[%run_scoped3A, %add3A_6, %dma_start3A_84] : memref<2x2502x128xi32, #tpu.memory_space<hbm>> -> memref<1x79x128xi32, #tpu.memory_space<hbm>>
      %dma_start3A_86 = tpu.memref_squeeze %dma_start3A_85 : memref<1x79x128xi32, #tpu.memory_space<hbm>> -> memref<79x128xi32, #tpu.memory_space<hbm>>
      tpu.enqueue_dma source(%dma_start3A_86 : memref<79x128xi32, #tpu.memory_space<hbm>>) target(%arg5 : memref<79x128xi32, #tpu.memory_space<vmem>>) target_semaphore(%run_scoped3A_81 : memref<!tpu.dma_semaphore, #tpu.memory_space<semaphore_mem>>)
      %dma_wait3A = arith.constant 0 : i32
      %dma_wait3A_87 = tpu.memref_slice %arg2[%run_scoped3A, %add3A_6, %dma_wait3A] : memref<2x2502x128xi32, #tpu.memory_space<hbm>> -> memref<1x79x128xi32, #tpu.memory_space<hbm>>
      %dma_wait3A_88 = tpu.memref_squeeze %dma_wait3A_87 : memref<1x79x128xi32, #tpu.memory_space<hbm>> -> memref<79x128xi32, #tpu.memory_space<hbm>>
      %dma_wait3A_89 = arith.constant 0 : i32
      %dma_wait3A_90 = tpu.memref_slice %arg2[%run_scoped3A, %add3A_6, %dma_wait3A_89] : memref<2x2502x128xi32, #tpu.memory_space<hbm>> -> memref<1x79x128xi32, #tpu.memory_space<hbm>>
      %dma_wait3A_91 = tpu.memref_squeeze %dma_wait3A_90 : memref<1x79x128xi32, #tpu.memory_space<hbm>> -> memref<79x128xi32, #tpu.memory_space<hbm>>
      tpu.wait_dma2 semaphore(%run_scoped3A_81 : memref<!tpu.dma_semaphore, #tpu.memory_space<semaphore_mem>>) src(%dma_wait3A_91 : memref<79x128xi32, #tpu.memory_space<hbm>>) dst(%arg5 : memref<79x128xi32, #tpu.memory_space<vmem>>)
      tpu.yield
    }) : () -> ()
    %run_scoped3A_54 = arith.constant 1 : i32
    "tpu.region"() ({
      %run_scoped3A_81 = tpu.sem_alloc : memref<!tpu.dma_semaphore, #tpu.memory_space<semaphore_mem>>
      %dma_start3A = arith.constant 0 : i32
      %dma_start3A_82 = tpu.memref_slice %arg2[%run_scoped3A_54, %add3A_6, %dma_start3A] : memref<2x2502x128xi32, #tpu.memory_space<hbm>> -> memref<1x79x128xi32, #tpu.memory_space<hbm>>
      %dma_start3A_83 = tpu.memref_squeeze %dma_start3A_82 : memref<1x79x128xi32, #tpu.memory_space<hbm>> -> memref<79x128xi32, #tpu.memory_space<hbm>>
      %dma_start3A_84 = arith.constant 0 : i32
      %dma_start3A_85 = tpu.memref_slice %arg2[%run_scoped3A_54, %add3A_6, %dma_start3A_84] : memref<2x2502x128xi32, #tpu.memory_space<hbm>> -> memref<1x79x128xi32, #tpu.memory_space<hbm>>
      %dma_start3A_86 = tpu.memref_squeeze %dma_start3A_85 : memref<1x79x128xi32, #tpu.memory_space<hbm>> -> memref<79x128xi32, #tpu.memory_space<hbm>>
      tpu.enqueue_dma source(%dma_start3A_86 : memref<79x128xi32, #tpu.memory_space<hbm>>) target(%arg6 : memref<79x128xi32, #tpu.memory_space<vmem>>) target_semaphore(%run_scoped3A_81 : memref<!tpu.dma_semaphore, #tpu.memory_space<semaphore_mem>>)
      %dma_wait3A = arith.constant 0 : i32
      %dma_wait3A_87 = tpu.memref_slice %arg2[%run_scoped3A_54, %add3A_6, %dma_wait3A] : memref<2x2502x128xi32, #tpu.memory_space<hbm>> -> memref<1x79x128xi32, #tpu.memory_space<hbm>>
      %dma_wait3A_88 = tpu.memref_squeeze %dma_wait3A_87 : memref<1x79x128xi32, #tpu.memory_space<hbm>> -> memref<79x128xi32, #tpu.memory_space<hbm>>
      %dma_wait3A_89 = arith.constant 0 : i32
      %dma_wait3A_90 = tpu.memref_slice %arg2[%run_scoped3A_54, %add3A_6, %dma_wait3A_89] : memref<2x2502x128xi32, #tpu.memory_space<hbm>> -> memref<1x79x128xi32, #tpu.memory_space<hbm>>
      %dma_wait3A_91 = tpu.memref_squeeze %dma_wait3A_90 : memref<1x79x128xi32, #tpu.memory_space<hbm>> -> memref<79x128xi32, #tpu.memory_space<hbm>>
      tpu.wait_dma2 semaphore(%run_scoped3A_81 : memref<!tpu.dma_semaphore, #tpu.memory_space<semaphore_mem>>) src(%dma_wait3A_91 : memref<79x128xi32, #tpu.memory_space<hbm>>) dst(%arg6 : memref<79x128xi32, #tpu.memory_space<vmem>>)
      tpu.yield
    }) : () -> ()
    %barrier3A = arith.constant 0 : index
    tpu.barrier barrier_id(%barrier3A)
    %while3A = arith.constant 0 : i32
    %while3A_55 = arith.constant 0 : i32
    %while3A_56 = arith.subi %select_n3A_24, %while3A_55 : i32
    %while3A_57 = arith.addi %while3A_55, %while3A_56 : i32
    %while3A_58 = arith.constant 1 : i32
    %while3A_59 = arith.divsi %while3A_56, %while3A_58 : i32
    %while3A_60 = arith.muli %while3A_59, %while3A_58 : i32
    %while3A_61 = arith.addi %while3A_55, %while3A_60 : i32
    %while3A_62 = arith.constant 1 : i32
    scf.for %while3A_81 = %while3A_55 to %while3A_61 step %while3A_62  : i32 {
      %mul3A_82 = arith.constant 2 : i32
      %mul3A_83 = arith.muli %mul3A_82, %while3A_81 : i32
      %add3A_84 = arith.constant 0 : i32
      %add3A_85 = arith.addi %mul3A_83, %add3A_84 : i32
      %mul3A_86 = arith.constant 4 : i32
      %mul3A_87 = arith.muli %add3A_85, %mul3A_86 : i32
      %ge3A = arith.constant 1 : i32
      %ge3A_88 = arith.cmpi sge, %while3A_81, %ge3A : i32
      %convert_element_type3A_89 = arith.extui %ge3A_88 : i1 to i32
      %cond3A_90 = arith.constant 0 : i32
      %cond3A_91 = arith.cmpi ne, %convert_element_type3A_89, %cond3A_90 : i32
      scf.if %cond3A_91 {
        %dma_wait3A_421 = arith.constant 0 : i32
        %dma_wait3A_422 = arith.constant 0 : i32
        %dma_wait3A_423 = arith.constant 0 : i32
        %dma_wait3A_424 = arith.constant 0 : i32
        %dma_wait3A_425 = arith.constant 0 : i32
        %dma_wait3A_426 = tpu.memref_slice %arg7[%dma_wait3A_421, %dma_wait3A_422, %dma_wait3A_424, %dma_wait3A_425] : memref<2x4x128x32xf32, #tpu.memory_space<vmem>> -> memref<1x1x128x32xf32, #tpu.memory_space<vmem>>
        %dma_wait3A_427 = tpu.memref_squeeze %dma_wait3A_426 : memref<1x1x128x32xf32, #tpu.memory_space<vmem>> -> memref<128x32xf32, #tpu.memory_space<vmem>>
        %dma_wait3A_428 = arith.constant 0 : i32
        %dma_wait3A_429 = tpu.memref_slice %arg6[%dma_wait3A_423, %dma_wait3A_428] : memref<79x128xi32, #tpu.memory_space<vmem>> -> memref<1x128xi32, #tpu.memory_space<vmem>>
        %dma_wait3A_430 = tpu.memref_squeeze %dma_wait3A_429 : memref<1x128xi32, #tpu.memory_space<vmem>> -> memref<128xi32, #tpu.memory_space<vmem>>
        %dma_wait3A_431 = arith.constant 0 : i32
        %dma_wait3A_432 = arith.constant 0 : i32
        %dma_wait3A_433 = tpu.memref_slice %arg9[%dma_wait3A_431, %dma_wait3A_432] : memref<10112x32xf32, #tpu.memory_space<vmem_shared>> -> memref<10112x32xf32, #tpu.memory_space<vmem_shared>>
        tpu.wait_indirect_dma semaphore(%arg12 : memref<!tpu.dma_semaphore, #tpu.memory_space<semaphore_mem>>) src(%dma_wait3A_427 : memref<128x32xf32, #tpu.memory_space<vmem>>) dst(%dma_wait3A_433 : memref<10112x32xf32, #tpu.memory_space<vmem_shared>>)
        %dma_wait3A_434 = arith.constant 0 : i32
        %dma_wait3A_435 = arith.constant 1 : i32
        %dma_wait3A_436 = arith.constant 0 : i32
        %dma_wait3A_437 = arith.constant 0 : i32
        %dma_wait3A_438 = arith.constant 0 : i32
        %dma_wait3A_439 = tpu.memref_slice %arg7[%dma_wait3A_434, %dma_wait3A_435, %dma_wait3A_437, %dma_wait3A_438] : memref<2x4x128x32xf32, #tpu.memory_space<vmem>> -> memref<1x1x128x32xf32, #tpu.memory_space<vmem>>
        %dma_wait3A_440 = tpu.memref_squeeze %dma_wait3A_439 : memref<1x1x128x32xf32, #tpu.memory_space<vmem>> -> memref<128x32xf32, #tpu.memory_space<vmem>>
        %dma_wait3A_441 = arith.constant 0 : i32
        %dma_wait3A_442 = tpu.memref_slice %arg6[%dma_wait3A_436, %dma_wait3A_441] : memref<79x128xi32, #tpu.memory_space<vmem>> -> memref<1x128xi32, #tpu.memory_space<vmem>>
        %dma_wait3A_443 = tpu.memref_squeeze %dma_wait3A_442 : memref<1x128xi32, #tpu.memory_space<vmem>> -> memref<128xi32, #tpu.memory_space<vmem>>
        %dma_wait3A_444 = arith.constant 0 : i32
        %dma_wait3A_445 = arith.constant 0 : i32
        %dma_wait3A_446 = tpu.memref_slice %arg9[%dma_wait3A_444, %dma_wait3A_445] : memref<10112x32xf32, #tpu.memory_space<vmem_shared>> -> memref<10112x32xf32, #tpu.memory_space<vmem_shared>>
        tpu.wait_indirect_dma semaphore(%arg12 : memref<!tpu.dma_semaphore, #tpu.memory_space<semaphore_mem>>) src(%dma_wait3A_440 : memref<128x32xf32, #tpu.memory_space<vmem>>) dst(%dma_wait3A_446 : memref<10112x32xf32, #tpu.memory_space<vmem_shared>>)
        %dma_wait3A_447 = arith.constant 0 : i32
        %dma_wait3A_448 = arith.constant 2 : i32
        %dma_wait3A_449 = arith.constant 0 : i32
        %dma_wait3A_450 = arith.constant 0 : i32
        %dma_wait3A_451 = arith.constant 0 : i32
        %dma_wait3A_452 = tpu.memref_slice %arg7[%dma_wait3A_447, %dma_wait3A_448, %dma_wait3A_450, %dma_wait3A_451] : memref<2x4x128x32xf32, #tpu.memory_space<vmem>> -> memref<1x1x128x32xf32, #tpu.memory_space<vmem>>
        %dma_wait3A_453 = tpu.memref_squeeze %dma_wait3A_452 : memref<1x1x128x32xf32, #tpu.memory_space<vmem>> -> memref<128x32xf32, #tpu.memory_space<vmem>>
        %dma_wait3A_454 = arith.constant 0 : i32
        %dma_wait3A_455 = tpu.memref_slice %arg6[%dma_wait3A_449, %dma_wait3A_454] : memref<79x128xi32, #tpu.memory_space<vmem>> -> memref<1x128xi32, #tpu.memory_space<vmem>>
        %dma_wait3A_456 = tpu.memref_squeeze %dma_wait3A_455 : memref<1x128xi32, #tpu.memory_space<vmem>> -> memref<128xi32, #tpu.memory_space<vmem>>
        %dma_wait3A_457 = arith.constant 0 : i32
        %dma_wait3A_458 = arith.constant 0 : i32
        %dma_wait3A_459 = tpu.memref_slice %arg9[%dma_wait3A_457, %dma_wait3A_458] : memref<10112x32xf32, #tpu.memory_space<vmem_shared>> -> memref<10112x32xf32, #tpu.memory_space<vmem_shared>>
        tpu.wait_indirect_dma semaphore(%arg12 : memref<!tpu.dma_semaphore, #tpu.memory_space<semaphore_mem>>) src(%dma_wait3A_453 : memref<128x32xf32, #tpu.memory_space<vmem>>) dst(%dma_wait3A_459 : memref<10112x32xf32, #tpu.memory_space<vmem_shared>>)
        %dma_wait3A_460 = arith.constant 0 : i32
        %dma_wait3A_461 = arith.constant 3 : i32
        %dma_wait3A_462 = arith.constant 0 : i32
        %dma_wait3A_463 = arith.constant 0 : i32
        %dma_wait3A_464 = arith.constant 0 : i32
        %dma_wait3A_465 = tpu.memref_slice %arg7[%dma_wait3A_460, %dma_wait3A_461, %dma_wait3A_463, %dma_wait3A_464] : memref<2x4x128x32xf32, #tpu.memory_space<vmem>> -> memref<1x1x128x32xf32, #tpu.memory_space<vmem>>
        %dma_wait3A_466 = tpu.memref_squeeze %dma_wait3A_465 : memref<1x1x128x32xf32, #tpu.memory_space<vmem>> -> memref<128x32xf32, #tpu.memory_space<vmem>>
        %dma_wait3A_467 = arith.constant 0 : i32
        %dma_wait3A_468 = tpu.memref_slice %arg6[%dma_wait3A_462, %dma_wait3A_467] : memref<79x128xi32, #tpu.memory_space<vmem>> -> memref<1x128xi32, #tpu.memory_space<vmem>>
        %dma_wait3A_469 = tpu.memref_squeeze %dma_wait3A_468 : memref<1x128xi32, #tpu.memory_space<vmem>> -> memref<128xi32, #tpu.memory_space<vmem>>
        %dma_wait3A_470 = arith.constant 0 : i32
        %dma_wait3A_471 = arith.constant 0 : i32
        %dma_wait3A_472 = tpu.memref_slice %arg9[%dma_wait3A_470, %dma_wait3A_471] : memref<10112x32xf32, #tpu.memory_space<vmem_shared>> -> memref<10112x32xf32, #tpu.memory_space<vmem_shared>>
        tpu.wait_indirect_dma semaphore(%arg12 : memref<!tpu.dma_semaphore, #tpu.memory_space<semaphore_mem>>) src(%dma_wait3A_466 : memref<128x32xf32, #tpu.memory_space<vmem>>) dst(%dma_wait3A_472 : memref<10112x32xf32, #tpu.memory_space<vmem_shared>>)
      } else {
      }
      %add3A_92 = arith.constant 0 : i32
      %add3A_93 = arith.addi %mul3A_87, %add3A_92 : i32
      %dma_start3A = arith.constant 0 : i32
      %dma_start3A_94 = arith.constant 0 : i32
      %dma_start3A_95 = arith.constant 0 : i32
      %dma_start3A_96 = arith.constant 0 : i32
      %dma_start3A_97 = tpu.memref_slice %arg7[%dma_start3A, %dma_start3A_94, %dma_start3A_95, %dma_start3A_96] : memref<2x4x128x32xf32, #tpu.memory_space<vmem>> -> memref<1x1x128x32xf32, #tpu.memory_space<vmem>>
      %dma_start3A_98 = tpu.memref_squeeze %dma_start3A_97 : memref<1x1x128x32xf32, #tpu.memory_space<vmem>> -> memref<128x32xf32, #tpu.memory_space<vmem>>
      %dma_start3A_99 = arith.constant 0 : i32
      %dma_start3A_100 = tpu.memref_slice %arg5[%add3A_93, %dma_start3A_99] : memref<79x128xi32, #tpu.memory_space<vmem>> -> memref<1x128xi32, #tpu.memory_space<vmem>>
      %dma_start3A_101 = tpu.memref_squeeze %dma_start3A_100 : memref<1x128xi32, #tpu.memory_space<vmem>> -> memref<128xi32, #tpu.memory_space<vmem>>
      %dma_start3A_102 = arith.constant 0 : i32
      %dma_start3A_103 = arith.constant 0 : i32
      %dma_start3A_104 = tpu.memref_slice %arg10[%dma_start3A_102, %dma_start3A_103] : memref<10112x32xf32, #tpu.memory_space<vmem_shared>> -> memref<10112x32xf32, #tpu.memory_space<vmem_shared>>
      tpu.enqueue_indirect_dma source(%dma_start3A_104 : memref<10112x32xf32, #tpu.memory_space<vmem_shared>>) target(%dma_start3A_98 : memref<128x32xf32, #tpu.memory_space<vmem>>) offsets(%dma_start3A_101 : memref<128xi32, #tpu.memory_space<vmem>>) semaphore(%arg11 : memref<!tpu.dma_semaphore, #tpu.memory_space<semaphore_mem>>)
      %add3A_105 = arith.constant 1 : i32
      %add3A_106 = arith.addi %mul3A_87, %add3A_105 : i32
      %dma_start3A_107 = arith.constant 0 : i32
      %dma_start3A_108 = arith.constant 1 : i32
      %dma_start3A_109 = arith.constant 0 : i32
      %dma_start3A_110 = arith.constant 0 : i32
      %dma_start3A_111 = tpu.memref_slice %arg7[%dma_start3A_107, %dma_start3A_108, %dma_start3A_109, %dma_start3A_110] : memref<2x4x128x32xf32, #tpu.memory_space<vmem>> -> memref<1x1x128x32xf32, #tpu.memory_space<vmem>>
      %dma_start3A_112 = tpu.memref_squeeze %dma_start3A_111 : memref<1x1x128x32xf32, #tpu.memory_space<vmem>> -> memref<128x32xf32, #tpu.memory_space<vmem>>
      %dma_start3A_113 = arith.constant 0 : i32
      %dma_start3A_114 = tpu.memref_slice %arg5[%add3A_106, %dma_start3A_113] : memref<79x128xi32, #tpu.memory_space<vmem>> -> memref<1x128xi32, #tpu.memory_space<vmem>>
      %dma_start3A_115 = tpu.memref_squeeze %dma_start3A_114 : memref<1x128xi32, #tpu.memory_space<vmem>> -> memref<128xi32, #tpu.memory_space<vmem>>
      %dma_start3A_116 = arith.constant 0 : i32
      %dma_start3A_117 = arith.constant 0 : i32
      %dma_start3A_118 = tpu.memref_slice %arg10[%dma_start3A_116, %dma_start3A_117] : memref<10112x32xf32, #tpu.memory_space<vmem_shared>> -> memref<10112x32xf32, #tpu.memory_space<vmem_shared>>
      tpu.enqueue_indirect_dma source(%dma_start3A_118 : memref<10112x32xf32, #tpu.memory_space<vmem_shared>>) target(%dma_start3A_112 : memref<128x32xf32, #tpu.memory_space<vmem>>) offsets(%dma_start3A_115 : memref<128xi32, #tpu.memory_space<vmem>>) semaphore(%arg11 : memref<!tpu.dma_semaphore, #tpu.memory_space<semaphore_mem>>)
      %add3A_119 = arith.constant 2 : i32
      %add3A_120 = arith.addi %mul3A_87, %add3A_119 : i32
      %dma_start3A_121 = arith.constant 0 : i32
      %dma_start3A_122 = arith.constant 2 : i32
      %dma_start3A_123 = arith.constant 0 : i32
      %dma_start3A_124 = arith.constant 0 : i32
      %dma_start3A_125 = tpu.memref_slice %arg7[%dma_start3A_121, %dma_start3A_122, %dma_start3A_123, %dma_start3A_124] : memref<2x4x128x32xf32, #tpu.memory_space<vmem>> -> memref<1x1x128x32xf32, #tpu.memory_space<vmem>>
      %dma_start3A_126 = tpu.memref_squeeze %dma_start3A_125 : memref<1x1x128x32xf32, #tpu.memory_space<vmem>> -> memref<128x32xf32, #tpu.memory_space<vmem>>
      %dma_start3A_127 = arith.constant 0 : i32
      %dma_start3A_128 = tpu.memref_slice %arg5[%add3A_120, %dma_start3A_127] : memref<79x128xi32, #tpu.memory_space<vmem>> -> memref<1x128xi32, #tpu.memory_space<vmem>>
      %dma_start3A_129 = tpu.memref_squeeze %dma_start3A_128 : memref<1x128xi32, #tpu.memory_space<vmem>> -> memref<128xi32, #tpu.memory_space<vmem>>
      %dma_start3A_130 = arith.constant 0 : i32
      %dma_start3A_131 = arith.constant 0 : i32
      %dma_start3A_132 = tpu.memref_slice %arg10[%dma_start3A_130, %dma_start3A_131] : memref<10112x32xf32, #tpu.memory_space<vmem_shared>> -> memref<10112x32xf32, #tpu.memory_space<vmem_shared>>
      tpu.enqueue_indirect_dma source(%dma_start3A_132 : memref<10112x32xf32, #tpu.memory_space<vmem_shared>>) target(%dma_start3A_126 : memref<128x32xf32, #tpu.memory_space<vmem>>) offsets(%dma_start3A_129 : memref<128xi32, #tpu.memory_space<vmem>>) semaphore(%arg11 : memref<!tpu.dma_semaphore, #tpu.memory_space<semaphore_mem>>)
      %add3A_133 = arith.constant 3 : i32
      %add3A_134 = arith.addi %mul3A_87, %add3A_133 : i32
      %dma_start3A_135 = arith.constant 0 : i32
      %dma_start3A_136 = arith.constant 3 : i32
      %dma_start3A_137 = arith.constant 0 : i32
      %dma_start3A_138 = arith.constant 0 : i32
      %dma_start3A_139 = tpu.memref_slice %arg7[%dma_start3A_135, %dma_start3A_136, %dma_start3A_137, %dma_start3A_138] : memref<2x4x128x32xf32, #tpu.memory_space<vmem>> -> memref<1x1x128x32xf32, #tpu.memory_space<vmem>>
      %dma_start3A_140 = tpu.memref_squeeze %dma_start3A_139 : memref<1x1x128x32xf32, #tpu.memory_space<vmem>> -> memref<128x32xf32, #tpu.memory_space<vmem>>
      %dma_start3A_141 = arith.constant 0 : i32
      %dma_start3A_142 = tpu.memref_slice %arg5[%add3A_134, %dma_start3A_141] : memref<79x128xi32, #tpu.memory_space<vmem>> -> memref<1x128xi32, #tpu.memory_space<vmem>>
      %dma_start3A_143 = tpu.memref_squeeze %dma_start3A_142 : memref<1x128xi32, #tpu.memory_space<vmem>> -> memref<128xi32, #tpu.memory_space<vmem>>
      %dma_start3A_144 = arith.constant 0 : i32
      %dma_start3A_145 = arith.constant 0 : i32
      %dma_start3A_146 = tpu.memref_slice %arg10[%dma_start3A_144, %dma_start3A_145] : memref<10112x32xf32, #tpu.memory_space<vmem_shared>> -> memref<10112x32xf32, #tpu.memory_space<vmem_shared>>
      tpu.enqueue_indirect_dma source(%dma_start3A_146 : memref<10112x32xf32, #tpu.memory_space<vmem_shared>>) target(%dma_start3A_140 : memref<128x32xf32, #tpu.memory_space<vmem>>) offsets(%dma_start3A_143 : memref<128xi32, #tpu.memory_space<vmem>>) semaphore(%arg11 : memref<!tpu.dma_semaphore, #tpu.memory_space<semaphore_mem>>)
      %dma_wait3A = arith.constant 0 : i32
      %dma_wait3A_147 = arith.constant 0 : i32
      %dma_wait3A_148 = arith.constant 0 : i32
      %dma_wait3A_149 = arith.constant 0 : i32
      %dma_wait3A_150 = tpu.memref_slice %arg7[%dma_wait3A, %dma_wait3A_147, %dma_wait3A_148, %dma_wait3A_149] : memref<2x4x128x32xf32, #tpu.memory_space<vmem>> -> memref<1x1x128x32xf32, #tpu.memory_space<vmem>>
      %dma_wait3A_151 = tpu.memref_squeeze %dma_wait3A_150 : memref<1x1x128x32xf32, #tpu.memory_space<vmem>> -> memref<128x32xf32, #tpu.memory_space<vmem>>
      %dma_wait3A_152 = arith.constant 0 : i32
      %dma_wait3A_153 = tpu.memref_slice %arg5[%add3A_93, %dma_wait3A_152] : memref<79x128xi32, #tpu.memory_space<vmem>> -> memref<1x128xi32, #tpu.memory_space<vmem>>
      %dma_wait3A_154 = tpu.memref_squeeze %dma_wait3A_153 : memref<1x128xi32, #tpu.memory_space<vmem>> -> memref<128xi32, #tpu.memory_space<vmem>>
      %dma_wait3A_155 = arith.constant 0 : i32
      %dma_wait3A_156 = arith.constant 0 : i32
      %dma_wait3A_157 = tpu.memref_slice %arg10[%dma_wait3A_155, %dma_wait3A_156] : memref<10112x32xf32, #tpu.memory_space<vmem_shared>> -> memref<10112x32xf32, #tpu.memory_space<vmem_shared>>
      tpu.wait_indirect_dma semaphore(%arg11 : memref<!tpu.dma_semaphore, #tpu.memory_space<semaphore_mem>>) src(%dma_wait3A_157 : memref<10112x32xf32, #tpu.memory_space<vmem_shared>>) dst(%dma_wait3A_151 : memref<128x32xf32, #tpu.memory_space<vmem>>)
      %dma_wait3A_158 = arith.constant 0 : i32
      %dma_wait3A_159 = arith.constant 1 : i32
      %dma_wait3A_160 = arith.constant 0 : i32
      %dma_wait3A_161 = arith.constant 0 : i32
      %dma_wait3A_162 = tpu.memref_slice %arg7[%dma_wait3A_158, %dma_wait3A_159, %dma_wait3A_160, %dma_wait3A_161] : memref<2x4x128x32xf32, #tpu.memory_space<vmem>> -> memref<1x1x128x32xf32, #tpu.memory_space<vmem>>
      %dma_wait3A_163 = tpu.memref_squeeze %dma_wait3A_162 : memref<1x1x128x32xf32, #tpu.memory_space<vmem>> -> memref<128x32xf32, #tpu.memory_space<vmem>>
      %dma_wait3A_164 = arith.constant 0 : i32
      %dma_wait3A_165 = tpu.memref_slice %arg5[%add3A_106, %dma_wait3A_164] : memref<79x128xi32, #tpu.memory_space<vmem>> -> memref<1x128xi32, #tpu.memory_space<vmem>>
      %dma_wait3A_166 = tpu.memref_squeeze %dma_wait3A_165 : memref<1x128xi32, #tpu.memory_space<vmem>> -> memref<128xi32, #tpu.memory_space<vmem>>
      %dma_wait3A_167 = arith.constant 0 : i32
      %dma_wait3A_168 = arith.constant 0 : i32
      %dma_wait3A_169 = tpu.memref_slice %arg10[%dma_wait3A_167, %dma_wait3A_168] : memref<10112x32xf32, #tpu.memory_space<vmem_shared>> -> memref<10112x32xf32, #tpu.memory_space<vmem_shared>>
      tpu.wait_indirect_dma semaphore(%arg11 : memref<!tpu.dma_semaphore, #tpu.memory_space<semaphore_mem>>) src(%dma_wait3A_169 : memref<10112x32xf32, #tpu.memory_space<vmem_shared>>) dst(%dma_wait3A_163 : memref<128x32xf32, #tpu.memory_space<vmem>>)
      %dma_wait3A_170 = arith.constant 0 : i32
      %dma_wait3A_171 = arith.constant 2 : i32
      %dma_wait3A_172 = arith.constant 0 : i32
      %dma_wait3A_173 = arith.constant 0 : i32
      %dma_wait3A_174 = tpu.memref_slice %arg7[%dma_wait3A_170, %dma_wait3A_171, %dma_wait3A_172, %dma_wait3A_173] : memref<2x4x128x32xf32, #tpu.memory_space<vmem>> -> memref<1x1x128x32xf32, #tpu.memory_space<vmem>>
      %dma_wait3A_175 = tpu.memref_squeeze %dma_wait3A_174 : memref<1x1x128x32xf32, #tpu.memory_space<vmem>> -> memref<128x32xf32, #tpu.memory_space<vmem>>
      %dma_wait3A_176 = arith.constant 0 : i32
      %dma_wait3A_177 = tpu.memref_slice %arg5[%add3A_120, %dma_wait3A_176] : memref<79x128xi32, #tpu.memory_space<vmem>> -> memref<1x128xi32, #tpu.memory_space<vmem>>
      %dma_wait3A_178 = tpu.memref_squeeze %dma_wait3A_177 : memref<1x128xi32, #tpu.memory_space<vmem>> -> memref<128xi32, #tpu.memory_space<vmem>>
      %dma_wait3A_179 = arith.constant 0 : i32
      %dma_wait3A_180 = arith.constant 0 : i32
      %dma_wait3A_181 = tpu.memref_slice %arg10[%dma_wait3A_179, %dma_wait3A_180] : memref<10112x32xf32, #tpu.memory_space<vmem_shared>> -> memref<10112x32xf32, #tpu.memory_space<vmem_shared>>
      tpu.wait_indirect_dma semaphore(%arg11 : memref<!tpu.dma_semaphore, #tpu.memory_space<semaphore_mem>>) src(%dma_wait3A_181 : memref<10112x32xf32, #tpu.memory_space<vmem_shared>>) dst(%dma_wait3A_175 : memref<128x32xf32, #tpu.memory_space<vmem>>)
      %dma_wait3A_182 = arith.constant 0 : i32
      %dma_wait3A_183 = arith.constant 3 : i32
      %dma_wait3A_184 = arith.constant 0 : i32
      %dma_wait3A_185 = arith.constant 0 : i32
      %dma_wait3A_186 = tpu.memref_slice %arg7[%dma_wait3A_182, %dma_wait3A_183, %dma_wait3A_184, %dma_wait3A_185] : memref<2x4x128x32xf32, #tpu.memory_space<vmem>> -> memref<1x1x128x32xf32, #tpu.memory_space<vmem>>
      %dma_wait3A_187 = tpu.memref_squeeze %dma_wait3A_186 : memref<1x1x128x32xf32, #tpu.memory_space<vmem>> -> memref<128x32xf32, #tpu.memory_space<vmem>>
      %dma_wait3A_188 = arith.constant 0 : i32
      %dma_wait3A_189 = tpu.memref_slice %arg5[%add3A_134, %dma_wait3A_188] : memref<79x128xi32, #tpu.memory_space<vmem>> -> memref<1x128xi32, #tpu.memory_space<vmem>>
      %dma_wait3A_190 = tpu.memref_squeeze %dma_wait3A_189 : memref<1x128xi32, #tpu.memory_space<vmem>> -> memref<128xi32, #tpu.memory_space<vmem>>
      %dma_wait3A_191 = arith.constant 0 : i32
      %dma_wait3A_192 = arith.constant 0 : i32
      %dma_wait3A_193 = tpu.memref_slice %arg10[%dma_wait3A_191, %dma_wait3A_192] : memref<10112x32xf32, #tpu.memory_space<vmem_shared>> -> memref<10112x32xf32, #tpu.memory_space<vmem_shared>>
      tpu.wait_indirect_dma semaphore(%arg11 : memref<!tpu.dma_semaphore, #tpu.memory_space<semaphore_mem>>) src(%dma_wait3A_193 : memref<10112x32xf32, #tpu.memory_space<vmem_shared>>) dst(%dma_wait3A_187 : memref<128x32xf32, #tpu.memory_space<vmem>>)
      %add3A_194 = arith.constant 0 : i32
      %add3A_195 = arith.addi %mul3A_87, %add3A_194 : i32
      %dma_start3A_196 = arith.constant 0 : i32
      %dma_start3A_197 = arith.constant 0 : i32
      %dma_start3A_198 = arith.constant 0 : i32
      %dma_start3A_199 = arith.constant 0 : i32
      %dma_start3A_200 = tpu.memref_slice %arg7[%dma_start3A_196, %dma_start3A_197, %dma_start3A_198, %dma_start3A_199] : memref<2x4x128x32xf32, #tpu.memory_space<vmem>> -> memref<1x1x128x32xf32, #tpu.memory_space<vmem>>
      %dma_start3A_201 = tpu.memref_squeeze %dma_start3A_200 : memref<1x1x128x32xf32, #tpu.memory_space<vmem>> -> memref<128x32xf32, #tpu.memory_space<vmem>>
      %dma_start3A_202 = arith.constant 0 : i32
      %dma_start3A_203 = tpu.memref_slice %arg6[%add3A_195, %dma_start3A_202] : memref<79x128xi32, #tpu.memory_space<vmem>> -> memref<1x128xi32, #tpu.memory_space<vmem>>
      %dma_start3A_204 = tpu.memref_squeeze %dma_start3A_203 : memref<1x128xi32, #tpu.memory_space<vmem>> -> memref<128xi32, #tpu.memory_space<vmem>>
      %dma_start3A_205 = arith.constant 0 : i32
      %dma_start3A_206 = arith.constant 0 : i32
      %dma_start3A_207 = tpu.memref_slice %arg9[%dma_start3A_205, %dma_start3A_206] : memref<10112x32xf32, #tpu.memory_space<vmem_shared>> -> memref<10112x32xf32, #tpu.memory_space<vmem_shared>>
      tpu.enqueue_indirect_dma source(%dma_start3A_201 : memref<128x32xf32, #tpu.memory_space<vmem>>) target(%dma_start3A_207 : memref<10112x32xf32, #tpu.memory_space<vmem_shared>>) offsets(%dma_start3A_204 : memref<128xi32, #tpu.memory_space<vmem>>) semaphore(%arg12 : memref<!tpu.dma_semaphore, #tpu.memory_space<semaphore_mem>>) {add = true}
      %add3A_208 = arith.constant 1 : i32
      %add3A_209 = arith.addi %mul3A_87, %add3A_208 : i32
      %dma_start3A_210 = arith.constant 0 : i32
      %dma_start3A_211 = arith.constant 1 : i32
      %dma_start3A_212 = arith.constant 0 : i32
      %dma_start3A_213 = arith.constant 0 : i32
      %dma_start3A_214 = tpu.memref_slice %arg7[%dma_start3A_210, %dma_start3A_211, %dma_start3A_212, %dma_start3A_213] : memref<2x4x128x32xf32, #tpu.memory_space<vmem>> -> memref<1x1x128x32xf32, #tpu.memory_space<vmem>>
      %dma_start3A_215 = tpu.memref_squeeze %dma_start3A_214 : memref<1x1x128x32xf32, #tpu.memory_space<vmem>> -> memref<128x32xf32, #tpu.memory_space<vmem>>
      %dma_start3A_216 = arith.constant 0 : i32
      %dma_start3A_217 = tpu.memref_slice %arg6[%add3A_209, %dma_start3A_216] : memref<79x128xi32, #tpu.memory_space<vmem>> -> memref<1x128xi32, #tpu.memory_space<vmem>>
      %dma_start3A_218 = tpu.memref_squeeze %dma_start3A_217 : memref<1x128xi32, #tpu.memory_space<vmem>> -> memref<128xi32, #tpu.memory_space<vmem>>
      %dma_start3A_219 = arith.constant 0 : i32
      %dma_start3A_220 = arith.constant 0 : i32
      %dma_start3A_221 = tpu.memref_slice %arg9[%dma_start3A_219, %dma_start3A_220] : memref<10112x32xf32, #tpu.memory_space<vmem_shared>> -> memref<10112x32xf32, #tpu.memory_space<vmem_shared>>
      tpu.enqueue_indirect_dma source(%dma_start3A_215 : memref<128x32xf32, #tpu.memory_space<vmem>>) target(%dma_start3A_221 : memref<10112x32xf32, #tpu.memory_space<vmem_shared>>) offsets(%dma_start3A_218 : memref<128xi32, #tpu.memory_space<vmem>>) semaphore(%arg12 : memref<!tpu.dma_semaphore, #tpu.memory_space<semaphore_mem>>) {add = true}
      %add3A_222 = arith.constant 2 : i32
      %add3A_223 = arith.addi %mul3A_87, %add3A_222 : i32
      %dma_start3A_224 = arith.constant 0 : i32
      %dma_start3A_225 = arith.constant 2 : i32
      %dma_start3A_226 = arith.constant 0 : i32
      %dma_start3A_227 = arith.constant 0 : i32
      %dma_start3A_228 = tpu.memref_slice %arg7[%dma_start3A_224, %dma_start3A_225, %dma_start3A_226, %dma_start3A_227] : memref<2x4x128x32xf32, #tpu.memory_space<vmem>> -> memref<1x1x128x32xf32, #tpu.memory_space<vmem>>
      %dma_start3A_229 = tpu.memref_squeeze %dma_start3A_228 : memref<1x1x128x32xf32, #tpu.memory_space<vmem>> -> memref<128x32xf32, #tpu.memory_space<vmem>>
      %dma_start3A_230 = arith.constant 0 : i32
      %dma_start3A_231 = tpu.memref_slice %arg6[%add3A_223, %dma_start3A_230] : memref<79x128xi32, #tpu.memory_space<vmem>> -> memref<1x128xi32, #tpu.memory_space<vmem>>
      %dma_start3A_232 = tpu.memref_squeeze %dma_start3A_231 : memref<1x128xi32, #tpu.memory_space<vmem>> -> memref<128xi32, #tpu.memory_space<vmem>>
      %dma_start3A_233 = arith.constant 0 : i32
      %dma_start3A_234 = arith.constant 0 : i32
      %dma_start3A_235 = tpu.memref_slice %arg9[%dma_start3A_233, %dma_start3A_234] : memref<10112x32xf32, #tpu.memory_space<vmem_shared>> -> memref<10112x32xf32, #tpu.memory_space<vmem_shared>>
      tpu.enqueue_indirect_dma source(%dma_start3A_229 : memref<128x32xf32, #tpu.memory_space<vmem>>) target(%dma_start3A_235 : memref<10112x32xf32, #tpu.memory_space<vmem_shared>>) offsets(%dma_start3A_232 : memref<128xi32, #tpu.memory_space<vmem>>) semaphore(%arg12 : memref<!tpu.dma_semaphore, #tpu.memory_space<semaphore_mem>>) {add = true}
      %add3A_236 = arith.constant 3 : i32
      %add3A_237 = arith.addi %mul3A_87, %add3A_236 : i32
      %dma_start3A_238 = arith.constant 0 : i32
      %dma_start3A_239 = arith.constant 3 : i32
      %dma_start3A_240 = arith.constant 0 : i32
      %dma_start3A_241 = arith.constant 0 : i32
      %dma_start3A_242 = tpu.memref_slice %arg7[%dma_start3A_238, %dma_start3A_239, %dma_start3A_240, %dma_start3A_241] : memref<2x4x128x32xf32, #tpu.memory_space<vmem>> -> memref<1x1x128x32xf32, #tpu.memory_space<vmem>>
      %dma_start3A_243 = tpu.memref_squeeze %dma_start3A_242 : memref<1x1x128x32xf32, #tpu.memory_space<vmem>> -> memref<128x32xf32, #tpu.memory_space<vmem>>
      %dma_start3A_244 = arith.constant 0 : i32
      %dma_start3A_245 = tpu.memref_slice %arg6[%add3A_237, %dma_start3A_244] : memref<79x128xi32, #tpu.memory_space<vmem>> -> memref<1x128xi32, #tpu.memory_space<vmem>>
      %dma_start3A_246 = tpu.memref_squeeze %dma_start3A_245 : memref<1x128xi32, #tpu.memory_space<vmem>> -> memref<128xi32, #tpu.memory_space<vmem>>
      %dma_start3A_247 = arith.constant 0 : i32
      %dma_start3A_248 = arith.constant 0 : i32
      %dma_start3A_249 = tpu.memref_slice %arg9[%dma_start3A_247, %dma_start3A_248] : memref<10112x32xf32, #tpu.memory_space<vmem_shared>> -> memref<10112x32xf32, #tpu.memory_space<vmem_shared>>
      tpu.enqueue_indirect_dma source(%dma_start3A_243 : memref<128x32xf32, #tpu.memory_space<vmem>>) target(%dma_start3A_249 : memref<10112x32xf32, #tpu.memory_space<vmem_shared>>) offsets(%dma_start3A_246 : memref<128xi32, #tpu.memory_space<vmem>>) semaphore(%arg12 : memref<!tpu.dma_semaphore, #tpu.memory_space<semaphore_mem>>) {add = true}
      %mul3A_250 = arith.constant 2 : i32
      %mul3A_251 = arith.muli %mul3A_250, %while3A_81 : i32
      %add3A_252 = arith.constant 1 : i32
      %add3A_253 = arith.addi %mul3A_251, %add3A_252 : i32
      %mul3A_254 = arith.constant 4 : i32
      %mul3A_255 = arith.muli %add3A_253, %mul3A_254 : i32
      %ge3A_256 = arith.constant 1 : i32
      %ge3A_257 = arith.cmpi sge, %while3A_81, %ge3A_256 : i32
      %convert_element_type3A_258 = arith.extui %ge3A_257 : i1 to i32
      %cond3A_259 = arith.constant 0 : i32
      %cond3A_260 = arith.cmpi ne, %convert_element_type3A_258, %cond3A_259 : i32
      scf.if %cond3A_260 {
        %dma_wait3A_421 = arith.constant 1 : i32
        %dma_wait3A_422 = arith.constant 0 : i32
        %dma_wait3A_423 = arith.constant 0 : i32
        %dma_wait3A_424 = arith.constant 0 : i32
        %dma_wait3A_425 = arith.constant 0 : i32
        %dma_wait3A_426 = tpu.memref_slice %arg7[%dma_wait3A_421, %dma_wait3A_422, %dma_wait3A_424, %dma_wait3A_425] : memref<2x4x128x32xf32, #tpu.memory_space<vmem>> -> memref<1x1x128x32xf32, #tpu.memory_space<vmem>>
        %dma_wait3A_427 = tpu.memref_squeeze %dma_wait3A_426 : memref<1x1x128x32xf32, #tpu.memory_space<vmem>> -> memref<128x32xf32, #tpu.memory_space<vmem>>
        %dma_wait3A_428 = arith.constant 0 : i32
        %dma_wait3A_429 = tpu.memref_slice %arg6[%dma_wait3A_423, %dma_wait3A_428] : memref<79x128xi32, #tpu.memory_space<vmem>> -> memref<1x128xi32, #tpu.memory_space<vmem>>
        %dma_wait3A_430 = tpu.memref_squeeze %dma_wait3A_429 : memref<1x128xi32, #tpu.memory_space<vmem>> -> memref<128xi32, #tpu.memory_space<vmem>>
        %dma_wait3A_431 = arith.constant 0 : i32
        %dma_wait3A_432 = arith.constant 0 : i32
        %dma_wait3A_433 = tpu.memref_slice %arg9[%dma_wait3A_431, %dma_wait3A_432] : memref<10112x32xf32, #tpu.memory_space<vmem_shared>> -> memref<10112x32xf32, #tpu.memory_space<vmem_shared>>
        tpu.wait_indirect_dma semaphore(%arg13 : memref<!tpu.dma_semaphore, #tpu.memory_space<semaphore_mem>>) src(%dma_wait3A_427 : memref<128x32xf32, #tpu.memory_space<vmem>>) dst(%dma_wait3A_433 : memref<10112x32xf32, #tpu.memory_space<vmem_shared>>)
        %dma_wait3A_434 = arith.constant 1 : i32
        %dma_wait3A_435 = arith.constant 1 : i32
        %dma_wait3A_436 = arith.constant 0 : i32
        %dma_wait3A_437 = arith.constant 0 : i32
        %dma_wait3A_438 = arith.constant 0 : i32
        %dma_wait3A_439 = tpu.memref_slice %arg7[%dma_wait3A_434, %dma_wait3A_435, %dma_wait3A_437, %dma_wait3A_438] : memref<2x4x128x32xf32, #tpu.memory_space<vmem>> -> memref<1x1x128x32xf32, #tpu.memory_space<vmem>>
        %dma_wait3A_440 = tpu.memref_squeeze %dma_wait3A_439 : memref<1x1x128x32xf32, #tpu.memory_space<vmem>> -> memref<128x32xf32, #tpu.memory_space<vmem>>
        %dma_wait3A_441 = arith.constant 0 : i32
        %dma_wait3A_442 = tpu.memref_slice %arg6[%dma_wait3A_436, %dma_wait3A_441] : memref<79x128xi32, #tpu.memory_space<vmem>> -> memref<1x128xi32, #tpu.memory_space<vmem>>
        %dma_wait3A_443 = tpu.memref_squeeze %dma_wait3A_442 : memref<1x128xi32, #tpu.memory_space<vmem>> -> memref<128xi32, #tpu.memory_space<vmem>>
        %dma_wait3A_444 = arith.constant 0 : i32
        %dma_wait3A_445 = arith.constant 0 : i32
        %dma_wait3A_446 = tpu.memref_slice %arg9[%dma_wait3A_444, %dma_wait3A_445] : memref<10112x32xf32, #tpu.memory_space<vmem_shared>> -> memref<10112x32xf32, #tpu.memory_space<vmem_shared>>
        tpu.wait_indirect_dma semaphore(%arg13 : memref<!tpu.dma_semaphore, #tpu.memory_space<semaphore_mem>>) src(%dma_wait3A_440 : memref<128x32xf32, #tpu.memory_space<vmem>>) dst(%dma_wait3A_446 : memref<10112x32xf32, #tpu.memory_space<vmem_shared>>)
        %dma_wait3A_447 = arith.constant 1 : i32
        %dma_wait3A_448 = arith.constant 2 : i32
        %dma_wait3A_449 = arith.constant 0 : i32
        %dma_wait3A_450 = arith.constant 0 : i32
        %dma_wait3A_451 = arith.constant 0 : i32
        %dma_wait3A_452 = tpu.memref_slice %arg7[%dma_wait3A_447, %dma_wait3A_448, %dma_wait3A_450, %dma_wait3A_451] : memref<2x4x128x32xf32, #tpu.memory_space<vmem>> -> memref<1x1x128x32xf32, #tpu.memory_space<vmem>>
        %dma_wait3A_453 = tpu.memref_squeeze %dma_wait3A_452 : memref<1x1x128x32xf32, #tpu.memory_space<vmem>> -> memref<128x32xf32, #tpu.memory_space<vmem>>
        %dma_wait3A_454 = arith.constant 0 : i32
        %dma_wait3A_455 = tpu.memref_slice %arg6[%dma_wait3A_449, %dma_wait3A_454] : memref<79x128xi32, #tpu.memory_space<vmem>> -> memref<1x128xi32, #tpu.memory_space<vmem>>
        %dma_wait3A_456 = tpu.memref_squeeze %dma_wait3A_455 : memref<1x128xi32, #tpu.memory_space<vmem>> -> memref<128xi32, #tpu.memory_space<vmem>>
        %dma_wait3A_457 = arith.constant 0 : i32
        %dma_wait3A_458 = arith.constant 0 : i32
        %dma_wait3A_459 = tpu.memref_slice %arg9[%dma_wait3A_457, %dma_wait3A_458] : memref<10112x32xf32, #tpu.memory_space<vmem_shared>> -> memref<10112x32xf32, #tpu.memory_space<vmem_shared>>
        tpu.wait_indirect_dma semaphore(%arg13 : memref<!tpu.dma_semaphore, #tpu.memory_space<semaphore_mem>>) src(%dma_wait3A_453 : memref<128x32xf32, #tpu.memory_space<vmem>>) dst(%dma_wait3A_459 : memref<10112x32xf32, #tpu.memory_space<vmem_shared>>)
        %dma_wait3A_460 = arith.constant 1 : i32
        %dma_wait3A_461 = arith.constant 3 : i32
        %dma_wait3A_462 = arith.constant 0 : i32
        %dma_wait3A_463 = arith.constant 0 : i32
        %dma_wait3A_464 = arith.constant 0 : i32
        %dma_wait3A_465 = tpu.memref_slice %arg7[%dma_wait3A_460, %dma_wait3A_461, %dma_wait3A_463, %dma_wait3A_464] : memref<2x4x128x32xf32, #tpu.memory_space<vmem>> -> memref<1x1x128x32xf32, #tpu.memory_space<vmem>>
        %dma_wait3A_466 = tpu.memref_squeeze %dma_wait3A_465 : memref<1x1x128x32xf32, #tpu.memory_space<vmem>> -> memref<128x32xf32, #tpu.memory_space<vmem>>
        %dma_wait3A_467 = arith.constant 0 : i32
        %dma_wait3A_468 = tpu.memref_slice %arg6[%dma_wait3A_462, %dma_wait3A_467] : memref<79x128xi32, #tpu.memory_space<vmem>> -> memref<1x128xi32, #tpu.memory_space<vmem>>
        %dma_wait3A_469 = tpu.memref_squeeze %dma_wait3A_468 : memref<1x128xi32, #tpu.memory_space<vmem>> -> memref<128xi32, #tpu.memory_space<vmem>>
        %dma_wait3A_470 = arith.constant 0 : i32
        %dma_wait3A_471 = arith.constant 0 : i32
        %dma_wait3A_472 = tpu.memref_slice %arg9[%dma_wait3A_470, %dma_wait3A_471] : memref<10112x32xf32, #tpu.memory_space<vmem_shared>> -> memref<10112x32xf32, #tpu.memory_space<vmem_shared>>
        tpu.wait_indirect_dma semaphore(%arg13 : memref<!tpu.dma_semaphore, #tpu.memory_space<semaphore_mem>>) src(%dma_wait3A_466 : memref<128x32xf32, #tpu.memory_space<vmem>>) dst(%dma_wait3A_472 : memref<10112x32xf32, #tpu.memory_space<vmem_shared>>)
      } else {
      }
      %add3A_261 = arith.constant 0 : i32
      %add3A_262 = arith.addi %mul3A_255, %add3A_261 : i32
      %dma_start3A_263 = arith.constant 1 : i32
      %dma_start3A_264 = arith.constant 0 : i32
      %dma_start3A_265 = arith.constant 0 : i32
      %dma_start3A_266 = arith.constant 0 : i32
      %dma_start3A_267 = tpu.memref_slice %arg7[%dma_start3A_263, %dma_start3A_264, %dma_start3A_265, %dma_start3A_266] : memref<2x4x128x32xf32, #tpu.memory_space<vmem>> -> memref<1x1x128x32xf32, #tpu.memory_space<vmem>>
      %dma_start3A_268 = tpu.memref_squeeze %dma_start3A_267 : memref<1x1x128x32xf32, #tpu.memory_space<vmem>> -> memref<128x32xf32, #tpu.memory_space<vmem>>
      %dma_start3A_269 = arith.constant 0 : i32
      %dma_start3A_270 = tpu.memref_slice %arg5[%add3A_262, %dma_start3A_269] : memref<79x128xi32, #tpu.memory_space<vmem>> -> memref<1x128xi32, #tpu.memory_space<vmem>>
      %dma_start3A_271 = tpu.memref_squeeze %dma_start3A_270 : memref<1x128xi32, #tpu.memory_space<vmem>> -> memref<128xi32, #tpu.memory_space<vmem>>
      %dma_start3A_272 = arith.constant 0 : i32
      %dma_start3A_273 = arith.constant 0 : i32
      %dma_start3A_274 = tpu.memref_slice %arg10[%dma_start3A_272, %dma_start3A_273] : memref<10112x32xf32, #tpu.memory_space<vmem_shared>> -> memref<10112x32xf32, #tpu.memory_space<vmem_shared>>
      tpu.enqueue_indirect_dma source(%dma_start3A_274 : memref<10112x32xf32, #tpu.memory_space<vmem_shared>>) target(%dma_start3A_268 : memref<128x32xf32, #tpu.memory_space<vmem>>) offsets(%dma_start3A_271 : memref<128xi32, #tpu.memory_space<vmem>>) semaphore(%arg11 : memref<!tpu.dma_semaphore, #tpu.memory_space<semaphore_mem>>)
      %add3A_275 = arith.constant 1 : i32
      %add3A_276 = arith.addi %mul3A_255, %add3A_275 : i32
      %dma_start3A_277 = arith.constant 1 : i32
      %dma_start3A_278 = arith.constant 1 : i32
      %dma_start3A_279 = arith.constant 0 : i32
      %dma_start3A_280 = arith.constant 0 : i32
      %dma_start3A_281 = tpu.memref_slice %arg7[%dma_start3A_277, %dma_start3A_278, %dma_start3A_279, %dma_start3A_280] : memref<2x4x128x32xf32, #tpu.memory_space<vmem>> -> memref<1x1x128x32xf32, #tpu.memory_space<vmem>>
      %dma_start3A_282 = tpu.memref_squeeze %dma_start3A_281 : memref<1x1x128x32xf32, #tpu.memory_space<vmem>> -> memref<128x32xf32, #tpu.memory_space<vmem>>
      %dma_start3A_283 = arith.constant 0 : i32
      %dma_start3A_284 = tpu.memref_slice %arg5[%add3A_276, %dma_start3A_283] : memref<79x128xi32, #tpu.memory_space<vmem>> -> memref<1x128xi32, #tpu.memory_space<vmem>>
      %dma_start3A_285 = tpu.memref_squeeze %dma_start3A_284 : memref<1x128xi32, #tpu.memory_space<vmem>> -> memref<128xi32, #tpu.memory_space<vmem>>
      %dma_start3A_286 = arith.constant 0 : i32
      %dma_start3A_287 = arith.constant 0 : i32
      %dma_start3A_288 = tpu.memref_slice %arg10[%dma_start3A_286, %dma_start3A_287] : memref<10112x32xf32, #tpu.memory_space<vmem_shared>> -> memref<10112x32xf32, #tpu.memory_space<vmem_shared>>
      tpu.enqueue_indirect_dma source(%dma_start3A_288 : memref<10112x32xf32, #tpu.memory_space<vmem_shared>>) target(%dma_start3A_282 : memref<128x32xf32, #tpu.memory_space<vmem>>) offsets(%dma_start3A_285 : memref<128xi32, #tpu.memory_space<vmem>>) semaphore(%arg11 : memref<!tpu.dma_semaphore, #tpu.memory_space<semaphore_mem>>)
      %add3A_289 = arith.constant 2 : i32
      %add3A_290 = arith.addi %mul3A_255, %add3A_289 : i32
      %dma_start3A_291 = arith.constant 1 : i32
      %dma_start3A_292 = arith.constant 2 : i32
      %dma_start3A_293 = arith.constant 0 : i32
      %dma_start3A_294 = arith.constant 0 : i32
      %dma_start3A_295 = tpu.memref_slice %arg7[%dma_start3A_291, %dma_start3A_292, %dma_start3A_293, %dma_start3A_294] : memref<2x4x128x32xf32, #tpu.memory_space<vmem>> -> memref<1x1x128x32xf32, #tpu.memory_space<vmem>>
      %dma_start3A_296 = tpu.memref_squeeze %dma_start3A_295 : memref<1x1x128x32xf32, #tpu.memory_space<vmem>> -> memref<128x32xf32, #tpu.memory_space<vmem>>
      %dma_start3A_297 = arith.constant 0 : i32
      %dma_start3A_298 = tpu.memref_slice %arg5[%add3A_290, %dma_start3A_297] : memref<79x128xi32, #tpu.memory_space<vmem>> -> memref<1x128xi32, #tpu.memory_space<vmem>>
      %dma_start3A_299 = tpu.memref_squeeze %dma_start3A_298 : memref<1x128xi32, #tpu.memory_space<vmem>> -> memref<128xi32, #tpu.memory_space<vmem>>
      %dma_start3A_300 = arith.constant 0 : i32
      %dma_start3A_301 = arith.constant 0 : i32
      %dma_start3A_302 = tpu.memref_slice %arg10[%dma_start3A_300, %dma_start3A_301] : memref<10112x32xf32, #tpu.memory_space<vmem_shared>> -> memref<10112x32xf32, #tpu.memory_space<vmem_shared>>
      tpu.enqueue_indirect_dma source(%dma_start3A_302 : memref<10112x32xf32, #tpu.memory_space<vmem_shared>>) target(%dma_start3A_296 : memref<128x32xf32, #tpu.memory_space<vmem>>) offsets(%dma_start3A_299 : memref<128xi32, #tpu.memory_space<vmem>>) semaphore(%arg11 : memref<!tpu.dma_semaphore, #tpu.memory_space<semaphore_mem>>)
      %add3A_303 = arith.constant 3 : i32
      %add3A_304 = arith.addi %mul3A_255, %add3A_303 : i32
      %dma_start3A_305 = arith.constant 1 : i32
      %dma_start3A_306 = arith.constant 3 : i32
      %dma_start3A_307 = arith.constant 0 : i32
      %dma_start3A_308 = arith.constant 0 : i32
      %dma_start3A_309 = tpu.memref_slice %arg7[%dma_start3A_305, %dma_start3A_306, %dma_start3A_307, %dma_start3A_308] : memref<2x4x128x32xf32, #tpu.memory_space<vmem>> -> memref<1x1x128x32xf32, #tpu.memory_space<vmem>>
      %dma_start3A_310 = tpu.memref_squeeze %dma_start3A_309 : memref<1x1x128x32xf32, #tpu.memory_space<vmem>> -> memref<128x32xf32, #tpu.memory_space<vmem>>
      %dma_start3A_311 = arith.constant 0 : i32
      %dma_start3A_312 = tpu.memref_slice %arg5[%add3A_304, %dma_start3A_311] : memref<79x128xi32, #tpu.memory_space<vmem>> -> memref<1x128xi32, #tpu.memory_space<vmem>>
      %dma_start3A_313 = tpu.memref_squeeze %dma_start3A_312 : memref<1x128xi32, #tpu.memory_space<vmem>> -> memref<128xi32, #tpu.memory_space<vmem>>
      %dma_start3A_314 = arith.constant 0 : i32
      %dma_start3A_315 = arith.constant 0 : i32
      %dma_start3A_316 = tpu.memref_slice %arg10[%dma_start3A_314, %dma_start3A_315] : memref<10112x32xf32, #tpu.memory_space<vmem_shared>> -> memref<10112x32xf32, #tpu.memory_space<vmem_shared>>
      tpu.enqueue_indirect_dma source(%dma_start3A_316 : memref<10112x32xf32, #tpu.memory_space<vmem_shared>>) target(%dma_start3A_310 : memref<128x32xf32, #tpu.memory_space<vmem>>) offsets(%dma_start3A_313 : memref<128xi32, #tpu.memory_space<vmem>>) semaphore(%arg11 : memref<!tpu.dma_semaphore, #tpu.memory_space<semaphore_mem>>)
      %dma_wait3A_317 = arith.constant 1 : i32
      %dma_wait3A_318 = arith.constant 0 : i32
      %dma_wait3A_319 = arith.constant 0 : i32
      %dma_wait3A_320 = arith.constant 0 : i32
      %dma_wait3A_321 = tpu.memref_slice %arg7[%dma_wait3A_317, %dma_wait3A_318, %dma_wait3A_319, %dma_wait3A_320] : memref<2x4x128x32xf32, #tpu.memory_space<vmem>> -> memref<1x1x128x32xf32, #tpu.memory_space<vmem>>
      %dma_wait3A_322 = tpu.memref_squeeze %dma_wait3A_321 : memref<1x1x128x32xf32, #tpu.memory_space<vmem>> -> memref<128x32xf32, #tpu.memory_space<vmem>>
      %dma_wait3A_323 = arith.constant 0 : i32
      %dma_wait3A_324 = tpu.memref_slice %arg5[%add3A_262, %dma_wait3A_323] : memref<79x128xi32, #tpu.memory_space<vmem>> -> memref<1x128xi32, #tpu.memory_space<vmem>>
      %dma_wait3A_325 = tpu.memref_squeeze %dma_wait3A_324 : memref<1x128xi32, #tpu.memory_space<vmem>> -> memref<128xi32, #tpu.memory_space<vmem>>
      %dma_wait3A_326 = arith.constant 0 : i32
      %dma_wait3A_327 = arith.constant 0 : i32
      %dma_wait3A_328 = tpu.memref_slice %arg10[%dma_wait3A_326, %dma_wait3A_327] : memref<10112x32xf32, #tpu.memory_space<vmem_shared>> -> memref<10112x32xf32, #tpu.memory_space<vmem_shared>>
      tpu.wait_indirect_dma semaphore(%arg11 : memref<!tpu.dma_semaphore, #tpu.memory_space<semaphore_mem>>) src(%dma_wait3A_328 : memref<10112x32xf32, #tpu.memory_space<vmem_shared>>) dst(%dma_wait3A_322 : memref<128x32xf32, #tpu.memory_space<vmem>>)
      %dma_wait3A_329 = arith.constant 1 : i32
      %dma_wait3A_330 = arith.constant 1 : i32
      %dma_wait3A_331 = arith.constant 0 : i32
      %dma_wait3A_332 = arith.constant 0 : i32
      %dma_wait3A_333 = tpu.memref_slice %arg7[%dma_wait3A_329, %dma_wait3A_330, %dma_wait3A_331, %dma_wait3A_332] : memref<2x4x128x32xf32, #tpu.memory_space<vmem>> -> memref<1x1x128x32xf32, #tpu.memory_space<vmem>>
      %dma_wait3A_334 = tpu.memref_squeeze %dma_wait3A_333 : memref<1x1x128x32xf32, #tpu.memory_space<vmem>> -> memref<128x32xf32, #tpu.memory_space<vmem>>
      %dma_wait3A_335 = arith.constant 0 : i32
      %dma_wait3A_336 = tpu.memref_slice %arg5[%add3A_276, %dma_wait3A_335] : memref<79x128xi32, #tpu.memory_space<vmem>> -> memref<1x128xi32, #tpu.memory_space<vmem>>
      %dma_wait3A_337 = tpu.memref_squeeze %dma_wait3A_336 : memref<1x128xi32, #tpu.memory_space<vmem>> -> memref<128xi32, #tpu.memory_space<vmem>>
      %dma_wait3A_338 = arith.constant 0 : i32
      %dma_wait3A_339 = arith.constant 0 : i32
      %dma_wait3A_340 = tpu.memref_slice %arg10[%dma_wait3A_338, %dma_wait3A_339] : memref<10112x32xf32, #tpu.memory_space<vmem_shared>> -> memref<10112x32xf32, #tpu.memory_space<vmem_shared>>
      tpu.wait_indirect_dma semaphore(%arg11 : memref<!tpu.dma_semaphore, #tpu.memory_space<semaphore_mem>>) src(%dma_wait3A_340 : memref<10112x32xf32, #tpu.memory_space<vmem_shared>>) dst(%dma_wait3A_334 : memref<128x32xf32, #tpu.memory_space<vmem>>)
      %dma_wait3A_341 = arith.constant 1 : i32
      %dma_wait3A_342 = arith.constant 2 : i32
      %dma_wait3A_343 = arith.constant 0 : i32
      %dma_wait3A_344 = arith.constant 0 : i32
      %dma_wait3A_345 = tpu.memref_slice %arg7[%dma_wait3A_341, %dma_wait3A_342, %dma_wait3A_343, %dma_wait3A_344] : memref<2x4x128x32xf32, #tpu.memory_space<vmem>> -> memref<1x1x128x32xf32, #tpu.memory_space<vmem>>
      %dma_wait3A_346 = tpu.memref_squeeze %dma_wait3A_345 : memref<1x1x128x32xf32, #tpu.memory_space<vmem>> -> memref<128x32xf32, #tpu.memory_space<vmem>>
      %dma_wait3A_347 = arith.constant 0 : i32
      %dma_wait3A_348 = tpu.memref_slice %arg5[%add3A_290, %dma_wait3A_347] : memref<79x128xi32, #tpu.memory_space<vmem>> -> memref<1x128xi32, #tpu.memory_space<vmem>>
      %dma_wait3A_349 = tpu.memref_squeeze %dma_wait3A_348 : memref<1x128xi32, #tpu.memory_space<vmem>> -> memref<128xi32, #tpu.memory_space<vmem>>
      %dma_wait3A_350 = arith.constant 0 : i32
      %dma_wait3A_351 = arith.constant 0 : i32
      %dma_wait3A_352 = tpu.memref_slice %arg10[%dma_wait3A_350, %dma_wait3A_351] : memref<10112x32xf32, #tpu.memory_space<vmem_shared>> -> memref<10112x32xf32, #tpu.memory_space<vmem_shared>>
      tpu.wait_indirect_dma semaphore(%arg11 : memref<!tpu.dma_semaphore, #tpu.memory_space<semaphore_mem>>) src(%dma_wait3A_352 : memref<10112x32xf32, #tpu.memory_space<vmem_shared>>) dst(%dma_wait3A_346 : memref<128x32xf32, #tpu.memory_space<vmem>>)
      %dma_wait3A_353 = arith.constant 1 : i32
      %dma_wait3A_354 = arith.constant 3 : i32
      %dma_wait3A_355 = arith.constant 0 : i32
      %dma_wait3A_356 = arith.constant 0 : i32
      %dma_wait3A_357 = tpu.memref_slice %arg7[%dma_wait3A_353, %dma_wait3A_354, %dma_wait3A_355, %dma_wait3A_356] : memref<2x4x128x32xf32, #tpu.memory_space<vmem>> -> memref<1x1x128x32xf32, #tpu.memory_space<vmem>>
      %dma_wait3A_358 = tpu.memref_squeeze %dma_wait3A_357 : memref<1x1x128x32xf32, #tpu.memory_space<vmem>> -> memref<128x32xf32, #tpu.memory_space<vmem>>
      %dma_wait3A_359 = arith.constant 0 : i32
      %dma_wait3A_360 = tpu.memref_slice %arg5[%add3A_304, %dma_wait3A_359] : memref<79x128xi32, #tpu.memory_space<vmem>> -> memref<1x128xi32, #tpu.memory_space<vmem>>
      %dma_wait3A_361 = tpu.memref_squeeze %dma_wait3A_360 : memref<1x128xi32, #tpu.memory_space<vmem>> -> memref<128xi32, #tpu.memory_space<vmem>>
      %dma_wait3A_362 = arith.constant 0 : i32
      %dma_wait3A_363 = arith.constant 0 : i32
      %dma_wait3A_364 = tpu.memref_slice %arg10[%dma_wait3A_362, %dma_wait3A_363] : memref<10112x32xf32, #tpu.memory_space<vmem_shared>> -> memref<10112x32xf32, #tpu.memory_space<vmem_shared>>
      tpu.wait_indirect_dma semaphore(%arg11 : memref<!tpu.dma_semaphore, #tpu.memory_space<semaphore_mem>>) src(%dma_wait3A_364 : memref<10112x32xf32, #tpu.memory_space<vmem_shared>>) dst(%dma_wait3A_358 : memref<128x32xf32, #tpu.memory_space<vmem>>)
      %add3A_365 = arith.constant 0 : i32
      %add3A_366 = arith.addi %mul3A_255, %add3A_365 : i32
      %dma_start3A_367 = arith.constant 1 : i32
      %dma_start3A_368 = arith.constant 0 : i32
      %dma_start3A_369 = arith.constant 0 : i32
      %dma_start3A_370 = arith.constant 0 : i32
      %dma_start3A_371 = tpu.memref_slice %arg7[%dma_start3A_367, %dma_start3A_368, %dma_start3A_369, %dma_start3A_370] : memref<2x4x128x32xf32, #tpu.memory_space<vmem>> -> memref<1x1x128x32xf32, #tpu.memory_space<vmem>>
      %dma_start3A_372 = tpu.memref_squeeze %dma_start3A_371 : memref<1x1x128x32xf32, #tpu.memory_space<vmem>> -> memref<128x32xf32, #tpu.memory_space<vmem>>
      %dma_start3A_373 = arith.constant 0 : i32
      %dma_start3A_374 = tpu.memref_slice %arg6[%add3A_366, %dma_start3A_373] : memref<79x128xi32, #tpu.memory_space<vmem>> -> memref<1x128xi32, #tpu.memory_space<vmem>>
      %dma_start3A_375 = tpu.memref_squeeze %dma_start3A_374 : memref<1x128xi32, #tpu.memory_space<vmem>> -> memref<128xi32, #tpu.memory_space<vmem>>
      %dma_start3A_376 = arith.constant 0 : i32
      %dma_start3A_377 = arith.constant 0 : i32
      %dma_start3A_378 = tpu.memref_slice %arg9[%dma_start3A_376, %dma_start3A_377] : memref<10112x32xf32, #tpu.memory_space<vmem_shared>> -> memref<10112x32xf32, #tpu.memory_space<vmem_shared>>
      tpu.enqueue_indirect_dma source(%dma_start3A_372 : memref<128x32xf32, #tpu.memory_space<vmem>>) target(%dma_start3A_378 : memref<10112x32xf32, #tpu.memory_space<vmem_shared>>) offsets(%dma_start3A_375 : memref<128xi32, #tpu.memory_space<vmem>>) semaphore(%arg13 : memref<!tpu.dma_semaphore, #tpu.memory_space<semaphore_mem>>) {add = true}
      %add3A_379 = arith.constant 1 : i32
      %add3A_380 = arith.addi %mul3A_255, %add3A_379 : i32
      %dma_start3A_381 = arith.constant 1 : i32
      %dma_start3A_382 = arith.constant 1 : i32
      %dma_start3A_383 = arith.constant 0 : i32
      %dma_start3A_384 = arith.constant 0 : i32
      %dma_start3A_385 = tpu.memref_slice %arg7[%dma_start3A_381, %dma_start3A_382, %dma_start3A_383, %dma_start3A_384] : memref<2x4x128x32xf32, #tpu.memory_space<vmem>> -> memref<1x1x128x32xf32, #tpu.memory_space<vmem>>
      %dma_start3A_386 = tpu.memref_squeeze %dma_start3A_385 : memref<1x1x128x32xf32, #tpu.memory_space<vmem>> -> memref<128x32xf32, #tpu.memory_space<vmem>>
      %dma_start3A_387 = arith.constant 0 : i32
      %dma_start3A_388 = tpu.memref_slice %arg6[%add3A_380, %dma_start3A_387] : memref<79x128xi32, #tpu.memory_space<vmem>> -> memref<1x128xi32, #tpu.memory_space<vmem>>
      %dma_start3A_389 = tpu.memref_squeeze %dma_start3A_388 : memref<1x128xi32, #tpu.memory_space<vmem>> -> memref<128xi32, #tpu.memory_space<vmem>>
      %dma_start3A_390 = arith.constant 0 : i32
      %dma_start3A_391 = arith.constant 0 : i32
      %dma_start3A_392 = tpu.memref_slice %arg9[%dma_start3A_390, %dma_start3A_391] : memref<10112x32xf32, #tpu.memory_space<vmem_shared>> -> memref<10112x32xf32, #tpu.memory_space<vmem_shared>>
      tpu.enqueue_indirect_dma source(%dma_start3A_386 : memref<128x32xf32, #tpu.memory_space<vmem>>) target(%dma_start3A_392 : memref<10112x32xf32, #tpu.memory_space<vmem_shared>>) offsets(%dma_start3A_389 : memref<128xi32, #tpu.memory_space<vmem>>) semaphore(%arg13 : memref<!tpu.dma_semaphore, #tpu.memory_space<semaphore_mem>>) {add = true}
      %add3A_393 = arith.constant 2 : i32
      %add3A_394 = arith.addi %mul3A_255, %add3A_393 : i32
      %dma_start3A_395 = arith.constant 1 : i32
      %dma_start3A_396 = arith.constant 2 : i32
      %dma_start3A_397 = arith.constant 0 : i32
      %dma_start3A_398 = arith.constant 0 : i32
      %dma_start3A_399 = tpu.memref_slice %arg7[%dma_start3A_395, %dma_start3A_396, %dma_start3A_397, %dma_start3A_398] : memref<2x4x128x32xf32, #tpu.memory_space<vmem>> -> memref<1x1x128x32xf32, #tpu.memory_space<vmem>>
      %dma_start3A_400 = tpu.memref_squeeze %dma_start3A_399 : memref<1x1x128x32xf32, #tpu.memory_space<vmem>> -> memref<128x32xf32, #tpu.memory_space<vmem>>
      %dma_start3A_401 = arith.constant 0 : i32
      %dma_start3A_402 = tpu.memref_slice %arg6[%add3A_394, %dma_start3A_401] : memref<79x128xi32, #tpu.memory_space<vmem>> -> memref<1x128xi32, #tpu.memory_space<vmem>>
      %dma_start3A_403 = tpu.memref_squeeze %dma_start3A_402 : memref<1x128xi32, #tpu.memory_space<vmem>> -> memref<128xi32, #tpu.memory_space<vmem>>
      %dma_start3A_404 = arith.constant 0 : i32
      %dma_start3A_405 = arith.constant 0 : i32
      %dma_start3A_406 = tpu.memref_slice %arg9[%dma_start3A_404, %dma_start3A_405] : memref<10112x32xf32, #tpu.memory_space<vmem_shared>> -> memref<10112x32xf32, #tpu.memory_space<vmem_shared>>
      tpu.enqueue_indirect_dma source(%dma_start3A_400 : memref<128x32xf32, #tpu.memory_space<vmem>>) target(%dma_start3A_406 : memref<10112x32xf32, #tpu.memory_space<vmem_shared>>) offsets(%dma_start3A_403 : memref<128xi32, #tpu.memory_space<vmem>>) semaphore(%arg13 : memref<!tpu.dma_semaphore, #tpu.memory_space<semaphore_mem>>) {add = true}
      %add3A_407 = arith.constant 3 : i32
      %add3A_408 = arith.addi %mul3A_255, %add3A_407 : i32
      %dma_start3A_409 = arith.constant 1 : i32
      %dma_start3A_410 = arith.constant 3 : i32
      %dma_start3A_411 = arith.constant 0 : i32
      %dma_start3A_412 = arith.constant 0 : i32
      %dma_start3A_413 = tpu.memref_slice %arg7[%dma_start3A_409, %dma_start3A_410, %dma_start3A_411, %dma_start3A_412] : memref<2x4x128x32xf32, #tpu.memory_space<vmem>> -> memref<1x1x128x32xf32, #tpu.memory_space<vmem>>
      %dma_start3A_414 = tpu.memref_squeeze %dma_start3A_413 : memref<1x1x128x32xf32, #tpu.memory_space<vmem>> -> memref<128x32xf32, #tpu.memory_space<vmem>>
      %dma_start3A_415 = arith.constant 0 : i32
      %dma_start3A_416 = tpu.memref_slice %arg6[%add3A_408, %dma_start3A_415] : memref<79x128xi32, #tpu.memory_space<vmem>> -> memref<1x128xi32, #tpu.memory_space<vmem>>
      %dma_start3A_417 = tpu.memref_squeeze %dma_start3A_416 : memref<1x128xi32, #tpu.memory_space<vmem>> -> memref<128xi32, #tpu.memory_space<vmem>>
      %dma_start3A_418 = arith.constant 0 : i32
      %dma_start3A_419 = arith.constant 0 : i32
      %dma_start3A_420 = tpu.memref_slice %arg9[%dma_start3A_418, %dma_start3A_419] : memref<10112x32xf32, #tpu.memory_space<vmem_shared>> -> memref<10112x32xf32, #tpu.memory_space<vmem_shared>>
      tpu.enqueue_indirect_dma source(%dma_start3A_414 : memref<128x32xf32, #tpu.memory_space<vmem>>) target(%dma_start3A_420 : memref<10112x32xf32, #tpu.memory_space<vmem_shared>>) offsets(%dma_start3A_417 : memref<128xi32, #tpu.memory_space<vmem>>) semaphore(%arg13 : memref<!tpu.dma_semaphore, #tpu.memory_space<semaphore_mem>>) {add = true}
    }
    %while3A_63 = arith.constant 1 : i32
    scf.for %while3A_81 = %while3A_61 to %while3A_57 step %while3A_63  : i32 {
      %mul3A_82 = arith.constant 2 : i32
      %mul3A_83 = arith.muli %mul3A_82, %while3A_81 : i32
      %add3A_84 = arith.constant 0 : i32
      %add3A_85 = arith.addi %mul3A_83, %add3A_84 : i32
      %mul3A_86 = arith.constant 4 : i32
      %mul3A_87 = arith.muli %add3A_85, %mul3A_86 : i32
      %ge3A = arith.constant 1 : i32
      %ge3A_88 = arith.cmpi sge, %while3A_81, %ge3A : i32
      %convert_element_type3A_89 = arith.extui %ge3A_88 : i1 to i32
      %cond3A_90 = arith.constant 0 : i32
      %cond3A_91 = arith.cmpi ne, %convert_element_type3A_89, %cond3A_90 : i32
      scf.if %cond3A_91 {
        %dma_wait3A_421 = arith.constant 0 : i32
        %dma_wait3A_422 = arith.constant 0 : i32
        %dma_wait3A_423 = arith.constant 0 : i32
        %dma_wait3A_424 = arith.constant 0 : i32
        %dma_wait3A_425 = arith.constant 0 : i32
        %dma_wait3A_426 = tpu.memref_slice %arg7[%dma_wait3A_421, %dma_wait3A_422, %dma_wait3A_424, %dma_wait3A_425] : memref<2x4x128x32xf32, #tpu.memory_space<vmem>> -> memref<1x1x128x32xf32, #tpu.memory_space<vmem>>
        %dma_wait3A_427 = tpu.memref_squeeze %dma_wait3A_426 : memref<1x1x128x32xf32, #tpu.memory_space<vmem>> -> memref<128x32xf32, #tpu.memory_space<vmem>>
        %dma_wait3A_428 = arith.constant 0 : i32
        %dma_wait3A_429 = tpu.memref_slice %arg6[%dma_wait3A_423, %dma_wait3A_428] : memref<79x128xi32, #tpu.memory_space<vmem>> -> memref<1x128xi32, #tpu.memory_space<vmem>>
        %dma_wait3A_430 = tpu.memref_squeeze %dma_wait3A_429 : memref<1x128xi32, #tpu.memory_space<vmem>> -> memref<128xi32, #tpu.memory_space<vmem>>
        %dma_wait3A_431 = arith.constant 0 : i32
        %dma_wait3A_432 = arith.constant 0 : i32
        %dma_wait3A_433 = tpu.memref_slice %arg9[%dma_wait3A_431, %dma_wait3A_432] : memref<10112x32xf32, #tpu.memory_space<vmem_shared>> -> memref<10112x32xf32, #tpu.memory_space<vmem_shared>>
        tpu.wait_indirect_dma semaphore(%arg12 : memref<!tpu.dma_semaphore, #tpu.memory_space<semaphore_mem>>) src(%dma_wait3A_427 : memref<128x32xf32, #tpu.memory_space<vmem>>) dst(%dma_wait3A_433 : memref<10112x32xf32, #tpu.memory_space<vmem_shared>>)
        %dma_wait3A_434 = arith.constant 0 : i32
        %dma_wait3A_435 = arith.constant 1 : i32
        %dma_wait3A_436 = arith.constant 0 : i32
        %dma_wait3A_437 = arith.constant 0 : i32
        %dma_wait3A_438 = arith.constant 0 : i32
        %dma_wait3A_439 = tpu.memref_slice %arg7[%dma_wait3A_434, %dma_wait3A_435, %dma_wait3A_437, %dma_wait3A_438] : memref<2x4x128x32xf32, #tpu.memory_space<vmem>> -> memref<1x1x128x32xf32, #tpu.memory_space<vmem>>
        %dma_wait3A_440 = tpu.memref_squeeze %dma_wait3A_439 : memref<1x1x128x32xf32, #tpu.memory_space<vmem>> -> memref<128x32xf32, #tpu.memory_space<vmem>>
        %dma_wait3A_441 = arith.constant 0 : i32
        %dma_wait3A_442 = tpu.memref_slice %arg6[%dma_wait3A_436, %dma_wait3A_441] : memref<79x128xi32, #tpu.memory_space<vmem>> -> memref<1x128xi32, #tpu.memory_space<vmem>>
        %dma_wait3A_443 = tpu.memref_squeeze %dma_wait3A_442 : memref<1x128xi32, #tpu.memory_space<vmem>> -> memref<128xi32, #tpu.memory_space<vmem>>
        %dma_wait3A_444 = arith.constant 0 : i32
        %dma_wait3A_445 = arith.constant 0 : i32
        %dma_wait3A_446 = tpu.memref_slice %arg9[%dma_wait3A_444, %dma_wait3A_445] : memref<10112x32xf32, #tpu.memory_space<vmem_shared>> -> memref<10112x32xf32, #tpu.memory_space<vmem_shared>>
        tpu.wait_indirect_dma semaphore(%arg12 : memref<!tpu.dma_semaphore, #tpu.memory_space<semaphore_mem>>) src(%dma_wait3A_440 : memref<128x32xf32, #tpu.memory_space<vmem>>) dst(%dma_wait3A_446 : memref<10112x32xf32, #tpu.memory_space<vmem_shared>>)
        %dma_wait3A_447 = arith.constant 0 : i32
        %dma_wait3A_448 = arith.constant 2 : i32
        %dma_wait3A_449 = arith.constant 0 : i32
        %dma_wait3A_450 = arith.constant 0 : i32
        %dma_wait3A_451 = arith.constant 0 : i32
        %dma_wait3A_452 = tpu.memref_slice %arg7[%dma_wait3A_447, %dma_wait3A_448, %dma_wait3A_450, %dma_wait3A_451] : memref<2x4x128x32xf32, #tpu.memory_space<vmem>> -> memref<1x1x128x32xf32, #tpu.memory_space<vmem>>
        %dma_wait3A_453 = tpu.memref_squeeze %dma_wait3A_452 : memref<1x1x128x32xf32, #tpu.memory_space<vmem>> -> memref<128x32xf32, #tpu.memory_space<vmem>>
        %dma_wait3A_454 = arith.constant 0 : i32
        %dma_wait3A_455 = tpu.memref_slice %arg6[%dma_wait3A_449, %dma_wait3A_454] : memref<79x128xi32, #tpu.memory_space<vmem>> -> memref<1x128xi32, #tpu.memory_space<vmem>>
        %dma_wait3A_456 = tpu.memref_squeeze %dma_wait3A_455 : memref<1x128xi32, #tpu.memory_space<vmem>> -> memref<128xi32, #tpu.memory_space<vmem>>
        %dma_wait3A_457 = arith.constant 0 : i32
        %dma_wait3A_458 = arith.constant 0 : i32
        %dma_wait3A_459 = tpu.memref_slice %arg9[%dma_wait3A_457, %dma_wait3A_458] : memref<10112x32xf32, #tpu.memory_space<vmem_shared>> -> memref<10112x32xf32, #tpu.memory_space<vmem_shared>>
        tpu.wait_indirect_dma semaphore(%arg12 : memref<!tpu.dma_semaphore, #tpu.memory_space<semaphore_mem>>) src(%dma_wait3A_453 : memref<128x32xf32, #tpu.memory_space<vmem>>) dst(%dma_wait3A_459 : memref<10112x32xf32, #tpu.memory_space<vmem_shared>>)
        %dma_wait3A_460 = arith.constant 0 : i32
        %dma_wait3A_461 = arith.constant 3 : i32
        %dma_wait3A_462 = arith.constant 0 : i32
        %dma_wait3A_463 = arith.constant 0 : i32
        %dma_wait3A_464 = arith.constant 0 : i32
        %dma_wait3A_465 = tpu.memref_slice %arg7[%dma_wait3A_460, %dma_wait3A_461, %dma_wait3A_463, %dma_wait3A_464] : memref<2x4x128x32xf32, #tpu.memory_space<vmem>> -> memref<1x1x128x32xf32, #tpu.memory_space<vmem>>
        %dma_wait3A_466 = tpu.memref_squeeze %dma_wait3A_465 : memref<1x1x128x32xf32, #tpu.memory_space<vmem>> -> memref<128x32xf32, #tpu.memory_space<vmem>>
        %dma_wait3A_467 = arith.constant 0 : i32
        %dma_wait3A_468 = tpu.memref_slice %arg6[%dma_wait3A_462, %dma_wait3A_467] : memref<79x128xi32, #tpu.memory_space<vmem>> -> memref<1x128xi32, #tpu.memory_space<vmem>>
        %dma_wait3A_469 = tpu.memref_squeeze %dma_wait3A_468 : memref<1x128xi32, #tpu.memory_space<vmem>> -> memref<128xi32, #tpu.memory_space<vmem>>
        %dma_wait3A_470 = arith.constant 0 : i32
        %dma_wait3A_471 = arith.constant 0 : i32
        %dma_wait3A_472 = tpu.memref_slice %arg9[%dma_wait3A_470, %dma_wait3A_471] : memref<10112x32xf32, #tpu.memory_space<vmem_shared>> -> memref<10112x32xf32, #tpu.memory_space<vmem_shared>>
        tpu.wait_indirect_dma semaphore(%arg12 : memref<!tpu.dma_semaphore, #tpu.memory_space<semaphore_mem>>) src(%dma_wait3A_466 : memref<128x32xf32, #tpu.memory_space<vmem>>) dst(%dma_wait3A_472 : memref<10112x32xf32, #tpu.memory_space<vmem_shared>>)
      } else {
      }
      %add3A_92 = arith.constant 0 : i32
      %add3A_93 = arith.addi %mul3A_87, %add3A_92 : i32
      %dma_start3A = arith.constant 0 : i32
      %dma_start3A_94 = arith.constant 0 : i32
      %dma_start3A_95 = arith.constant 0 : i32
      %dma_start3A_96 = arith.constant 0 : i32
      %dma_start3A_97 = tpu.memref_slice %arg7[%dma_start3A, %dma_start3A_94, %dma_start3A_95, %dma_start3A_96] : memref<2x4x128x32xf32, #tpu.memory_space<vmem>> -> memref<1x1x128x32xf32, #tpu.memory_space<vmem>>
      %dma_start3A_98 = tpu.memref_squeeze %dma_start3A_97 : memref<1x1x128x32xf32, #tpu.memory_space<vmem>> -> memref<128x32xf32, #tpu.memory_space<vmem>>
      %dma_start3A_99 = arith.constant 0 : i32
      %dma_start3A_100 = tpu.memref_slice %arg5[%add3A_93, %dma_start3A_99] : memref<79x128xi32, #tpu.memory_space<vmem>> -> memref<1x128xi32, #tpu.memory_space<vmem>>
      %dma_start3A_101 = tpu.memref_squeeze %dma_start3A_100 : memref<1x128xi32, #tpu.memory_space<vmem>> -> memref<128xi32, #tpu.memory_space<vmem>>
      %dma_start3A_102 = arith.constant 0 : i32
      %dma_start3A_103 = arith.constant 0 : i32
      %dma_start3A_104 = tpu.memref_slice %arg10[%dma_start3A_102, %dma_start3A_103] : memref<10112x32xf32, #tpu.memory_space<vmem_shared>> -> memref<10112x32xf32, #tpu.memory_space<vmem_shared>>
      tpu.enqueue_indirect_dma source(%dma_start3A_104 : memref<10112x32xf32, #tpu.memory_space<vmem_shared>>) target(%dma_start3A_98 : memref<128x32xf32, #tpu.memory_space<vmem>>) offsets(%dma_start3A_101 : memref<128xi32, #tpu.memory_space<vmem>>) semaphore(%arg11 : memref<!tpu.dma_semaphore, #tpu.memory_space<semaphore_mem>>)
      %add3A_105 = arith.constant 1 : i32
      %add3A_106 = arith.addi %mul3A_87, %add3A_105 : i32
      %dma_start3A_107 = arith.constant 0 : i32
      %dma_start3A_108 = arith.constant 1 : i32
      %dma_start3A_109 = arith.constant 0 : i32
      %dma_start3A_110 = arith.constant 0 : i32
      %dma_start3A_111 = tpu.memref_slice %arg7[%dma_start3A_107, %dma_start3A_108, %dma_start3A_109, %dma_start3A_110] : memref<2x4x128x32xf32, #tpu.memory_space<vmem>> -> memref<1x1x128x32xf32, #tpu.memory_space<vmem>>
      %dma_start3A_112 = tpu.memref_squeeze %dma_start3A_111 : memref<1x1x128x32xf32, #tpu.memory_space<vmem>> -> memref<128x32xf32, #tpu.memory_space<vmem>>
      %dma_start3A_113 = arith.constant 0 : i32
      %dma_start3A_114 = tpu.memref_slice %arg5[%add3A_106, %dma_start3A_113] : memref<79x128xi32, #tpu.memory_space<vmem>> -> memref<1x128xi32, #tpu.memory_space<vmem>>
      %dma_start3A_115 = tpu.memref_squeeze %dma_start3A_114 : memref<1x128xi32, #tpu.memory_space<vmem>> -> memref<128xi32, #tpu.memory_space<vmem>>
      %dma_start3A_116 = arith.constant 0 : i32
      %dma_start3A_117 = arith.constant 0 : i32
      %dma_start3A_118 = tpu.memref_slice %arg10[%dma_start3A_116, %dma_start3A_117] : memref<10112x32xf32, #tpu.memory_space<vmem_shared>> -> memref<10112x32xf32, #tpu.memory_space<vmem_shared>>
      tpu.enqueue_indirect_dma source(%dma_start3A_118 : memref<10112x32xf32, #tpu.memory_space<vmem_shared>>) target(%dma_start3A_112 : memref<128x32xf32, #tpu.memory_space<vmem>>) offsets(%dma_start3A_115 : memref<128xi32, #tpu.memory_space<vmem>>) semaphore(%arg11 : memref<!tpu.dma_semaphore, #tpu.memory_space<semaphore_mem>>)
      %add3A_119 = arith.constant 2 : i32
      %add3A_120 = arith.addi %mul3A_87, %add3A_119 : i32
      %dma_start3A_121 = arith.constant 0 : i32
      %dma_start3A_122 = arith.constant 2 : i32
      %dma_start3A_123 = arith.constant 0 : i32
      %dma_start3A_124 = arith.constant 0 : i32
      %dma_start3A_125 = tpu.memref_slice %arg7[%dma_start3A_121, %dma_start3A_122, %dma_start3A_123, %dma_start3A_124] : memref<2x4x128x32xf32, #tpu.memory_space<vmem>> -> memref<1x1x128x32xf32, #tpu.memory_space<vmem>>
      %dma_start3A_126 = tpu.memref_squeeze %dma_start3A_125 : memref<1x1x128x32xf32, #tpu.memory_space<vmem>> -> memref<128x32xf32, #tpu.memory_space<vmem>>
      %dma_start3A_127 = arith.constant 0 : i32
      %dma_start3A_128 = tpu.memref_slice %arg5[%add3A_120, %dma_start3A_127] : memref<79x128xi32, #tpu.memory_space<vmem>> -> memref<1x128xi32, #tpu.memory_space<vmem>>
      %dma_start3A_129 = tpu.memref_squeeze %dma_start3A_128 : memref<1x128xi32, #tpu.memory_space<vmem>> -> memref<128xi32, #tpu.memory_space<vmem>>
      %dma_start3A_130 = arith.constant 0 : i32
      %dma_start3A_131 = arith.constant 0 : i32
      %dma_start3A_132 = tpu.memref_slice %arg10[%dma_start3A_130, %dma_start3A_131] : memref<10112x32xf32, #tpu.memory_space<vmem_shared>> -> memref<10112x32xf32, #tpu.memory_space<vmem_shared>>
      tpu.enqueue_indirect_dma source(%dma_start3A_132 : memref<10112x32xf32, #tpu.memory_space<vmem_shared>>) target(%dma_start3A_126 : memref<128x32xf32, #tpu.memory_space<vmem>>) offsets(%dma_start3A_129 : memref<128xi32, #tpu.memory_space<vmem>>) semaphore(%arg11 : memref<!tpu.dma_semaphore, #tpu.memory_space<semaphore_mem>>)
      %add3A_133 = arith.constant 3 : i32
      %add3A_134 = arith.addi %mul3A_87, %add3A_133 : i32
      %dma_start3A_135 = arith.constant 0 : i32
      %dma_start3A_136 = arith.constant 3 : i32
      %dma_start3A_137 = arith.constant 0 : i32
      %dma_start3A_138 = arith.constant 0 : i32
      %dma_start3A_139 = tpu.memref_slice %arg7[%dma_start3A_135, %dma_start3A_136, %dma_start3A_137, %dma_start3A_138] : memref<2x4x128x32xf32, #tpu.memory_space<vmem>> -> memref<1x1x128x32xf32, #tpu.memory_space<vmem>>
      %dma_start3A_140 = tpu.memref_squeeze %dma_start3A_139 : memref<1x1x128x32xf32, #tpu.memory_space<vmem>> -> memref<128x32xf32, #tpu.memory_space<vmem>>
      %dma_start3A_141 = arith.constant 0 : i32
      %dma_start3A_142 = tpu.memref_slice %arg5[%add3A_134, %dma_start3A_141] : memref<79x128xi32, #tpu.memory_space<vmem>> -> memref<1x128xi32, #tpu.memory_space<vmem>>
      %dma_start3A_143 = tpu.memref_squeeze %dma_start3A_142 : memref<1x128xi32, #tpu.memory_space<vmem>> -> memref<128xi32, #tpu.memory_space<vmem>>
      %dma_start3A_144 = arith.constant 0 : i32
      %dma_start3A_145 = arith.constant 0 : i32
      %dma_start3A_146 = tpu.memref_slice %arg10[%dma_start3A_144, %dma_start3A_145] : memref<10112x32xf32, #tpu.memory_space<vmem_shared>> -> memref<10112x32xf32, #tpu.memory_space<vmem_shared>>
      tpu.enqueue_indirect_dma source(%dma_start3A_146 : memref<10112x32xf32, #tpu.memory_space<vmem_shared>>) target(%dma_start3A_140 : memref<128x32xf32, #tpu.memory_space<vmem>>) offsets(%dma_start3A_143 : memref<128xi32, #tpu.memory_space<vmem>>) semaphore(%arg11 : memref<!tpu.dma_semaphore, #tpu.memory_space<semaphore_mem>>)
      %dma_wait3A = arith.constant 0 : i32
      %dma_wait3A_147 = arith.constant 0 : i32
      %dma_wait3A_148 = arith.constant 0 : i32
      %dma_wait3A_149 = arith.constant 0 : i32
      %dma_wait3A_150 = tpu.memref_slice %arg7[%dma_wait3A, %dma_wait3A_147, %dma_wait3A_148, %dma_wait3A_149] : memref<2x4x128x32xf32, #tpu.memory_space<vmem>> -> memref<1x1x128x32xf32, #tpu.memory_space<vmem>>
      %dma_wait3A_151 = tpu.memref_squeeze %dma_wait3A_150 : memref<1x1x128x32xf32, #tpu.memory_space<vmem>> -> memref<128x32xf32, #tpu.memory_space<vmem>>
      %dma_wait3A_152 = arith.constant 0 : i32
      %dma_wait3A_153 = tpu.memref_slice %arg5[%add3A_93, %dma_wait3A_152] : memref<79x128xi32, #tpu.memory_space<vmem>> -> memref<1x128xi32, #tpu.memory_space<vmem>>
      %dma_wait3A_154 = tpu.memref_squeeze %dma_wait3A_153 : memref<1x128xi32, #tpu.memory_space<vmem>> -> memref<128xi32, #tpu.memory_space<vmem>>
      %dma_wait3A_155 = arith.constant 0 : i32
      %dma_wait3A_156 = arith.constant 0 : i32
      %dma_wait3A_157 = tpu.memref_slice %arg10[%dma_wait3A_155, %dma_wait3A_156] : memref<10112x32xf32, #tpu.memory_space<vmem_shared>> -> memref<10112x32xf32, #tpu.memory_space<vmem_shared>>
      tpu.wait_indirect_dma semaphore(%arg11 : memref<!tpu.dma_semaphore, #tpu.memory_space<semaphore_mem>>) src(%dma_wait3A_157 : memref<10112x32xf32, #tpu.memory_space<vmem_shared>>) dst(%dma_wait3A_151 : memref<128x32xf32, #tpu.memory_space<vmem>>)
      %dma_wait3A_158 = arith.constant 0 : i32
      %dma_wait3A_159 = arith.constant 1 : i32
      %dma_wait3A_160 = arith.constant 0 : i32
      %dma_wait3A_161 = arith.constant 0 : i32
      %dma_wait3A_162 = tpu.memref_slice %arg7[%dma_wait3A_158, %dma_wait3A_159, %dma_wait3A_160, %dma_wait3A_161] : memref<2x4x128x32xf32, #tpu.memory_space<vmem>> -> memref<1x1x128x32xf32, #tpu.memory_space<vmem>>
      %dma_wait3A_163 = tpu.memref_squeeze %dma_wait3A_162 : memref<1x1x128x32xf32, #tpu.memory_space<vmem>> -> memref<128x32xf32, #tpu.memory_space<vmem>>
      %dma_wait3A_164 = arith.constant 0 : i32
      %dma_wait3A_165 = tpu.memref_slice %arg5[%add3A_106, %dma_wait3A_164] : memref<79x128xi32, #tpu.memory_space<vmem>> -> memref<1x128xi32, #tpu.memory_space<vmem>>
      %dma_wait3A_166 = tpu.memref_squeeze %dma_wait3A_165 : memref<1x128xi32, #tpu.memory_space<vmem>> -> memref<128xi32, #tpu.memory_space<vmem>>
      %dma_wait3A_167 = arith.constant 0 : i32
      %dma_wait3A_168 = arith.constant 0 : i32
      %dma_wait3A_169 = tpu.memref_slice %arg10[%dma_wait3A_167, %dma_wait3A_168] : memref<10112x32xf32, #tpu.memory_space<vmem_shared>> -> memref<10112x32xf32, #tpu.memory_space<vmem_shared>>
      tpu.wait_indirect_dma semaphore(%arg11 : memref<!tpu.dma_semaphore, #tpu.memory_space<semaphore_mem>>) src(%dma_wait3A_169 : memref<10112x32xf32, #tpu.memory_space<vmem_shared>>) dst(%dma_wait3A_163 : memref<128x32xf32, #tpu.memory_space<vmem>>)
      %dma_wait3A_170 = arith.constant 0 : i32
      %dma_wait3A_171 = arith.constant 2 : i32
      %dma_wait3A_172 = arith.constant 0 : i32
      %dma_wait3A_173 = arith.constant 0 : i32
      %dma_wait3A_174 = tpu.memref_slice %arg7[%dma_wait3A_170, %dma_wait3A_171, %dma_wait3A_172, %dma_wait3A_173] : memref<2x4x128x32xf32, #tpu.memory_space<vmem>> -> memref<1x1x128x32xf32, #tpu.memory_space<vmem>>
      %dma_wait3A_175 = tpu.memref_squeeze %dma_wait3A_174 : memref<1x1x128x32xf32, #tpu.memory_space<vmem>> -> memref<128x32xf32, #tpu.memory_space<vmem>>
      %dma_wait3A_176 = arith.constant 0 : i32
      %dma_wait3A_177 = tpu.memref_slice %arg5[%add3A_120, %dma_wait3A_176] : memref<79x128xi32, #tpu.memory_space<vmem>> -> memref<1x128xi32, #tpu.memory_space<vmem>>
      %dma_wait3A_178 = tpu.memref_squeeze %dma_wait3A_177 : memref<1x128xi32, #tpu.memory_space<vmem>> -> memref<128xi32, #tpu.memory_space<vmem>>
      %dma_wait3A_179 = arith.constant 0 : i32
      %dma_wait3A_180 = arith.constant 0 : i32
      %dma_wait3A_181 = tpu.memref_slice %arg10[%dma_wait3A_179, %dma_wait3A_180] : memref<10112x32xf32, #tpu.memory_space<vmem_shared>> -> memref<10112x32xf32, #tpu.memory_space<vmem_shared>>
      tpu.wait_indirect_dma semaphore(%arg11 : memref<!tpu.dma_semaphore, #tpu.memory_space<semaphore_mem>>) src(%dma_wait3A_181 : memref<10112x32xf32, #tpu.memory_space<vmem_shared>>) dst(%dma_wait3A_175 : memref<128x32xf32, #tpu.memory_space<vmem>>)
      %dma_wait3A_182 = arith.constant 0 : i32
      %dma_wait3A_183 = arith.constant 3 : i32
      %dma_wait3A_184 = arith.constant 0 : i32
      %dma_wait3A_185 = arith.constant 0 : i32
      %dma_wait3A_186 = tpu.memref_slice %arg7[%dma_wait3A_182, %dma_wait3A_183, %dma_wait3A_184, %dma_wait3A_185] : memref<2x4x128x32xf32, #tpu.memory_space<vmem>> -> memref<1x1x128x32xf32, #tpu.memory_space<vmem>>
      %dma_wait3A_187 = tpu.memref_squeeze %dma_wait3A_186 : memref<1x1x128x32xf32, #tpu.memory_space<vmem>> -> memref<128x32xf32, #tpu.memory_space<vmem>>
      %dma_wait3A_188 = arith.constant 0 : i32
      %dma_wait3A_189 = tpu.memref_slice %arg5[%add3A_134, %dma_wait3A_188] : memref<79x128xi32, #tpu.memory_space<vmem>> -> memref<1x128xi32, #tpu.memory_space<vmem>>
      %dma_wait3A_190 = tpu.memref_squeeze %dma_wait3A_189 : memref<1x128xi32, #tpu.memory_space<vmem>> -> memref<128xi32, #tpu.memory_space<vmem>>
      %dma_wait3A_191 = arith.constant 0 : i32
      %dma_wait3A_192 = arith.constant 0 : i32
      %dma_wait3A_193 = tpu.memref_slice %arg10[%dma_wait3A_191, %dma_wait3A_192] : memref<10112x32xf32, #tpu.memory_space<vmem_shared>> -> memref<10112x32xf32, #tpu.memory_space<vmem_shared>>
      tpu.wait_indirect_dma semaphore(%arg11 : memref<!tpu.dma_semaphore, #tpu.memory_space<semaphore_mem>>) src(%dma_wait3A_193 : memref<10112x32xf32, #tpu.memory_space<vmem_shared>>) dst(%dma_wait3A_187 : memref<128x32xf32, #tpu.memory_space<vmem>>)
      %add3A_194 = arith.constant 0 : i32
      %add3A_195 = arith.addi %mul3A_87, %add3A_194 : i32
      %dma_start3A_196 = arith.constant 0 : i32
      %dma_start3A_197 = arith.constant 0 : i32
      %dma_start3A_198 = arith.constant 0 : i32
      %dma_start3A_199 = arith.constant 0 : i32
      %dma_start3A_200 = tpu.memref_slice %arg7[%dma_start3A_196, %dma_start3A_197, %dma_start3A_198, %dma_start3A_199] : memref<2x4x128x32xf32, #tpu.memory_space<vmem>> -> memref<1x1x128x32xf32, #tpu.memory_space<vmem>>
      %dma_start3A_201 = tpu.memref_squeeze %dma_start3A_200 : memref<1x1x128x32xf32, #tpu.memory_space<vmem>> -> memref<128x32xf32, #tpu.memory_space<vmem>>
      %dma_start3A_202 = arith.constant 0 : i32
      %dma_start3A_203 = tpu.memref_slice %arg6[%add3A_195, %dma_start3A_202] : memref<79x128xi32, #tpu.memory_space<vmem>> -> memref<1x128xi32, #tpu.memory_space<vmem>>
      %dma_start3A_204 = tpu.memref_squeeze %dma_start3A_203 : memref<1x128xi32, #tpu.memory_space<vmem>> -> memref<128xi32, #tpu.memory_space<vmem>>
      %dma_start3A_205 = arith.constant 0 : i32
      %dma_start3A_206 = arith.constant 0 : i32
      %dma_start3A_207 = tpu.memref_slice %arg9[%dma_start3A_205, %dma_start3A_206] : memref<10112x32xf32, #tpu.memory_space<vmem_shared>> -> memref<10112x32xf32, #tpu.memory_space<vmem_shared>>
      tpu.enqueue_indirect_dma source(%dma_start3A_201 : memref<128x32xf32, #tpu.memory_space<vmem>>) target(%dma_start3A_207 : memref<10112x32xf32, #tpu.memory_space<vmem_shared>>) offsets(%dma_start3A_204 : memref<128xi32, #tpu.memory_space<vmem>>) semaphore(%arg12 : memref<!tpu.dma_semaphore, #tpu.memory_space<semaphore_mem>>) {add = true}
      %add3A_208 = arith.constant 1 : i32
      %add3A_209 = arith.addi %mul3A_87, %add3A_208 : i32
      %dma_start3A_210 = arith.constant 0 : i32
      %dma_start3A_211 = arith.constant 1 : i32
      %dma_start3A_212 = arith.constant 0 : i32
      %dma_start3A_213 = arith.constant 0 : i32
      %dma_start3A_214 = tpu.memref_slice %arg7[%dma_start3A_210, %dma_start3A_211, %dma_start3A_212, %dma_start3A_213] : memref<2x4x128x32xf32, #tpu.memory_space<vmem>> -> memref<1x1x128x32xf32, #tpu.memory_space<vmem>>
      %dma_start3A_215 = tpu.memref_squeeze %dma_start3A_214 : memref<1x1x128x32xf32, #tpu.memory_space<vmem>> -> memref<128x32xf32, #tpu.memory_space<vmem>>
      %dma_start3A_216 = arith.constant 0 : i32
      %dma_start3A_217 = tpu.memref_slice %arg6[%add3A_209, %dma_start3A_216] : memref<79x128xi32, #tpu.memory_space<vmem>> -> memref<1x128xi32, #tpu.memory_space<vmem>>
      %dma_start3A_218 = tpu.memref_squeeze %dma_start3A_217 : memref<1x128xi32, #tpu.memory_space<vmem>> -> memref<128xi32, #tpu.memory_space<vmem>>
      %dma_start3A_219 = arith.constant 0 : i32
      %dma_start3A_220 = arith.constant 0 : i32
      %dma_start3A_221 = tpu.memref_slice %arg9[%dma_start3A_219, %dma_start3A_220] : memref<10112x32xf32, #tpu.memory_space<vmem_shared>> -> memref<10112x32xf32, #tpu.memory_space<vmem_shared>>
      tpu.enqueue_indirect_dma source(%dma_start3A_215 : memref<128x32xf32, #tpu.memory_space<vmem>>) target(%dma_start3A_221 : memref<10112x32xf32, #tpu.memory_space<vmem_shared>>) offsets(%dma_start3A_218 : memref<128xi32, #tpu.memory_space<vmem>>) semaphore(%arg12 : memref<!tpu.dma_semaphore, #tpu.memory_space<semaphore_mem>>) {add = true}
      %add3A_222 = arith.constant 2 : i32
      %add3A_223 = arith.addi %mul3A_87, %add3A_222 : i32
      %dma_start3A_224 = arith.constant 0 : i32
      %dma_start3A_225 = arith.constant 2 : i32
      %dma_start3A_226 = arith.constant 0 : i32
      %dma_start3A_227 = arith.constant 0 : i32
      %dma_start3A_228 = tpu.memref_slice %arg7[%dma_start3A_224, %dma_start3A_225, %dma_start3A_226, %dma_start3A_227] : memref<2x4x128x32xf32, #tpu.memory_space<vmem>> -> memref<1x1x128x32xf32, #tpu.memory_space<vmem>>
      %dma_start3A_229 = tpu.memref_squeeze %dma_start3A_228 : memref<1x1x128x32xf32, #tpu.memory_space<vmem>> -> memref<128x32xf32, #tpu.memory_space<vmem>>
      %dma_start3A_230 = arith.constant 0 : i32
      %dma_start3A_231 = tpu.memref_slice %arg6[%add3A_223, %dma_start3A_230] : memref<79x128xi32, #tpu.memory_space<vmem>> -> memref<1x128xi32, #tpu.memory_space<vmem>>
      %dma_start3A_232 = tpu.memref_squeeze %dma_start3A_231 : memref<1x128xi32, #tpu.memory_space<vmem>> -> memref<128xi32, #tpu.memory_space<vmem>>
      %dma_start3A_233 = arith.constant 0 : i32
      %dma_start3A_234 = arith.constant 0 : i32
      %dma_start3A_235 = tpu.memref_slice %arg9[%dma_start3A_233, %dma_start3A_234] : memref<10112x32xf32, #tpu.memory_space<vmem_shared>> -> memref<10112x32xf32, #tpu.memory_space<vmem_shared>>
      tpu.enqueue_indirect_dma source(%dma_start3A_229 : memref<128x32xf32, #tpu.memory_space<vmem>>) target(%dma_start3A_235 : memref<10112x32xf32, #tpu.memory_space<vmem_shared>>) offsets(%dma_start3A_232 : memref<128xi32, #tpu.memory_space<vmem>>) semaphore(%arg12 : memref<!tpu.dma_semaphore, #tpu.memory_space<semaphore_mem>>) {add = true}
      %add3A_236 = arith.constant 3 : i32
      %add3A_237 = arith.addi %mul3A_87, %add3A_236 : i32
      %dma_start3A_238 = arith.constant 0 : i32
      %dma_start3A_239 = arith.constant 3 : i32
      %dma_start3A_240 = arith.constant 0 : i32
      %dma_start3A_241 = arith.constant 0 : i32
      %dma_start3A_242 = tpu.memref_slice %arg7[%dma_start3A_238, %dma_start3A_239, %dma_start3A_240, %dma_start3A_241] : memref<2x4x128x32xf32, #tpu.memory_space<vmem>> -> memref<1x1x128x32xf32, #tpu.memory_space<vmem>>
      %dma_start3A_243 = tpu.memref_squeeze %dma_start3A_242 : memref<1x1x128x32xf32, #tpu.memory_space<vmem>> -> memref<128x32xf32, #tpu.memory_space<vmem>>
      %dma_start3A_244 = arith.constant 0 : i32
      %dma_start3A_245 = tpu.memref_slice %arg6[%add3A_237, %dma_start3A_244] : memref<79x128xi32, #tpu.memory_space<vmem>> -> memref<1x128xi32, #tpu.memory_space<vmem>>
      %dma_start3A_246 = tpu.memref_squeeze %dma_start3A_245 : memref<1x128xi32, #tpu.memory_space<vmem>> -> memref<128xi32, #tpu.memory_space<vmem>>
      %dma_start3A_247 = arith.constant 0 : i32
      %dma_start3A_248 = arith.constant 0 : i32
      %dma_start3A_249 = tpu.memref_slice %arg9[%dma_start3A_247, %dma_start3A_248] : memref<10112x32xf32, #tpu.memory_space<vmem_shared>> -> memref<10112x32xf32, #tpu.memory_space<vmem_shared>>
      tpu.enqueue_indirect_dma source(%dma_start3A_243 : memref<128x32xf32, #tpu.memory_space<vmem>>) target(%dma_start3A_249 : memref<10112x32xf32, #tpu.memory_space<vmem_shared>>) offsets(%dma_start3A_246 : memref<128xi32, #tpu.memory_space<vmem>>) semaphore(%arg12 : memref<!tpu.dma_semaphore, #tpu.memory_space<semaphore_mem>>) {add = true}
      %mul3A_250 = arith.constant 2 : i32
      %mul3A_251 = arith.muli %mul3A_250, %while3A_81 : i32
      %add3A_252 = arith.constant 1 : i32
      %add3A_253 = arith.addi %mul3A_251, %add3A_252 : i32
      %mul3A_254 = arith.constant 4 : i32
      %mul3A_255 = arith.muli %add3A_253, %mul3A_254 : i32
      %ge3A_256 = arith.constant 1 : i32
      %ge3A_257 = arith.cmpi sge, %while3A_81, %ge3A_256 : i32
      %convert_element_type3A_258 = arith.extui %ge3A_257 : i1 to i32
      %cond3A_259 = arith.constant 0 : i32
      %cond3A_260 = arith.cmpi ne, %convert_element_type3A_258, %cond3A_259 : i32
      scf.if %cond3A_260 {
        %dma_wait3A_421 = arith.constant 1 : i32
        %dma_wait3A_422 = arith.constant 0 : i32
        %dma_wait3A_423 = arith.constant 0 : i32
        %dma_wait3A_424 = arith.constant 0 : i32
        %dma_wait3A_425 = arith.constant 0 : i32
        %dma_wait3A_426 = tpu.memref_slice %arg7[%dma_wait3A_421, %dma_wait3A_422, %dma_wait3A_424, %dma_wait3A_425] : memref<2x4x128x32xf32, #tpu.memory_space<vmem>> -> memref<1x1x128x32xf32, #tpu.memory_space<vmem>>
        %dma_wait3A_427 = tpu.memref_squeeze %dma_wait3A_426 : memref<1x1x128x32xf32, #tpu.memory_space<vmem>> -> memref<128x32xf32, #tpu.memory_space<vmem>>
        %dma_wait3A_428 = arith.constant 0 : i32
        %dma_wait3A_429 = tpu.memref_slice %arg6[%dma_wait3A_423, %dma_wait3A_428] : memref<79x128xi32, #tpu.memory_space<vmem>> -> memref<1x128xi32, #tpu.memory_space<vmem>>
        %dma_wait3A_430 = tpu.memref_squeeze %dma_wait3A_429 : memref<1x128xi32, #tpu.memory_space<vmem>> -> memref<128xi32, #tpu.memory_space<vmem>>
        %dma_wait3A_431 = arith.constant 0 : i32
        %dma_wait3A_432 = arith.constant 0 : i32
        %dma_wait3A_433 = tpu.memref_slice %arg9[%dma_wait3A_431, %dma_wait3A_432] : memref<10112x32xf32, #tpu.memory_space<vmem_shared>> -> memref<10112x32xf32, #tpu.memory_space<vmem_shared>>
        tpu.wait_indirect_dma semaphore(%arg13 : memref<!tpu.dma_semaphore, #tpu.memory_space<semaphore_mem>>) src(%dma_wait3A_427 : memref<128x32xf32, #tpu.memory_space<vmem>>) dst(%dma_wait3A_433 : memref<10112x32xf32, #tpu.memory_space<vmem_shared>>)
        %dma_wait3A_434 = arith.constant 1 : i32
        %dma_wait3A_435 = arith.constant 1 : i32
        %dma_wait3A_436 = arith.constant 0 : i32
        %dma_wait3A_437 = arith.constant 0 : i32
        %dma_wait3A_438 = arith.constant 0 : i32
        %dma_wait3A_439 = tpu.memref_slice %arg7[%dma_wait3A_434, %dma_wait3A_435, %dma_wait3A_437, %dma_wait3A_438] : memref<2x4x128x32xf32, #tpu.memory_space<vmem>> -> memref<1x1x128x32xf32, #tpu.memory_space<vmem>>
        %dma_wait3A_440 = tpu.memref_squeeze %dma_wait3A_439 : memref<1x1x128x32xf32, #tpu.memory_space<vmem>> -> memref<128x32xf32, #tpu.memory_space<vmem>>
        %dma_wait3A_441 = arith.constant 0 : i32
        %dma_wait3A_442 = tpu.memref_slice %arg6[%dma_wait3A_436, %dma_wait3A_441] : memref<79x128xi32, #tpu.memory_space<vmem>> -> memref<1x128xi32, #tpu.memory_space<vmem>>
        %dma_wait3A_443 = tpu.memref_squeeze %dma_wait3A_442 : memref<1x128xi32, #tpu.memory_space<vmem>> -> memref<128xi32, #tpu.memory_space<vmem>>
        %dma_wait3A_444 = arith.constant 0 : i32
        %dma_wait3A_445 = arith.constant 0 : i32
        %dma_wait3A_446 = tpu.memref_slice %arg9[%dma_wait3A_444, %dma_wait3A_445] : memref<10112x32xf32, #tpu.memory_space<vmem_shared>> -> memref<10112x32xf32, #tpu.memory_space<vmem_shared>>
        tpu.wait_indirect_dma semaphore(%arg13 : memref<!tpu.dma_semaphore, #tpu.memory_space<semaphore_mem>>) src(%dma_wait3A_440 : memref<128x32xf32, #tpu.memory_space<vmem>>) dst(%dma_wait3A_446 : memref<10112x32xf32, #tpu.memory_space<vmem_shared>>)
        %dma_wait3A_447 = arith.constant 1 : i32
        %dma_wait3A_448 = arith.constant 2 : i32
        %dma_wait3A_449 = arith.constant 0 : i32
        %dma_wait3A_450 = arith.constant 0 : i32
        %dma_wait3A_451 = arith.constant 0 : i32
        %dma_wait3A_452 = tpu.memref_slice %arg7[%dma_wait3A_447, %dma_wait3A_448, %dma_wait3A_450, %dma_wait3A_451] : memref<2x4x128x32xf32, #tpu.memory_space<vmem>> -> memref<1x1x128x32xf32, #tpu.memory_space<vmem>>
        %dma_wait3A_453 = tpu.memref_squeeze %dma_wait3A_452 : memref<1x1x128x32xf32, #tpu.memory_space<vmem>> -> memref<128x32xf32, #tpu.memory_space<vmem>>
        %dma_wait3A_454 = arith.constant 0 : i32
        %dma_wait3A_455 = tpu.memref_slice %arg6[%dma_wait3A_449, %dma_wait3A_454] : memref<79x128xi32, #tpu.memory_space<vmem>> -> memref<1x128xi32, #tpu.memory_space<vmem>>
        %dma_wait3A_456 = tpu.memref_squeeze %dma_wait3A_455 : memref<1x128xi32, #tpu.memory_space<vmem>> -> memref<128xi32, #tpu.memory_space<vmem>>
        %dma_wait3A_457 = arith.constant 0 : i32
        %dma_wait3A_458 = arith.constant 0 : i32
        %dma_wait3A_459 = tpu.memref_slice %arg9[%dma_wait3A_457, %dma_wait3A_458] : memref<10112x32xf32, #tpu.memory_space<vmem_shared>> -> memref<10112x32xf32, #tpu.memory_space<vmem_shared>>
        tpu.wait_indirect_dma semaphore(%arg13 : memref<!tpu.dma_semaphore, #tpu.memory_space<semaphore_mem>>) src(%dma_wait3A_453 : memref<128x32xf32, #tpu.memory_space<vmem>>) dst(%dma_wait3A_459 : memref<10112x32xf32, #tpu.memory_space<vmem_shared>>)
        %dma_wait3A_460 = arith.constant 1 : i32
        %dma_wait3A_461 = arith.constant 3 : i32
        %dma_wait3A_462 = arith.constant 0 : i32
        %dma_wait3A_463 = arith.constant 0 : i32
        %dma_wait3A_464 = arith.constant 0 : i32
        %dma_wait3A_465 = tpu.memref_slice %arg7[%dma_wait3A_460, %dma_wait3A_461, %dma_wait3A_463, %dma_wait3A_464] : memref<2x4x128x32xf32, #tpu.memory_space<vmem>> -> memref<1x1x128x32xf32, #tpu.memory_space<vmem>>
        %dma_wait3A_466 = tpu.memref_squeeze %dma_wait3A_465 : memref<1x1x128x32xf32, #tpu.memory_space<vmem>> -> memref<128x32xf32, #tpu.memory_space<vmem>>
        %dma_wait3A_467 = arith.constant 0 : i32
        %dma_wait3A_468 = tpu.memref_slice %arg6[%dma_wait3A_462, %dma_wait3A_467] : memref<79x128xi32, #tpu.memory_space<vmem>> -> memref<1x128xi32, #tpu.memory_space<vmem>>
        %dma_wait3A_469 = tpu.memref_squeeze %dma_wait3A_468 : memref<1x128xi32, #tpu.memory_space<vmem>> -> memref<128xi32, #tpu.memory_space<vmem>>
        %dma_wait3A_470 = arith.constant 0 : i32
        %dma_wait3A_471 = arith.constant 0 : i32
        %dma_wait3A_472 = tpu.memref_slice %arg9[%dma_wait3A_470, %dma_wait3A_471] : memref<10112x32xf32, #tpu.memory_space<vmem_shared>> -> memref<10112x32xf32, #tpu.memory_space<vmem_shared>>
        tpu.wait_indirect_dma semaphore(%arg13 : memref<!tpu.dma_semaphore, #tpu.memory_space<semaphore_mem>>) src(%dma_wait3A_466 : memref<128x32xf32, #tpu.memory_space<vmem>>) dst(%dma_wait3A_472 : memref<10112x32xf32, #tpu.memory_space<vmem_shared>>)
      } else {
      }
      %add3A_261 = arith.constant 0 : i32
      %add3A_262 = arith.addi %mul3A_255, %add3A_261 : i32
      %dma_start3A_263 = arith.constant 1 : i32
      %dma_start3A_264 = arith.constant 0 : i32
      %dma_start3A_265 = arith.constant 0 : i32
      %dma_start3A_266 = arith.constant 0 : i32
      %dma_start3A_267 = tpu.memref_slice %arg7[%dma_start3A_263, %dma_start3A_264, %dma_start3A_265, %dma_start3A_266] : memref<2x4x128x32xf32, #tpu.memory_space<vmem>> -> memref<1x1x128x32xf32, #tpu.memory_space<vmem>>
      %dma_start3A_268 = tpu.memref_squeeze %dma_start3A_267 : memref<1x1x128x32xf32, #tpu.memory_space<vmem>> -> memref<128x32xf32, #tpu.memory_space<vmem>>
      %dma_start3A_269 = arith.constant 0 : i32
      %dma_start3A_270 = tpu.memref_slice %arg5[%add3A_262, %dma_start3A_269] : memref<79x128xi32, #tpu.memory_space<vmem>> -> memref<1x128xi32, #tpu.memory_space<vmem>>
      %dma_start3A_271 = tpu.memref_squeeze %dma_start3A_270 : memref<1x128xi32, #tpu.memory_space<vmem>> -> memref<128xi32, #tpu.memory_space<vmem>>
      %dma_start3A_272 = arith.constant 0 : i32
      %dma_start3A_273 = arith.constant 0 : i32
      %dma_start3A_274 = tpu.memref_slice %arg10[%dma_start3A_272, %dma_start3A_273] : memref<10112x32xf32, #tpu.memory_space<vmem_shared>> -> memref<10112x32xf32, #tpu.memory_space<vmem_shared>>
      tpu.enqueue_indirect_dma source(%dma_start3A_274 : memref<10112x32xf32, #tpu.memory_space<vmem_shared>>) target(%dma_start3A_268 : memref<128x32xf32, #tpu.memory_space<vmem>>) offsets(%dma_start3A_271 : memref<128xi32, #tpu.memory_space<vmem>>) semaphore(%arg11 : memref<!tpu.dma_semaphore, #tpu.memory_space<semaphore_mem>>)
      %add3A_275 = arith.constant 1 : i32
      %add3A_276 = arith.addi %mul3A_255, %add3A_275 : i32
      %dma_start3A_277 = arith.constant 1 : i32
      %dma_start3A_278 = arith.constant 1 : i32
      %dma_start3A_279 = arith.constant 0 : i32
      %dma_start3A_280 = arith.constant 0 : i32
      %dma_start3A_281 = tpu.memref_slice %arg7[%dma_start3A_277, %dma_start3A_278, %dma_start3A_279, %dma_start3A_280] : memref<2x4x128x32xf32, #tpu.memory_space<vmem>> -> memref<1x1x128x32xf32, #tpu.memory_space<vmem>>
      %dma_start3A_282 = tpu.memref_squeeze %dma_start3A_281 : memref<1x1x128x32xf32, #tpu.memory_space<vmem>> -> memref<128x32xf32, #tpu.memory_space<vmem>>
      %dma_start3A_283 = arith.constant 0 : i32
      %dma_start3A_284 = tpu.memref_slice %arg5[%add3A_276, %dma_start3A_283] : memref<79x128xi32, #tpu.memory_space<vmem>> -> memref<1x128xi32, #tpu.memory_space<vmem>>
      %dma_start3A_285 = tpu.memref_squeeze %dma_start3A_284 : memref<1x128xi32, #tpu.memory_space<vmem>> -> memref<128xi32, #tpu.memory_space<vmem>>
      %dma_start3A_286 = arith.constant 0 : i32
      %dma_start3A_287 = arith.constant 0 : i32
      %dma_start3A_288 = tpu.memref_slice %arg10[%dma_start3A_286, %dma_start3A_287] : memref<10112x32xf32, #tpu.memory_space<vmem_shared>> -> memref<10112x32xf32, #tpu.memory_space<vmem_shared>>
      tpu.enqueue_indirect_dma source(%dma_start3A_288 : memref<10112x32xf32, #tpu.memory_space<vmem_shared>>) target(%dma_start3A_282 : memref<128x32xf32, #tpu.memory_space<vmem>>) offsets(%dma_start3A_285 : memref<128xi32, #tpu.memory_space<vmem>>) semaphore(%arg11 : memref<!tpu.dma_semaphore, #tpu.memory_space<semaphore_mem>>)
      %add3A_289 = arith.constant 2 : i32
      %add3A_290 = arith.addi %mul3A_255, %add3A_289 : i32
      %dma_start3A_291 = arith.constant 1 : i32
      %dma_start3A_292 = arith.constant 2 : i32
      %dma_start3A_293 = arith.constant 0 : i32
      %dma_start3A_294 = arith.constant 0 : i32
      %dma_start3A_295 = tpu.memref_slice %arg7[%dma_start3A_291, %dma_start3A_292, %dma_start3A_293, %dma_start3A_294] : memref<2x4x128x32xf32, #tpu.memory_space<vmem>> -> memref<1x1x128x32xf32, #tpu.memory_space<vmem>>
      %dma_start3A_296 = tpu.memref_squeeze %dma_start3A_295 : memref<1x1x128x32xf32, #tpu.memory_space<vmem>> -> memref<128x32xf32, #tpu.memory_space<vmem>>
      %dma_start3A_297 = arith.constant 0 : i32
      %dma_start3A_298 = tpu.memref_slice %arg5[%add3A_290, %dma_start3A_297] : memref<79x128xi32, #tpu.memory_space<vmem>> -> memref<1x128xi32, #tpu.memory_space<vmem>>
      %dma_start3A_299 = tpu.memref_squeeze %dma_start3A_298 : memref<1x128xi32, #tpu.memory_space<vmem>> -> memref<128xi32, #tpu.memory_space<vmem>>
      %dma_start3A_300 = arith.constant 0 : i32
      %dma_start3A_301 = arith.constant 0 : i32
      %dma_start3A_302 = tpu.memref_slice %arg10[%dma_start3A_300, %dma_start3A_301] : memref<10112x32xf32, #tpu.memory_space<vmem_shared>> -> memref<10112x32xf32, #tpu.memory_space<vmem_shared>>
      tpu.enqueue_indirect_dma source(%dma_start3A_302 : memref<10112x32xf32, #tpu.memory_space<vmem_shared>>) target(%dma_start3A_296 : memref<128x32xf32, #tpu.memory_space<vmem>>) offsets(%dma_start3A_299 : memref<128xi32, #tpu.memory_space<vmem>>) semaphore(%arg11 : memref<!tpu.dma_semaphore, #tpu.memory_space<semaphore_mem>>)
      %add3A_303 = arith.constant 3 : i32
      %add3A_304 = arith.addi %mul3A_255, %add3A_303 : i32
      %dma_start3A_305 = arith.constant 1 : i32
      %dma_start3A_306 = arith.constant 3 : i32
      %dma_start3A_307 = arith.constant 0 : i32
      %dma_start3A_308 = arith.constant 0 : i32
      %dma_start3A_309 = tpu.memref_slice %arg7[%dma_start3A_305, %dma_start3A_306, %dma_start3A_307, %dma_start3A_308] : memref<2x4x128x32xf32, #tpu.memory_space<vmem>> -> memref<1x1x128x32xf32, #tpu.memory_space<vmem>>
      %dma_start3A_310 = tpu.memref_squeeze %dma_start3A_309 : memref<1x1x128x32xf32, #tpu.memory_space<vmem>> -> memref<128x32xf32, #tpu.memory_space<vmem>>
      %dma_start3A_311 = arith.constant 0 : i32
      %dma_start3A_312 = tpu.memref_slice %arg5[%add3A_304, %dma_start3A_311] : memref<79x128xi32, #tpu.memory_space<vmem>> -> memref<1x128xi32, #tpu.memory_space<vmem>>
      %dma_start3A_313 = tpu.memref_squeeze %dma_start3A_312 : memref<1x128xi32, #tpu.memory_space<vmem>> -> memref<128xi32, #tpu.memory_space<vmem>>
      %dma_start3A_314 = arith.constant 0 : i32
      %dma_start3A_315 = arith.constant 0 : i32
      %dma_start3A_316 = tpu.memref_slice %arg10[%dma_start3A_314, %dma_start3A_315] : memref<10112x32xf32, #tpu.memory_space<vmem_shared>> -> memref<10112x32xf32, #tpu.memory_space<vmem_shared>>
      tpu.enqueue_indirect_dma source(%dma_start3A_316 : memref<10112x32xf32, #tpu.memory_space<vmem_shared>>) target(%dma_start3A_310 : memref<128x32xf32, #tpu.memory_space<vmem>>) offsets(%dma_start3A_313 : memref<128xi32, #tpu.memory_space<vmem>>) semaphore(%arg11 : memref<!tpu.dma_semaphore, #tpu.memory_space<semaphore_mem>>)
      %dma_wait3A_317 = arith.constant 1 : i32
      %dma_wait3A_318 = arith.constant 0 : i32
      %dma_wait3A_319 = arith.constant 0 : i32
      %dma_wait3A_320 = arith.constant 0 : i32
      %dma_wait3A_321 = tpu.memref_slice %arg7[%dma_wait3A_317, %dma_wait3A_318, %dma_wait3A_319, %dma_wait3A_320] : memref<2x4x128x32xf32, #tpu.memory_space<vmem>> -> memref<1x1x128x32xf32, #tpu.memory_space<vmem>>
      %dma_wait3A_322 = tpu.memref_squeeze %dma_wait3A_321 : memref<1x1x128x32xf32, #tpu.memory_space<vmem>> -> memref<128x32xf32, #tpu.memory_space<vmem>>
      %dma_wait3A_323 = arith.constant 0 : i32
      %dma_wait3A_324 = tpu.memref_slice %arg5[%add3A_262, %dma_wait3A_323] : memref<79x128xi32, #tpu.memory_space<vmem>> -> memref<1x128xi32, #tpu.memory_space<vmem>>
      %dma_wait3A_325 = tpu.memref_squeeze %dma_wait3A_324 : memref<1x128xi32, #tpu.memory_space<vmem>> -> memref<128xi32, #tpu.memory_space<vmem>>
      %dma_wait3A_326 = arith.constant 0 : i32
      %dma_wait3A_327 = arith.constant 0 : i32
      %dma_wait3A_328 = tpu.memref_slice %arg10[%dma_wait3A_326, %dma_wait3A_327] : memref<10112x32xf32, #tpu.memory_space<vmem_shared>> -> memref<10112x32xf32, #tpu.memory_space<vmem_shared>>
      tpu.wait_indirect_dma semaphore(%arg11 : memref<!tpu.dma_semaphore, #tpu.memory_space<semaphore_mem>>) src(%dma_wait3A_328 : memref<10112x32xf32, #tpu.memory_space<vmem_shared>>) dst(%dma_wait3A_322 : memref<128x32xf32, #tpu.memory_space<vmem>>)
      %dma_wait3A_329 = arith.constant 1 : i32
      %dma_wait3A_330 = arith.constant 1 : i32
      %dma_wait3A_331 = arith.constant 0 : i32
      %dma_wait3A_332 = arith.constant 0 : i32
      %dma_wait3A_333 = tpu.memref_slice %arg7[%dma_wait3A_329, %dma_wait3A_330, %dma_wait3A_331, %dma_wait3A_332] : memref<2x4x128x32xf32, #tpu.memory_space<vmem>> -> memref<1x1x128x32xf32, #tpu.memory_space<vmem>>
      %dma_wait3A_334 = tpu.memref_squeeze %dma_wait3A_333 : memref<1x1x128x32xf32, #tpu.memory_space<vmem>> -> memref<128x32xf32, #tpu.memory_space<vmem>>
      %dma_wait3A_335 = arith.constant 0 : i32
      %dma_wait3A_336 = tpu.memref_slice %arg5[%add3A_276, %dma_wait3A_335] : memref<79x128xi32, #tpu.memory_space<vmem>> -> memref<1x128xi32, #tpu.memory_space<vmem>>
      %dma_wait3A_337 = tpu.memref_squeeze %dma_wait3A_336 : memref<1x128xi32, #tpu.memory_space<vmem>> -> memref<128xi32, #tpu.memory_space<vmem>>
      %dma_wait3A_338 = arith.constant 0 : i32
      %dma_wait3A_339 = arith.constant 0 : i32
      %dma_wait3A_340 = tpu.memref_slice %arg10[%dma_wait3A_338, %dma_wait3A_339] : memref<10112x32xf32, #tpu.memory_space<vmem_shared>> -> memref<10112x32xf32, #tpu.memory_space<vmem_shared>>
      tpu.wait_indirect_dma semaphore(%arg11 : memref<!tpu.dma_semaphore, #tpu.memory_space<semaphore_mem>>) src(%dma_wait3A_340 : memref<10112x32xf32, #tpu.memory_space<vmem_shared>>) dst(%dma_wait3A_334 : memref<128x32xf32, #tpu.memory_space<vmem>>)
      %dma_wait3A_341 = arith.constant 1 : i32
      %dma_wait3A_342 = arith.constant 2 : i32
      %dma_wait3A_343 = arith.constant 0 : i32
      %dma_wait3A_344 = arith.constant 0 : i32
      %dma_wait3A_345 = tpu.memref_slice %arg7[%dma_wait3A_341, %dma_wait3A_342, %dma_wait3A_343, %dma_wait3A_344] : memref<2x4x128x32xf32, #tpu.memory_space<vmem>> -> memref<1x1x128x32xf32, #tpu.memory_space<vmem>>
      %dma_wait3A_346 = tpu.memref_squeeze %dma_wait3A_345 : memref<1x1x128x32xf32, #tpu.memory_space<vmem>> -> memref<128x32xf32, #tpu.memory_space<vmem>>
      %dma_wait3A_347 = arith.constant 0 : i32
      %dma_wait3A_348 = tpu.memref_slice %arg5[%add3A_290, %dma_wait3A_347] : memref<79x128xi32, #tpu.memory_space<vmem>> -> memref<1x128xi32, #tpu.memory_space<vmem>>
      %dma_wait3A_349 = tpu.memref_squeeze %dma_wait3A_348 : memref<1x128xi32, #tpu.memory_space<vmem>> -> memref<128xi32, #tpu.memory_space<vmem>>
      %dma_wait3A_350 = arith.constant 0 : i32
      %dma_wait3A_351 = arith.constant 0 : i32
      %dma_wait3A_352 = tpu.memref_slice %arg10[%dma_wait3A_350, %dma_wait3A_351] : memref<10112x32xf32, #tpu.memory_space<vmem_shared>> -> memref<10112x32xf32, #tpu.memory_space<vmem_shared>>
      tpu.wait_indirect_dma semaphore(%arg11 : memref<!tpu.dma_semaphore, #tpu.memory_space<semaphore_mem>>) src(%dma_wait3A_352 : memref<10112x32xf32, #tpu.memory_space<vmem_shared>>) dst(%dma_wait3A_346 : memref<128x32xf32, #tpu.memory_space<vmem>>)
      %dma_wait3A_353 = arith.constant 1 : i32
      %dma_wait3A_354 = arith.constant 3 : i32
      %dma_wait3A_355 = arith.constant 0 : i32
      %dma_wait3A_356 = arith.constant 0 : i32
      %dma_wait3A_357 = tpu.memref_slice %arg7[%dma_wait3A_353, %dma_wait3A_354, %dma_wait3A_355, %dma_wait3A_356] : memref<2x4x128x32xf32, #tpu.memory_space<vmem>> -> memref<1x1x128x32xf32, #tpu.memory_space<vmem>>
      %dma_wait3A_358 = tpu.memref_squeeze %dma_wait3A_357 : memref<1x1x128x32xf32, #tpu.memory_space<vmem>> -> memref<128x32xf32, #tpu.memory_space<vmem>>
      %dma_wait3A_359 = arith.constant 0 : i32
      %dma_wait3A_360 = tpu.memref_slice %arg5[%add3A_304, %dma_wait3A_359] : memref<79x128xi32, #tpu.memory_space<vmem>> -> memref<1x128xi32, #tpu.memory_space<vmem>>
      %dma_wait3A_361 = tpu.memref_squeeze %dma_wait3A_360 : memref<1x128xi32, #tpu.memory_space<vmem>> -> memref<128xi32, #tpu.memory_space<vmem>>
      %dma_wait3A_362 = arith.constant 0 : i32
      %dma_wait3A_363 = arith.constant 0 : i32
      %dma_wait3A_364 = tpu.memref_slice %arg10[%dma_wait3A_362, %dma_wait3A_363] : memref<10112x32xf32, #tpu.memory_space<vmem_shared>> -> memref<10112x32xf32, #tpu.memory_space<vmem_shared>>
      tpu.wait_indirect_dma semaphore(%arg11 : memref<!tpu.dma_semaphore, #tpu.memory_space<semaphore_mem>>) src(%dma_wait3A_364 : memref<10112x32xf32, #tpu.memory_space<vmem_shared>>) dst(%dma_wait3A_358 : memref<128x32xf32, #tpu.memory_space<vmem>>)
      %add3A_365 = arith.constant 0 : i32
      %add3A_366 = arith.addi %mul3A_255, %add3A_365 : i32
      %dma_start3A_367 = arith.constant 1 : i32
      %dma_start3A_368 = arith.constant 0 : i32
      %dma_start3A_369 = arith.constant 0 : i32
      %dma_start3A_370 = arith.constant 0 : i32
      %dma_start3A_371 = tpu.memref_slice %arg7[%dma_start3A_367, %dma_start3A_368, %dma_start3A_369, %dma_start3A_370] : memref<2x4x128x32xf32, #tpu.memory_space<vmem>> -> memref<1x1x128x32xf32, #tpu.memory_space<vmem>>
      %dma_start3A_372 = tpu.memref_squeeze %dma_start3A_371 : memref<1x1x128x32xf32, #tpu.memory_space<vmem>> -> memref<128x32xf32, #tpu.memory_space<vmem>>
      %dma_start3A_373 = arith.constant 0 : i32
      %dma_start3A_374 = tpu.memref_slice %arg6[%add3A_366, %dma_start3A_373] : memref<79x128xi32, #tpu.memory_space<vmem>> -> memref<1x128xi32, #tpu.memory_space<vmem>>
      %dma_start3A_375 = tpu.memref_squeeze %dma_start3A_374 : memref<1x128xi32, #tpu.memory_space<vmem>> -> memref<128xi32, #tpu.memory_space<vmem>>
      %dma_start3A_376 = arith.constant 0 : i32
      %dma_start3A_377 = arith.constant 0 : i32
      %dma_start3A_378 = tpu.memref_slice %arg9[%dma_start3A_376, %dma_start3A_377] : memref<10112x32xf32, #tpu.memory_space<vmem_shared>> -> memref<10112x32xf32, #tpu.memory_space<vmem_shared>>
      tpu.enqueue_indirect_dma source(%dma_start3A_372 : memref<128x32xf32, #tpu.memory_space<vmem>>) target(%dma_start3A_378 : memref<10112x32xf32, #tpu.memory_space<vmem_shared>>) offsets(%dma_start3A_375 : memref<128xi32, #tpu.memory_space<vmem>>) semaphore(%arg13 : memref<!tpu.dma_semaphore, #tpu.memory_space<semaphore_mem>>) {add = true}
      %add3A_379 = arith.constant 1 : i32
      %add3A_380 = arith.addi %mul3A_255, %add3A_379 : i32
      %dma_start3A_381 = arith.constant 1 : i32
      %dma_start3A_382 = arith.constant 1 : i32
      %dma_start3A_383 = arith.constant 0 : i32
      %dma_start3A_384 = arith.constant 0 : i32
      %dma_start3A_385 = tpu.memref_slice %arg7[%dma_start3A_381, %dma_start3A_382, %dma_start3A_383, %dma_start3A_384] : memref<2x4x128x32xf32, #tpu.memory_space<vmem>> -> memref<1x1x128x32xf32, #tpu.memory_space<vmem>>
      %dma_start3A_386 = tpu.memref_squeeze %dma_start3A_385 : memref<1x1x128x32xf32, #tpu.memory_space<vmem>> -> memref<128x32xf32, #tpu.memory_space<vmem>>
      %dma_start3A_387 = arith.constant 0 : i32
      %dma_start3A_388 = tpu.memref_slice %arg6[%add3A_380, %dma_start3A_387] : memref<79x128xi32, #tpu.memory_space<vmem>> -> memref<1x128xi32, #tpu.memory_space<vmem>>
      %dma_start3A_389 = tpu.memref_squeeze %dma_start3A_388 : memref<1x128xi32, #tpu.memory_space<vmem>> -> memref<128xi32, #tpu.memory_space<vmem>>
      %dma_start3A_390 = arith.constant 0 : i32
      %dma_start3A_391 = arith.constant 0 : i32
      %dma_start3A_392 = tpu.memref_slice %arg9[%dma_start3A_390, %dma_start3A_391] : memref<10112x32xf32, #tpu.memory_space<vmem_shared>> -> memref<10112x32xf32, #tpu.memory_space<vmem_shared>>
      tpu.enqueue_indirect_dma source(%dma_start3A_386 : memref<128x32xf32, #tpu.memory_space<vmem>>) target(%dma_start3A_392 : memref<10112x32xf32, #tpu.memory_space<vmem_shared>>) offsets(%dma_start3A_389 : memref<128xi32, #tpu.memory_space<vmem>>) semaphore(%arg13 : memref<!tpu.dma_semaphore, #tpu.memory_space<semaphore_mem>>) {add = true}
      %add3A_393 = arith.constant 2 : i32
      %add3A_394 = arith.addi %mul3A_255, %add3A_393 : i32
      %dma_start3A_395 = arith.constant 1 : i32
      %dma_start3A_396 = arith.constant 2 : i32
      %dma_start3A_397 = arith.constant 0 : i32
      %dma_start3A_398 = arith.constant 0 : i32
      %dma_start3A_399 = tpu.memref_slice %arg7[%dma_start3A_395, %dma_start3A_396, %dma_start3A_397, %dma_start3A_398] : memref<2x4x128x32xf32, #tpu.memory_space<vmem>> -> memref<1x1x128x32xf32, #tpu.memory_space<vmem>>
      %dma_start3A_400 = tpu.memref_squeeze %dma_start3A_399 : memref<1x1x128x32xf32, #tpu.memory_space<vmem>> -> memref<128x32xf32, #tpu.memory_space<vmem>>
      %dma_start3A_401 = arith.constant 0 : i32
      %dma_start3A_402 = tpu.memref_slice %arg6[%add3A_394, %dma_start3A_401] : memref<79x128xi32, #tpu.memory_space<vmem>> -> memref<1x128xi32, #tpu.memory_space<vmem>>
      %dma_start3A_403 = tpu.memref_squeeze %dma_start3A_402 : memref<1x128xi32, #tpu.memory_space<vmem>> -> memref<128xi32, #tpu.memory_space<vmem>>
      %dma_start3A_404 = arith.constant 0 : i32
      %dma_start3A_405 = arith.constant 0 : i32
      %dma_start3A_406 = tpu.memref_slice %arg9[%dma_start3A_404, %dma_start3A_405] : memref<10112x32xf32, #tpu.memory_space<vmem_shared>> -> memref<10112x32xf32, #tpu.memory_space<vmem_shared>>
      tpu.enqueue_indirect_dma source(%dma_start3A_400 : memref<128x32xf32, #tpu.memory_space<vmem>>) target(%dma_start3A_406 : memref<10112x32xf32, #tpu.memory_space<vmem_shared>>) offsets(%dma_start3A_403 : memref<128xi32, #tpu.memory_space<vmem>>) semaphore(%arg13 : memref<!tpu.dma_semaphore, #tpu.memory_space<semaphore_mem>>) {add = true}
      %add3A_407 = arith.constant 3 : i32
      %add3A_408 = arith.addi %mul3A_255, %add3A_407 : i32
      %dma_start3A_409 = arith.constant 1 : i32
      %dma_start3A_410 = arith.constant 3 : i32
      %dma_start3A_411 = arith.constant 0 : i32
      %dma_start3A_412 = arith.constant 0 : i32
      %dma_start3A_413 = tpu.memref_slice %arg7[%dma_start3A_409, %dma_start3A_410, %dma_start3A_411, %dma_start3A_412] : memref<2x4x128x32xf32, #tpu.memory_space<vmem>> -> memref<1x1x128x32xf32, #tpu.memory_space<vmem>>
      %dma_start3A_414 = tpu.memref_squeeze %dma_start3A_413 : memref<1x1x128x32xf32, #tpu.memory_space<vmem>> -> memref<128x32xf32, #tpu.memory_space<vmem>>
      %dma_start3A_415 = arith.constant 0 : i32
      %dma_start3A_416 = tpu.memref_slice %arg6[%add3A_408, %dma_start3A_415] : memref<79x128xi32, #tpu.memory_space<vmem>> -> memref<1x128xi32, #tpu.memory_space<vmem>>
      %dma_start3A_417 = tpu.memref_squeeze %dma_start3A_416 : memref<1x128xi32, #tpu.memory_space<vmem>> -> memref<128xi32, #tpu.memory_space<vmem>>
      %dma_start3A_418 = arith.constant 0 : i32
      %dma_start3A_419 = arith.constant 0 : i32
      %dma_start3A_420 = tpu.memref_slice %arg9[%dma_start3A_418, %dma_start3A_419] : memref<10112x32xf32, #tpu.memory_space<vmem_shared>> -> memref<10112x32xf32, #tpu.memory_space<vmem_shared>>
      tpu.enqueue_indirect_dma source(%dma_start3A_414 : memref<128x32xf32, #tpu.memory_space<vmem>>) target(%dma_start3A_420 : memref<10112x32xf32, #tpu.memory_space<vmem_shared>>) offsets(%dma_start3A_417 : memref<128xi32, #tpu.memory_space<vmem>>) semaphore(%arg13 : memref<!tpu.dma_semaphore, #tpu.memory_space<semaphore_mem>>) {add = true}
    }
    %gt3A = arith.constant 0 : i32
    %gt3A_64 = arith.cmpi sgt, %select_n3A_24, %gt3A : i32
    %convert_element_type3A = arith.extui %gt3A_64 : i1 to i32
    %cond3A = arith.constant 0 : i32
    %cond3A_65 = arith.cmpi ne, %convert_element_type3A, %cond3A : i32
    scf.if %cond3A_65 {
      %dma_wait3A = arith.constant 0 : i32
      %dma_wait3A_81 = arith.constant 0 : i32
      %dma_wait3A_82 = arith.constant 0 : i32
      %dma_wait3A_83 = arith.constant 0 : i32
      %dma_wait3A_84 = arith.constant 0 : i32
      %dma_wait3A_85 = tpu.memref_slice %arg7[%dma_wait3A, %dma_wait3A_81, %dma_wait3A_83, %dma_wait3A_84] : memref<2x4x128x32xf32, #tpu.memory_space<vmem>> -> memref<1x1x128x32xf32, #tpu.memory_space<vmem>>
      %dma_wait3A_86 = tpu.memref_squeeze %dma_wait3A_85 : memref<1x1x128x32xf32, #tpu.memory_space<vmem>> -> memref<128x32xf32, #tpu.memory_space<vmem>>
      %dma_wait3A_87 = arith.constant 0 : i32
      %dma_wait3A_88 = tpu.memref_slice %arg6[%dma_wait3A_82, %dma_wait3A_87] : memref<79x128xi32, #tpu.memory_space<vmem>> -> memref<1x128xi32, #tpu.memory_space<vmem>>
      %dma_wait3A_89 = tpu.memref_squeeze %dma_wait3A_88 : memref<1x128xi32, #tpu.memory_space<vmem>> -> memref<128xi32, #tpu.memory_space<vmem>>
      %dma_wait3A_90 = arith.constant 0 : i32
      %dma_wait3A_91 = arith.constant 0 : i32
      %dma_wait3A_92 = tpu.memref_slice %arg9[%dma_wait3A_90, %dma_wait3A_91] : memref<10112x32xf32, #tpu.memory_space<vmem_shared>> -> memref<10112x32xf32, #tpu.memory_space<vmem_shared>>
      tpu.wait_indirect_dma semaphore(%arg12 : memref<!tpu.dma_semaphore, #tpu.memory_space<semaphore_mem>>) src(%dma_wait3A_86 : memref<128x32xf32, #tpu.memory_space<vmem>>) dst(%dma_wait3A_92 : memref<10112x32xf32, #tpu.memory_space<vmem_shared>>)
      %dma_wait3A_93 = arith.constant 0 : i32
      %dma_wait3A_94 = arith.constant 1 : i32
      %dma_wait3A_95 = arith.constant 0 : i32
      %dma_wait3A_96 = arith.constant 0 : i32
      %dma_wait3A_97 = arith.constant 0 : i32
      %dma_wait3A_98 = tpu.memref_slice %arg7[%dma_wait3A_93, %dma_wait3A_94, %dma_wait3A_96, %dma_wait3A_97] : memref<2x4x128x32xf32, #tpu.memory_space<vmem>> -> memref<1x1x128x32xf32, #tpu.memory_space<vmem>>
      %dma_wait3A_99 = tpu.memref_squeeze %dma_wait3A_98 : memref<1x1x128x32xf32, #tpu.memory_space<vmem>> -> memref<128x32xf32, #tpu.memory_space<vmem>>
      %dma_wait3A_100 = arith.constant 0 : i32
      %dma_wait3A_101 = tpu.memref_slice %arg6[%dma_wait3A_95, %dma_wait3A_100] : memref<79x128xi32, #tpu.memory_space<vmem>> -> memref<1x128xi32, #tpu.memory_space<vmem>>
      %dma_wait3A_102 = tpu.memref_squeeze %dma_wait3A_101 : memref<1x128xi32, #tpu.memory_space<vmem>> -> memref<128xi32, #tpu.memory_space<vmem>>
      %dma_wait3A_103 = arith.constant 0 : i32
      %dma_wait3A_104 = arith.constant 0 : i32
      %dma_wait3A_105 = tpu.memref_slice %arg9[%dma_wait3A_103, %dma_wait3A_104] : memref<10112x32xf32, #tpu.memory_space<vmem_shared>> -> memref<10112x32xf32, #tpu.memory_space<vmem_shared>>
      tpu.wait_indirect_dma semaphore(%arg12 : memref<!tpu.dma_semaphore, #tpu.memory_space<semaphore_mem>>) src(%dma_wait3A_99 : memref<128x32xf32, #tpu.memory_space<vmem>>) dst(%dma_wait3A_105 : memref<10112x32xf32, #tpu.memory_space<vmem_shared>>)
      %dma_wait3A_106 = arith.constant 0 : i32
      %dma_wait3A_107 = arith.constant 2 : i32
      %dma_wait3A_108 = arith.constant 0 : i32
      %dma_wait3A_109 = arith.constant 0 : i32
      %dma_wait3A_110 = arith.constant 0 : i32
      %dma_wait3A_111 = tpu.memref_slice %arg7[%dma_wait3A_106, %dma_wait3A_107, %dma_wait3A_109, %dma_wait3A_110] : memref<2x4x128x32xf32, #tpu.memory_space<vmem>> -> memref<1x1x128x32xf32, #tpu.memory_space<vmem>>
      %dma_wait3A_112 = tpu.memref_squeeze %dma_wait3A_111 : memref<1x1x128x32xf32, #tpu.memory_space<vmem>> -> memref<128x32xf32, #tpu.memory_space<vmem>>
      %dma_wait3A_113 = arith.constant 0 : i32
      %dma_wait3A_114 = tpu.memref_slice %arg6[%dma_wait3A_108, %dma_wait3A_113] : memref<79x128xi32, #tpu.memory_space<vmem>> -> memref<1x128xi32, #tpu.memory_space<vmem>>
      %dma_wait3A_115 = tpu.memref_squeeze %dma_wait3A_114 : memref<1x128xi32, #tpu.memory_space<vmem>> -> memref<128xi32, #tpu.memory_space<vmem>>
      %dma_wait3A_116 = arith.constant 0 : i32
      %dma_wait3A_117 = arith.constant 0 : i32
      %dma_wait3A_118 = tpu.memref_slice %arg9[%dma_wait3A_116, %dma_wait3A_117] : memref<10112x32xf32, #tpu.memory_space<vmem_shared>> -> memref<10112x32xf32, #tpu.memory_space<vmem_shared>>
      tpu.wait_indirect_dma semaphore(%arg12 : memref<!tpu.dma_semaphore, #tpu.memory_space<semaphore_mem>>) src(%dma_wait3A_112 : memref<128x32xf32, #tpu.memory_space<vmem>>) dst(%dma_wait3A_118 : memref<10112x32xf32, #tpu.memory_space<vmem_shared>>)
      %dma_wait3A_119 = arith.constant 0 : i32
      %dma_wait3A_120 = arith.constant 3 : i32
      %dma_wait3A_121 = arith.constant 0 : i32
      %dma_wait3A_122 = arith.constant 0 : i32
      %dma_wait3A_123 = arith.constant 0 : i32
      %dma_wait3A_124 = tpu.memref_slice %arg7[%dma_wait3A_119, %dma_wait3A_120, %dma_wait3A_122, %dma_wait3A_123] : memref<2x4x128x32xf32, #tpu.memory_space<vmem>> -> memref<1x1x128x32xf32, #tpu.memory_space<vmem>>
      %dma_wait3A_125 = tpu.memref_squeeze %dma_wait3A_124 : memref<1x1x128x32xf32, #tpu.memory_space<vmem>> -> memref<128x32xf32, #tpu.memory_space<vmem>>
      %dma_wait3A_126 = arith.constant 0 : i32
      %dma_wait3A_127 = tpu.memref_slice %arg6[%dma_wait3A_121, %dma_wait3A_126] : memref<79x128xi32, #tpu.memory_space<vmem>> -> memref<1x128xi32, #tpu.memory_space<vmem>>
      %dma_wait3A_128 = tpu.memref_squeeze %dma_wait3A_127 : memref<1x128xi32, #tpu.memory_space<vmem>> -> memref<128xi32, #tpu.memory_space<vmem>>
      %dma_wait3A_129 = arith.constant 0 : i32
      %dma_wait3A_130 = arith.constant 0 : i32
      %dma_wait3A_131 = tpu.memref_slice %arg9[%dma_wait3A_129, %dma_wait3A_130] : memref<10112x32xf32, #tpu.memory_space<vmem_shared>> -> memref<10112x32xf32, #tpu.memory_space<vmem_shared>>
      tpu.wait_indirect_dma semaphore(%arg12 : memref<!tpu.dma_semaphore, #tpu.memory_space<semaphore_mem>>) src(%dma_wait3A_125 : memref<128x32xf32, #tpu.memory_space<vmem>>) dst(%dma_wait3A_131 : memref<10112x32xf32, #tpu.memory_space<vmem_shared>>)
      %dma_wait3A_132 = arith.constant 1 : i32
      %dma_wait3A_133 = arith.constant 0 : i32
      %dma_wait3A_134 = arith.constant 0 : i32
      %dma_wait3A_135 = arith.constant 0 : i32
      %dma_wait3A_136 = arith.constant 0 : i32
      %dma_wait3A_137 = tpu.memref_slice %arg7[%dma_wait3A_132, %dma_wait3A_133, %dma_wait3A_135, %dma_wait3A_136] : memref<2x4x128x32xf32, #tpu.memory_space<vmem>> -> memref<1x1x128x32xf32, #tpu.memory_space<vmem>>
      %dma_wait3A_138 = tpu.memref_squeeze %dma_wait3A_137 : memref<1x1x128x32xf32, #tpu.memory_space<vmem>> -> memref<128x32xf32, #tpu.memory_space<vmem>>
      %dma_wait3A_139 = arith.constant 0 : i32
      %dma_wait3A_140 = tpu.memref_slice %arg6[%dma_wait3A_134, %dma_wait3A_139] : memref<79x128xi32, #tpu.memory_space<vmem>> -> memref<1x128xi32, #tpu.memory_space<vmem>>
      %dma_wait3A_141 = tpu.memref_squeeze %dma_wait3A_140 : memref<1x128xi32, #tpu.memory_space<vmem>> -> memref<128xi32, #tpu.memory_space<vmem>>
      %dma_wait3A_142 = arith.constant 0 : i32
      %dma_wait3A_143 = arith.constant 0 : i32
      %dma_wait3A_144 = tpu.memref_slice %arg9[%dma_wait3A_142, %dma_wait3A_143] : memref<10112x32xf32, #tpu.memory_space<vmem_shared>> -> memref<10112x32xf32, #tpu.memory_space<vmem_shared>>
      tpu.wait_indirect_dma semaphore(%arg13 : memref<!tpu.dma_semaphore, #tpu.memory_space<semaphore_mem>>) src(%dma_wait3A_138 : memref<128x32xf32, #tpu.memory_space<vmem>>) dst(%dma_wait3A_144 : memref<10112x32xf32, #tpu.memory_space<vmem_shared>>)
      %dma_wait3A_145 = arith.constant 1 : i32
      %dma_wait3A_146 = arith.constant 1 : i32
      %dma_wait3A_147 = arith.constant 0 : i32
      %dma_wait3A_148 = arith.constant 0 : i32
      %dma_wait3A_149 = arith.constant 0 : i32
      %dma_wait3A_150 = tpu.memref_slice %arg7[%dma_wait3A_145, %dma_wait3A_146, %dma_wait3A_148, %dma_wait3A_149] : memref<2x4x128x32xf32, #tpu.memory_space<vmem>> -> memref<1x1x128x32xf32, #tpu.memory_space<vmem>>
      %dma_wait3A_151 = tpu.memref_squeeze %dma_wait3A_150 : memref<1x1x128x32xf32, #tpu.memory_space<vmem>> -> memref<128x32xf32, #tpu.memory_space<vmem>>
      %dma_wait3A_152 = arith.constant 0 : i32
      %dma_wait3A_153 = tpu.memref_slice %arg6[%dma_wait3A_147, %dma_wait3A_152] : memref<79x128xi32, #tpu.memory_space<vmem>> -> memref<1x128xi32, #tpu.memory_space<vmem>>
      %dma_wait3A_154 = tpu.memref_squeeze %dma_wait3A_153 : memref<1x128xi32, #tpu.memory_space<vmem>> -> memref<128xi32, #tpu.memory_space<vmem>>
      %dma_wait3A_155 = arith.constant 0 : i32
      %dma_wait3A_156 = arith.constant 0 : i32
      %dma_wait3A_157 = tpu.memref_slice %arg9[%dma_wait3A_155, %dma_wait3A_156] : memref<10112x32xf32, #tpu.memory_space<vmem_shared>> -> memref<10112x32xf32, #tpu.memory_space<vmem_shared>>
      tpu.wait_indirect_dma semaphore(%arg13 : memref<!tpu.dma_semaphore, #tpu.memory_space<semaphore_mem>>) src(%dma_wait3A_151 : memref<128x32xf32, #tpu.memory_space<vmem>>) dst(%dma_wait3A_157 : memref<10112x32xf32, #tpu.memory_space<vmem_shared>>)
      %dma_wait3A_158 = arith.constant 1 : i32
      %dma_wait3A_159 = arith.constant 2 : i32
      %dma_wait3A_160 = arith.constant 0 : i32
      %dma_wait3A_161 = arith.constant 0 : i32
      %dma_wait3A_162 = arith.constant 0 : i32
      %dma_wait3A_163 = tpu.memref_slice %arg7[%dma_wait3A_158, %dma_wait3A_159, %dma_wait3A_161, %dma_wait3A_162] : memref<2x4x128x32xf32, #tpu.memory_space<vmem>> -> memref<1x1x128x32xf32, #tpu.memory_space<vmem>>
      %dma_wait3A_164 = tpu.memref_squeeze %dma_wait3A_163 : memref<1x1x128x32xf32, #tpu.memory_space<vmem>> -> memref<128x32xf32, #tpu.memory_space<vmem>>
      %dma_wait3A_165 = arith.constant 0 : i32
      %dma_wait3A_166 = tpu.memref_slice %arg6[%dma_wait3A_160, %dma_wait3A_165] : memref<79x128xi32, #tpu.memory_space<vmem>> -> memref<1x128xi32, #tpu.memory_space<vmem>>
      %dma_wait3A_167 = tpu.memref_squeeze %dma_wait3A_166 : memref<1x128xi32, #tpu.memory_space<vmem>> -> memref<128xi32, #tpu.memory_space<vmem>>
      %dma_wait3A_168 = arith.constant 0 : i32
      %dma_wait3A_169 = arith.constant 0 : i32
      %dma_wait3A_170 = tpu.memref_slice %arg9[%dma_wait3A_168, %dma_wait3A_169] : memref<10112x32xf32, #tpu.memory_space<vmem_shared>> -> memref<10112x32xf32, #tpu.memory_space<vmem_shared>>
      tpu.wait_indirect_dma semaphore(%arg13 : memref<!tpu.dma_semaphore, #tpu.memory_space<semaphore_mem>>) src(%dma_wait3A_164 : memref<128x32xf32, #tpu.memory_space<vmem>>) dst(%dma_wait3A_170 : memref<10112x32xf32, #tpu.memory_space<vmem_shared>>)
      %dma_wait3A_171 = arith.constant 1 : i32
      %dma_wait3A_172 = arith.constant 3 : i32
      %dma_wait3A_173 = arith.constant 0 : i32
      %dma_wait3A_174 = arith.constant 0 : i32
      %dma_wait3A_175 = arith.constant 0 : i32
      %dma_wait3A_176 = tpu.memref_slice %arg7[%dma_wait3A_171, %dma_wait3A_172, %dma_wait3A_174, %dma_wait3A_175] : memref<2x4x128x32xf32, #tpu.memory_space<vmem>> -> memref<1x1x128x32xf32, #tpu.memory_space<vmem>>
      %dma_wait3A_177 = tpu.memref_squeeze %dma_wait3A_176 : memref<1x1x128x32xf32, #tpu.memory_space<vmem>> -> memref<128x32xf32, #tpu.memory_space<vmem>>
      %dma_wait3A_178 = arith.constant 0 : i32
      %dma_wait3A_179 = tpu.memref_slice %arg6[%dma_wait3A_173, %dma_wait3A_178] : memref<79x128xi32, #tpu.memory_space<vmem>> -> memref<1x128xi32, #tpu.memory_space<vmem>>
      %dma_wait3A_180 = tpu.memref_squeeze %dma_wait3A_179 : memref<1x128xi32, #tpu.memory_space<vmem>> -> memref<128xi32, #tpu.memory_space<vmem>>
      %dma_wait3A_181 = arith.constant 0 : i32
      %dma_wait3A_182 = arith.constant 0 : i32
      %dma_wait3A_183 = tpu.memref_slice %arg9[%dma_wait3A_181, %dma_wait3A_182] : memref<10112x32xf32, #tpu.memory_space<vmem_shared>> -> memref<10112x32xf32, #tpu.memory_space<vmem_shared>>
      tpu.wait_indirect_dma semaphore(%arg13 : memref<!tpu.dma_semaphore, #tpu.memory_space<semaphore_mem>>) src(%dma_wait3A_177 : memref<128x32xf32, #tpu.memory_space<vmem>>) dst(%dma_wait3A_183 : memref<10112x32xf32, #tpu.memory_space<vmem_shared>>)
    } else {
    }
    %while3A_66 = arith.constant 0 : i32
    %while3A_67 = arith.constant 0 : i32
    %while3A_68 = arith.subi %sub3A_27, %while3A_67 : i32
    %while3A_69 = arith.addi %while3A_67, %while3A_68 : i32
    %while3A_70 = arith.constant 1 : i32
    %while3A_71 = arith.divsi %while3A_68, %while3A_70 : i32
    %while3A_72 = arith.muli %while3A_71, %while3A_70 : i32
    %while3A_73 = arith.addi %while3A_67, %while3A_72 : i32
    %while3A_74 = arith.constant 1 : i32
    scf.for %while3A_81 = %while3A_67 to %while3A_73 step %while3A_74  : i32 {
      %mul3A_82 = arith.constant 8 : i32
      %mul3A_83 = arith.muli %select_n3A_24, %mul3A_82 : i32
      %add3A_84 = arith.addi %mul3A_83, %while3A_81 : i32
      %dma_start3A = arith.constant 0 : i32
      %dma_start3A_85 = arith.constant 0 : i32
      %dma_start3A_86 = arith.constant 0 : i32
      %dma_start3A_87 = arith.constant 0 : i32
      %dma_start3A_88 = tpu.memref_slice %arg7[%dma_start3A, %dma_start3A_85, %dma_start3A_86, %dma_start3A_87] : memref<2x4x128x32xf32, #tpu.memory_space<vmem>> -> memref<1x1x128x32xf32, #tpu.memory_space<vmem>>
      %dma_start3A_89 = tpu.memref_squeeze %dma_start3A_88 : memref<1x1x128x32xf32, #tpu.memory_space<vmem>> -> memref<128x32xf32, #tpu.memory_space<vmem>>
      %dma_start3A_90 = arith.constant 0 : i32
      %dma_start3A_91 = tpu.memref_slice %arg5[%add3A_84, %dma_start3A_90] : memref<79x128xi32, #tpu.memory_space<vmem>> -> memref<1x128xi32, #tpu.memory_space<vmem>>
      %dma_start3A_92 = tpu.memref_squeeze %dma_start3A_91 : memref<1x128xi32, #tpu.memory_space<vmem>> -> memref<128xi32, #tpu.memory_space<vmem>>
      %dma_start3A_93 = arith.constant 0 : i32
      %dma_start3A_94 = arith.constant 0 : i32
      %dma_start3A_95 = tpu.memref_slice %arg10[%dma_start3A_93, %dma_start3A_94] : memref<10112x32xf32, #tpu.memory_space<vmem_shared>> -> memref<10112x32xf32, #tpu.memory_space<vmem_shared>>
      tpu.enqueue_indirect_dma source(%dma_start3A_95 : memref<10112x32xf32, #tpu.memory_space<vmem_shared>>) target(%dma_start3A_89 : memref<128x32xf32, #tpu.memory_space<vmem>>) offsets(%dma_start3A_92 : memref<128xi32, #tpu.memory_space<vmem>>) semaphore(%arg11 : memref<!tpu.dma_semaphore, #tpu.memory_space<semaphore_mem>>)
      %dma_wait3A = arith.constant 0 : i32
      %dma_wait3A_96 = arith.constant 0 : i32
      %dma_wait3A_97 = arith.constant 0 : i32
      %dma_wait3A_98 = arith.constant 0 : i32
      %dma_wait3A_99 = tpu.memref_slice %arg7[%dma_wait3A, %dma_wait3A_96, %dma_wait3A_97, %dma_wait3A_98] : memref<2x4x128x32xf32, #tpu.memory_space<vmem>> -> memref<1x1x128x32xf32, #tpu.memory_space<vmem>>
      %dma_wait3A_100 = tpu.memref_squeeze %dma_wait3A_99 : memref<1x1x128x32xf32, #tpu.memory_space<vmem>> -> memref<128x32xf32, #tpu.memory_space<vmem>>
      %dma_wait3A_101 = arith.constant 0 : i32
      %dma_wait3A_102 = tpu.memref_slice %arg5[%add3A_84, %dma_wait3A_101] : memref<79x128xi32, #tpu.memory_space<vmem>> -> memref<1x128xi32, #tpu.memory_space<vmem>>
      %dma_wait3A_103 = tpu.memref_squeeze %dma_wait3A_102 : memref<1x128xi32, #tpu.memory_space<vmem>> -> memref<128xi32, #tpu.memory_space<vmem>>
      %dma_wait3A_104 = arith.constant 0 : i32
      %dma_wait3A_105 = arith.constant 0 : i32
      %dma_wait3A_106 = tpu.memref_slice %arg10[%dma_wait3A_104, %dma_wait3A_105] : memref<10112x32xf32, #tpu.memory_space<vmem_shared>> -> memref<10112x32xf32, #tpu.memory_space<vmem_shared>>
      tpu.wait_indirect_dma semaphore(%arg11 : memref<!tpu.dma_semaphore, #tpu.memory_space<semaphore_mem>>) src(%dma_wait3A_106 : memref<10112x32xf32, #tpu.memory_space<vmem_shared>>) dst(%dma_wait3A_100 : memref<128x32xf32, #tpu.memory_space<vmem>>)
      %run_scoped3A_107 = arith.constant 0 : i32
      %run_scoped3A_108 = arith.constant 0 : i32
      "tpu.region"() ({
        %run_scoped3A_109 = tpu.sem_alloc : memref<!tpu.dma_semaphore, #tpu.memory_space<semaphore_mem>>
        %dma_start3A_110 = arith.constant 0 : i32
        %dma_start3A_111 = arith.constant 0 : i32
        %dma_start3A_112 = tpu.memref_slice %arg7[%run_scoped3A_107, %run_scoped3A_108, %dma_start3A_110, %dma_start3A_111] : memref<2x4x128x32xf32, #tpu.memory_space<vmem>> -> memref<1x1x128x32xf32, #tpu.memory_space<vmem>>
        %dma_start3A_113 = tpu.memref_squeeze %dma_start3A_112 : memref<1x1x128x32xf32, #tpu.memory_space<vmem>> -> memref<128x32xf32, #tpu.memory_space<vmem>>
        %dma_start3A_114 = arith.constant 0 : i32
        %dma_start3A_115 = tpu.memref_slice %arg6[%add3A_84, %dma_start3A_114] : memref<79x128xi32, #tpu.memory_space<vmem>> -> memref<1x128xi32, #tpu.memory_space<vmem>>
        %dma_start3A_116 = tpu.memref_squeeze %dma_start3A_115 : memref<1x128xi32, #tpu.memory_space<vmem>> -> memref<128xi32, #tpu.memory_space<vmem>>
        %dma_start3A_117 = arith.constant 0 : i32
        %dma_start3A_118 = arith.constant 0 : i32
        %dma_start3A_119 = tpu.memref_slice %arg9[%dma_start3A_117, %dma_start3A_118] : memref<10112x32xf32, #tpu.memory_space<vmem_shared>> -> memref<10112x32xf32, #tpu.memory_space<vmem_shared>>
        tpu.enqueue_indirect_dma source(%dma_start3A_113 : memref<128x32xf32, #tpu.memory_space<vmem>>) target(%dma_start3A_119 : memref<10112x32xf32, #tpu.memory_space<vmem_shared>>) offsets(%dma_start3A_116 : memref<128xi32, #tpu.memory_space<vmem>>) semaphore(%run_scoped3A_109 : memref<!tpu.dma_semaphore, #tpu.memory_space<semaphore_mem>>) {add = true}
        %dma_wait3A_120 = arith.constant 0 : i32
        %dma_wait3A_121 = arith.constant 0 : i32
        %dma_wait3A_122 = tpu.memref_slice %arg7[%run_scoped3A_107, %run_scoped3A_108, %dma_wait3A_120, %dma_wait3A_121] : memref<2x4x128x32xf32, #tpu.memory_space<vmem>> -> memref<1x1x128x32xf32, #tpu.memory_space<vmem>>
        %dma_wait3A_123 = tpu.memref_squeeze %dma_wait3A_122 : memref<1x1x128x32xf32, #tpu.memory_space<vmem>> -> memref<128x32xf32, #tpu.memory_space<vmem>>
        %dma_wait3A_124 = arith.constant 0 : i32
        %dma_wait3A_125 = tpu.memref_slice %arg6[%add3A_84, %dma_wait3A_124] : memref<79x128xi32, #tpu.memory_space<vmem>> -> memref<1x128xi32, #tpu.memory_space<vmem>>
        %dma_wait3A_126 = tpu.memref_squeeze %dma_wait3A_125 : memref<1x128xi32, #tpu.memory_space<vmem>> -> memref<128xi32, #tpu.memory_space<vmem>>
        %dma_wait3A_127 = arith.constant 0 : i32
        %dma_wait3A_128 = arith.constant 0 : i32
        %dma_wait3A_129 = tpu.memref_slice %arg9[%dma_wait3A_127, %dma_wait3A_128] : memref<10112x32xf32, #tpu.memory_space<vmem_shared>> -> memref<10112x32xf32, #tpu.memory_space<vmem_shared>>
        tpu.wait_indirect_dma semaphore(%run_scoped3A_109 : memref<!tpu.dma_semaphore, #tpu.memory_space<semaphore_mem>>) src(%dma_wait3A_123 : memref<128x32xf32, #tpu.memory_space<vmem>>) dst(%dma_wait3A_129 : memref<10112x32xf32, #tpu.memory_space<vmem_shared>>)
        tpu.yield
      }) : () -> ()
    }
    %while3A_75 = arith.constant 1 : i32
    scf.for %while3A_81 = %while3A_73 to %while3A_69 step %while3A_75  : i32 {
      %mul3A_82 = arith.constant 8 : i32
      %mul3A_83 = arith.muli %select_n3A_24, %mul3A_82 : i32
      %add3A_84 = arith.addi %mul3A_83, %while3A_81 : i32
      %dma_start3A = arith.constant 0 : i32
      %dma_start3A_85 = arith.constant 0 : i32
      %dma_start3A_86 = arith.constant 0 : i32
      %dma_start3A_87 = arith.constant 0 : i32
      %dma_start3A_88 = tpu.memref_slice %arg7[%dma_start3A, %dma_start3A_85, %dma_start3A_86, %dma_start3A_87] : memref<2x4x128x32xf32, #tpu.memory_space<vmem>> -> memref<1x1x128x32xf32, #tpu.memory_space<vmem>>
      %dma_start3A_89 = tpu.memref_squeeze %dma_start3A_88 : memref<1x1x128x32xf32, #tpu.memory_space<vmem>> -> memref<128x32xf32, #tpu.memory_space<vmem>>
      %dma_start3A_90 = arith.constant 0 : i32
      %dma_start3A_91 = tpu.memref_slice %arg5[%add3A_84, %dma_start3A_90] : memref<79x128xi32, #tpu.memory_space<vmem>> -> memref<1x128xi32, #tpu.memory_space<vmem>>
      %dma_start3A_92 = tpu.memref_squeeze %dma_start3A_91 : memref<1x128xi32, #tpu.memory_space<vmem>> -> memref<128xi32, #tpu.memory_space<vmem>>
      %dma_start3A_93 = arith.constant 0 : i32
      %dma_start3A_94 = arith.constant 0 : i32
      %dma_start3A_95 = tpu.memref_slice %arg10[%dma_start3A_93, %dma_start3A_94] : memref<10112x32xf32, #tpu.memory_space<vmem_shared>> -> memref<10112x32xf32, #tpu.memory_space<vmem_shared>>
      tpu.enqueue_indirect_dma source(%dma_start3A_95 : memref<10112x32xf32, #tpu.memory_space<vmem_shared>>) target(%dma_start3A_89 : memref<128x32xf32, #tpu.memory_space<vmem>>) offsets(%dma_start3A_92 : memref<128xi32, #tpu.memory_space<vmem>>) semaphore(%arg11 : memref<!tpu.dma_semaphore, #tpu.memory_space<semaphore_mem>>)
      %dma_wait3A = arith.constant 0 : i32
      %dma_wait3A_96 = arith.constant 0 : i32
      %dma_wait3A_97 = arith.constant 0 : i32
      %dma_wait3A_98 = arith.constant 0 : i32
      %dma_wait3A_99 = tpu.memref_slice %arg7[%dma_wait3A, %dma_wait3A_96, %dma_wait3A_97, %dma_wait3A_98] : memref<2x4x128x32xf32, #tpu.memory_space<vmem>> -> memref<1x1x128x32xf32, #tpu.memory_space<vmem>>
      %dma_wait3A_100 = tpu.memref_squeeze %dma_wait3A_99 : memref<1x1x128x32xf32, #tpu.memory_space<vmem>> -> memref<128x32xf32, #tpu.memory_space<vmem>>
      %dma_wait3A_101 = arith.constant 0 : i32
      %dma_wait3A_102 = tpu.memref_slice %arg5[%add3A_84, %dma_wait3A_101] : memref<79x128xi32, #tpu.memory_space<vmem>> -> memref<1x128xi32, #tpu.memory_space<vmem>>
      %dma_wait3A_103 = tpu.memref_squeeze %dma_wait3A_102 : memref<1x128xi32, #tpu.memory_space<vmem>> -> memref<128xi32, #tpu.memory_space<vmem>>
      %dma_wait3A_104 = arith.constant 0 : i32
      %dma_wait3A_105 = arith.constant 0 : i32
      %dma_wait3A_106 = tpu.memref_slice %arg10[%dma_wait3A_104, %dma_wait3A_105] : memref<10112x32xf32, #tpu.memory_space<vmem_shared>> -> memref<10112x32xf32, #tpu.memory_space<vmem_shared>>
      tpu.wait_indirect_dma semaphore(%arg11 : memref<!tpu.dma_semaphore, #tpu.memory_space<semaphore_mem>>) src(%dma_wait3A_106 : memref<10112x32xf32, #tpu.memory_space<vmem_shared>>) dst(%dma_wait3A_100 : memref<128x32xf32, #tpu.memory_space<vmem>>)
      %run_scoped3A_107 = arith.constant 0 : i32
      %run_scoped3A_108 = arith.constant 0 : i32
      "tpu.region"() ({
        %run_scoped3A_109 = tpu.sem_alloc : memref<!tpu.dma_semaphore, #tpu.memory_space<semaphore_mem>>
        %dma_start3A_110 = arith.constant 0 : i32
        %dma_start3A_111 = arith.constant 0 : i32
        %dma_start3A_112 = tpu.memref_slice %arg7[%run_scoped3A_107, %run_scoped3A_108, %dma_start3A_110, %dma_start3A_111] : memref<2x4x128x32xf32, #tpu.memory_space<vmem>> -> memref<1x1x128x32xf32, #tpu.memory_space<vmem>>
        %dma_start3A_113 = tpu.memref_squeeze %dma_start3A_112 : memref<1x1x128x32xf32, #tpu.memory_space<vmem>> -> memref<128x32xf32, #tpu.memory_space<vmem>>
        %dma_start3A_114 = arith.constant 0 : i32
        %dma_start3A_115 = tpu.memref_slice %arg6[%add3A_84, %dma_start3A_114] : memref<79x128xi32, #tpu.memory_space<vmem>> -> memref<1x128xi32, #tpu.memory_space<vmem>>
        %dma_start3A_116 = tpu.memref_squeeze %dma_start3A_115 : memref<1x128xi32, #tpu.memory_space<vmem>> -> memref<128xi32, #tpu.memory_space<vmem>>
        %dma_start3A_117 = arith.constant 0 : i32
        %dma_start3A_118 = arith.constant 0 : i32
        %dma_start3A_119 = tpu.memref_slice %arg9[%dma_start3A_117, %dma_start3A_118] : memref<10112x32xf32, #tpu.memory_space<vmem_shared>> -> memref<10112x32xf32, #tpu.memory_space<vmem_shared>>
        tpu.enqueue_indirect_dma source(%dma_start3A_113 : memref<128x32xf32, #tpu.memory_space<vmem>>) target(%dma_start3A_119 : memref<10112x32xf32, #tpu.memory_space<vmem_shared>>) offsets(%dma_start3A_116 : memref<128xi32, #tpu.memory_space<vmem>>) semaphore(%run_scoped3A_109 : memref<!tpu.dma_semaphore, #tpu.memory_space<semaphore_mem>>) {add = true}
        %dma_wait3A_120 = arith.constant 0 : i32
        %dma_wait3A_121 = arith.constant 0 : i32
        %dma_wait3A_122 = tpu.memref_slice %arg7[%run_scoped3A_107, %run_scoped3A_108, %dma_wait3A_120, %dma_wait3A_121] : memref<2x4x128x32xf32, #tpu.memory_space<vmem>> -> memref<1x1x128x32xf32, #tpu.memory_space<vmem>>
        %dma_wait3A_123 = tpu.memref_squeeze %dma_wait3A_122 : memref<1x1x128x32xf32, #tpu.memory_space<vmem>> -> memref<128x32xf32, #tpu.memory_space<vmem>>
        %dma_wait3A_124 = arith.constant 0 : i32
        %dma_wait3A_125 = tpu.memref_slice %arg6[%add3A_84, %dma_wait3A_124] : memref<79x128xi32, #tpu.memory_space<vmem>> -> memref<1x128xi32, #tpu.memory_space<vmem>>
        %dma_wait3A_126 = tpu.memref_squeeze %dma_wait3A_125 : memref<1x128xi32, #tpu.memory_space<vmem>> -> memref<128xi32, #tpu.memory_space<vmem>>
        %dma_wait3A_127 = arith.constant 0 : i32
        %dma_wait3A_128 = arith.constant 0 : i32
        %dma_wait3A_129 = tpu.memref_slice %arg9[%dma_wait3A_127, %dma_wait3A_128] : memref<10112x32xf32, #tpu.memory_space<vmem_shared>> -> memref<10112x32xf32, #tpu.memory_space<vmem_shared>>
        tpu.wait_indirect_dma semaphore(%run_scoped3A_109 : memref<!tpu.dma_semaphore, #tpu.memory_space<semaphore_mem>>) src(%dma_wait3A_123 : memref<128x32xf32, #tpu.memory_space<vmem>>) dst(%dma_wait3A_129 : memref<10112x32xf32, #tpu.memory_space<vmem_shared>>)
        tpu.yield
      }) : () -> ()
    }
    %barrier3A_76 = arith.constant 0 : index
    tpu.barrier barrier_id(%barrier3A_76)
    %mul3A_77 = arith.constant 632 : i32
    %mul3A_78 = arith.muli %arg1, %mul3A_77 : i32
    %mul3A_79 = arith.constant 632 : i32
    %mul3A_80 = arith.muli %arg1, %mul3A_79 : i32
    "tpu.region"() ({
      %run_scoped3A_81 = tpu.sem_alloc : memref<!tpu.dma_semaphore, #tpu.memory_space<semaphore_mem>>
      %dma_start3A = arith.constant 0 : i32
      %dma_start3A_82 = tpu.memref_slice %arg4[%arg0, %mul3A_80, %dma_start3A] : memref<2x10112x32xf32, #tpu.memory_space<hbm>> -> memref<1x632x32xf32, #tpu.memory_space<hbm>>
      %dma_start3A_83 = tpu.memref_squeeze %dma_start3A_82 : memref<1x632x32xf32, #tpu.memory_space<hbm>> -> memref<632x32xf32, #tpu.memory_space<hbm>>
      %dma_start3A_84 = arith.constant 0 : i32
      %dma_start3A_85 = tpu.memref_slice %arg9[%mul3A_78, %dma_start3A_84] : memref<10112x32xf32, #tpu.memory_space<vmem_shared>> -> memref<632x32xf32, #tpu.memory_space<vmem_shared>>
      tpu.enqueue_dma source(%dma_start3A_85 : memref<632x32xf32, #tpu.memory_space<vmem_shared>>) target(%dma_start3A_83 : memref<632x32xf32, #tpu.memory_space<hbm>>) target_semaphore(%run_scoped3A_81 : memref<!tpu.dma_semaphore, #tpu.memory_space<semaphore_mem>>)
      %dma_wait3A = arith.constant 0 : i32
      %dma_wait3A_86 = tpu.memref_slice %arg4[%arg0, %mul3A_80, %dma_wait3A] : memref<2x10112x32xf32, #tpu.memory_space<hbm>> -> memref<1x632x32xf32, #tpu.memory_space<hbm>>
      %dma_wait3A_87 = tpu.memref_squeeze %dma_wait3A_86 : memref<1x632x32xf32, #tpu.memory_space<hbm>> -> memref<632x32xf32, #tpu.memory_space<hbm>>
      %dma_wait3A_88 = arith.constant 0 : i32
      %dma_wait3A_89 = tpu.memref_slice %arg9[%mul3A_78, %dma_wait3A_88] : memref<10112x32xf32, #tpu.memory_space<vmem_shared>> -> memref<632x32xf32, #tpu.memory_space<vmem_shared>>
      tpu.wait_dma2 semaphore(%run_scoped3A_81 : memref<!tpu.dma_semaphore, #tpu.memory_space<semaphore_mem>>) src(%dma_wait3A_89 : memref<632x32xf32, #tpu.memory_space<vmem_shared>>) dst(%dma_wait3A_87 : memref<632x32xf32, #tpu.memory_space<hbm>>)
      tpu.yield
    }) : () -> ()
    return
  }
}

module attributes {stable_mosaic.version = 14 : i64} {
  func.func @_tca_body(%arg0: memref<10112x128xf32, #tpu.memory_space<vmem>>, %arg1: memref<128x64xf32, #tpu.memory_space<vmem>>, %arg2: memref<2x10112x16xf32, #tpu.memory_space<vmem>>, %arg3: memref<10112x64xf32, #tpu.memory_space<vmem>>, %arg4: memref<10112x1xf32, #tpu.memory_space<vmem>>) attributes {dimension_semantics = [], scalar_prefetch = 0 : i64, scratch_operands = 0 : i64, tpu.core_type = #tpu.core_type<tc>} {
    %get3A = arith.constant 0 : index
    %get3A_0 = arith.constant 0 : index
    %get3A_1 = vector.load %arg0[%get3A, %get3A_0] : memref<10112x128xf32, #tpu.memory_space<vmem>>, vector<10112x128xf32>
    %get3A_2 = arith.constant 0 : index
    %get3A_3 = arith.constant 0 : index
    %get3A_4 = vector.load %arg1[%get3A_2, %get3A_3] : memref<128x64xf32, #tpu.memory_space<vmem>>, vector<128x64xf32>
    %dot_general3A = arith.constant dense<0.000000e+00> : vector<10112x64xf32>
    %dot_general3A_5 = tpu.matmul %get3A_1, %get3A_4, %dot_general3A {dimension_numbers = #tpu.dot_dimension_numbers<[1], [0], [0], [1], [0, 0, 1, 1], [], []>, transpose_lhs_hint = false} : vector<10112x128xf32>, vector<128x64xf32>, vector<10112x64xf32> -> vector<10112x64xf32>
    %get3A_6 = arith.constant 0 : index
    %get3A_7 = arith.constant 0 : index
    %get3A_8 = arith.constant 0 : index
    %get3A_9 = vector.load %arg2[%get3A_6, %get3A_7, %get3A_8] : memref<2x10112x16xf32, #tpu.memory_space<vmem>>, vector<1x10112x16xf32>
    %get3A_10 = vector.shape_cast %get3A_9 : vector<1x10112x16xf32> to vector<10112x16xf32>
    %get3A_11 = arith.constant 1 : index
    %get3A_12 = arith.constant 0 : index
    %get3A_13 = arith.constant 0 : index
    %get3A_14 = vector.load %arg2[%get3A_11, %get3A_12, %get3A_13] : memref<2x10112x16xf32, #tpu.memory_space<vmem>>, vector<1x10112x16xf32>
    %get3A_15 = vector.shape_cast %get3A_14 : vector<1x10112x16xf32> to vector<10112x16xf32>
    %add3A = arith.addf %get3A_10, %get3A_15 : vector<10112x16xf32>
    %slice3A = vector.extract_strided_slice %add3A {offsets = [0, 0], sizes = [10112, 1], strides = [1, 1]} : vector<10112x16xf32> to vector<10112x1xf32>
    %add3A_16 = arith.constant 1.000000e+00 : f32
    %add3A_17 = vector.broadcast %add3A_16 : f32 to vector<10112x1xf32>
    %add3A_18 = arith.addf %slice3A, %add3A_17 : vector<10112x1xf32>
    %rsqrt3A = math.rsqrt %add3A_18 : vector<10112x1xf32>
    %mul3A = vector.broadcast %rsqrt3A : vector<10112x1xf32> to vector<10112x64xf32>
    %mul3A_19 = arith.mulf %dot_general3A_5, %mul3A : vector<10112x64xf32>
    %swap3A = arith.constant 0 : index
    %swap3A_20 = arith.constant 0 : index
    %swap3A_21 = vector.load %arg3[%swap3A, %swap3A_20] : memref<10112x64xf32, #tpu.memory_space<vmem>>, vector<10112x64xf32>
    tpu.vector_store %arg3[%swap3A, %swap3A_20], %mul3A_19 {strides = array<i32>} : memref<10112x64xf32, #tpu.memory_space<vmem>>, vector<10112x64xf32>,
    %swap3A_22 = arith.constant 0 : index
    %swap3A_23 = arith.constant 0 : index
    %swap3A_24 = vector.load %arg4[%swap3A_22, %swap3A_23] : memref<10112x1xf32, #tpu.memory_space<vmem>>, vector<10112x1xf32>
    tpu.vector_store %arg4[%swap3A_22, %swap3A_23], %rsqrt3A {strides = array<i32>} : memref<10112x1xf32, #tpu.memory_space<vmem>>, vector<10112x1xf32>,
    return
  }
}

module attributes {stable_mosaic.version = 14 : i64} {
  func.func @_tcb_body(%arg0: memref<2x10112x64xf32, #tpu.memory_space<vmem>>, %arg1: memref<10112x64xf32, #tpu.memory_space<vmem>>, %arg2: memref<10112x1xf32, #tpu.memory_space<vmem>>, %arg3: memref<1x64xf32, #tpu.memory_space<vmem>>, %arg4: memref<64x32xf32, #tpu.memory_space<vmem>>, %arg5: memref<10112x32xf32, #tpu.memory_space<vmem>>) attributes {dimension_semantics = [], scalar_prefetch = 0 : i64, scratch_operands = 0 : i64, tpu.core_type = #tpu.core_type<tc>} {
    %get3A = arith.constant 0 : index
    %get3A_0 = arith.constant 0 : index
    %get3A_1 = arith.constant 0 : index
    %get3A_2 = vector.load %arg0[%get3A, %get3A_0, %get3A_1] : memref<2x10112x64xf32, #tpu.memory_space<vmem>>, vector<1x10112x64xf32>
    %get3A_3 = vector.shape_cast %get3A_2 : vector<1x10112x64xf32> to vector<10112x64xf32>
    %get3A_4 = arith.constant 1 : index
    %get3A_5 = arith.constant 0 : index
    %get3A_6 = arith.constant 0 : index
    %get3A_7 = vector.load %arg0[%get3A_4, %get3A_5, %get3A_6] : memref<2x10112x64xf32, #tpu.memory_space<vmem>>, vector<1x10112x64xf32>
    %get3A_8 = vector.shape_cast %get3A_7 : vector<1x10112x64xf32> to vector<10112x64xf32>
    %add3A = arith.addf %get3A_3, %get3A_8 : vector<10112x64xf32>
    %get3A_9 = arith.constant 0 : index
    %get3A_10 = arith.constant 0 : index
    %get3A_11 = vector.load %arg1[%get3A_9, %get3A_10] : memref<10112x64xf32, #tpu.memory_space<vmem>>, vector<10112x64xf32>
    %add3A_12 = arith.addf %add3A, %get3A_11 : vector<10112x64xf32>
    %get3A_13 = arith.constant 0 : index
    %get3A_14 = arith.constant 0 : index
    %get3A_15 = vector.load %arg2[%get3A_13, %get3A_14] : memref<10112x1xf32, #tpu.memory_space<vmem>>, vector<10112x1xf32>
    %mul3A = vector.broadcast %get3A_15 : vector<10112x1xf32> to vector<10112x64xf32>
    %mul3A_16 = arith.mulf %add3A_12, %mul3A : vector<10112x64xf32>
    %get3A_17 = arith.constant 0 : index
    %get3A_18 = arith.constant 0 : index
    %get3A_19 = vector.load %arg3[%get3A_17, %get3A_18] : memref<1x64xf32, #tpu.memory_space<vmem>>, vector<1x64xf32>
    %add3A_20 = vector.broadcast %get3A_19 : vector<1x64xf32> to vector<10112x64xf32>
    %add3A_21 = arith.addf %mul3A_16, %add3A_20 : vector<10112x64xf32>
    %max3A = arith.constant 0.000000e+00 : f32
    %max3A_22 = vector.broadcast %max3A : f32 to vector<10112x64xf32>
    %max3A_23 = arith.maximumf %add3A_21, %max3A_22 : vector<10112x64xf32>
    %get3A_24 = arith.constant 0 : index
    %get3A_25 = arith.constant 0 : index
    %get3A_26 = vector.load %arg4[%get3A_24, %get3A_25] : memref<64x32xf32, #tpu.memory_space<vmem>>, vector<64x32xf32>
    %dot_general3A = arith.constant dense<0.000000e+00> : vector<10112x32xf32>
    %dot_general3A_27 = tpu.matmul %max3A_23, %get3A_26, %dot_general3A {dimension_numbers = #tpu.dot_dimension_numbers<[1], [0], [0], [1], [0, 0, 1, 1], [], []>, transpose_lhs_hint = false} : vector<10112x64xf32>, vector<64x32xf32>, vector<10112x32xf32> -> vector<10112x32xf32>
    %get3A_28 = arith.constant 0 : index
    %get3A_29 = arith.constant 0 : index
    %get3A_30 = vector.load %arg2[%get3A_28, %get3A_29] : memref<10112x1xf32, #tpu.memory_space<vmem>>, vector<10112x1xf32>
    %mul3A_31 = vector.broadcast %get3A_30 : vector<10112x1xf32> to vector<10112x32xf32>
    %mul3A_32 = arith.mulf %dot_general3A_27, %mul3A_31 : vector<10112x32xf32>
    %swap3A = arith.constant 0 : index
    %swap3A_33 = arith.constant 0 : index
    %swap3A_34 = vector.load %arg5[%swap3A, %swap3A_33] : memref<10112x32xf32, #tpu.memory_space<vmem>>, vector<10112x32xf32>
    tpu.vector_store %arg5[%swap3A, %swap3A_33], %mul3A_32 {strides = array<i32>} : memref<10112x32xf32, #tpu.memory_space<vmem>>, vector<10112x32xf32>,
    return
  }
}

module attributes {stable_mosaic.version = 14 : i64} {
  func.func @_tcc_body(%arg0: i32, %arg1: memref<2x10000x32xf32, #tpu.memory_space<vmem>>, %arg2: memref<10000x32xf32, #tpu.memory_space<vmem>>, %arg3: memref<10000x1xf32, #tpu.memory_space<vmem>>, %arg4: memref<1x32xf32, #tpu.memory_space<vmem>>, %arg5: memref<10000x16xf32, #tpu.memory_space<vmem>>, %arg6: memref<10000x16xf32, #tpu.memory_space<vmem>>) attributes {dimension_semantics = [#tpu.dimension_semantics<arbitrary>], iteration_bounds = array<i64: 1>, scalar_prefetch = 0 : i64, scratch_operands = 0 : i64, tpu.core_type = #tpu.core_type<tc>, window_params = [{transform_indices = @transform_0, window_bounds = array<i64: 2, 10000, 32>}, {transform_indices = @transform_1, window_bounds = array<i64: 10000, 32>}, {transform_indices = @transform_2, window_bounds = array<i64: 10000, 1>}, {pipeline_mode = #tpu.pipeline_mode<synchronous>, transform_indices = @transform_3, window_bounds = array<i64: 1, 32>}, {pipeline_mode = #tpu.pipeline_mode<synchronous>, transform_indices = @transform_4, window_bounds = array<i64: 10000, 16>}, {pipeline_mode = #tpu.pipeline_mode<synchronous>, transform_indices = @transform_5, window_bounds = array<i64: 10000, 16>}]} {
    %get3A = arith.constant 0 : index
    %get3A_0 = arith.constant 0 : index
    %get3A_1 = arith.constant 0 : index
    %get3A_2 = vector.load %arg1[%get3A, %get3A_0, %get3A_1] : memref<2x10000x32xf32, #tpu.memory_space<vmem>>, vector<1x10000x32xf32>
    %get3A_3 = vector.shape_cast %get3A_2 : vector<1x10000x32xf32> to vector<10000x32xf32>
    %get3A_4 = arith.constant 1 : index
    %get3A_5 = arith.constant 0 : index
    %get3A_6 = arith.constant 0 : index
    %get3A_7 = vector.load %arg1[%get3A_4, %get3A_5, %get3A_6] : memref<2x10000x32xf32, #tpu.memory_space<vmem>>, vector<1x10000x32xf32>
    %get3A_8 = vector.shape_cast %get3A_7 : vector<1x10000x32xf32> to vector<10000x32xf32>
    %add3A = arith.addf %get3A_3, %get3A_8 : vector<10000x32xf32>
    %get3A_9 = arith.constant 0 : index
    %get3A_10 = arith.constant 0 : index
    %get3A_11 = vector.load %arg2[%get3A_9, %get3A_10] : memref<10000x32xf32, #tpu.memory_space<vmem>>, vector<10000x32xf32>
    %add3A_12 = arith.addf %add3A, %get3A_11 : vector<10000x32xf32>
    %get3A_13 = arith.constant 0 : index
    %get3A_14 = arith.constant 0 : index
    %get3A_15 = vector.load %arg3[%get3A_13, %get3A_14] : memref<10000x1xf32, #tpu.memory_space<vmem>>, vector<10000x1xf32>
    %mul3A = vector.broadcast %get3A_15 : vector<10000x1xf32> to vector<10000x32xf32>
    %mul3A_16 = arith.mulf %add3A_12, %mul3A : vector<10000x32xf32>
    %get3A_17 = arith.constant 0 : index
    %get3A_18 = arith.constant 0 : index
    %get3A_19 = vector.load %arg4[%get3A_17, %get3A_18] : memref<1x32xf32, #tpu.memory_space<vmem>>, vector<1x32xf32>
    %add3A_20 = vector.broadcast %get3A_19 : vector<1x32xf32> to vector<10000x32xf32>
    %add3A_21 = arith.addf %mul3A_16, %add3A_20 : vector<10000x32xf32>
    %slice3A = vector.extract_strided_slice %add3A_21 {offsets = [0, 0], sizes = [10000, 16], strides = [1, 1]} : vector<10000x32xf32> to vector<10000x16xf32>
    %slice3A_22 = vector.extract_strided_slice %add3A_21 {offsets = [0, 16], sizes = [10000, 16], strides = [1, 1]} : vector<10000x32xf32> to vector<10000x16xf32>
    %get3A_23 = arith.constant 0 : index
    %get3A_24 = arith.constant 0 : index
    %get3A_25 = vector.load %arg5[%get3A_23, %get3A_24] : memref<10000x16xf32, #tpu.memory_space<vmem>>, vector<10000x16xf32>
    %exp3A = math.exp %slice3A : vector<10000x16xf32>
    %mul3A_26 = arith.mulf %get3A_25, %exp3A : vector<10000x16xf32>
    %add3A_27 = arith.addf %mul3A_26, %slice3A_22 : vector<10000x16xf32>
    %swap3A = arith.constant 0 : index
    %swap3A_28 = arith.constant 0 : index
    %swap3A_29 = vector.load %arg6[%swap3A, %swap3A_28] : memref<10000x16xf32, #tpu.memory_space<vmem>>, vector<10000x16xf32>
    tpu.vector_store %arg6[%swap3A, %swap3A_28], %add3A_27 {strides = array<i32>} : memref<10000x16xf32, #tpu.memory_space<vmem>>, vector<10000x16xf32>,
    return
  }
  func.func @transform_0(%arg0: i32) -> (i32, i32, i32) {
    %c0_i32 = arith.constant 0 : i32
    %c0_i32_0 = arith.constant 0 : i32
    %c0_i32_1 = arith.constant 0 : i32
    %c0_i32_2 = arith.constant 0 : i32
    return %c0_i32, %c0_i32_0, %c0_i32_1 : i32, i32, i32
  }
  func.func @transform_1(%arg0: i32) -> (i32, i32) {
    %c0_i32 = arith.constant 0 : i32
    %c0_i32_0 = arith.constant 0 : i32
    %c0_i32_1 = arith.constant 0 : i32
    return %c0_i32, %c0_i32_0 : i32, i32
  }
  func.func @transform_2(%arg0: i32) -> (i32, i32) {
    %c0_i32 = arith.constant 0 : i32
    %c0_i32_0 = arith.constant 0 : i32
    %c0_i32_1 = arith.constant 0 : i32
    return %c0_i32, %c0_i32_0 : i32, i32
  }
  func.func @transform_3(%arg0: i32) -> (i32, i32) {
    %c0_i32 = arith.constant 0 : i32
    %c0_i32_0 = arith.constant 0 : i32
    %c0_i32_1 = arith.constant 0 : i32
    return %c0_i32, %c0_i32_0 : i32, i32
  }
  func.func @transform_4(%arg0: i32) -> (i32, i32) {
    %c0_i32 = arith.constant 0 : i32
    %c0_i32_0 = arith.constant 0 : i32
    %c0_i32_1 = arith.constant 0 : i32
    return %c0_i32, %c0_i32_0 : i32, i32
  }
  func.func @transform_5(%arg0: i32) -> (i32, i32) {
    %c0_i32 = arith.constant 0 : i32
    %c0_i32_0 = arith.constant 0 : i32
    %c0_i32_1 = arith.constant 0 : i32
    return %c0_i32, %c0_i32_0 : i32, i32
  }
}

module attributes {stable_mosaic.version = 14 : i64} {
  func.func @_tcd_body(%arg0: i32, %arg1: memref<400x16xf32, #tpu.memory_space<vmem>>, %arg2: memref<10000x16xf32, #tpu.memory_space<vmem>>, %arg3: memref<400x10000xf32, #tpu.memory_space<vmem>>) attributes {dimension_semantics = [#tpu.dimension_semantics<arbitrary>], iteration_bounds = array<i64: 25>, scalar_prefetch = 0 : i64, scratch_operands = 0 : i64, tpu.core_type = #tpu.core_type<tc>, window_params = [{transform_indices = @transform_0, window_bounds = array<i64: 400, 16>}, {pipeline_mode = #tpu.pipeline_mode<synchronous>, transform_indices = @transform_1, window_bounds = array<i64: 10000, 16>}, {transform_indices = @transform_2, window_bounds = array<i64: 400, 10000>}]} {
    %get3A = arith.constant 0 : index
    %get3A_0 = arith.constant 0 : index
    %get3A_1 = vector.load %arg1[%get3A, %get3A_0] : memref<400x16xf32, #tpu.memory_space<vmem>>, vector<400x16xf32>
    %get3A_2 = arith.constant 0 : index
    %get3A_3 = arith.constant 0 : index
    %get3A_4 = vector.load %arg2[%get3A_2, %get3A_3] : memref<10000x16xf32, #tpu.memory_space<vmem>>, vector<10000x16xf32>
    %dot_general3A = arith.constant dense<0.000000e+00> : vector<400x10000xf32>
    %dot_general3A_5 = tpu.matmul %get3A_1, %get3A_4, %dot_general3A {dimension_numbers = #tpu.dot_dimension_numbers<[1], [1], [0], [0], [0, 0, 1, 0], [], []>, transpose_lhs_hint = false} : vector<400x16xf32>, vector<10000x16xf32>, vector<400x10000xf32> -> vector<400x10000xf32>
    %logistic3A = arith.negf %dot_general3A_5 : vector<400x10000xf32>
    %logistic3A_6 = math.exp %logistic3A : vector<400x10000xf32>
    %logistic3A_7 = arith.constant 1.000000e+00 : f32
    %logistic3A_8 = vector.broadcast %logistic3A_7 : f32 to vector<400x10000xf32>
    %logistic3A_9 = arith.addf %logistic3A_8, %logistic3A_6 : vector<400x10000xf32>
    %logistic3A_10 = arith.divf %logistic3A_8, %logistic3A_9 : vector<400x10000xf32>
    %swap3A = arith.constant 0 : index
    %swap3A_11 = arith.constant 0 : index
    %swap3A_12 = vector.load %arg3[%swap3A, %swap3A_11] : memref<400x10000xf32, #tpu.memory_space<vmem>>, vector<400x10000xf32>
    tpu.vector_store %arg3[%swap3A, %swap3A_11], %logistic3A_10 {strides = array<i32>} : memref<400x10000xf32, #tpu.memory_space<vmem>>, vector<400x10000xf32>,
    return
  }
  func.func @transform_0(%arg0: i32) -> (i32, i32) {
    %c0_i32 = arith.constant 0 : i32
    %c0_i32_0 = arith.constant 0 : i32
    return %arg0, %c0_i32 : i32, i32
  }
  func.func @transform_1(%arg0: i32) -> (i32, i32) {
    %c0_i32 = arith.constant 0 : i32
    %c0_i32_0 = arith.constant 0 : i32
    %c0_i32_1 = arith.constant 0 : i32
    return %c0_i32, %c0_i32_0 : i32, i32
  }
  func.func @transform_2(%arg0: i32) -> (i32, i32) {
    %c0_i32 = arith.constant 0 : i32
    %c0_i32_0 = arith.constant 0 : i32
    return %arg0, %c0_i32 : i32, i32
  }
}

</mosaic_0001>

<sc_bundles>
// kernel: kernel.12.cloned.1.call-start
scs
__scs_entry_jumppad:
0x0: {  	(pc) =	sbr.rel $0x88, $3  }
0x1: {  	(tag) =	ssettag $0x0;
	lr =	simm.s32 $0x1  }
0x2: {  	[smem:$0x3F99] =	sst lr;
	_ =	strace $0xD0000000  }
0x3: {  	_ = 	snop  }
0x4: {  	_ = 	snop  }
0x5: {  	_ = 	snop  }
0x6: {  	_ = 	snop  }
0x7: {  	_ = 	snop  }
__scs_overlays_trampoline_lowered:
0x8: {  	[smem:$0x3FA8] =	sst s0  }
0x9: {  	[smem:$0x3FA9] =	sst s1  }
0xa: {  	[smem:$0x3FAA] =	sst s2  }
0xb: {  	[smem:$0x3FAB] =	sst s3  }
0xc: {  	[smem:$0x3FAC] =	sst s4  }
0xd: {  	[smem:$0x3FAD] =	sst s5  }
0xe: {  	[smem:$0x3FAE] =	sst s6  }
0xf: {  	[smem:$0x3FAF] =	sst s7  }
0x10: {  	[smem:$0x3FB0] =	sst s8  }
0x11: {  	[smem:$0x3FB1] =	sst s9;
	s0 =	simm.s32 @!p0 $0x0  }
0x12: {  	s1 =	sld [smem:$0x3F97];
	s0 =	simm.s32 @p0 $0x1  }
0x13: {  	[smem:$0x3FB2] =	sst s0;
	s0 =	simm.s32 @!p1 $0x0  }
0x14: {  	s2 =	sld [smem:$0x3F96];
	s0 =	simm.s32 @p1 $0x1  }
0x15: {  	[smem:$0x3FB3] =	sst s0;
	s0 =	simm.s32 @!p2 $0x0  }
0x16: {  	s3 =	sld [smem:$0x3FDB];
	s0 =	simm.s32 @p2 $0x1  }
0x17: {  	s4 =	simm.s32 $0x1BF5;
	[smem:$0x3FB5] =	sst s0  }
0x18: {  	s0 =	sld [smem:$0x3F98];
	_ =	swait.ge [sflag:s4], $0x0  }
0x19: {  	s7 =	sld [smem:$0x3F99]  }
0x1a: {  	s8 =	sadd.s32 $0xFFFFE003, lr  }
0x1b: {  	s9 =	sadd.s32 $0xFFFFFEF7, lr;
	s5 =	simm.s32 $0xFFFFFFFF;
	p2 =	slt.u32 s8, $0xFFFFF086  }
0x1c: {  	p1 =	slt.u32 s9, $0xF7A;
	s5 =	simm.s32 @!p2 $0x0  }
0x1d: {  	s5 =	simm.s32 @p1 $0x1;
	p0 =	seq.s32 s7, s2  }
0x1e: {  	s7 =	smul.u32 @!p0 $0xF7A, s2;
	p2 =	seq.s32 @!p0 s5, $0x0  }
0x1f: {  	s9 =	smul.u32 $0xF7A, s1;
	s8 =	simm.s32 @!p0 $0x1BF5;
	p2 =	por !p2, p0  }
0x20: {  	[sflag:s8] =	ssyncset.s32 @!p0 $0xFFFFF086;
	s6 =	sadd.s32 @!p0 s3, s7;
	s7 =	simm.s32 @!p0 $0x108  }
0x21: {  	s3 =	sadd.s32 s3, s9;
	s6 =	sadd.s32 @!p0 $0x88, s6;
	s7 =	simm.s32 @p2 $0x1082  }
0x22: {  	[simem:s7], [sflag:s8] =	dma.local @!p0 [hbm:s6], $0xF7A  }
0x23: {  	s9 =	sor.u32 $0xD0000000, s2;
	s6 =	simm.s32 $0x108;
	_ =	swait.ge @!p0 [sflag:s8], $0x0  }
0x24: {  	s3 =	sadd.s32 $0x88, s3;
	s6 =	simm.s32 @!p1 $0x1082;
	[sflag:s4] =	ssyncset.s32 $0xFFFFF086  }
0x25: {  	[simem:s6], [sflag:s4] =	dma.local [hbm:s3], $0xF7A  }
0x26: {  	[smem:$0x3F99] =	sst s1;
	(tag) =	ssettag s2;
	_ =	strace s9  }
0x27: {  	s1 =	sld [smem:$0x3FA9]  }
0x28: {  	s2 =	sld [smem:$0x3FAA]  }
0x29: {  	s4 =	sld [smem:$0x3FAC]  }
0x2a: {  	p0 =	seq.s32 s5, $0x0;
	s5 =	sld [smem:$0x3FAD]  }
0x2b: {  	s6 =	sld [smem:$0x3FAE]  }
0x2c: {  	s7 =	sld [smem:$0x3FAF]  }
0x2d: {  	s3 =	simm.s32 $0x108;
	s8 =	sld [smem:$0x3FB0]  }
0x2e: {  	s3 =	simm.s32 @!p0 $0x1082;
	s9 =	sld [smem:$0x3FB1]  }
0x2f: {  	lr =	sadd.s32 s0, s3;
	s0 =	sld [smem:$0x3FA8]  }
0x30: {  	s3 =	sld [smem:$0x3FAB]  }
0x31: {  	[smem:$0x3FB4] =	sst s10  }
0x32: {  	s10 =	sld [smem:$0x3FB2];
	_ =	sdelay $0x3  }
0x33: {  	p0 =	seq.s32 s10, $0x1;
	s10 =	sld [smem:$0x3FB4];
	_ =	sdelay $0x3  }
0x34: {  	[smem:$0x3FB4] =	sst s10  }
0x35: {  	s10 =	sld [smem:$0x3FB3];
	_ =	sdelay $0x3  }
0x36: {  	p1 =	seq.s32 s10, $0x1;
	s10 =	sld [smem:$0x3FB4];
	_ =	sdelay $0x3  }
0x37: {  	[smem:$0x3FB4] =	sst s10  }
0x38: {  	s10 =	sld [smem:$0x3FB5]  }
0x39: {  	_ = 	snop;
	(pc) =	sbr.ind lr, $3  }
0x3a: {  	_ = 	snop  }
0x3b: {  	_ = 	snop  }
0x3c: {  	p2 =	seq.s32 s10, $0x1;
	s10 =	sld [smem:$0x3FB4]  }
0x3d: {  	_ =	shalt  }
0x3e: {  	_ =	shalt  }
0x3f: {  	_ =	shalt  }
0x40: {  	_ =	shalt  }
0x41: {  	_ =	shalt  }
0x42: {  	_ =	shalt  }
0x43: {  	_ =	shalt  }
0x44: {  	_ =	shalt  }
0x45: {  	_ =	shalt  }
0x46: {  	_ =	shalt  }
0x47: {  	_ =	shalt  }
0x48: {  	_ =	shalt  }
0x49: {  	_ =	shalt  }
0x4a: {  	_ =	shalt  }
0x4b: {  	_ =	shalt  }
0x4c: {  	_ =	shalt  }
0x4d: {  	_ =	shalt  }
0x4e: {  	_ =	shalt  }
0x4f: {  	_ =	shalt  }
0x50: {  	_ =	shalt  }
0x51: {  	_ =	shalt  }
0x52: {  	_ =	shalt  }
0x53: {  	_ =	shalt  }
0x54: {  	_ =	shalt  }
0x55: {  	_ =	shalt  }
0x56: {  	_ =	shalt  }
0x57: {  	_ =	shalt  }
0x58: {  	_ =	shalt  }
0x59: {  	_ =	shalt  }
0x5a: {  	_ =	shalt  }
0x5b: {  	_ =	shalt  }
0x5c: {  	_ =	shalt  }
0x5d: {  	_ =	shalt  }
0x5e: {  	_ =	shalt  }
0x5f: {  	_ =	shalt  }
0x60: {  	_ =	shalt  }
0x61: {  	_ =	shalt  }
0x62: {  	_ =	shalt  }
0x63: {  	_ =	shalt  }
0x64: {  	_ =	shalt  }
0x65: {  	_ =	shalt  }
0x66: {  	_ =	shalt  }
0x67: {  	_ =	shalt  }
0x68: {  	_ =	shalt  }
0x69: {  	_ =	shalt  }
0x6a: {  	_ =	shalt  }
0x6b: {  	_ =	shalt  }
0x6c: {  	_ =	shalt  }
0x6d: {  	_ =	shalt  }
0x6e: {  	_ =	shalt  }
0x6f: {  	_ =	shalt  }
0x70: {  	_ =	shalt  }
0x71: {  	_ =	shalt  }
0x72: {  	_ =	shalt  }
0x73: {  	_ =	shalt  }
0x74: {  	_ =	shalt  }
0x75: {  	_ =	shalt  }
0x76: {  	_ =	shalt  }
0x77: {  	_ =	shalt  }
0x78: {  	_ =	shalt  }
0x79: {  	_ =	shalt  }
0x7a: {  	_ =	shalt  }
0x7b: {  	_ =	shalt  }
0x7c: {  	_ =	shalt  }
0x7d: {  	_ =	shalt  }
0x7e: {  	_ =	shalt  }
0x7f: {  	_ =	shalt  }
0x80: {  	_ =	shalt  }
0x81: {  	_ =	shalt  }
0x82: {  	_ =	shalt  }
0x83: {  	_ =	shalt  }
0x84: {  	_ =	shalt  }
0x85: {  	_ =	shalt  }
0x86: {  	_ =	shalt  }
0x87: {  	_ =	shalt  }
.Lfunc_end0:
.L_simem_size_0:
called_computation.1_lowered:
.L_overlay_start_0:
0x88: {  	s2 =	sld [smem:$0x3FD9]  }
0x89: {  	s3 =	sld [smem:$0x3FFE];
	_ =	sdelay $0x1  }
0x8a: {  	s1 =	srdreg.scid  }
0x8b: {  	s0 =	sand.u32 $0x1, s1  }
0x8c: {  	s17 =	sshll.u32 s0, $0xA;
	s2 =	sadd.s32 s3, s2  }
0x8d: {  	s2 =	sadd.s32 s2, s17  }
0x8e: {  	[smem:$0x3FC0] =	sst s2  }
0x8f: {  	_ = 	snop  }
0x90: {  	s2 =	sld [smem:$0x3FD0];
	(tm) =	ssettm $0x1  }
0x91: {  	s18 =	sld [smem:$0x3FFB];
	_ =	sdelay $0x3  }
0x92: {  	_ =	strace s18  }
0x93: {  	s3 =	sld [smem:$0x3FFC];
	_ =	sdelay $0x3  }
0x94: {  	_ =	strace s3  }
0x95: {  	s3 =	sld [smem:$0x3FFD];
	_ =	sdelay $0x3  }
0x96: {  	_ =	strace s3  }
0x97: {  	_ =	strace $0x8FFFFFFF  }
0x98: {  	s19 =	sld [smem:$0x3FDB];
	_ =	sdelay $0x1  }
0x99: {  	s4 =	simm.s32 $_scs_section_size  }
0x9a: {  	s5 =	simm.s32 $_size__tile_overlayer_lowered;
	s6 =	simm.s32 $_tile_overlayer_lowered  }
0x9b: {  	s22 =	simm.s32 $0x1BFF;
	s21 =	sshll.u32 s6, $0x1;
	s3 =	sadd.s32 s4, s19  }
0x9c: {  	s7 =	simm.s32 $0x0;
	s20 =	sshll.u32 s5, $0x1;
	s5 =	sadd.s32 s21, s3  }
0x9d: {  	[timem:s7], [sflag:s22] =	dma.local [hbm:s5], s20  }
0x9e: {  	_ =	swait.ge [sflag:s22], s20  }
0x9f: {  	s4 =	ssub.s32 $0x0, s20;
	[sflag:s22] =	ssyncset.done $0x0  }
0xa0: {  	[sflag:s22] =	ssyncadd.s32 s4;
	_ =	sdelay $0x1  }
0xa1: {  	s23 =	simm.s32 $0x1B8B  }
0xa2: {  	_ =	swait.ge [sflag:s23], $0x1  }
0xa3: {  	[sflag:s23] =	ssyncset.done $0x0  }
0xa4: {  	s25 =	simm.s32 $0x1B8E;
	s24 =	sld [smem:$0x3FFE];
	[sflag:s23] =	ssyncadd.s32 $0xFFFFFFFF  }
0xa5: {  	s26 =	simm.s32 $execute0_lowered;
	[smem:$0x3FD2] =	sst s25  }
0xa6: {  	s5 =	sshll.u32 s26, $0x1;
	_ =	strace $0x80000049;
	[dreg:$0x1] =	wrdreg $0xFFFFFFFF  }
0xa7: {  	s28 =	simm.s32 $_size_execute0_lowered;
	s3 =	sadd.s32 s3, s5;
	[dreg:$0x0] =	wrdreg $0x0  }
0xa8: {  	s5 =	sshll.u32 s28, $0x1;
	[dreg:$0x2] =	wrdreg s3  }
0xa9: {  	[dreg:$0x3] =	wrdreg s5  }
0xaa: {  	[dreg:$0x4] =	wrdreg $0xC0  }
0xab: {  	_ =	task [dreg:s7], $0x5FFFF  }
0xac: {  	[dreg:$0x1] =	wrdreg $0xFFFFFFFF  }
0xad: {  	[dreg:$0x0] =	wrdreg $0x60  }
0xae: {  	[dreg:$0x2] =	wrdreg s24  }
0xaf: {  	[dreg:$0x3] =	wrdreg s2  }
0xb0: {  	[dreg:$0x4] =	wrdreg $0xB6800  }
0xb1: {  	[dreg:$0x5] =	wrdreg $0x154800  }
0xb2: {  	[dreg:$0x6] =	wrdreg $0x9  }
0xb3: {  	_ =	task.clear_ibuf [dreg:s7], $0x7FFFF;
	_ =	strace $0x90000049  }
0xb4: {  	s29 =	simm.s32 $0x9;
	_ =	strace $0x8000004B  }
0xb5: {  	_ =	swait.ge [sflag:s29], $0x1  }
0xb6: {  	[sflag:s29] =	ssyncadd.s32 $0xFFFFFFFF  }
0xb7: {  	_ =	strace $0x9000004B  }
0xb8: {  	_ =	sfence  }
0xb9: {  	s30 =	sld [smem:$0x0];
	_ =	sdelay $0x2  }
0xba: {  	s31 =	sshll.u32 s1, $0xD;
	s1 =	sshrl.u32 s1, $0x2  }
0xbb: {  	s3 =	sand.u32 $0x4000, s31;
	s1 =	sadd.s32 s1, s30  }
0xbc: {  	s0 =	sor.u32 s3, s0;
	s1 =	sshll.u32 s1, $0x11  }
0xbd: {  	s0 =	sor.u32 s1, s0  }
0xbe: {  	s0 =	sadd.s32 $0x8F2B, s0  }
0xbf: {  	[sflag:s0] =	ssyncadd.remote.s32 $0x1  }
0xc0: {  	_ =	sfence.sel $0xFFFF  }
0xc1: {  	[dreg:$0x0] =	wrdreg $0xFFFFFFFF;
	(pc) =	sbr.abs _section_cstart, $3  }
0xc2: {  	[dreg:$0x1] =	wrdreg $0xFFFFFFFF  }
0xc3: {  	_ =	task.clear_ibuf [dreg:s7], $0x2FFFF;
	_ =	strace $0x9FFFFFFF  }
0xc4: {  	(tm) =	ssettm $0x7FFFFFFF  }
0xc5: {  	_ =	shalt  }
tec
execute0_lowered:
.L_overlay_start_1:
0x0: {  	(tag) =	ssettag $0x1  }
0x1: {  	s5 =	rddreg [dreg:$0x0]  }
0x2: {  	s9 =	rddreg [dreg:$0x1]  }
0x3: {  	s1 =	srdreg.scid;
	s2 =	rddreg [dreg:$0x2]  }
0x4: {  	s0 =	stileid.u32;
	s3 =	rddreg [dreg:$0x3];
	s15 =	simm.s32 $0x4  }
0x5: {  	s18 =	simm.s32 $0x2780;
	s19 =	simm.s32 $0x80;
	s20 =	simm.s32 $0x4F00  }
0x6: {  	s21 =	simm.s32 $0x1;
	s22 =	simm.s32 $0x6F00;
	s23 =	simm.s32 $0x2800  }
0x7: {  	s24 =	simm.s32 $0x2;
	s6 =	sand.u32 $0x1, s1;
	s10 =	smul.u32 $0x9E00, s0  }
0x8: {  	s25 =	sshll.u32 s0, $0x1;
	s1 =	rddreg [dreg:$0x4];
	s11 =	smul.u32 $0x27800, s0  }
0x9: {  	s16 =	sshll.u32 s0, $0x6;
	p0 =	sgt.u32 s0, $0x1;
	s4 =	sor.u32 s6, s25  }
0xa: {  	s26 =	smul.u32 $0x9E000, s6;
	s6 =	ssub.s32 $0x2, s6;
	s16 =	sor.u32 $0x1C04, s16  }
0xb: {  	s25 =	simm.s32 $0x3;
	s7 =	smul.u32 $0x4E, s4;
	s8 =	smin.u32 s4, $0x4  }
0xc: {  	s4 =	simm.s32 $0x0;
	s29 =	sshrl.u32 s11, $0x2;
	s30 =	sshrl.u32 s6, $0x1  }
0xd: {  	s31 =	sshrl.u32 s10, $0x3;
	s17 =	sadd.s32 s10, s3;
	[smem:$0x7FF] =	sst s4  }
0xe: {  	s28 =	sadd.s32 s10, s26;
	s14 =	ssub.s32 s6, s30;
	s9 =	sadd.s32 s9, s31  }
0xf: {  	s17 =	sshrl.u32 s17, $0x3;
	s26 =	simm.s32 $0x0;
	s7 =	sadd.s32 s8, s7  }
0x10: {  	_ =	strace $0x8000004A;
	s8 =	sadd.s32 s29, s2;
	s7 =	sshll.u32 s7, $0x4  }
0x11: {  	s6 =	sadd.s32 $0x2780, s8;
	s12 =	sadd.s32 s7, s5;
	s7 =	sshrl.u32 s28, $0x3  }
0x12: {  	s13 =	sadd.s32 s7, s5;
	s5 =	sadd.s32 s10, s2;
	s7 =	sadd.s32 $0x4F00, s8  }
0x13: {  	s8 =	sadd.s32 $0x7680, s8;
	s10 =	sadd.s32 $0x2E00, s12;
	s11 =	sadd.s32 $0xCA60, s12  }
0x14: {  	v0 =	vimm.f32 $0.0e+00;
	s12 =	sadd.s32 $0x3E000, s13;
	s13 =	smax.u32 s14, $0x1;
	s14 =	simm.s32 $0x8F00  }
.LBB2_1:
0x15: {  	s29 =	simm.s32 $0x100;
	s28 =	simm.s32 $0x0  }
.LBB2_2:
0x16: {  	p1 =	sne.s32 s29, $0x9D00;
	[tilespmem:s28+$0x8F30] =	vst v0;
	s30 =	smov.u32 s29;
	s29 =	sadd.s32 $0x100, s29  }
.Ltmp0:
0x17: {  	[tilespmem:s28+$0x8F20] =	vst v0;
	(pc) =	sbr.rel @p1 .LBB2_2-.Ltmp0, $3  }
0x18: {  	[tilespmem:s28+$0x8F00] =	vst v0  }
0x19: {  	[tilespmem:s28+$0x8F10] =	vst v0;
	_ =	sdelay $0x1  }
0x1a: {  	s28 =	sshra.s32 s30, $0x2  }
0x1b: {  	[tilespmem:s28+$0x8F30] =	vst v0  }
0x1c: {  	[tilespmem:s28+$0x8F20] =	vst v0  }
0x1d: {  	[tilespmem:s28+$0x8F00] =	vst v0  }
0x1e: {  	[tilespmem:s28+$0x8F10] =	vst v0  }
0x1f: {  	[spmem:s5] =	stream.linear.scatter [tilespmem:s14], [sflag:$0x4], $0x2780, $0x38;
	[tilespmem:$0x1F280] =	vst v63  }
0x20: {  	_ =	swait.ge [sflag:s15], $0x2780  }
0x21: {  	[sflag:s15] =	ssyncset.done $0x0  }
0x22: {  	[sflag:s15] =	ssyncadd.s32 $0xFFFFD880  }
0x23: {  	[spmem:s6] =	stream.linear.scatter [tilespmem:s14], [sflag:$0x4], $0x2780, $0x38;
	[tilespmem:$0x1F280] =	vst v63  }
0x24: {  	_ =	swait.ge [sflag:s15], $0x2780  }
0x25: {  	[sflag:s15] =	ssyncset.done $0x0  }
0x26: {  	[sflag:s15] =	ssyncadd.s32 $0xFFFFD880  }
0x27: {  	[spmem:s7] =	stream.linear.scatter [tilespmem:s14], [sflag:$0x4], $0x2780, $0x38;
	[tilespmem:$0x1F280] =	vst v63  }
0x28: {  	_ =	swait.ge [sflag:s15], $0x2780  }
0x29: {  	[sflag:s15] =	ssyncset.done $0x0  }
0x2a: {  	[sflag:s15] =	ssyncadd.s32 $0xFFFFD880  }
0x2b: {  	[spmem:s8] =	stream.linear.scatter [tilespmem:s14], [sflag:$0x4], $0x2780, $0x38;
	[tilespmem:$0x1F280] =	vst v63  }
0x2c: {  	_ =	swait.ge [sflag:s15], $0x2780  }
0x2d: {  	[sflag:s15] =	ssyncset.done $0x0  }
0x2e: {  	[sflag:s15] =	ssyncadd.s32 $0xFFFFD880  }
0x2f: {  	[spmem:s17], [sflag:s16] =	dma.local [hbm:s9], $0x13C0  }
0x30: {  	_ =	swait.ge [sflag:s15], $0x13C0  }
0x31: {  	[sflag:s15] =	ssyncset.done $0x0  }
0x32: {  	[sflag:s15] =	ssyncadd.s32 $0xFFFFEC40  }
0x33: {  	[tilespmem:s4], [sflag:$0x4] =	stream.linear.gather [hbm4b:s10+s4], $0x2780, $0x38;
	[tilespmem:$0x1F280] =	vst v63  }
0x34: {  	_ =	swait.ge [sflag:s15], $0x2780  }
0x35: {  	[sflag:s15] =	ssyncset.done $0x0  }
0x36: {  	[sflag:s15] =	ssyncadd.s32 $0xFFFFD880  }
0x37: {  	[tilespmem:s18], [sflag:$0x4] =	stream.linear.gather [hbm4b:s11+s4], $0x2780, $0x38;
	[tilespmem:$0x1F280] =	vst v63  }
0x38: {  	_ =	swait.ge [sflag:s15], $0x2780  }
0x39: {  	[sflag:s15] =	ssyncset.done $0x0  }
0x3a: {  	[sflag:s15] =	ssyncadd.s32 $0xFFFFD880  }
0x3b: {  	[bflag:$0x0] =	sbarrier.arrive $0xFFFF  }
0x3c: {  	[tilespmem:s20], [sflag:$0x1] =	stream.indirect.gather [spmem:s3], $0x40, s4, s19, $0xb8;
	[tilespmem:$0x1F280] =	vst v63  }
0x3d: {  	_ =	swait.ge [sflag:s21], $0x2000  }
0x3e: {  	[sflag:s21] =	ssyncset.done $0x0  }
0x3f: {  	[sflag:s21] =	ssyncadd.s32 $0xFFFFE000  }
0x40: {  	[spmem:s2] =	stream.indirect.scatter.add.f32 [tilespmem:s20], [sflag:$0x2], $0x40, s18, s19, $0xb8;
	[tilespmem:$0x1F280] =	vst v63  }
0x41: {  	_ = 	snop  }
0x42: {  	[tilespmem:s22], [sflag:$0x1] =	stream.indirect.gather [spmem:s3], $0x40, s19, s19, $0xb8;
	[tilespmem:$0x1F280] =	vst v63  }
0x43: {  	_ =	swait.ge [sflag:s21], $0x2000  }
0x44: {  	[sflag:s21] =	ssyncset.done $0x0  }
0x45: {  	[sflag:s21] =	ssyncadd.s32 $0xFFFFE000  }
0x46: {  	[spmem:s2] =	stream.indirect.scatter.add.f32 [tilespmem:s22], [sflag:$0x3], $0x40, s23, s19, $0xb8;
	[tilespmem:$0x1F280] =	vst v63  }
0x47: {  	_ =	swait.ge [sflag:s24], $0x2000  }
0x48: {  	[sflag:s24] =	ssyncset.done $0x0  }
0x49: {  	s28 =	simm.s32 $0x100;
	[sflag:s24] =	ssyncadd.s32 $0xFFFFE000  }
0x4a: {  	[tilespmem:s20], [sflag:$0x1] =	stream.indirect.gather [spmem:s3], $0x40, s28, s19, $0xb8;
	[tilespmem:$0x1F280] =	vst v63  }
0x4b: {  	_ =	swait.ge [sflag:s21], $0x2000  }
0x4c: {  	[sflag:s21] =	ssyncset.done $0x0  }
0x4d: {  	s28 =	simm.s32 $0x2880;
	[sflag:s21] =	ssyncadd.s32 $0xFFFFE000  }
0x4e: {  	[spmem:s2] =	stream.indirect.scatter.add.f32 [tilespmem:s20], [sflag:$0x2], $0x40, s28, s19, $0xb8;
	[tilespmem:$0x1F280] =	vst v63  }
0x4f: {  	_ =	swait.ge [sflag:s25], $0x2000  }
0x50: {  	[sflag:s25] =	ssyncset.done $0x0  }
0x51: {  	s28 =	simm.s32 $0x180;
	[sflag:s25] =	ssyncadd.s32 $0xFFFFE000  }
0x52: {  	[tilespmem:s22], [sflag:$0x1] =	stream.indirect.gather [spmem:s3], $0x40, s28, s19, $0xb8;
	[tilespmem:$0x1F280] =	vst v63  }
0x53: {  	_ =	swait.ge [sflag:s21], $0x2000  }
0x54: {  	[sflag:s21] =	ssyncset.done $0x0  }
0x55: {  	s29 =	simm.s32 $0x2900;
	s28 =	simm.s32 $0xFFFF6C00;
	[sflag:s21] =	ssyncadd.s32 $0xFFFFE000  }
.LBB2_4:
0x56: {  	[spmem:s2] =	stream.indirect.scatter.add.f32 [tilespmem:s22], [sflag:$0x3], $0x40, s29, s19, $0xb8;
	[tilespmem:$0x1F280] =	vst v63  }
0x57: {  	s29 =	smov.u32 s28  }
0x58: {  	p1 =	sne.s32 s28, $0xFFFFFC00;
	s28 =	sadd.s32 $0x400, s28;
	_ =	swait.ge [sflag:s24], $0x2000  }
0x59: {  	s29 =	sshra.s32 s29, $0x2;
	[sflag:s24] =	ssyncset.done $0x0  }
0x5a: {  	s30 =	sadd.s32 $0x2700, s29;
	[sflag:s24] =	ssyncadd.s32 $0xFFFFE000  }
0x5b: {  	[tilespmem:s20], [sflag:$0x1] =	stream.indirect.gather [spmem:s3], $0x40, s30, s19, $0xb8;
	[tilespmem:$0x1F280] =	vst v63  }
0x5c: {  	_ =	swait.ge [sflag:s21], $0x2000  }
0x5d: {  	[sflag:s21] =	ssyncset.done $0x0  }
0x5e: {  	s30 =	sadd.s32 $0x4E80, s29;
	[sflag:s21] =	ssyncadd.s32 $0xFFFFE000  }
0x5f: {  	[spmem:s2] =	stream.indirect.scatter.add.f32 [tilespmem:s20], [sflag:$0x2], $0x40, s30, s19, $0xb8;
	[tilespmem:$0x1F280] =	vst v63  }
0x60: {  	_ =	swait.ge [sflag:s25], $0x2000  }
0x61: {  	[sflag:s25] =	ssyncset.done $0x0  }
.Ltmp1:
0x62: {  	s30 =	sadd.s32 $0x2780, s29;
	[sflag:s25] =	ssyncadd.s32 $0xFFFFE000;
	(pc) =	sbr.rel @p1 .LBB2_4-.Ltmp1, $4  }
0x63: {  	[tilespmem:s22], [sflag:$0x1] =	stream.indirect.gather [spmem:s3], $0x40, s30, s19, $0xb8;
	[tilespmem:$0x1F280] =	vst v63  }
0x64: {  	_ =	swait.ge [sflag:s21], $0x2000  }
0x65: {  	[sflag:s21] =	ssyncset.done $0x0  }
0x66: {  	s29 =	sadd.s32 $0x4F00, s29;
	[sflag:s21] =	ssyncadd.s32 $0xFFFFE000  }
0x67: {  	[spmem:s2] =	stream.indirect.scatter.add.f32 [tilespmem:s22], [sflag:$0x3], $0x40, s29, s19, $0xb8;
	[tilespmem:$0x1F280] =	vst v63  }
0x68: {  	_ =	swait.ge [sflag:s24], $0x2000  }
0x69: {  	[sflag:s24] =	ssyncset.done $0x0  }
0x6a: {  	[sflag:s24] =	ssyncadd.s32 $0xFFFFE000  }
0x6b: {  	_ =	swait.ge [sflag:s25], $0x2000  }
0x6c: {  	s28 =	simm.s32 @!p0 $0x80;
	[sflag:s25] =	ssyncset.done $0x0  }
0x6d: {  	s29 =	simm.s32 @!p0 $0x2700;
	s30 =	simm.s32 @!p0 $0x4F00;
	[sflag:s25] =	ssyncadd.s32 $0xFFFFE000  }
0x6e: {  	[tilespmem:s30], [sflag:$0x1] =	stream.indirect.gather @!p0 [spmem:s3], $0x40, s29, s28, $0xb8;
	[tilespmem:$0x1F280] =	vst v63  }
0x6f: {  	s29 =	simm.s32 @!p0 $0x1  }
0x70: {  	_ =	swait.ge @!p0 [sflag:s29], $0x2000  }
0x71: {  	[sflag:s29] =	ssyncset.done @!p0 $0x0  }
0x72: {  	[sflag:s29] =	ssyncadd.s32 @!p0 $0xFFFFE000;
	s29 =	simm.s32 @!p0 $0x4E80  }
0x73: {  	[spmem:s2] =	stream.indirect.scatter.add.f32 @!p0 [tilespmem:s30], [sflag:$0x4], $0x40, s29, s28, $0xb8;
	[tilespmem:$0x1F280] =	vst v63  }
0x74: {  	s28 =	simm.s32 @!p0 $0x4  }
0x75: {  	_ =	swait.ge @!p0 [sflag:s28], $0x2000  }
0x76: {  	s26 =	sadd.s32 $0x1, s26;
	[sflag:s28] =	ssyncset.done @!p0 $0x0  }
0x77: {  	p1 =	sne.s32 s26, s13;
	[sflag:s28] =	ssyncadd.s32 @!p0 $0xFFFFE000  }
.Ltmp2:
0x78: {  	s31 =	sshrl.u32 s5, $0x3;
	[bflag:$0x0] =	sbarrier.arrive $0xFFFF;
	(pc) =	sbr.rel @p1 .LBB2_1-.Ltmp2, $4  }
0x79: {  	[hbm:s12], [sflag:s16] =	dma.local [spmem:s31], $0x13C0  }
0x7a: {  	_ =	swait.ge [sflag:s15], $0x13C0  }
0x7b: {  	[sflag:s15] =	ssyncset.done $0x0  }
0x7c: {  	[sflag:s15] =	ssyncadd.s32 $0xFFFFEC40  }
0x7d: {  	_ =	sfence.sel $0x180000  }
0x7e: {  	[bflag:$0x0] =	sbarrier.arrive $0xFFFF  }
0x7f: {  	p0 =	sne.s32 s0, $0x0;
	_ =	strace $0x9000004A  }
0x80: {  	s0 =	sadd.s32 @!p0 $0x100000, s1;
	[bflag:$0x2] =	sbarrier.arrive $0xFFFF  }
0x81: {  	[sflag:s0] =	ssyncadd.tile.s32 @!p0 $0x1;
	_ =	shalt  }
.Lfunc_end2:
_tile_overlayer_lowered:
.L_overlay_start_2:
0x82: {  	(tag) =	ssettag $0x2  }
0x83: {  	s0 =	rddreg [dreg:$0x0];
	s2 =	stileid.u32  }
0x84: {  	s1 =	rddreg [dreg:$0x1];
	p0 =	sne.s32 s2, $0x0  }
0x85: {  	s3 =	rddreg [dreg:$0x2];
	[bflag:$0x3] =	sbarrier.arrive $0xFFFF;
	s2 =	simm.s32 @!p0 $0x1C04  }
0x86: {  	[timem:s3], [sflag:s2] =	dma.local @!p0 [hbm:s0], s1  }
0x87: {  	s0 =	simm.s32 @!p0 $0x4  }
0x88: {  	_ =	swait.ge @!p0 [sflag:s0], s1  }
0x89: {  	s1 =	ssub.s32 @!p0 $0x0, s1;
	[sflag:s0] =	ssyncset.done @!p0 $0x0  }
0x8a: {  	[sflag:s0] =	ssyncadd.s32 @!p0 s1  }
0x8b: {  	[bflag:$0x3] =	sbarrier.arrive $0xFFFF  }
0x8c: {  	_ =	shalt  }

// kernel: kernel.15.cloned.1.call-start
scs
__scs_entry_jumppad:
0x0: {  	(pc) =	sbr.rel $0x88, $3  }
0x1: {  	(tag) =	ssettag $0x0;
	lr =	simm.s32 $0x1  }
0x2: {  	[smem:$0x3F99] =	sst lr;
	_ =	strace $0xD0000000  }
0x3: {  	_ = 	snop  }
0x4: {  	_ = 	snop  }
0x5: {  	_ = 	snop  }
0x6: {  	_ = 	snop  }
0x7: {  	_ = 	snop  }
__scs_overlays_trampoline_lowered:
0x8: {  	[smem:$0x3FA8] =	sst s0  }
0x9: {  	[smem:$0x3FA9] =	sst s1  }
0xa: {  	[smem:$0x3FAA] =	sst s2  }
0xb: {  	[smem:$0x3FAB] =	sst s3  }
0xc: {  	[smem:$0x3FAC] =	sst s4  }
0xd: {  	[smem:$0x3FAD] =	sst s5  }
0xe: {  	[smem:$0x3FAE] =	sst s6  }
0xf: {  	[smem:$0x3FAF] =	sst s7  }
0x10: {  	[smem:$0x3FB0] =	sst s8  }
0x11: {  	[smem:$0x3FB1] =	sst s9;
	s0 =	simm.s32 @!p0 $0x0  }
0x12: {  	s1 =	sld [smem:$0x3F97];
	s0 =	simm.s32 @p0 $0x1  }
0x13: {  	[smem:$0x3FB2] =	sst s0;
	s0 =	simm.s32 @!p1 $0x0  }
0x14: {  	s2 =	sld [smem:$0x3F96];
	s0 =	simm.s32 @p1 $0x1  }
0x15: {  	[smem:$0x3FB3] =	sst s0;
	s0 =	simm.s32 @!p2 $0x0  }
0x16: {  	s3 =	sld [smem:$0x3FDB];
	s0 =	simm.s32 @p2 $0x1  }
0x17: {  	s4 =	simm.s32 $0x1BF5;
	[smem:$0x3FB5] =	sst s0  }
0x18: {  	s0 =	sld [smem:$0x3F98];
	_ =	swait.ge [sflag:s4], $0x0  }
0x19: {  	s7 =	sld [smem:$0x3F99]  }
0x1a: {  	s8 =	sadd.s32 $0xFFFFE003, lr  }
0x1b: {  	s9 =	sadd.s32 $0xFFFFFEF7, lr;
	s5 =	simm.s32 $0xFFFFFFFF;
	p2 =	slt.u32 s8, $0xFFFFF086  }
0x1c: {  	p1 =	slt.u32 s9, $0xF7A;
	s5 =	simm.s32 @!p2 $0x0  }
0x1d: {  	s5 =	simm.s32 @p1 $0x1;
	p0 =	seq.s32 s7, s2  }
0x1e: {  	s7 =	smul.u32 @!p0 $0xF7A, s2;
	p2 =	seq.s32 @!p0 s5, $0x0  }
0x1f: {  	s9 =	smul.u32 $0xF7A, s1;
	s8 =	simm.s32 @!p0 $0x1BF5;
	p2 =	por !p2, p0  }
0x20: {  	[sflag:s8] =	ssyncset.s32 @!p0 $0xFFFFF086;
	s6 =	sadd.s32 @!p0 s3, s7;
	s7 =	simm.s32 @!p0 $0x108  }
0x21: {  	s3 =	sadd.s32 s3, s9;
	s6 =	sadd.s32 @!p0 $0x88, s6;
	s7 =	simm.s32 @p2 $0x1082  }
0x22: {  	[simem:s7], [sflag:s8] =	dma.local @!p0 [hbm:s6], $0xF7A  }
0x23: {  	s9 =	sor.u32 $0xD0000000, s2;
	s6 =	simm.s32 $0x108;
	_ =	swait.ge @!p0 [sflag:s8], $0x0  }
0x24: {  	s3 =	sadd.s32 $0x88, s3;
	s6 =	simm.s32 @!p1 $0x1082;
	[sflag:s4] =	ssyncset.s32 $0xFFFFF086  }
0x25: {  	[simem:s6], [sflag:s4] =	dma.local [hbm:s3], $0xF7A  }
0x26: {  	[smem:$0x3F99] =	sst s1;
	(tag) =	ssettag s2;
	_ =	strace s9  }
0x27: {  	s1 =	sld [smem:$0x3FA9]  }
0x28: {  	s2 =	sld [smem:$0x3FAA]  }
0x29: {  	s4 =	sld [smem:$0x3FAC]  }
0x2a: {  	p0 =	seq.s32 s5, $0x0;
	s5 =	sld [smem:$0x3FAD]  }
0x2b: {  	s6 =	sld [smem:$0x3FAE]  }
0x2c: {  	s7 =	sld [smem:$0x3FAF]  }
0x2d: {  	s3 =	simm.s32 $0x108;
	s8 =	sld [smem:$0x3FB0]  }
0x2e: {  	s3 =	simm.s32 @!p0 $0x1082;
	s9 =	sld [smem:$0x3FB1]  }
0x2f: {  	lr =	sadd.s32 s0, s3;
	s0 =	sld [smem:$0x3FA8]  }
0x30: {  	s3 =	sld [smem:$0x3FAB]  }
0x31: {  	[smem:$0x3FB4] =	sst s10  }
0x32: {  	s10 =	sld [smem:$0x3FB2];
	_ =	sdelay $0x3  }
0x33: {  	p0 =	seq.s32 s10, $0x1;
	s10 =	sld [smem:$0x3FB4];
	_ =	sdelay $0x3  }
0x34: {  	[smem:$0x3FB4] =	sst s10  }
0x35: {  	s10 =	sld [smem:$0x3FB3];
	_ =	sdelay $0x3  }
0x36: {  	p1 =	seq.s32 s10, $0x1;
	s10 =	sld [smem:$0x3FB4];
	_ =	sdelay $0x3  }
0x37: {  	[smem:$0x3FB4] =	sst s10  }
0x38: {  	s10 =	sld [smem:$0x3FB5]  }
0x39: {  	_ = 	snop;
	(pc) =	sbr.ind lr, $3  }
0x3a: {  	_ = 	snop  }
0x3b: {  	_ = 	snop  }
0x3c: {  	p2 =	seq.s32 s10, $0x1;
	s10 =	sld [smem:$0x3FB4]  }
0x3d: {  	_ =	shalt  }
0x3e: {  	_ =	shalt  }
0x3f: {  	_ =	shalt  }
0x40: {  	_ =	shalt  }
0x41: {  	_ =	shalt  }
0x42: {  	_ =	shalt  }
0x43: {  	_ =	shalt  }
0x44: {  	_ =	shalt  }
0x45: {  	_ =	shalt  }
0x46: {  	_ =	shalt  }
0x47: {  	_ =	shalt  }
0x48: {  	_ =	shalt  }
0x49: {  	_ =	shalt  }
0x4a: {  	_ =	shalt  }
0x4b: {  	_ =	shalt  }
0x4c: {  	_ =	shalt  }
0x4d: {  	_ =	shalt  }
0x4e: {  	_ =	shalt  }
0x4f: {  	_ =	shalt  }
0x50: {  	_ =	shalt  }
0x51: {  	_ =	shalt  }
0x52: {  	_ =	shalt  }
0x53: {  	_ =	shalt  }
0x54: {  	_ =	shalt  }
0x55: {  	_ =	shalt  }
0x56: {  	_ =	shalt  }
0x57: {  	_ =	shalt  }
0x58: {  	_ =	shalt  }
0x59: {  	_ =	shalt  }
0x5a: {  	_ =	shalt  }
0x5b: {  	_ =	shalt  }
0x5c: {  	_ =	shalt  }
0x5d: {  	_ =	shalt  }
0x5e: {  	_ =	shalt  }
0x5f: {  	_ =	shalt  }
0x60: {  	_ =	shalt  }
0x61: {  	_ =	shalt  }
0x62: {  	_ =	shalt  }
0x63: {  	_ =	shalt  }
0x64: {  	_ =	shalt  }
0x65: {  	_ =	shalt  }
0x66: {  	_ =	shalt  }
0x67: {  	_ =	shalt  }
0x68: {  	_ =	shalt  }
0x69: {  	_ =	shalt  }
0x6a: {  	_ =	shalt  }
0x6b: {  	_ =	shalt  }
0x6c: {  	_ =	shalt  }
0x6d: {  	_ =	shalt  }
0x6e: {  	_ =	shalt  }
0x6f: {  	_ =	shalt  }
0x70: {  	_ =	shalt  }
0x71: {  	_ =	shalt  }
0x72: {  	_ =	shalt  }
0x73: {  	_ =	shalt  }
0x74: {  	_ =	shalt  }
0x75: {  	_ =	shalt  }
0x76: {  	_ =	shalt  }
0x77: {  	_ =	shalt  }
0x78: {  	_ =	shalt  }
0x79: {  	_ =	shalt  }
0x7a: {  	_ =	shalt  }
0x7b: {  	_ =	shalt  }
0x7c: {  	_ =	shalt  }
0x7d: {  	_ =	shalt  }
0x7e: {  	_ =	shalt  }
0x7f: {  	_ =	shalt  }
0x80: {  	_ =	shalt  }
0x81: {  	_ =	shalt  }
0x82: {  	_ =	shalt  }
0x83: {  	_ =	shalt  }
0x84: {  	_ =	shalt  }
0x85: {  	_ =	shalt  }
0x86: {  	_ =	shalt  }
0x87: {  	_ =	shalt  }
.Lfunc_end0:
.L_simem_size_0:
called_computation.2_lowered:
.L_overlay_start_0:
0x88: {  	s2 =	sld [smem:$0x3FD9]  }
0x89: {  	s3 =	sld [smem:$0x3FFE];
	_ =	sdelay $0x1  }
0x8a: {  	s1 =	srdreg.scid  }
0x8b: {  	s0 =	sand.u32 $0x1, s1  }
0x8c: {  	s17 =	sshll.u32 s0, $0xA;
	s2 =	sadd.s32 s3, s2  }
0x8d: {  	s2 =	sadd.s32 s2, s17  }
0x8e: {  	[smem:$0x3FC0] =	sst s2  }
0x8f: {  	_ = 	snop  }
0x90: {  	s2 =	sld [smem:$0x3FD0];
	(tm) =	ssettm $0x1  }
0x91: {  	s18 =	sld [smem:$0x3FFB];
	_ =	sdelay $0x3  }
0x92: {  	_ =	strace s18  }
0x93: {  	s3 =	sld [smem:$0x3FFC];
	_ =	sdelay $0x3  }
0x94: {  	_ =	strace s3  }
0x95: {  	s3 =	sld [smem:$0x3FFD];
	_ =	sdelay $0x3  }
0x96: {  	_ =	strace s3  }
0x97: {  	_ =	strace $0x8FFFFFFF  }
0x98: {  	s19 =	sld [smem:$0x3FDB];
	_ =	sdelay $0x1  }
0x99: {  	s4 =	simm.s32 $_scs_section_size  }
0x9a: {  	s5 =	simm.s32 $_size__tile_overlayer_lowered;
	s6 =	simm.s32 $_tile_overlayer_lowered  }
0x9b: {  	s22 =	simm.s32 $0x1BFF;
	s21 =	sshll.u32 s6, $0x1;
	s3 =	sadd.s32 s4, s19  }
0x9c: {  	s7 =	simm.s32 $0x0;
	s20 =	sshll.u32 s5, $0x1;
	s5 =	sadd.s32 s21, s3  }
0x9d: {  	[timem:s7], [sflag:s22] =	dma.local [hbm:s5], s20  }
0x9e: {  	_ =	swait.ge [sflag:s22], s20  }
0x9f: {  	s4 =	ssub.s32 $0x0, s20;
	[sflag:s22] =	ssyncset.done $0x0  }
0xa0: {  	[sflag:s22] =	ssyncadd.s32 s4;
	_ =	sdelay $0x1  }
0xa1: {  	s23 =	simm.s32 $0x1B8B  }
0xa2: {  	_ =	swait.ge [sflag:s23], $0x1  }
0xa3: {  	[sflag:s23] =	ssyncset.done $0x0  }
0xa4: {  	s25 =	simm.s32 $0x1B8E;
	s24 =	sld [smem:$0x3FFE];
	[sflag:s23] =	ssyncadd.s32 $0xFFFFFFFF  }
0xa5: {  	s26 =	simm.s32 $execute0_lowered;
	[smem:$0x3FD2] =	sst s25  }
0xa6: {  	s5 =	sshll.u32 s26, $0x1;
	_ =	strace $0x8000004C;
	[dreg:$0x1] =	wrdreg $0xFFFFFFFF  }
0xa7: {  	s28 =	simm.s32 $_size_execute0_lowered;
	s3 =	sadd.s32 s3, s5;
	[dreg:$0x0] =	wrdreg $0x0  }
0xa8: {  	s5 =	sshll.u32 s28, $0x1;
	[dreg:$0x2] =	wrdreg s3  }
0xa9: {  	[dreg:$0x3] =	wrdreg s5  }
0xaa: {  	[dreg:$0x4] =	wrdreg $0xC0  }
0xab: {  	_ =	task [dreg:s7], $0x5FFFF  }
0xac: {  	[dreg:$0x1] =	wrdreg $0xFFFFFFFF  }
0xad: {  	[dreg:$0x0] =	wrdreg $0x60  }
0xae: {  	[dreg:$0x2] =	wrdreg s24  }
0xaf: {  	[dreg:$0x3] =	wrdreg s2  }
0xb0: {  	[dreg:$0x4] =	wrdreg $0xE2C00  }
0xb1: {  	[dreg:$0x5] =	wrdreg $0x131C00  }
0xb2: {  	[dreg:$0x6] =	wrdreg $0x9  }
0xb3: {  	_ =	task.clear_ibuf [dreg:s7], $0x7FFFF;
	_ =	strace $0x9000004C  }
0xb4: {  	s29 =	simm.s32 $0x9;
	_ =	strace $0x8000004E  }
0xb5: {  	_ =	swait.ge [sflag:s29], $0x1  }
0xb6: {  	[sflag:s29] =	ssyncadd.s32 $0xFFFFFFFF  }
0xb7: {  	_ =	strace $0x9000004E  }
0xb8: {  	_ =	sfence  }
0xb9: {  	s30 =	sld [smem:$0x0];
	_ =	sdelay $0x2  }
0xba: {  	s31 =	sshll.u32 s1, $0xD;
	s1 =	sshrl.u32 s1, $0x2  }
0xbb: {  	s3 =	sand.u32 $0x4000, s31;
	s1 =	sadd.s32 s1, s30  }
0xbc: {  	s0 =	sor.u32 s3, s0;
	s1 =	sshll.u32 s1, $0x11  }
0xbd: {  	s0 =	sor.u32 s1, s0  }
0xbe: {  	s0 =	sadd.s32 $0x8F2B, s0  }
0xbf: {  	[sflag:s0] =	ssyncadd.remote.s32 $0x1  }
0xc0: {  	_ =	sfence.sel $0xFFFF  }
0xc1: {  	[dreg:$0x0] =	wrdreg $0xFFFFFFFF;
	(pc) =	sbr.abs _section_cstart, $3  }
0xc2: {  	[dreg:$0x1] =	wrdreg $0xFFFFFFFF  }
0xc3: {  	_ =	task.clear_ibuf [dreg:s7], $0x2FFFF;
	_ =	strace $0x9FFFFFFF  }
0xc4: {  	(tm) =	ssettm $0x7FFFFFFF  }
0xc5: {  	_ =	shalt  }
tec
execute0_lowered:
.L_overlay_start_1:
0x0: {  	(tag) =	ssettag $0x1  }
0x1: {  	s0 =	rddreg [dreg:$0x0]  }
0x2: {  	s1 =	rddreg [dreg:$0x1];
	s3 =	srdreg.scid  }
0x3: {  	s17 =	stileid.u32;
	s2 =	rddreg [dreg:$0x2]  }
0x4: {  	s15 =	simm.s32 $0xCF00;
	s16 =	simm.s32 $0x4;
	s28 =	simm.s32 $0x9F00  }
0x5: {  	s29 =	simm.s32 $0xAF00;
	s30 =	simm.s32 $0xBF00;
	s31 =	simm.s32 $0x2  }
0x6: {  	s5 =	sand.u32 $0x1, s3;
	s4 =	sshll.u32 s17, $0x1;
	s10 =	smul.u32 $0x4F00, s17  }
0x7: {  	s3 =	rddreg [dreg:$0x3];
	s8 =	smul.u32 $0x13C00, s17;
	p0 =	slt.u32 s17, $0x2  }
0x8: {  	s26 =	sshll.u32 s17, $0x6;
	s6 =	sor.u32 s5, s4;
	s4 =	simm.s32 $0x0  }
0x9: {  	s19 =	smul.u32 $0x4F000, s5;
	s5 =	ssub.s32 $0x2, s5;
	s17 =	sor.u32 $0x1C04, s26  }
0xa: {  	s26 =	simm.s32 $0x8F00;
	s7 =	smul.u32 $0x4E, s6;
	s6 =	smin.u32 s6, $0x4  }
0xb: {  	[smem:$0x7FF] =	sst s4;
	s21 =	sshrl.u32 s5, $0x1;
	s22 =	sshrl.u32 s8, $0x2  }
0xc: {  	s11 =	sshrl.u32 s10, $0x3;
	s18 =	sadd.s32 s10, s3;
	_ =	strace $0x8000004D  }
0xd: {  	s9 =	sadd.s32 s22, s2;
	s18 =	sshrl.u32 s18, $0x3;
	s22 =	simm.s32 $0x5F00  }
0xe: {  	s6 =	sadd.s32 s6, s7;
	s7 =	sadd.s32 s10, s19;
	s23 =	sadd.s32 $0x13C0, s9  }
0xf: {  	s24 =	sadd.s32 $0x2780, s9;
	s25 =	sadd.s32 $0x3B40, s9;
	[dreg:$0x5] =	wrdreg s23  }
0x10: {  	s6 =	sshll.u32 s6, $0x4;
	s20 =	sshrl.u32 s7, $0x3;
	[dreg:$0x6] =	wrdreg s24  }
0x11: {  	s7 =	ssub.s32 s5, s21;
	s5 =	simm.s32 $0x7;
	[dreg:$0x7] =	wrdreg s25  }
0x12: {  	s21 =	simm.s32 $0x4F00;
	s23 =	simm.s32 $0x6F00;
	s24 =	simm.s32 $0x7F00  }
0x13: {  	s25 =	simm.s32 $0x1;
	s12 =	sadd.s32 s6, s0;
	s0 =	sadd.s32 s20, s0  }
0x14: {  	s5 =	simm.s32 @!p0 $0x6;
	s6 =	sadd.s32 s10, s2;
	s10 =	sadd.s32 s1, s11  }
0x15: {  	s14 =	smax.u32 s7, $0x1;
	s20 =	simm.s32 $0x80;
	s1 =	simm.s32 $0x3  }
0x16: {  	v0 =	vimm.f32 $0.0e+00;
	s11 =	sadd.s32 $0x2E00, s12;
	s12 =	sadd.s32 $0xCA60, s12;
	s13 =	sadd.s32 $0x3E000, s0  }
.LBB2_1:
0x17: {  	s0 =	simm.s32 $0x80;
	s7 =	simm.s32 $0x0  }
.LBB2_2:
0x18: {  	p0 =	sne.s32 s0, $0x4E80;
	[tilespmem:s7+$0xCF00] =	vst v0;
	s19 =	smov.u32 s0;
	s0 =	sadd.s32 $0x80, s0  }
.Ltmp0:
0x19: {  	[tilespmem:s7+$0xCF10] =	vst v0;
	(pc) =	sbr.rel @p0 .LBB2_2-.Ltmp0, $2  }
0x1a: {  	_ =	sdelay $0x2  }
0x1b: {  	s7 =	sshra.s32 s19, $0x2  }
0x1c: {  	[tilespmem:s7+$0xCF00] =	vst v0  }
0x1d: {  	[tilespmem:s7+$0xCF10] =	vst v0  }
0x1e: {  	[spmem:s6] =	stream.linear.scatter [tilespmem:s15], [sflag:$0x4], $0x13C0, $0x38;
	[tilespmem:$0x180C0] =	vst v63  }
0x1f: {  	_ =	swait.ge [sflag:s16], $0x13C0  }
0x20: {  	[sflag:s16] =	ssyncset.done $0x0  }
0x21: {  	s0 =	rddreg [dreg:$0x5];
	[sflag:s16] =	ssyncadd.s32 $0xFFFFEC40  }
0x22: {  	[spmem:s0] =	stream.linear.scatter [tilespmem:s15], [sflag:$0x4], $0x13C0, $0x38;
	[tilespmem:$0x180C0] =	vst v63  }
0x23: {  	_ =	swait.ge [sflag:s16], $0x13C0  }
0x24: {  	[sflag:s16] =	ssyncset.done $0x0  }
0x25: {  	s7 =	rddreg [dreg:$0x6];
	[sflag:s16] =	ssyncadd.s32 $0xFFFFEC40  }
0x26: {  	[spmem:s7] =	stream.linear.scatter [tilespmem:s15], [sflag:$0x4], $0x13C0, $0x38;
	[tilespmem:$0x180C0] =	vst v63  }
0x27: {  	_ =	swait.ge [sflag:s16], $0x13C0  }
0x28: {  	[sflag:s16] =	ssyncset.done $0x0  }
0x29: {  	s8 =	rddreg [dreg:$0x7];
	[sflag:s16] =	ssyncadd.s32 $0xFFFFEC40  }
0x2a: {  	[spmem:s8] =	stream.linear.scatter [tilespmem:s15], [sflag:$0x4], $0x13C0, $0x38;
	[tilespmem:$0x180C0] =	vst v63  }
0x2b: {  	_ =	swait.ge [sflag:s16], $0x13C0  }
0x2c: {  	[sflag:s16] =	ssyncset.done $0x0  }
0x2d: {  	[sflag:s16] =	ssyncadd.s32 $0xFFFFEC40  }
0x2e: {  	[spmem:s18], [sflag:s17] =	dma.local [hbm:s10], $0x9E0  }
0x2f: {  	_ =	swait.ge [sflag:s16], $0x9E0  }
0x30: {  	[sflag:s16] =	ssyncset.done $0x0  }
0x31: {  	s9 =	simm.s32 $0x0;
	[sflag:s16] =	ssyncadd.s32 $0xFFFFF620  }
0x32: {  	[tilespmem:s9], [sflag:$0x4] =	stream.linear.gather [hbm4b:s11+s9], $0x2780, $0x38;
	[tilespmem:$0x180C0] =	vst v63  }
0x33: {  	_ =	swait.ge [sflag:s16], $0x2780  }
0x34: {  	[sflag:s16] =	ssyncset.done $0x0  }
0x35: {  	s19 =	simm.s32 $0x2780;
	[sflag:s16] =	ssyncadd.s32 $0xFFFFD880  }
0x36: {  	[tilespmem:s19], [sflag:$0x4] =	stream.linear.gather [hbm4b:s12+s9], $0x2780, $0x38;
	[tilespmem:$0x180C0] =	vst v63  }
0x37: {  	_ =	swait.ge [sflag:s16], $0x2780  }
0x38: {  	p0 =	por $0x1, $0x1;
	[sflag:s16] =	ssyncset.done $0x0  }
0x39: {  	p0 =	por p0, p0;
	[sflag:s16] =	ssyncadd.s32 $0xFFFFD880  }
0x3a: {  	s0 =	simm.s32 @!p0 $0x2;
	[bflag:$0x0] =	sbarrier.arrive $0xFFFF  }
0x3b: {  	_ =	swait.ge @!p0 [sflag:s0], $0x1000  }
0x3c: {  	[sflag:s0] =	ssyncset.done @!p0 $0x0  }
0x3d: {  	[sflag:s0] =	ssyncadd.s32 @!p0 $0xFFFFF000  }
0x3e: {  	_ =	swait.ge @!p0 [sflag:s0], $0x1000  }
0x3f: {  	[sflag:s0] =	ssyncset.done @!p0 $0x0  }
0x40: {  	[sflag:s0] =	ssyncadd.s32 @!p0 $0xFFFFF000  }
0x41: {  	_ =	swait.ge @!p0 [sflag:s0], $0x1000  }
0x42: {  	[sflag:s0] =	ssyncset.done @!p0 $0x0  }
0x43: {  	[sflag:s0] =	ssyncadd.s32 @!p0 $0xFFFFF000  }
0x44: {  	_ =	swait.ge @!p0 [sflag:s0], $0x1000  }
0x45: {  	[sflag:s0] =	ssyncset.done @!p0 $0x0  }
0x46: {  	s7 =	simm.s32 $0x0;
	[sflag:s0] =	ssyncadd.s32 @!p0 $0xFFFFF000  }
0x47: {  	[tilespmem:s21], [sflag:$0x1] =	stream.indirect.gather [spmem:s3], $0x20, s7, s20, $0xb8;
	[tilespmem:$0x180C0] =	vst v63  }
0x48: {  	s8 =	simm.s32 $0x80  }
0x49: {  	[tilespmem:s22], [sflag:$0x1] =	stream.indirect.gather [spmem:s3], $0x20, s8, s20, $0xb8;
	[tilespmem:$0x180C0] =	vst v63  }
0x4a: {  	s9 =	simm.s32 $0x100  }
0x4b: {  	[tilespmem:s23], [sflag:$0x1] =	stream.indirect.gather [spmem:s3], $0x20, s9, s20, $0xb8;
	[tilespmem:$0x180C0] =	vst v63  }
0x4c: {  	s19 =	simm.s32 $0x180  }
0x4d: {  	[tilespmem:s24], [sflag:$0x1] =	stream.indirect.gather [spmem:s3], $0x20, s19, s20, $0xb8;
	[tilespmem:$0x180C0] =	vst v63  }
0x4e: {  	_ =	swait.ge [sflag:s25], $0x1000  }
0x4f: {  	[sflag:s25] =	ssyncset.done $0x0  }
0x50: {  	[sflag:s25] =	ssyncadd.s32 $0xFFFFF000  }
0x51: {  	_ =	swait.ge [sflag:s25], $0x1000  }
0x52: {  	[sflag:s25] =	ssyncset.done $0x0  }
0x53: {  	[sflag:s25] =	ssyncadd.s32 $0xFFFFF000  }
0x54: {  	_ =	swait.ge [sflag:s25], $0x1000  }
0x55: {  	[sflag:s25] =	ssyncset.done $0x0  }
0x56: {  	[sflag:s25] =	ssyncadd.s32 $0xFFFFF000  }
0x57: {  	_ =	swait.ge [sflag:s25], $0x1000  }
0x58: {  	[sflag:s25] =	ssyncset.done $0x0  }
0x59: {  	s7 =	simm.s32 $0x2780;
	[sflag:s25] =	ssyncadd.s32 $0xFFFFF000  }
0x5a: {  	[spmem:s2] =	stream.indirect.scatter.add.f32 [tilespmem:s21], [sflag:$0x2], $0x20, s7, s20, $0xb8;
	[tilespmem:$0x180C0] =	vst v63  }
0x5b: {  	s8 =	simm.s32 $0x2800  }
0x5c: {  	[spmem:s2] =	stream.indirect.scatter.add.f32 [tilespmem:s22], [sflag:$0x2], $0x20, s8, s20, $0xb8;
	[tilespmem:$0x180C0] =	vst v63  }
0x5d: {  	s9 =	simm.s32 $0x2880  }
0x5e: {  	[spmem:s2] =	stream.indirect.scatter.add.f32 [tilespmem:s23], [sflag:$0x2], $0x20, s9, s20, $0xb8;
	[tilespmem:$0x180C0] =	vst v63  }
0x5f: {  	s19 =	simm.s32 $0x2900;
	s7 =	simm.s32 @!p0 $0x3  }
0x60: {  	[spmem:s2] =	stream.indirect.scatter.add.f32 [tilespmem:s24], [sflag:$0x2], $0x20, s19, s20, $0xb8;
	[tilespmem:$0x180C0] =	vst v63  }
0x61: {  	_ =	swait.ge @!p0 [sflag:s7], $0x1000  }
0x62: {  	[sflag:s7] =	ssyncset.done @!p0 $0x0  }
0x63: {  	[sflag:s7] =	ssyncadd.s32 @!p0 $0xFFFFF000  }
0x64: {  	_ =	swait.ge @!p0 [sflag:s7], $0x1000  }
0x65: {  	[sflag:s7] =	ssyncset.done @!p0 $0x0  }
0x66: {  	[sflag:s7] =	ssyncadd.s32 @!p0 $0xFFFFF000  }
0x67: {  	_ =	swait.ge @!p0 [sflag:s7], $0x1000  }
0x68: {  	[sflag:s7] =	ssyncset.done @!p0 $0x0  }
0x69: {  	[sflag:s7] =	ssyncadd.s32 @!p0 $0xFFFFF000  }
0x6a: {  	_ =	swait.ge @!p0 [sflag:s7], $0x1000  }
0x6b: {  	[sflag:s7] =	ssyncset.done @!p0 $0x0  }
0x6c: {  	s8 =	simm.s32 $0x200;
	[sflag:s7] =	ssyncadd.s32 @!p0 $0xFFFFF000  }
0x6d: {  	[tilespmem:s26], [sflag:$0x1] =	stream.indirect.gather [spmem:s3], $0x20, s8, s20, $0xb8;
	[tilespmem:$0x180C0] =	vst v63  }
0x6e: {  	s9 =	simm.s32 $0x280  }
0x6f: {  	[tilespmem:s28], [sflag:$0x1] =	stream.indirect.gather [spmem:s3], $0x20, s9, s20, $0xb8;
	[tilespmem:$0x180C0] =	vst v63  }
0x70: {  	s19 =	simm.s32 $0x300  }
0x71: {  	[tilespmem:s29], [sflag:$0x1] =	stream.indirect.gather [spmem:s3], $0x20, s19, s20, $0xb8;
	[tilespmem:$0x180C0] =	vst v63  }
0x72: {  	s7 =	simm.s32 $0x380  }
0x73: {  	[tilespmem:s30], [sflag:$0x1] =	stream.indirect.gather [spmem:s3], $0x20, s7, s20, $0xb8;
	[tilespmem:$0x180C0] =	vst v63  }
0x74: {  	_ =	swait.ge [sflag:s25], $0x1000  }
0x75: {  	[sflag:s25] =	ssyncset.done $0x0  }
0x76: {  	[sflag:s25] =	ssyncadd.s32 $0xFFFFF000  }
0x77: {  	_ =	swait.ge [sflag:s25], $0x1000  }
0x78: {  	[sflag:s25] =	ssyncset.done $0x0  }
0x79: {  	[sflag:s25] =	ssyncadd.s32 $0xFFFFF000  }
0x7a: {  	_ =	swait.ge [sflag:s25], $0x1000  }
0x7b: {  	[sflag:s25] =	ssyncset.done $0x0  }
0x7c: {  	[sflag:s25] =	ssyncadd.s32 $0xFFFFF000  }
0x7d: {  	_ =	swait.ge [sflag:s25], $0x1000  }
0x7e: {  	[sflag:s25] =	ssyncset.done $0x0  }
0x7f: {  	s8 =	simm.s32 $0x2980;
	[sflag:s25] =	ssyncadd.s32 $0xFFFFF000  }
0x80: {  	[spmem:s2] =	stream.indirect.scatter.add.f32 [tilespmem:s26], [sflag:$0x3], $0x20, s8, s20, $0xb8;
	[tilespmem:$0x180C0] =	vst v63  }
0x81: {  	s9 =	simm.s32 $0x2A00  }
0x82: {  	[spmem:s2] =	stream.indirect.scatter.add.f32 [tilespmem:s28], [sflag:$0x3], $0x20, s9, s20, $0xb8;
	[tilespmem:$0x180C0] =	vst v63  }
0x83: {  	p6 =	por $0x0, $0x0;
	s0 =	simm.s32 $0x1000;
	s19 =	simm.s32 $0x2A80  }
0x84: {  	[spmem:s2] =	stream.indirect.scatter.add.f32 [tilespmem:s29], [sflag:$0x3], $0x20, s19, s20, $0xb8;
	[tilespmem:$0x180C0] =	vst v63  }
0x85: {  	p0 =	por p6, p6;
	s7 =	simm.s32 $0x2B00;
	s19 =	simm.s32 $0x2000  }
.LBB2_4:
0x86: {  	[spmem:s2] =	stream.indirect.scatter.add.f32 [tilespmem:s30], [sflag:$0x3], $0x20, s7, s20, $0xb8;
	[tilespmem:$0x180C0] =	vst v63  }
0x87: {  	s8 =	smov.u32 s19  }
0x88: {  	s19 =	sadd.s32 $0x1000, s19;
	s7 =	simm.s32 @!p0 $0x2;
	p2 =	seq.s32 s8, $0x0  }
0x89: {  	p1 =	sne.s32 s19, $0x9000;
	_ =	swait.ge @!p0 [sflag:s7], $0x1000  }
0x8a: {  	[sflag:s7] =	ssyncset.done @!p0 $0x0  }
0x8b: {  	[sflag:s7] =	ssyncadd.s32 @!p0 $0xFFFFF000  }
0x8c: {  	_ =	swait.ge @!p0 [sflag:s7], $0x1000  }
0x8d: {  	[sflag:s7] =	ssyncset.done @!p0 $0x0  }
0x8e: {  	[sflag:s7] =	ssyncadd.s32 @!p0 $0xFFFFF000  }
0x8f: {  	_ =	swait.ge @!p0 [sflag:s7], $0x1000  }
0x90: {  	[sflag:s7] =	ssyncset.done @!p0 $0x0  }
0x91: {  	[sflag:s7] =	ssyncadd.s32 @!p0 $0xFFFFF000  }
0x92: {  	_ =	swait.ge @!p0 [sflag:s7], $0x1000  }
0x93: {  	[sflag:s7] =	ssyncset.done @!p0 $0x0  }
0x94: {  	[sflag:s7] =	ssyncadd.s32 @!p0 $0xFFFFF000;
	s7 =	sshra.s32 s0, $0x2;
	s0 =	smov.u32 s8  }
0x95: {  	[tilespmem:s21], [sflag:$0x1] =	stream.indirect.gather [spmem:s3], $0x20, s7, s20, $0xb8;
	[tilespmem:$0x180C0] =	vst v63  }
0x96: {  	s8 =	sadd.s32 $0x80, s7  }
0x97: {  	[tilespmem:s22], [sflag:$0x1] =	stream.indirect.gather [spmem:s3], $0x20, s8, s20, $0xb8;
	[tilespmem:$0x180C0] =	vst v63  }
0x98: {  	s8 =	sadd.s32 $0x100, s7  }
0x99: {  	[tilespmem:s23], [sflag:$0x1] =	stream.indirect.gather [spmem:s3], $0x20, s8, s20, $0xb8;
	[tilespmem:$0x180C0] =	vst v63  }
0x9a: {  	s8 =	sadd.s32 $0x180, s7  }
0x9b: {  	[tilespmem:s24], [sflag:$0x1] =	stream.indirect.gather [spmem:s3], $0x20, s8, s20, $0xb8;
	[tilespmem:$0x180C0] =	vst v63  }
0x9c: {  	_ =	swait.ge [sflag:s25], $0x1000  }
0x9d: {  	[sflag:s25] =	ssyncset.done $0x0  }
0x9e: {  	[sflag:s25] =	ssyncadd.s32 $0xFFFFF000  }
0x9f: {  	_ =	swait.ge [sflag:s25], $0x1000  }
0xa0: {  	[sflag:s25] =	ssyncset.done $0x0  }
0xa1: {  	[sflag:s25] =	ssyncadd.s32 $0xFFFFF000  }
0xa2: {  	_ =	swait.ge [sflag:s25], $0x1000  }
0xa3: {  	[sflag:s25] =	ssyncset.done $0x0  }
0xa4: {  	[sflag:s25] =	ssyncadd.s32 $0xFFFFF000  }
0xa5: {  	_ =	swait.ge [sflag:s25], $0x1000  }
0xa6: {  	[sflag:s25] =	ssyncset.done $0x0  }
0xa7: {  	s8 =	sadd.s32 $0x2780, s7;
	[sflag:s25] =	ssyncadd.s32 $0xFFFFF000  }
0xa8: {  	[spmem:s2] =	stream.indirect.scatter.add.f32 [tilespmem:s21], [sflag:$0x2], $0x20, s8, s20, $0xb8;
	[tilespmem:$0x180C0] =	vst v63  }
0xa9: {  	s8 =	sadd.s32 $0x2800, s7  }
0xaa: {  	[spmem:s2] =	stream.indirect.scatter.add.f32 [tilespmem:s22], [sflag:$0x2], $0x20, s8, s20, $0xb8;
	[tilespmem:$0x180C0] =	vst v63  }
0xab: {  	s8 =	sadd.s32 $0x2880, s7  }
0xac: {  	[spmem:s2] =	stream.indirect.scatter.add.f32 [tilespmem:s23], [sflag:$0x2], $0x20, s8, s20, $0xb8;
	[tilespmem:$0x180C0] =	vst v63  }
0xad: {  	s9 =	simm.s32 @!p0 $0x3;
	s8 =	sadd.s32 $0x2900, s7  }
0xae: {  	[spmem:s2] =	stream.indirect.scatter.add.f32 [tilespmem:s24], [sflag:$0x2], $0x20, s8, s20, $0xb8;
	[tilespmem:$0x180C0] =	vst v63  }
0xaf: {  	_ =	swait.ge @!p0 [sflag:s9], $0x1000  }
0xb0: {  	[sflag:s9] =	ssyncset.done @!p0 $0x0  }
0xb1: {  	[sflag:s9] =	ssyncadd.s32 @!p0 $0xFFFFF000  }
0xb2: {  	_ =	swait.ge @!p0 [sflag:s9], $0x1000  }
0xb3: {  	[sflag:s9] =	ssyncset.done @!p0 $0x0  }
0xb4: {  	[sflag:s9] =	ssyncadd.s32 @!p0 $0xFFFFF000  }
0xb5: {  	_ =	swait.ge @!p0 [sflag:s9], $0x1000  }
0xb6: {  	[sflag:s9] =	ssyncset.done @!p0 $0x0  }
0xb7: {  	[sflag:s9] =	ssyncadd.s32 @!p0 $0xFFFFF000  }
0xb8: {  	_ =	swait.ge @!p0 [sflag:s9], $0x1000  }
0xb9: {  	[sflag:s9] =	ssyncset.done @!p0 $0x0  }
0xba: {  	s8 =	sadd.s32 $0x200, s7;
	[sflag:s9] =	ssyncadd.s32 @!p0 $0xFFFFF000;
	p0 =	por p2, p2  }
0xbb: {  	[tilespmem:s26], [sflag:$0x1] =	stream.indirect.gather [spmem:s3], $0x20, s8, s20, $0xb8;
	[tilespmem:$0x180C0] =	vst v63  }
0xbc: {  	s8 =	sadd.s32 $0x280, s7  }
0xbd: {  	[tilespmem:s28], [sflag:$0x1] =	stream.indirect.gather [spmem:s3], $0x20, s8, s20, $0xb8;
	[tilespmem:$0x180C0] =	vst v63  }
0xbe: {  	s8 =	sadd.s32 $0x300, s7  }
0xbf: {  	[tilespmem:s29], [sflag:$0x1] =	stream.indirect.gather [spmem:s3], $0x20, s8, s20, $0xb8;
	[tilespmem:$0x180C0] =	vst v63  }
0xc0: {  	s8 =	sadd.s32 $0x380, s7  }
0xc1: {  	[tilespmem:s30], [sflag:$0x1] =	stream.indirect.gather [spmem:s3], $0x20, s8, s20, $0xb8;
	[tilespmem:$0x180C0] =	vst v63  }
0xc2: {  	_ =	swait.ge [sflag:s25], $0x1000  }
0xc3: {  	[sflag:s25] =	ssyncset.done $0x0  }
0xc4: {  	[sflag:s25] =	ssyncadd.s32 $0xFFFFF000  }
0xc5: {  	_ =	swait.ge [sflag:s25], $0x1000  }
0xc6: {  	[sflag:s25] =	ssyncset.done $0x0  }
0xc7: {  	[sflag:s25] =	ssyncadd.s32 $0xFFFFF000  }
0xc8: {  	_ =	swait.ge [sflag:s25], $0x1000  }
0xc9: {  	[sflag:s25] =	ssyncset.done $0x0  }
0xca: {  	[sflag:s25] =	ssyncadd.s32 $0xFFFFF000  }
0xcb: {  	_ =	swait.ge [sflag:s25], $0x1000  }
0xcc: {  	[sflag:s25] =	ssyncset.done $0x0  }
0xcd: {  	s8 =	sadd.s32 $0x2980, s7;
	[sflag:s25] =	ssyncadd.s32 $0xFFFFF000  }
0xce: {  	[spmem:s2] =	stream.indirect.scatter.add.f32 [tilespmem:s26], [sflag:$0x3], $0x20, s8, s20, $0xb8;
	[tilespmem:$0x180C0] =	vst v63  }
.Ltmp1:
0xcf: {  	s8 =	sadd.s32 $0x2A00, s7;
	(pc) =	sbr.rel @p1 .LBB2_4-.Ltmp1, $4  }
0xd0: {  	[spmem:s2] =	stream.indirect.scatter.add.f32 [tilespmem:s28], [sflag:$0x3], $0x20, s8, s20, $0xb8;
	[tilespmem:$0x180C0] =	vst v63  }
0xd1: {  	s8 =	sadd.s32 $0x2A80, s7  }
0xd2: {  	[spmem:s2] =	stream.indirect.scatter.add.f32 [tilespmem:s29], [sflag:$0x3], $0x20, s8, s20, $0xb8;
	[tilespmem:$0x180C0] =	vst v63  }
0xd3: {  	s7 =	sadd.s32 $0x2B00, s7  }
0xd4: {  	[spmem:s2] =	stream.indirect.scatter.add.f32 [tilespmem:s30], [sflag:$0x3], $0x20, s7, s20, $0xb8;
	[tilespmem:$0x180C0] =	vst v63  }
0xd5: {  	s7 =	simm.s32 @!p0 $0x2  }
0xd6: {  	_ =	swait.ge @!p0 [sflag:s7], $0x1000  }
0xd7: {  	[sflag:s7] =	ssyncset.done @!p0 $0x0  }
0xd8: {  	[sflag:s7] =	ssyncadd.s32 @!p0 $0xFFFFF000  }
0xd9: {  	_ =	swait.ge @!p0 [sflag:s7], $0x1000  }
0xda: {  	[sflag:s7] =	ssyncset.done @!p0 $0x0  }
0xdb: {  	[sflag:s7] =	ssyncadd.s32 @!p0 $0xFFFFF000  }
0xdc: {  	_ =	swait.ge @!p0 [sflag:s7], $0x1000  }
0xdd: {  	[sflag:s7] =	ssyncset.done @!p0 $0x0  }
0xde: {  	[sflag:s7] =	ssyncadd.s32 @!p0 $0xFFFFF000  }
0xdf: {  	_ =	swait.ge @!p0 [sflag:s7], $0x1000  }
0xe0: {  	[sflag:s7] =	ssyncset.done @!p0 $0x0  }
0xe1: {  	s0 =	sshra.s32 s0, $0x2;
	[sflag:s7] =	ssyncadd.s32 @!p0 $0xFFFFF000  }
0xe2: {  	[tilespmem:s21], [sflag:$0x1] =	stream.indirect.gather [spmem:s3], $0x20, s0, s20, $0xb8;
	[tilespmem:$0x180C0] =	vst v63  }
0xe3: {  	s9 =	sadd.s32 $0x80, s0  }
0xe4: {  	[tilespmem:s22], [sflag:$0x1] =	stream.indirect.gather [spmem:s3], $0x20, s9, s20, $0xb8;
	[tilespmem:$0x180C0] =	vst v63  }
0xe5: {  	s19 =	sadd.s32 $0x100, s0  }
0xe6: {  	[tilespmem:s23], [sflag:$0x1] =	stream.indirect.gather [spmem:s3], $0x20, s19, s20, $0xb8;
	[tilespmem:$0x180C0] =	vst v63  }
0xe7: {  	s8 =	sadd.s32 $0x180, s0  }
0xe8: {  	[tilespmem:s24], [sflag:$0x1] =	stream.indirect.gather [spmem:s3], $0x20, s8, s20, $0xb8;
	[tilespmem:$0x180C0] =	vst v63  }
0xe9: {  	_ =	swait.ge [sflag:s25], $0x1000  }
0xea: {  	[sflag:s25] =	ssyncset.done $0x0  }
0xeb: {  	[sflag:s25] =	ssyncadd.s32 $0xFFFFF000  }
0xec: {  	_ =	swait.ge [sflag:s25], $0x1000  }
0xed: {  	[sflag:s25] =	ssyncset.done $0x0  }
0xee: {  	[sflag:s25] =	ssyncadd.s32 $0xFFFFF000  }
0xef: {  	_ =	swait.ge [sflag:s25], $0x1000  }
0xf0: {  	[sflag:s25] =	ssyncset.done $0x0  }
0xf1: {  	[sflag:s25] =	ssyncadd.s32 $0xFFFFF000  }
0xf2: {  	_ =	swait.ge [sflag:s25], $0x1000  }
0xf3: {  	[sflag:s25] =	ssyncset.done $0x0  }
0xf4: {  	s9 =	sadd.s32 $0x2780, s0;
	[sflag:s25] =	ssyncadd.s32 $0xFFFFF000  }
0xf5: {  	[spmem:s2] =	stream.indirect.scatter.add.f32 [tilespmem:s21], [sflag:$0x2], $0x20, s9, s20, $0xb8;
	[tilespmem:$0x180C0] =	vst v63  }
0xf6: {  	s19 =	sadd.s32 $0x2800, s0  }
0xf7: {  	[spmem:s2] =	stream.indirect.scatter.add.f32 [tilespmem:s22], [sflag:$0x2], $0x20, s19, s20, $0xb8;
	[tilespmem:$0x180C0] =	vst v63  }
0xf8: {  	s8 =	sadd.s32 $0x2880, s0  }
0xf9: {  	[spmem:s2] =	stream.indirect.scatter.add.f32 [tilespmem:s23], [sflag:$0x2], $0x20, s8, s20, $0xb8;
	[tilespmem:$0x180C0] =	vst v63  }
0xfa: {  	s9 =	sadd.s32 $0x2900, s0;
	s8 =	simm.s32 @!p0 $0x3  }
0xfb: {  	[spmem:s2] =	stream.indirect.scatter.add.f32 [tilespmem:s24], [sflag:$0x2], $0x20, s9, s20, $0xb8;
	[tilespmem:$0x180C0] =	vst v63  }
0xfc: {  	_ =	swait.ge @!p0 [sflag:s8], $0x1000  }
0xfd: {  	[sflag:s8] =	ssyncset.done @!p0 $0x0  }
0xfe: {  	[sflag:s8] =	ssyncadd.s32 @!p0 $0xFFFFF000  }
0xff: {  	_ =	swait.ge @!p0 [sflag:s8], $0x1000  }
0x100: {  	[sflag:s8] =	ssyncset.done @!p0 $0x0  }
0x101: {  	[sflag:s8] =	ssyncadd.s32 @!p0 $0xFFFFF000  }
0x102: {  	_ =	swait.ge @!p0 [sflag:s8], $0x1000  }
0x103: {  	[sflag:s8] =	ssyncset.done @!p0 $0x0  }
0x104: {  	[sflag:s8] =	ssyncadd.s32 @!p0 $0xFFFFF000  }
0x105: {  	_ =	swait.ge @!p0 [sflag:s8], $0x1000  }
0x106: {  	[sflag:s8] =	ssyncset.done @!p0 $0x0  }
0x107: {  	s19 =	sadd.s32 $0x200, s0;
	[sflag:s8] =	ssyncadd.s32 @!p0 $0xFFFFF000  }
0x108: {  	[tilespmem:s26], [sflag:$0x1] =	stream.indirect.gather [spmem:s3], $0x20, s19, s20, $0xb8;
	[tilespmem:$0x180C0] =	vst v63  }
0x109: {  	s8 =	sadd.s32 $0x280, s0  }
0x10a: {  	[tilespmem:s28], [sflag:$0x1] =	stream.indirect.gather [spmem:s3], $0x20, s8, s20, $0xb8;
	[tilespmem:$0x180C0] =	vst v63  }
0x10b: {  	s9 =	sadd.s32 $0x300, s0  }
0x10c: {  	[tilespmem:s29], [sflag:$0x1] =	stream.indirect.gather [spmem:s3], $0x20, s9, s20, $0xb8;
	[tilespmem:$0x180C0] =	vst v63  }
0x10d: {  	s19 =	sadd.s32 $0x380, s0  }
0x10e: {  	[tilespmem:s30], [sflag:$0x1] =	stream.indirect.gather [spmem:s3], $0x20, s19, s20, $0xb8;
	[tilespmem:$0x180C0] =	vst v63  }
0x10f: {  	_ =	swait.ge [sflag:s25], $0x1000  }
0x110: {  	[sflag:s25] =	ssyncset.done $0x0  }
0x111: {  	[sflag:s25] =	ssyncadd.s32 $0xFFFFF000  }
0x112: {  	_ =	swait.ge [sflag:s25], $0x1000  }
0x113: {  	[sflag:s25] =	ssyncset.done $0x0  }
0x114: {  	[sflag:s25] =	ssyncadd.s32 $0xFFFFF000  }
0x115: {  	_ =	swait.ge [sflag:s25], $0x1000  }
0x116: {  	[sflag:s25] =	ssyncset.done $0x0  }
0x117: {  	[sflag:s25] =	ssyncadd.s32 $0xFFFFF000  }
0x118: {  	_ =	swait.ge [sflag:s25], $0x1000  }
0x119: {  	[sflag:s25] =	ssyncset.done $0x0  }
0x11a: {  	s8 =	sadd.s32 $0x2980, s0;
	[sflag:s25] =	ssyncadd.s32 $0xFFFFF000  }
0x11b: {  	[spmem:s2] =	stream.indirect.scatter.add.f32 [tilespmem:s26], [sflag:$0x3], $0x20, s8, s20, $0xb8;
	[tilespmem:$0x180C0] =	vst v63  }
0x11c: {  	s9 =	sadd.s32 $0x2A00, s0  }
0x11d: {  	[spmem:s2] =	stream.indirect.scatter.add.f32 [tilespmem:s28], [sflag:$0x3], $0x20, s9, s20, $0xb8;
	[tilespmem:$0x180C0] =	vst v63  }
0x11e: {  	s19 =	sadd.s32 $0x2A80, s0  }
0x11f: {  	[spmem:s2] =	stream.indirect.scatter.add.f32 [tilespmem:s29], [sflag:$0x3], $0x20, s19, s20, $0xb8;
	[tilespmem:$0x180C0] =	vst v63  }
0x120: {  	s0 =	sadd.s32 $0x2B00, s0  }
0x121: {  	[spmem:s2] =	stream.indirect.scatter.add.f32 [tilespmem:s30], [sflag:$0x3], $0x20, s0, s20, $0xb8;
	[tilespmem:$0x180C0] =	vst v63  }
0x122: {  	_ =	swait.ge [sflag:s31], $0x1000  }
0x123: {  	[sflag:s31] =	ssyncset.done $0x0  }
0x124: {  	[sflag:s31] =	ssyncadd.s32 $0xFFFFF000  }
0x125: {  	_ =	swait.ge [sflag:s31], $0x1000  }
0x126: {  	[sflag:s31] =	ssyncset.done $0x0  }
0x127: {  	[sflag:s31] =	ssyncadd.s32 $0xFFFFF000  }
0x128: {  	_ =	swait.ge [sflag:s31], $0x1000  }
0x129: {  	[sflag:s31] =	ssyncset.done $0x0  }
0x12a: {  	[sflag:s31] =	ssyncadd.s32 $0xFFFFF000  }
0x12b: {  	_ =	swait.ge [sflag:s31], $0x1000  }
0x12c: {  	[sflag:s31] =	ssyncset.done $0x0  }
0x12d: {  	[sflag:s31] =	ssyncadd.s32 $0xFFFFF000  }
0x12e: {  	_ =	swait.ge [sflag:s1], $0x1000  }
0x12f: {  	[sflag:s1] =	ssyncset.done $0x0  }
0x130: {  	[sflag:s1] =	ssyncadd.s32 $0xFFFFF000  }
0x131: {  	_ =	swait.ge [sflag:s1], $0x1000  }
0x132: {  	[sflag:s1] =	ssyncset.done $0x0  }
0x133: {  	[sflag:s1] =	ssyncadd.s32 $0xFFFFF000  }
0x134: {  	_ =	swait.ge [sflag:s1], $0x1000  }
0x135: {  	[sflag:s1] =	ssyncset.done $0x0  }
0x136: {  	[sflag:s1] =	ssyncadd.s32 $0xFFFFF000  }
0x137: {  	_ =	swait.ge [sflag:s1], $0x1000  }
0x138: {  	[sflag:s1] =	ssyncset.done $0x0  }
0x139: {  	s0 =	simm.s32 $0x2400;
	[sflag:s1] =	ssyncadd.s32 $0xFFFFF000  }
0x13a: {  	[tilespmem:s21], [sflag:$0x1] =	stream.indirect.gather [spmem:s3], $0x20, s0, s20, $0xb8;
	[tilespmem:$0x180C0] =	vst v63  }
0x13b: {  	p0 =	sne.s32 s5, $0x1;
	_ =	swait.ge [sflag:s25], $0x1000  }
.Ltmp2:
0x13c: {  	[sflag:s25] =	ssyncset.done $0x0;
	(pc) =	sbr.rel @!p0 .LBB2_7-.Ltmp2, $4  }
0x13d: {  	s7 =	simm.s32 $0x4B80;
	[sflag:s25] =	ssyncadd.s32 $0xFFFFF000  }
0x13e: {  	[spmem:s2] =	stream.indirect.scatter.add.f32 [tilespmem:s21], [sflag:$0x4], $0x20, s7, s20, $0xb8;
	[tilespmem:$0x180C0] =	vst v63  }
0x13f: {  	_ =	swait.ge [sflag:s16], $0x1000  }
0x140: {  	s19 =	sadd.s32 $0xFFFFFFFF, s5;
	[sflag:s16] =	ssyncset.done $0x0  }
.LBB2_6:
0x141: {  	[sflag:s16] =	ssyncadd.s32 $0xFFFFF000;
	s7 =	sadd.s32 $0x80, s7;
	s0 =	sadd.s32 $0x80, s0  }
0x142: {  	[tilespmem:s21], [sflag:$0x1] =	stream.indirect.gather [spmem:s3], $0x20, s0, s20, $0xb8;
	[tilespmem:$0x180C0] =	vst v63  }
0x143: {  	p0 =	sne.s32 s19, $0x1;
	s19 =	sadd.s32 $0xFFFFFFFF, s19;
	_ =	swait.ge [sflag:s25], $0x1000  }
.Ltmp3:
0x144: {  	[sflag:s25] =	ssyncset.done $0x0;
	(pc) =	sbr.rel @p0 .LBB2_6-.Ltmp3, $4  }
0x145: {  	[sflag:s25] =	ssyncadd.s32 $0xFFFFF000  }
0x146: {  	[spmem:s2] =	stream.indirect.scatter.add.f32 [tilespmem:s21], [sflag:$0x4], $0x20, s7, s20, $0xb8;
	[tilespmem:$0x180C0] =	vst v63  }
0x147: {  	_ =	swait.ge [sflag:s16], $0x1000  }
0x148: {  	[sflag:s16] =	ssyncset.done $0x0  }
.LBB2_7:
0x149: {  	s4 =	sadd.s32 $0x1, s4  }
0x14a: {  	[sflag:s16] =	ssyncadd.s32 $0xFFFFF000;
	p0 =	sne.s32 s4, s14  }
.Ltmp4:
0x14b: {  	s0 =	sshrl.u32 s6, $0x3;
	[bflag:$0x0] =	sbarrier.arrive $0xFFFF;
	(pc) =	sbr.rel @p0 .LBB2_1-.Ltmp4, $4  }
0x14c: {  	[hbm:s13], [sflag:s17] =	dma.local [spmem:s0], $0x9E0  }
0x14d: {  	_ =	swait.ge [sflag:s16], $0x9E0  }
0x14e: {  	[sflag:s16] =	ssyncset.done $0x0  }
0x14f: {  	[sflag:s16] =	ssyncadd.s32 $0xFFFFF620  }
0x150: {  	_ =	sfence.sel $0x180000  }
0x151: {  	[bflag:$0x0] =	sbarrier.arrive $0xFFFF  }
0x152: {  	_ =	strace $0x9000004D  }
0x153: {  	s0 =	stileid.u32;
	[bflag:$0x2] =	sbarrier.arrive $0xFFFF  }
0x154: {  	p0 =	sne.s32 s0, $0x0;
	s0 =	rddreg [dreg:$0x4]  }
0x155: {  	s0 =	sadd.s32 @!p0 $0x100000, s0  }
0x156: {  	[sflag:s0] =	ssyncadd.tile.s32 @!p0 $0x1;
	_ =	shalt  }
.Lfunc_end2:
_tile_overlayer_lowered:
.L_overlay_start_2:
0x157: {  	(tag) =	ssettag $0x2  }
0x158: {  	s0 =	rddreg [dreg:$0x0];
	s2 =	stileid.u32  }
0x159: {  	s1 =	rddreg [dreg:$0x1];
	p0 =	sne.s32 s2, $0x0  }
0x15a: {  	s3 =	rddreg [dreg:$0x2];
	[bflag:$0x3] =	sbarrier.arrive $0xFFFF;
	s2 =	simm.s32 @!p0 $0x1C04  }
0x15b: {  	[timem:s3], [sflag:s2] =	dma.local @!p0 [hbm:s0], s1  }
0x15c: {  	s0 =	simm.s32 @!p0 $0x4  }
0x15d: {  	_ =	swait.ge @!p0 [sflag:s0], s1  }
0x15e: {  	s1 =	ssub.s32 @!p0 $0x0, s1;
	[sflag:s0] =	ssyncset.done @!p0 $0x0  }
0x15f: {  	[sflag:s0] =	ssyncadd.s32 @!p0 s1  }
0x160: {  	[bflag:$0x3] =	sbarrier.arrive $0xFFFF  }
0x161: {  	_ =	shalt  }

// kernel: kernel.9.cloned.1.call-start
scs
__scs_entry_jumppad:
0x0: {  	(pc) =	sbr.rel $0x88, $3  }
0x1: {  	(tag) =	ssettag $0x0;
	lr =	simm.s32 $0x1  }
0x2: {  	[smem:$0x3F99] =	sst lr;
	_ =	strace $0xD0000000  }
0x3: {  	_ = 	snop  }
0x4: {  	_ = 	snop  }
0x5: {  	_ = 	snop  }
0x6: {  	_ = 	snop  }
0x7: {  	_ = 	snop  }
__scs_overlays_trampoline_lowered:
0x8: {  	[smem:$0x3FA8] =	sst s0  }
0x9: {  	[smem:$0x3FA9] =	sst s1  }
0xa: {  	[smem:$0x3FAA] =	sst s2  }
0xb: {  	[smem:$0x3FAB] =	sst s3  }
0xc: {  	[smem:$0x3FAC] =	sst s4  }
0xd: {  	[smem:$0x3FAD] =	sst s5  }
0xe: {  	[smem:$0x3FAE] =	sst s6  }
0xf: {  	[smem:$0x3FAF] =	sst s7  }
0x10: {  	[smem:$0x3FB0] =	sst s8  }
0x11: {  	[smem:$0x3FB1] =	sst s9;
	s0 =	simm.s32 @!p0 $0x0  }
0x12: {  	s1 =	sld [smem:$0x3F97];
	s0 =	simm.s32 @p0 $0x1  }
0x13: {  	[smem:$0x3FB2] =	sst s0;
	s0 =	simm.s32 @!p1 $0x0  }
0x14: {  	s2 =	sld [smem:$0x3F96];
	s0 =	simm.s32 @p1 $0x1  }
0x15: {  	[smem:$0x3FB3] =	sst s0;
	s0 =	simm.s32 @!p2 $0x0  }
0x16: {  	s3 =	sld [smem:$0x3FDB];
	s0 =	simm.s32 @p2 $0x1  }
0x17: {  	s4 =	simm.s32 $0x1BF5;
	[smem:$0x3FB5] =	sst s0  }
0x18: {  	s0 =	sld [smem:$0x3F98];
	_ =	swait.ge [sflag:s4], $0x0  }
0x19: {  	s7 =	sld [smem:$0x3F99]  }
0x1a: {  	s8 =	sadd.s32 $0xFFFFE003, lr  }
0x1b: {  	s9 =	sadd.s32 $0xFFFFFEF7, lr;
	s5 =	simm.s32 $0xFFFFFFFF;
	p2 =	slt.u32 s8, $0xFFFFF086  }
0x1c: {  	p1 =	slt.u32 s9, $0xF7A;
	s5 =	simm.s32 @!p2 $0x0  }
0x1d: {  	s5 =	simm.s32 @p1 $0x1;
	p0 =	seq.s32 s7, s2  }
0x1e: {  	s7 =	smul.u32 @!p0 $0xF7A, s2;
	p2 =	seq.s32 @!p0 s5, $0x0  }
0x1f: {  	s9 =	smul.u32 $0xF7A, s1;
	s8 =	simm.s32 @!p0 $0x1BF5;
	p2 =	por !p2, p0  }
0x20: {  	[sflag:s8] =	ssyncset.s32 @!p0 $0xFFFFF086;
	s6 =	sadd.s32 @!p0 s3, s7;
	s7 =	simm.s32 @!p0 $0x108  }
0x21: {  	s3 =	sadd.s32 s3, s9;
	s6 =	sadd.s32 @!p0 $0x88, s6;
	s7 =	simm.s32 @p2 $0x1082  }
0x22: {  	[simem:s7], [sflag:s8] =	dma.local @!p0 [hbm:s6], $0xF7A  }
0x23: {  	s9 =	sor.u32 $0xD0000000, s2;
	s6 =	simm.s32 $0x108;
	_ =	swait.ge @!p0 [sflag:s8], $0x0  }
0x24: {  	s3 =	sadd.s32 $0x88, s3;
	s6 =	simm.s32 @!p1 $0x1082;
	[sflag:s4] =	ssyncset.s32 $0xFFFFF086  }
0x25: {  	[simem:s6], [sflag:s4] =	dma.local [hbm:s3], $0xF7A  }
0x26: {  	[smem:$0x3F99] =	sst s1;
	(tag) =	ssettag s2;
	_ =	strace s9  }
0x27: {  	s1 =	sld [smem:$0x3FA9]  }
0x28: {  	s2 =	sld [smem:$0x3FAA]  }
0x29: {  	s4 =	sld [smem:$0x3FAC]  }
0x2a: {  	p0 =	seq.s32 s5, $0x0;
	s5 =	sld [smem:$0x3FAD]  }
0x2b: {  	s6 =	sld [smem:$0x3FAE]  }
0x2c: {  	s7 =	sld [smem:$0x3FAF]  }
0x2d: {  	s3 =	simm.s32 $0x108;
	s8 =	sld [smem:$0x3FB0]  }
0x2e: {  	s3 =	simm.s32 @!p0 $0x1082;
	s9 =	sld [smem:$0x3FB1]  }
0x2f: {  	lr =	sadd.s32 s0, s3;
	s0 =	sld [smem:$0x3FA8]  }
0x30: {  	s3 =	sld [smem:$0x3FAB]  }
0x31: {  	[smem:$0x3FB4] =	sst s10  }
0x32: {  	s10 =	sld [smem:$0x3FB2];
	_ =	sdelay $0x3  }
0x33: {  	p0 =	seq.s32 s10, $0x1;
	s10 =	sld [smem:$0x3FB4];
	_ =	sdelay $0x3  }
0x34: {  	[smem:$0x3FB4] =	sst s10  }
0x35: {  	s10 =	sld [smem:$0x3FB3];
	_ =	sdelay $0x3  }
0x36: {  	p1 =	seq.s32 s10, $0x1;
	s10 =	sld [smem:$0x3FB4];
	_ =	sdelay $0x3  }
0x37: {  	[smem:$0x3FB4] =	sst s10  }
0x38: {  	s10 =	sld [smem:$0x3FB5]  }
0x39: {  	_ = 	snop;
	(pc) =	sbr.ind lr, $3  }
0x3a: {  	_ = 	snop  }
0x3b: {  	_ = 	snop  }
0x3c: {  	p2 =	seq.s32 s10, $0x1;
	s10 =	sld [smem:$0x3FB4]  }
0x3d: {  	_ =	shalt  }
0x3e: {  	_ =	shalt  }
0x3f: {  	_ =	shalt  }
0x40: {  	_ =	shalt  }
0x41: {  	_ =	shalt  }
0x42: {  	_ =	shalt  }
0x43: {  	_ =	shalt  }
0x44: {  	_ =	shalt  }
0x45: {  	_ =	shalt  }
0x46: {  	_ =	shalt  }
0x47: {  	_ =	shalt  }
0x48: {  	_ =	shalt  }
0x49: {  	_ =	shalt  }
0x4a: {  	_ =	shalt  }
0x4b: {  	_ =	shalt  }
0x4c: {  	_ =	shalt  }
0x4d: {  	_ =	shalt  }
0x4e: {  	_ =	shalt  }
0x4f: {  	_ =	shalt  }
0x50: {  	_ =	shalt  }
0x51: {  	_ =	shalt  }
0x52: {  	_ =	shalt  }
0x53: {  	_ =	shalt  }
0x54: {  	_ =	shalt  }
0x55: {  	_ =	shalt  }
0x56: {  	_ =	shalt  }
0x57: {  	_ =	shalt  }
0x58: {  	_ =	shalt  }
0x59: {  	_ =	shalt  }
0x5a: {  	_ =	shalt  }
0x5b: {  	_ =	shalt  }
0x5c: {  	_ =	shalt  }
0x5d: {  	_ =	shalt  }
0x5e: {  	_ =	shalt  }
0x5f: {  	_ =	shalt  }
0x60: {  	_ =	shalt  }
0x61: {  	_ =	shalt  }
0x62: {  	_ =	shalt  }
0x63: {  	_ =	shalt  }
0x64: {  	_ =	shalt  }
0x65: {  	_ =	shalt  }
0x66: {  	_ =	shalt  }
0x67: {  	_ =	shalt  }
0x68: {  	_ =	shalt  }
0x69: {  	_ =	shalt  }
0x6a: {  	_ =	shalt  }
0x6b: {  	_ =	shalt  }
0x6c: {  	_ =	shalt  }
0x6d: {  	_ =	shalt  }
0x6e: {  	_ =	shalt  }
0x6f: {  	_ =	shalt  }
0x70: {  	_ =	shalt  }
0x71: {  	_ =	shalt  }
0x72: {  	_ =	shalt  }
0x73: {  	_ =	shalt  }
0x74: {  	_ =	shalt  }
0x75: {  	_ =	shalt  }
0x76: {  	_ =	shalt  }
0x77: {  	_ =	shalt  }
0x78: {  	_ =	shalt  }
0x79: {  	_ =	shalt  }
0x7a: {  	_ =	shalt  }
0x7b: {  	_ =	shalt  }
0x7c: {  	_ =	shalt  }
0x7d: {  	_ =	shalt  }
0x7e: {  	_ =	shalt  }
0x7f: {  	_ =	shalt  }
0x80: {  	_ =	shalt  }
0x81: {  	_ =	shalt  }
0x82: {  	_ =	shalt  }
0x83: {  	_ =	shalt  }
0x84: {  	_ =	shalt  }
0x85: {  	_ =	shalt  }
0x86: {  	_ =	shalt  }
0x87: {  	_ =	shalt  }
.Lfunc_end0:
.L_simem_size_0:
called_computation_lowered:
.L_overlay_start_0:
0x88: {  	s2 =	sld [smem:$0x3FD9]  }
0x89: {  	s3 =	sld [smem:$0x3FFE];
	_ =	sdelay $0x1  }
0x8a: {  	s1 =	srdreg.scid  }
0x8b: {  	s0 =	sand.u32 $0x1, s1  }
0x8c: {  	s16 =	sshll.u32 s0, $0xA;
	s2 =	sadd.s32 s3, s2  }
0x8d: {  	s2 =	sadd.s32 s2, s16  }
0x8e: {  	[smem:$0x3FC0] =	sst s2  }
0x8f: {  	_ = 	snop  }
0x90: {  	(tm) =	ssettm $0x1  }
0x91: {  	s17 =	sld [smem:$0x3FFB];
	_ =	sdelay $0x3  }
0x92: {  	_ =	strace s17  }
0x93: {  	s2 =	sld [smem:$0x3FFC];
	_ =	sdelay $0x3  }
0x94: {  	_ =	strace s2  }
0x95: {  	s2 =	sld [smem:$0x3FFD];
	_ =	sdelay $0x3  }
0x96: {  	_ =	strace s2  }
0x97: {  	_ =	strace $0x8FFFFFFF  }
0x98: {  	s18 =	sld [smem:$0x3FDB];
	_ =	sdelay $0x1  }
0x99: {  	s19 =	simm.s32 $_scs_section_size  }
0x9a: {  	s4 =	simm.s32 $_size__tile_overlayer_lowered;
	s5 =	simm.s32 $_tile_overlayer_lowered  }
0x9b: {  	s22 =	simm.s32 $0x1BFF;
	s21 =	sshll.u32 s5, $0x1;
	s2 =	sadd.s32 s19, s18  }
0x9c: {  	s6 =	simm.s32 $0x0;
	s20 =	sshll.u32 s4, $0x1;
	s4 =	sadd.s32 s21, s2  }
0x9d: {  	[timem:s6], [sflag:s22] =	dma.local [hbm:s4], s20  }
0x9e: {  	_ =	swait.ge [sflag:s22], s20  }
0x9f: {  	s3 =	ssub.s32 $0x0, s20;
	[sflag:s22] =	ssyncset.done $0x0  }
0xa0: {  	[sflag:s22] =	ssyncadd.s32 s3;
	_ =	sdelay $0x1  }
0xa1: {  	s23 =	simm.s32 $0x1B8B  }
0xa2: {  	_ =	swait.ge [sflag:s23], $0x1  }
0xa3: {  	[sflag:s23] =	ssyncset.done $0x0  }
0xa4: {  	s25 =	simm.s32 $0x1B8E;
	s24 =	sld [smem:$0x3FFE];
	[sflag:s23] =	ssyncadd.s32 $0xFFFFFFFF  }
0xa5: {  	s26 =	simm.s32 $execute0_lowered;
	[smem:$0x3FD2] =	sst s25  }
0xa6: {  	s4 =	sshll.u32 s26, $0x1;
	_ =	strace $0x80000046;
	[dreg:$0x1] =	wrdreg $0xFFFFFFFF  }
0xa7: {  	s28 =	simm.s32 $_size_execute0_lowered;
	s2 =	sadd.s32 s2, s4;
	[dreg:$0x0] =	wrdreg $0x0  }
0xa8: {  	s4 =	sshll.u32 s28, $0x1;
	[dreg:$0x2] =	wrdreg s2  }
0xa9: {  	[dreg:$0x3] =	wrdreg s4  }
0xaa: {  	[dreg:$0x4] =	wrdreg $0xC0  }
0xab: {  	_ =	task [dreg:s6], $0x5FFFF  }
0xac: {  	[dreg:$0x1] =	wrdreg $0xFFFFFFFF  }
0xad: {  	[dreg:$0x0] =	wrdreg $0x60  }
0xae: {  	[dreg:$0x2] =	wrdreg s24  }
0xaf: {  	[dreg:$0x3] =	wrdreg $0x57000  }
0xb0: {  	[dreg:$0x4] =	wrdreg $0x9  }
0xb1: {  	_ =	task.clear_ibuf [dreg:s6], $0x5FFFF;
	_ =	strace $0x90000046  }
0xb2: {  	s29 =	simm.s32 $0x9;
	_ =	strace $0x80000048  }
0xb3: {  	_ =	swait.ge [sflag:s29], $0x1  }
0xb4: {  	[sflag:s29] =	ssyncadd.s32 $0xFFFFFFFF  }
0xb5: {  	_ =	strace $0x90000048  }
0xb6: {  	_ =	sfence  }
0xb7: {  	s30 =	sld [smem:$0x0];
	_ =	sdelay $0x2  }
0xb8: {  	s31 =	sshll.u32 s1, $0xD;
	s1 =	sshrl.u32 s1, $0x2  }
0xb9: {  	s3 =	sand.u32 $0x4000, s31;
	s1 =	sadd.s32 s1, s30  }
0xba: {  	s0 =	sor.u32 s3, s0;
	s1 =	sshll.u32 s1, $0x11  }
0xbb: {  	s0 =	sor.u32 s1, s0  }
0xbc: {  	s0 =	sadd.s32 $0x8F2B, s0  }
0xbd: {  	[sflag:s0] =	ssyncadd.remote.s32 $0x1  }
0xbe: {  	_ =	sfence.sel $0xFFFF  }
0xbf: {  	[dreg:$0x0] =	wrdreg $0xFFFFFFFF;
	(pc) =	sbr.abs _section_cstart, $3  }
0xc0: {  	[dreg:$0x1] =	wrdreg $0xFFFFFFFF  }
0xc1: {  	_ =	task.clear_ibuf [dreg:s6], $0x2FFFF;
	_ =	strace $0x9FFFFFFF  }
0xc2: {  	(tm) =	ssettm $0x7FFFFFFF  }
0xc3: {  	_ =	shalt  }
tec
execute0_lowered:
.L_overlay_start_1:
0x0: {  	(tag) =	ssettag $0x1  }
0x1: {  	s1 =	srdreg.scid  }
0x2: {  	s0 =	stileid.u32;
	s5 =	rddreg [dreg:$0x0]  }
0x3: {  	s2 =	rddreg [dreg:$0x1];
	s3 =	simm.s32 $0x0;
	s11 =	simm.s32 $0x80  }
0x4: {  	s12 =	simm.s32 $0x2780;
	s13 =	simm.s32 $0x1;
	s4 =	sand.u32 $0x1, s1  }
0x5: {  	s29 =	sshll.u32 s0, $0x1;
	s1 =	rddreg [dreg:$0x2];
	s8 =	smul.u32 $0x2780, s0  }
0x6: {  	[smem:$0x7FF] =	sst s3;
	p0 =	slt.u32 s0, $0x2;
	s14 =	sshll.u32 s0, $0x6  }
0x7: {  	s6 =	sor.u32 s4, s29;
	s9 =	smul.u32 $0x27800, s4;
	_ =	strace $0x80000047  }
0x8: {  	s31 =	ssub.s32 $0x2, s4;
	s4 =	simm.s32 $0x4F;
	s7 =	smul.u32 $0x4E, s6  }
0x9: {  	s14 =	sor.u32 $0x1C02, s14;
	s6 =	smin.u32 s6, $0x4;
	s10 =	sshrl.u32 s31, $0x1  }
0xa: {  	s4 =	simm.s32 @!p0 $0x4E;
	s30 =	sadd.s32 s8, s9;
	s6 =	sadd.s32 s6, s7  }
0xb: {  	s9 =	ssub.s32 s31, s10;
	s7 =	sshrl.u32 s30, $0x3;
	s6 =	sshll.u32 s6, $0x4  }
0xc: {  	s10 =	simm.s32 $0x2;
	s7 =	sadd.s32 s7, s5;
	s6 =	sadd.s32 s6, s5  }
0xd: {  	s5 =	sadd.s32 s8, s2;
	s7 =	sadd.s32 $0x16800, s7;
	s8 =	smax.u32 s9, $0x1  }
0xe: {  	v0 =	vimm.f32 $1.000000000e+00;
	v1 =	vimm.f32 $0.0e+00;
	s9 =	simm.s32 $0x2F80;
	s6 =	sadd.s32 $0xCA60, s6;
	s15 =	sshrl.u32 s5, $0x3  }
.LBB2_1:
0xf: {  	s16 =	simm.s32 $0x0  }
.LBB2_2:
0x10: {  	p0 =	sne.s32 s16, $0x1FC0  }
.Ltmp0:
0x11: {  	_ = 	snop;
	(pc) =	sbr.rel @p0 .LBB2_2-.Ltmp0, $3  }
0x12: {  	_ =	sdelay $0x1  }
0x13: {  	s17 =	sshra.s32 s16, $0x2  }
0x14: {  	s16 =	sadd.s32 $0x40, s16;
	[tilespmem:s17+$0x2780] =	vst v0  }
0x15: {  	s16 =	simm.s32 $0x40;
	s17 =	simm.s32 $0x0  }
.LBB2_4:
0x16: {  	p0 =	sne.s32 s16, $0x9DC0;
	[tilespmem:s17+$0x2F80] =	vst v1;
	s17 =	smov.u32 s16;
	s16 =	sadd.s32 $0x40, s16  }
.Ltmp1:
0x17: {  	(pc) =	sbr.rel @p0 .LBB2_4-.Ltmp1, $2  }
0x18: {  	_ =	sdelay $0x2  }
0x19: {  	s17 =	sshra.s32 s17, $0x2  }
0x1a: {  	[tilespmem:s17+$0x2F80] =	vst v1  }
0x1b: {  	[spmem:s5] =	stream.linear.scatter [tilespmem:s9], [sflag:$0x2], $0x2780, $0x38;
	[tilespmem:$0x7E80] =	vst v63  }
0x1c: {  	_ =	swait.ge [sflag:s10], $0x2780  }
0x1d: {  	[sflag:s10] =	ssyncset.done $0x0  }
0x1e: {  	s16 =	simm.s32 $0x0;
	p0 =	sne.s32 s4, $0x1;
	[sflag:s10] =	ssyncadd.s32 $0xFFFFD880  }
0x1f: {  	[tilespmem:s16], [sflag:$0x2] =	stream.linear.gather [hbm4b:s6+s16], $0x2780, $0x38;
	[tilespmem:$0x7E80] =	vst v63  }
.Ltmp2:
0x20: {  	_ =	swait.ge [sflag:s10], $0x2780;
	(pc) =	sbr.rel @!p0 .LBB2_7-.Ltmp2, $4  }
0x21: {  	[sflag:s10] =	ssyncset.done $0x0  }
0x22: {  	[sflag:s10] =	ssyncadd.s32 $0xFFFFD880  }
0x23: {  	s17 =	sadd.s32 $0xFFFFFFFF, s4;
	[bflag:$0x0] =	sbarrier.arrive $0xFFFF  }
0x24: {  	[spmem:s2] =	stream.indirect.scatter.add.f32 [tilespmem:s12], [sflag:$0x1], $0x10, s16, s11, $0xb8;
	[tilespmem:$0x7E80] =	vst v63  }
.LBB2_6:
0x25: {  	p1 =	sne.s32 s17, $0x1  }
.Ltmp3:
0x26: {  	_ = 	snop;
	(pc) =	sbr.rel @p1 .LBB2_6-.Ltmp3, $3  }
0x27: {  	_ = 	snop  }
0x28: {  	s17 =	sadd.s32 $0xFFFFFFFF, s17;
	s16 =	sadd.s32 $0x80, s16;
	_ =	sdelay $0x1  }
0x29: {  	[spmem:s2] =	stream.indirect.scatter.add.f32 [tilespmem:s12], [sflag:$0x1], $0x10, s16, s11, $0xb8;
	[tilespmem:$0x7E80] =	vst v63  }
.LBB2_7:
.Ltmp4:
0x2a: {  	(pc) =	sbr.rel @!p0 .LBB2_9-.Ltmp4, $3  }
0x2b: {  	_ =	sdelay $0x1  }
0x2c: {  	_ =	swait.ge [sflag:s13], $0x800  }
0x2d: {  	s16 =	sadd.s32 $0xFFFFFFFF, s4;
	[sflag:s13] =	ssyncset.done $0x0  }
.LBB2_8:
0x2e: {  	p0 =	sne.s32 s16, $0x1;
	s16 =	sadd.s32 $0xFFFFFFFF, s16;
	[sflag:s13] =	ssyncadd.s32 $0xFFFFF800  }
.Ltmp5:
0x2f: {  	(pc) =	sbr.rel @p0 .LBB2_8-.Ltmp5, $3  }
0x30: {  	_ =	sdelay $0x1  }
0x31: {  	_ =	swait.ge [sflag:s13], $0x800  }
0x32: {  	[sflag:s13] =	ssyncset.done $0x0  }
.LBB2_9:
0x33: {  	s3 =	sadd.s32 $0x1, s3  }
0x34: {  	[sflag:s13] =	ssyncadd.s32 $0xFFFFF800;
	p0 =	sne.s32 s3, s8  }
.Ltmp6:
0x35: {  	[bflag:$0x0] =	sbarrier.arrive $0xFFFF;
	(pc) =	sbr.rel @p0 .LBB2_1-.Ltmp6, $4  }
0x36: {  	[hbm:s7], [sflag:s14] =	dma.local [spmem:s15], $0x4F0  }
0x37: {  	_ =	swait.ge [sflag:s10], $0x4F0  }
0x38: {  	[sflag:s10] =	ssyncset.done $0x0  }
0x39: {  	[sflag:s10] =	ssyncadd.s32 $0xFFFFFB10  }
0x3a: {  	_ =	sfence.sel $0x180000  }
0x3b: {  	[bflag:$0x0] =	sbarrier.arrive $0xFFFF  }
0x3c: {  	p0 =	sne.s32 s0, $0x0;
	_ =	strace $0x90000047  }
0x3d: {  	s0 =	sadd.s32 @!p0 $0x100000, s1;
	[bflag:$0x2] =	sbarrier.arrive $0xFFFF  }
0x3e: {  	[sflag:s0] =	ssyncadd.tile.s32 @!p0 $0x1;
	_ =	shalt  }
.Lfunc_end2:
_tile_overlayer_lowered:
.L_overlay_start_2:
0x3f: {  	(tag) =	ssettag $0x2  }
0x40: {  	s0 =	rddreg [dreg:$0x0];
	s2 =	stileid.u32  }
0x41: {  	s1 =	rddreg [dreg:$0x1];
	p0 =	sne.s32 s2, $0x0  }
0x42: {  	s3 =	rddreg [dreg:$0x2];
	[bflag:$0x3] =	sbarrier.arrive $0xFFFF;
	s2 =	simm.s32 @!p0 $0x1C02  }
0x43: {  	[timem:s3], [sflag:s2] =	dma.local @!p0 [hbm:s0], s1  }
0x44: {  	s0 =	simm.s32 @!p0 $0x2  }
0x45: {  	_ =	swait.ge @!p0 [sflag:s0], s1  }
0x46: {  	s1 =	ssub.s32 @!p0 $0x0, s1;
	[sflag:s0] =	ssyncset.done @!p0 $0x0  }
0x47: {  	[sflag:s0] =	ssyncadd.s32 @!p0 s1  }
0x48: {  	[bflag:$0x3] =	sbarrier.arrive $0xFFFF  }
0x49: {  	_ =	shalt  }

</sc_bundles>
